<compile_context>
chip_gen: v7x
topology: tpu7x:2x2x1
jax: 0.10.2.dev20260603
libtpu: 0.0.44.dev20260713+nightly
codegen_flags: <defaults>
</compile_context>

<pallas_src>
import functools

import jax
import jax.numpy as jnp
from jax import lax
from jax.experimental import pallas as pl
from jax.experimental.pallas import tpu as pltpu
from jax.experimental.pallas import tpu_sc as plsc

NC = 2
NS = 16
NW = NC * NS
LANES = 16
CB = 32

def _tr_body(vt_ref, out_ref):
    out_ref[...] = jnp.transpose(vt_ref[...], (1, 0))


def _transpose(vt):
    D, V = vt.shape
    BLKV = 2048
    grid = ((V + BLKV - 1) // BLKV,)
    return pl.pallas_call(
        _tr_body,
        grid=grid,
        in_specs=[pl.BlockSpec((D, BLKV), lambda i: (0, i))],
        out_specs=pl.BlockSpec((BLKV, D), lambda i: (i, 0)),
        out_shape=jax.ShapeDtypeStruct((V, D), jnp.float32),
    )(vt)


def _mm_body(u_ref, wt_ref, b_ref, out_ref):
    out_ref[...] = (
        jnp.dot(u_ref[...], wt_ref[...], preferred_element_type=jnp.float32)
        + b_ref[...]
    )


def _matmul(ub16, wt, bias):
    B, BERT = ub16.shape
    D = wt.shape[1]
    BLK = 2048
    grid = (B // BLK,)
    return pl.pallas_call(
        _mm_body,
        grid=grid,
        in_specs=[
            pl.BlockSpec((BLK, BERT), lambda i: (i, 0)),
            pl.BlockSpec((BERT, D), lambda i: (0, 0)),
            pl.BlockSpec((1, D), lambda i: (0, 0)),
        ],
        out_specs=pl.BlockSpec((BLK, D), lambda i: (i, 0)),
        out_shape=jax.ShapeDtypeStruct((B, D), jnp.float32),
    )(ub16, wt, bias)


def _make_sc_kernel(B, K, D):
    per_w = B // NW
    nchunk = per_w // CB
    nir = (CB * K) // 128

    mesh = plsc.VectorSubcoreMesh(core_axis_name="c", subcore_axis_name="s")

    @functools.partial(
        pl.kernel,
        mesh=mesh,
        compiler_params=pltpu.CompilerParams(use_tc_tiling_on_sc=False),
        out_type=jax.ShapeDtypeStruct((B * (K + 1), LANES), jnp.float32),
        scratch_types=[
            [pltpu.VMEM((CB,), jnp.int32)] * 2,
            [pltpu.VMEM((CB * K,), jnp.int32)] * 2,
            [pltpu.VMEM((CB, D), jnp.float32)] * 2,
            [pltpu.VMEM((CB, D), jnp.float32)] * 2,
            [pltpu.VMEM((CB * K, D), jnp.float32)] * 2,
            pltpu.VMEM((CB, LANES), jnp.float32),
            pltpu.VMEM((CB * K, LANES), jnp.float32),
            [pltpu.SemaphoreType.DMA] * 2,
        ],
    )
    def sc_kernel(pos_hbm, neg_hbm, emb_hbm, table_hbm, out_hbm,
                  posidx, negidx, embv, rpos, rneg,
                  ppos_v, pneg_v, sems):
        wid = lax.axis_index("s") * NC + lax.axis_index("c")

        def issue_idx(n, s):
            cb = wid * per_w + n * CB
            pltpu.async_copy(pos_hbm.at[pl.ds(cb, CB)], posidx[s], sems[s])
            pltpu.async_copy(
                neg_hbm.at[pl.ds(cb * K, CB * K)], negidx[s], sems[s])
            pltpu.async_copy(emb_hbm.at[pl.ds(cb, CB)], embv[s], sems[s])

        def wait_idx(s):
            pltpu.make_async_copy(
                pos_hbm.at[pl.ds(0, CB)], posidx[s], sems[s]).wait()
            pltpu.make_async_copy(
                neg_hbm.at[pl.ds(0, CB * K)], negidx[s], sems[s]).wait()
            pltpu.make_async_copy(
                emb_hbm.at[pl.ds(0, CB)], embv[s], sems[s]).wait()

        def issue_gather(s):
            pltpu.async_copy(table_hbm.at[posidx[s]], rpos[s], sems[s])
            for j in range(nir):
                pltpu.async_copy(
                    table_hbm.at[negidx[s].at[pl.ds(j * 128, 128)]],
                    rneg[s].at[pl.ds(j * 128, 128)], sems[s])

        def wait_gather(s):
            pltpu.make_async_copy(
                table_hbm.at[posidx[s]], rpos[s], sems[s]).wait()
            for j in range(nir):
                pltpu.make_async_copy(
                    table_hbm.at[negidx[s].at[pl.ds(j * 128, 128)]],
                    rneg[s].at[pl.ds(j * 128, 128)], sems[s]).wait()

        def dot16(e, rrow_ref, row):
            r = [rrow_ref[row, pl.ds(q * LANES, LANES)] for q in range(4)]
            return (e[0] * r[0] + e[1] * r[1]) + (e[2] * r[2] + e[3] * r[3])

        def compute_write(n, s):
            cb = wid * per_w + n * CB

            @plsc.parallel_loop(0, CB, step=1)
            def _(b):
                e = [embv[s][b, pl.ds(q * LANES, LANES)] for q in range(4)]
                ppos_v[b, :] = dot16(e, rpos[s], b)
                for k in range(K):
                    row = b * K + k
                    pneg_v[row, :] = dot16(e, rneg[s], row)
            pltpu.sync_copy(ppos_v, out_hbm.at[pl.ds(cb, CB)])
            pltpu.sync_copy(pneg_v, out_hbm.at[pl.ds(B + cb * K, CB * K)])

        issue_idx(0, 0)
        wait_idx(0)
        issue_gather(0)

        def pair_body(m, carry):
            n = m * 2
            issue_idx(n + 1, 1)
            wait_idx(1)
            issue_gather(1)
            wait_gather(0)
            compute_write(n, 0)

            @pl.when(n + 2 < nchunk)
            def _():
                issue_idx(n + 2, 0)
                wait_idx(0)
                issue_gather(0)

            wait_gather(1)
            compute_write(n + 1, 1)
            return carry

        lax.fori_loop(0, nchunk // 2, pair_body, 0)

    return sc_kernel


def _red_body(p_ref, out_ref):
    step = pl.program_id(0)
    ii = lax.broadcasted_iota(jnp.int32, (128, 8), 0)
    gg = lax.broadcasted_iota(jnp.int32, (128, 8), 1)
    sel = ((ii // LANES) == gg).astype(jnp.float32)
    s = jnp.dot(p_ref[...], sel, preferred_element_type=jnp.float32)
    sign = jnp.where(step == 0, 1.0, -1.0).astype(jnp.float32)
    ls = jax.nn.log_sigmoid(sign * s)

    @pl.when(step == 0)
    def _():
        out_ref[0] = 0.0

    out_ref[0] = out_ref[0] - jnp.sum(ls)


def _reduce(p2d, nsteps):
    rows = p2d.shape[0] // nsteps
    return pl.pallas_call(
        _red_body,
        grid=(nsteps,),
        in_specs=[pl.BlockSpec((rows, 128), lambda i: (i, 0))],
        out_specs=pl.BlockSpec(memory_space=pltpu.SMEM),
        out_shape=jax.ShapeDtypeStruct((1,), jnp.float32),
    )(p2d)


def kernel(pos_u, pos_v, neg_v, u_bert, v_table, W_w, W_b):
    B, K = neg_v.shape
    V, D = v_table.shape

    ub16 = u_bert.astype(jnp.bfloat16).reshape(B, u_bert.shape[-1])
    emb = _matmul(ub16, W_w.T, W_b.reshape(1, D))

    pos_i = pos_v.astype(jnp.int32)
    neg_i = neg_v.astype(jnp.int32).reshape(B * K)

    sc = _make_sc_kernel(B, K, D)
    psum = sc(pos_i, neg_i, emb, v_table)

    p2d = psum.reshape((B * (K + 1) * LANES) // 128, 128)
    total = _reduce(p2d, K + 1)
    return total[0]

# --- scband reference (transcript-rebuilt; emitter-appended) ---
"""Pipeline reference for scband-skip-gram-model-65936337928908 (READ-ONLY COPY).

The authoritative reference and input builder live on the scoring server;
editing this copy changes nothing except your own understanding.
"""

import jax, jax.numpy as jnp
import numpy as np

V = 1000000
D = 64
B = 16384
K = 20
BERT = 768


def setup_inputs(seed: int = 0) -> dict:
    key = jax.random.key(seed)
    ks = jax.random.split(key, 6)
    pos_u = jax.random.randint(ks[0], (B,), 0, V)
    pos_v = jax.random.randint(ks[1], (B,), 0, V)
    neg_v = jax.random.randint(ks[2], (B, K), 0, V)
    u_bert = jax.random.normal(ks[3], (B, 1, BERT), dtype=jnp.float32)
    initrange = 0.5 / D
    v_table = jax.random.uniform(ks[4], (V, D), minval=-initrange, maxval=initrange, dtype=jnp.float32)
    limit = float(np.sqrt(6.0 / (BERT + D)))
    W_w = jax.random.uniform(ks[5], (D, BERT), minval=-limit, maxval=limit, dtype=jnp.float32)
    W_b = jnp.zeros((D,), dtype=jnp.float32)
    return {"pos_u": pos_u, "pos_v": pos_v, "neg_v": neg_v, "u_bert": u_bert,
            "v_table": v_table, "W_w": W_w, "W_b": W_b}


def reference(pos_u, pos_v, neg_v, u_bert, v_table, W_w, W_b):
    # emb_v = v_embeddings(pos_v)  -> gather
    emb_v = jnp.take(v_table, pos_v, axis=0)                      # [B, D]
    # torch.cat(u_bert) over list of [1, 768] rows -> [B, 768]; then Linear
    ub = u_bert.reshape(-1, BERT)                                  # [B, 768]
    emb_ubert = ub @ W_w.T + W_b                                   # [B, D]
    score = jnp.sum(emb_ubert * emb_v, axis=1)                     # [B]
    score = jax.nn.log_sigmoid(score)
    neg_emb_v = jnp.take(v_table, neg_v, axis=0)                   # [B, K, D]
    neg_score = jnp.einsum('bkd,bd->bk', neg_emb_v, emb_ubert)     # bmm + squeeze
    neg_score = jax.nn.log_sigmoid(-1.0 * neg_score)
    return -1.0 * (jnp.sum(score) + jnp.sum(neg_score))

if __name__ == "__main__":
    import jax
    _d = setup_inputs()
    print(jax.jit(kernel)(*tuple(_d.values())))

</pallas_src>

<mosaic_0001>
#map = affine_map<(d0, d1) -> (0)>
#map1 = affine_map<(d0, d1) -> (0, 0)>
module attributes {stable_mosaic.version = 14 : i64} {
  func.func @sc_kernel(%arg0: i32, %arg1: i32, %arg2: memref<16384xi32, #tpu.memory_space<hbm>>, %arg3: memref<327680xi32, #tpu.memory_space<hbm>>, %arg4: memref<16384x64xf32, #tpu.memory_space<hbm>>, %arg5: memref<1000000x64xf32, #tpu.memory_space<hbm>>, %arg6: memref<344064x16xf32, #tpu.memory_space<hbm>>, %arg7: memref<32xi32, #tpu.memory_space<vmem>>, %arg8: memref<32xi32, #tpu.memory_space<vmem>>, %arg9: memref<640xi32, #tpu.memory_space<vmem>>, %arg10: memref<640xi32, #tpu.memory_space<vmem>>, %arg11: memref<32x64xf32, #tpu.memory_space<vmem>>, %arg12: memref<32x64xf32, #tpu.memory_space<vmem>>, %arg13: memref<32x64xf32, #tpu.memory_space<vmem>>, %arg14: memref<32x64xf32, #tpu.memory_space<vmem>>, %arg15: memref<640x64xf32, #tpu.memory_space<vmem>>, %arg16: memref<640x64xf32, #tpu.memory_space<vmem>>, %arg17: memref<32x16xf32, #tpu.memory_space<vmem>>, %arg18: memref<640x16xf32, #tpu.memory_space<vmem>>, %arg19: memref<!tpu.dma_semaphore, #tpu.memory_space<semaphore_mem>>, %arg20: memref<!tpu.dma_semaphore, #tpu.memory_space<semaphore_mem>>) attributes {dimension_semantics = [#tpu.dimension_semantics<core_parallel>, #tpu.dimension_semantics<subcore_parallel>], iteration_bounds = array<i64: 2, 16>, scalar_prefetch = 0 : i64, scratch_operands = 14 : i64, tpu.core_type = #tpu.core_type<sc_vector_subcore>, window_params = [{transform_indices = #map}, {transform_indices = #map}, {transform_indices = #map1}, {transform_indices = #map1}, {transform_indices = #map1}]} {
    %mul3A = arith.constant 2 : i32
    %mul3A_0 = arith.muli %arg1, %mul3A : i32
    %add3A = arith.addi %mul3A_0, %arg0 : i32
    %mul3A_1 = arith.constant 512 : i32
    %mul3A_2 = arith.muli %add3A, %mul3A_1 : i32
    %add3A_3 = arith.constant 0 : i32
    %add3A_4 = arith.addi %mul3A_2, %add3A_3 : i32
    %dma_start3A = tpu.memref_slice %arg2[%add3A_4] : memref<16384xi32, #tpu.memory_space<hbm>> -> memref<32xi32, #tpu.memory_space<hbm>>
    %dma_start3A_5 = tpu.memref_slice %arg2[%add3A_4] : memref<16384xi32, #tpu.memory_space<hbm>> -> memref<32xi32, #tpu.memory_space<hbm>>
    tpu.enqueue_dma source(%dma_start3A_5 : memref<32xi32, #tpu.memory_space<hbm>>) target(%arg7 : memref<32xi32, #tpu.memory_space<vmem>>) target_semaphore(%arg19 : memref<!tpu.dma_semaphore, #tpu.memory_space<semaphore_mem>>)
    %mul3A_6 = arith.constant 20 : i32
    %mul3A_7 = arith.muli %add3A_4, %mul3A_6 : i32
    %dma_start3A_8 = tpu.memref_slice %arg3[%mul3A_7] : memref<327680xi32, #tpu.memory_space<hbm>> -> memref<640xi32, #tpu.memory_space<hbm>>
    %dma_start3A_9 = tpu.memref_slice %arg3[%mul3A_7] : memref<327680xi32, #tpu.memory_space<hbm>> -> memref<640xi32, #tpu.memory_space<hbm>>
    tpu.enqueue_dma source(%dma_start3A_9 : memref<640xi32, #tpu.memory_space<hbm>>) target(%arg9 : memref<640xi32, #tpu.memory_space<vmem>>) target_semaphore(%arg19 : memref<!tpu.dma_semaphore, #tpu.memory_space<semaphore_mem>>)
    %dma_start3A_10 = arith.constant 0 : i32
    %dma_start3A_11 = tpu.memref_slice %arg4[%add3A_4, %dma_start3A_10] : memref<16384x64xf32, #tpu.memory_space<hbm>> -> memref<32x64xf32, #tpu.memory_space<hbm>>
    %dma_start3A_12 = arith.constant 0 : i32
    %dma_start3A_13 = tpu.memref_slice %arg4[%add3A_4, %dma_start3A_12] : memref<16384x64xf32, #tpu.memory_space<hbm>> -> memref<32x64xf32, #tpu.memory_space<hbm>>
    tpu.enqueue_dma source(%dma_start3A_13 : memref<32x64xf32, #tpu.memory_space<hbm>>) target(%arg11 : memref<32x64xf32, #tpu.memory_space<vmem>>) target_semaphore(%arg19 : memref<!tpu.dma_semaphore, #tpu.memory_space<semaphore_mem>>)
    %dma_wait3A = arith.constant 0 : i32
    %dma_wait3A_14 = tpu.memref_slice %arg2[%dma_wait3A] : memref<16384xi32, #tpu.memory_space<hbm>> -> memref<32xi32, #tpu.memory_space<hbm>>
    %dma_wait3A_15 = arith.constant 0 : i32
    %dma_wait3A_16 = tpu.memref_slice %arg2[%dma_wait3A_15] : memref<16384xi32, #tpu.memory_space<hbm>> -> memref<32xi32, #tpu.memory_space<hbm>>
    tpu.wait_dma2 semaphore(%arg19 : memref<!tpu.dma_semaphore, #tpu.memory_space<semaphore_mem>>) src(%dma_wait3A_16 : memref<32xi32, #tpu.memory_space<hbm>>) dst(%arg7 : memref<32xi32, #tpu.memory_space<vmem>>)
    %dma_wait3A_17 = arith.constant 0 : i32
    %dma_wait3A_18 = tpu.memref_slice %arg3[%dma_wait3A_17] : memref<327680xi32, #tpu.memory_space<hbm>> -> memref<640xi32, #tpu.memory_space<hbm>>
    %dma_wait3A_19 = arith.constant 0 : i32
    %dma_wait3A_20 = tpu.memref_slice %arg3[%dma_wait3A_19] : memref<327680xi32, #tpu.memory_space<hbm>> -> memref<640xi32, #tpu.memory_space<hbm>>
    tpu.wait_dma2 semaphore(%arg19 : memref<!tpu.dma_semaphore, #tpu.memory_space<semaphore_mem>>) src(%dma_wait3A_20 : memref<640xi32, #tpu.memory_space<hbm>>) dst(%arg9 : memref<640xi32, #tpu.memory_space<vmem>>)
    %dma_wait3A_21 = arith.constant 0 : i32
    %dma_wait3A_22 = arith.constant 0 : i32
    %dma_wait3A_23 = tpu.memref_slice %arg4[%dma_wait3A_21, %dma_wait3A_22] : memref<16384x64xf32, #tpu.memory_space<hbm>> -> memref<32x64xf32, #tpu.memory_space<hbm>>
    %dma_wait3A_24 = arith.constant 0 : i32
    %dma_wait3A_25 = arith.constant 0 : i32
    %dma_wait3A_26 = tpu.memref_slice %arg4[%dma_wait3A_24, %dma_wait3A_25] : memref<16384x64xf32, #tpu.memory_space<hbm>> -> memref<32x64xf32, #tpu.memory_space<hbm>>
    tpu.wait_dma2 semaphore(%arg19 : memref<!tpu.dma_semaphore, #tpu.memory_space<semaphore_mem>>) src(%dma_wait3A_26 : memref<32x64xf32, #tpu.memory_space<hbm>>) dst(%arg11 : memref<32x64xf32, #tpu.memory_space<vmem>>)
    %dma_start3A_27 = arith.constant 0 : i32
    %dma_start3A_28 = arith.constant 0 : i32
    %dma_start3A_29 = tpu.memref_slice %arg5[%dma_start3A_27, %dma_start3A_28] : memref<1000000x64xf32, #tpu.memory_space<hbm>> -> memref<1000000x64xf32, #tpu.memory_space<hbm>>
    tpu.enqueue_indirect_dma source(%dma_start3A_29 : memref<1000000x64xf32, #tpu.memory_space<hbm>>) target(%arg13 : memref<32x64xf32, #tpu.memory_space<vmem>>) offsets(%arg7 : memref<32xi32, #tpu.memory_space<vmem>>) semaphore(%arg19 : memref<!tpu.dma_semaphore, #tpu.memory_space<semaphore_mem>>)
    %dma_start3A_30 = arith.constant 0 : i32
    %dma_start3A_31 = arith.constant 0 : i32
    %dma_start3A_32 = tpu.memref_slice %arg15[%dma_start3A_30, %dma_start3A_31] : memref<640x64xf32, #tpu.memory_space<vmem>> -> memref<128x64xf32, #tpu.memory_space<vmem>>
    %dma_start3A_33 = arith.constant 0 : i32
    %dma_start3A_34 = tpu.memref_slice %arg9[%dma_start3A_33] : memref<640xi32, #tpu.memory_space<vmem>> -> memref<128xi32, #tpu.memory_space<vmem>>
    %dma_start3A_35 = arith.constant 0 : i32
    %dma_start3A_36 = arith.constant 0 : i32
    %dma_start3A_37 = tpu.memref_slice %arg5[%dma_start3A_35, %dma_start3A_36] : memref<1000000x64xf32, #tpu.memory_space<hbm>> -> memref<1000000x64xf32, #tpu.memory_space<hbm>>
    tpu.enqueue_indirect_dma source(%dma_start3A_37 : memref<1000000x64xf32, #tpu.memory_space<hbm>>) target(%dma_start3A_32 : memref<128x64xf32, #tpu.memory_space<vmem>>) offsets(%dma_start3A_34 : memref<128xi32, #tpu.memory_space<vmem>>) semaphore(%arg19 : memref<!tpu.dma_semaphore, #tpu.memory_space<semaphore_mem>>)
    %dma_start3A_38 = arith.constant 128 : i32
    %dma_start3A_39 = arith.constant 0 : i32
    %dma_start3A_40 = tpu.memref_slice %arg15[%dma_start3A_38, %dma_start3A_39] : memref<640x64xf32, #tpu.memory_space<vmem>> -> memref<128x64xf32, #tpu.memory_space<vmem>>
    %dma_start3A_41 = arith.constant 128 : i32
    %dma_start3A_42 = tpu.memref_slice %arg9[%dma_start3A_41] : memref<640xi32, #tpu.memory_space<vmem>> -> memref<128xi32, #tpu.memory_space<vmem>>
    %dma_start3A_43 = arith.constant 0 : i32
    %dma_start3A_44 = arith.constant 0 : i32
    %dma_start3A_45 = tpu.memref_slice %arg5[%dma_start3A_43, %dma_start3A_44] : memref<1000000x64xf32, #tpu.memory_space<hbm>> -> memref<1000000x64xf32, #tpu.memory_space<hbm>>
    tpu.enqueue_indirect_dma source(%dma_start3A_45 : memref<1000000x64xf32, #tpu.memory_space<hbm>>) target(%dma_start3A_40 : memref<128x64xf32, #tpu.memory_space<vmem>>) offsets(%dma_start3A_42 : memref<128xi32, #tpu.memory_space<vmem>>) semaphore(%arg19 : memref<!tpu.dma_semaphore, #tpu.memory_space<semaphore_mem>>)
    %dma_start3A_46 = arith.constant 256 : i32
    %dma_start3A_47 = arith.constant 0 : i32
    %dma_start3A_48 = tpu.memref_slice %arg15[%dma_start3A_46, %dma_start3A_47] : memref<640x64xf32, #tpu.memory_space<vmem>> -> memref<128x64xf32, #tpu.memory_space<vmem>>
    %dma_start3A_49 = arith.constant 256 : i32
    %dma_start3A_50 = tpu.memref_slice %arg9[%dma_start3A_49] : memref<640xi32, #tpu.memory_space<vmem>> -> memref<128xi32, #tpu.memory_space<vmem>>
    %dma_start3A_51 = arith.constant 0 : i32
    %dma_start3A_52 = arith.constant 0 : i32
    %dma_start3A_53 = tpu.memref_slice %arg5[%dma_start3A_51, %dma_start3A_52] : memref<1000000x64xf32, #tpu.memory_space<hbm>> -> memref<1000000x64xf32, #tpu.memory_space<hbm>>
    tpu.enqueue_indirect_dma source(%dma_start3A_53 : memref<1000000x64xf32, #tpu.memory_space<hbm>>) target(%dma_start3A_48 : memref<128x64xf32, #tpu.memory_space<vmem>>) offsets(%dma_start3A_50 : memref<128xi32, #tpu.memory_space<vmem>>) semaphore(%arg19 : memref<!tpu.dma_semaphore, #tpu.memory_space<semaphore_mem>>)
    %dma_start3A_54 = arith.constant 384 : i32
    %dma_start3A_55 = arith.constant 0 : i32
    %dma_start3A_56 = tpu.memref_slice %arg15[%dma_start3A_54, %dma_start3A_55] : memref<640x64xf32, #tpu.memory_space<vmem>> -> memref<128x64xf32, #tpu.memory_space<vmem>>
    %dma_start3A_57 = arith.constant 384 : i32
    %dma_start3A_58 = tpu.memref_slice %arg9[%dma_start3A_57] : memref<640xi32, #tpu.memory_space<vmem>> -> memref<128xi32, #tpu.memory_space<vmem>>
    %dma_start3A_59 = arith.constant 0 : i32
    %dma_start3A_60 = arith.constant 0 : i32
    %dma_start3A_61 = tpu.memref_slice %arg5[%dma_start3A_59, %dma_start3A_60] : memref<1000000x64xf32, #tpu.memory_space<hbm>> -> memref<1000000x64xf32, #tpu.memory_space<hbm>>
    tpu.enqueue_indirect_dma source(%dma_start3A_61 : memref<1000000x64xf32, #tpu.memory_space<hbm>>) target(%dma_start3A_56 : memref<128x64xf32, #tpu.memory_space<vmem>>) offsets(%dma_start3A_58 : memref<128xi32, #tpu.memory_space<vmem>>) semaphore(%arg19 : memref<!tpu.dma_semaphore, #tpu.memory_space<semaphore_mem>>)
    %dma_start3A_62 = arith.constant 512 : i32
    %dma_start3A_63 = arith.constant 0 : i32
    %dma_start3A_64 = tpu.memref_slice %arg15[%dma_start3A_62, %dma_start3A_63] : memref<640x64xf32, #tpu.memory_space<vmem>> -> memref<128x64xf32, #tpu.memory_space<vmem>>
    %dma_start3A_65 = arith.constant 512 : i32
    %dma_start3A_66 = tpu.memref_slice %arg9[%dma_start3A_65] : memref<640xi32, #tpu.memory_space<vmem>> -> memref<128xi32, #tpu.memory_space<vmem>>
    %dma_start3A_67 = arith.constant 0 : i32
    %dma_start3A_68 = arith.constant 0 : i32
    %dma_start3A_69 = tpu.memref_slice %arg5[%dma_start3A_67, %dma_start3A_68] : memref<1000000x64xf32, #tpu.memory_space<hbm>> -> memref<1000000x64xf32, #tpu.memory_space<hbm>>
    tpu.enqueue_indirect_dma source(%dma_start3A_69 : memref<1000000x64xf32, #tpu.memory_space<hbm>>) target(%dma_start3A_64 : memref<128x64xf32, #tpu.memory_space<vmem>>) offsets(%dma_start3A_66 : memref<128xi32, #tpu.memory_space<vmem>>) semaphore(%arg19 : memref<!tpu.dma_semaphore, #tpu.memory_space<semaphore_mem>>)
    %scan3A = arith.constant 0 : i32
    %scan3A_70 = arith.constant 0 : i32
    %scan3A_71 = arith.constant 8 : i32
    %scan3A_72 = arith.addi %scan3A_70, %scan3A_71 : i32
    %scan3A_73 = arith.constant 1 : i32
    scf.for %scan3A_75 = %scan3A_70 to %scan3A_72 step %scan3A_73  : i32 {
      %mul3A_76 = arith.constant 2 : i32
      %mul3A_77 = arith.muli %scan3A_75, %mul3A_76 : i32
      %add3A_78 = arith.constant 1 : i32
      %add3A_79 = arith.addi %mul3A_77, %add3A_78 : i32
      %mul3A_80 = arith.constant 512 : i32
      %mul3A_81 = arith.muli %add3A, %mul3A_80 : i32
      %mul3A_82 = arith.constant 32 : i32
      %mul3A_83 = arith.muli %add3A_79, %mul3A_82 : i32
      %add3A_84 = arith.addi %mul3A_81, %mul3A_83 : i32
      %dma_start3A_85 = tpu.memref_slice %arg2[%add3A_84] : memref<16384xi32, #tpu.memory_space<hbm>> -> memref<32xi32, #tpu.memory_space<hbm>>
      %dma_start3A_86 = tpu.memref_slice %arg2[%add3A_84] : memref<16384xi32, #tpu.memory_space<hbm>> -> memref<32xi32, #tpu.memory_space<hbm>>
      tpu.enqueue_dma source(%dma_start3A_86 : memref<32xi32, #tpu.memory_space<hbm>>) target(%arg8 : memref<32xi32, #tpu.memory_space<vmem>>) target_semaphore(%arg20 : memref<!tpu.dma_semaphore, #tpu.memory_space<semaphore_mem>>)
      %mul3A_87 = arith.constant 20 : i32
      %mul3A_88 = arith.muli %add3A_84, %mul3A_87 : i32
      %dma_start3A_89 = tpu.memref_slice %arg3[%mul3A_88] : memref<327680xi32, #tpu.memory_space<hbm>> -> memref<640xi32, #tpu.memory_space<hbm>>
      %dma_start3A_90 = tpu.memref_slice %arg3[%mul3A_88] : memref<327680xi32, #tpu.memory_space<hbm>> -> memref<640xi32, #tpu.memory_space<hbm>>
      tpu.enqueue_dma source(%dma_start3A_90 : memref<640xi32, #tpu.memory_space<hbm>>) target(%arg10 : memref<640xi32, #tpu.memory_space<vmem>>) target_semaphore(%arg20 : memref<!tpu.dma_semaphore, #tpu.memory_space<semaphore_mem>>)
      %dma_start3A_91 = arith.constant 0 : i32
      %dma_start3A_92 = tpu.memref_slice %arg4[%add3A_84, %dma_start3A_91] : memref<16384x64xf32, #tpu.memory_space<hbm>> -> memref<32x64xf32, #tpu.memory_space<hbm>>
      %dma_start3A_93 = arith.constant 0 : i32
      %dma_start3A_94 = tpu.memref_slice %arg4[%add3A_84, %dma_start3A_93] : memref<16384x64xf32, #tpu.memory_space<hbm>> -> memref<32x64xf32, #tpu.memory_space<hbm>>
      tpu.enqueue_dma source(%dma_start3A_94 : memref<32x64xf32, #tpu.memory_space<hbm>>) target(%arg12 : memref<32x64xf32, #tpu.memory_space<vmem>>) target_semaphore(%arg20 : memref<!tpu.dma_semaphore, #tpu.memory_space<semaphore_mem>>)
      %dma_wait3A_95 = arith.constant 0 : i32
      %dma_wait3A_96 = tpu.memref_slice %arg2[%dma_wait3A_95] : memref<16384xi32, #tpu.memory_space<hbm>> -> memref<32xi32, #tpu.memory_space<hbm>>
      %dma_wait3A_97 = arith.constant 0 : i32
      %dma_wait3A_98 = tpu.memref_slice %arg2[%dma_wait3A_97] : memref<16384xi32, #tpu.memory_space<hbm>> -> memref<32xi32, #tpu.memory_space<hbm>>
      tpu.wait_dma2 semaphore(%arg20 : memref<!tpu.dma_semaphore, #tpu.memory_space<semaphore_mem>>) src(%dma_wait3A_98 : memref<32xi32, #tpu.memory_space<hbm>>) dst(%arg8 : memref<32xi32, #tpu.memory_space<vmem>>)
      %dma_wait3A_99 = arith.constant 0 : i32
      %dma_wait3A_100 = tpu.memref_slice %arg3[%dma_wait3A_99] : memref<327680xi32, #tpu.memory_space<hbm>> -> memref<640xi32, #tpu.memory_space<hbm>>
      %dma_wait3A_101 = arith.constant 0 : i32
      %dma_wait3A_102 = tpu.memref_slice %arg3[%dma_wait3A_101] : memref<327680xi32, #tpu.memory_space<hbm>> -> memref<640xi32, #tpu.memory_space<hbm>>
      tpu.wait_dma2 semaphore(%arg20 : memref<!tpu.dma_semaphore, #tpu.memory_space<semaphore_mem>>) src(%dma_wait3A_102 : memref<640xi32, #tpu.memory_space<hbm>>) dst(%arg10 : memref<640xi32, #tpu.memory_space<vmem>>)
      %dma_wait3A_103 = arith.constant 0 : i32
      %dma_wait3A_104 = arith.constant 0 : i32
      %dma_wait3A_105 = tpu.memref_slice %arg4[%dma_wait3A_103, %dma_wait3A_104] : memref<16384x64xf32, #tpu.memory_space<hbm>> -> memref<32x64xf32, #tpu.memory_space<hbm>>
      %dma_wait3A_106 = arith.constant 0 : i32
      %dma_wait3A_107 = arith.constant 0 : i32
      %dma_wait3A_108 = tpu.memref_slice %arg4[%dma_wait3A_106, %dma_wait3A_107] : memref<16384x64xf32, #tpu.memory_space<hbm>> -> memref<32x64xf32, #tpu.memory_space<hbm>>
      tpu.wait_dma2 semaphore(%arg20 : memref<!tpu.dma_semaphore, #tpu.memory_space<semaphore_mem>>) src(%dma_wait3A_108 : memref<32x64xf32, #tpu.memory_space<hbm>>) dst(%arg12 : memref<32x64xf32, #tpu.memory_space<vmem>>)
      %dma_start3A_109 = arith.constant 0 : i32
      %dma_start3A_110 = arith.constant 0 : i32
      %dma_start3A_111 = tpu.memref_slice %arg5[%dma_start3A_109, %dma_start3A_110] : memref<1000000x64xf32, #tpu.memory_space<hbm>> -> memref<1000000x64xf32, #tpu.memory_space<hbm>>
      tpu.enqueue_indirect_dma source(%dma_start3A_111 : memref<1000000x64xf32, #tpu.memory_space<hbm>>) target(%arg14 : memref<32x64xf32, #tpu.memory_space<vmem>>) offsets(%arg8 : memref<32xi32, #tpu.memory_space<vmem>>) semaphore(%arg20 : memref<!tpu.dma_semaphore, #tpu.memory_space<semaphore_mem>>)
      %dma_start3A_112 = arith.constant 0 : i32
      %dma_start3A_113 = arith.constant 0 : i32
      %dma_start3A_114 = tpu.memref_slice %arg16[%dma_start3A_112, %dma_start3A_113] : memref<640x64xf32, #tpu.memory_space<vmem>> -> memref<128x64xf32, #tpu.memory_space<vmem>>
      %dma_start3A_115 = arith.constant 0 : i32
      %dma_start3A_116 = tpu.memref_slice %arg10[%dma_start3A_115] : memref<640xi32, #tpu.memory_space<vmem>> -> memref<128xi32, #tpu.memory_space<vmem>>
      %dma_start3A_117 = arith.constant 0 : i32
      %dma_start3A_118 = arith.constant 0 : i32
      %dma_start3A_119 = tpu.memref_slice %arg5[%dma_start3A_117, %dma_start3A_118] : memref<1000000x64xf32, #tpu.memory_space<hbm>> -> memref<1000000x64xf32, #tpu.memory_space<hbm>>
      tpu.enqueue_indirect_dma source(%dma_start3A_119 : memref<1000000x64xf32, #tpu.memory_space<hbm>>) target(%dma_start3A_114 : memref<128x64xf32, #tpu.memory_space<vmem>>) offsets(%dma_start3A_116 : memref<128xi32, #tpu.memory_space<vmem>>) semaphore(%arg20 : memref<!tpu.dma_semaphore, #tpu.memory_space<semaphore_mem>>)
      %dma_start3A_120 = arith.constant 128 : i32
      %dma_start3A_121 = arith.constant 0 : i32
      %dma_start3A_122 = tpu.memref_slice %arg16[%dma_start3A_120, %dma_start3A_121] : memref<640x64xf32, #tpu.memory_space<vmem>> -> memref<128x64xf32, #tpu.memory_space<vmem>>
      %dma_start3A_123 = arith.constant 128 : i32
      %dma_start3A_124 = tpu.memref_slice %arg10[%dma_start3A_123] : memref<640xi32, #tpu.memory_space<vmem>> -> memref<128xi32, #tpu.memory_space<vmem>>
      %dma_start3A_125 = arith.constant 0 : i32
      %dma_start3A_126 = arith.constant 0 : i32
      %dma_start3A_127 = tpu.memref_slice %arg5[%dma_start3A_125, %dma_start3A_126] : memref<1000000x64xf32, #tpu.memory_space<hbm>> -> memref<1000000x64xf32, #tpu.memory_space<hbm>>
      tpu.enqueue_indirect_dma source(%dma_start3A_127 : memref<1000000x64xf32, #tpu.memory_space<hbm>>) target(%dma_start3A_122 : memref<128x64xf32, #tpu.memory_space<vmem>>) offsets(%dma_start3A_124 : memref<128xi32, #tpu.memory_space<vmem>>) semaphore(%arg20 : memref<!tpu.dma_semaphore, #tpu.memory_space<semaphore_mem>>)
      %dma_start3A_128 = arith.constant 256 : i32
      %dma_start3A_129 = arith.constant 0 : i32
      %dma_start3A_130 = tpu.memref_slice %arg16[%dma_start3A_128, %dma_start3A_129] : memref<640x64xf32, #tpu.memory_space<vmem>> -> memref<128x64xf32, #tpu.memory_space<vmem>>
      %dma_start3A_131 = arith.constant 256 : i32
      %dma_start3A_132 = tpu.memref_slice %arg10[%dma_start3A_131] : memref<640xi32, #tpu.memory_space<vmem>> -> memref<128xi32, #tpu.memory_space<vmem>>
      %dma_start3A_133 = arith.constant 0 : i32
      %dma_start3A_134 = arith.constant 0 : i32
      %dma_start3A_135 = tpu.memref_slice %arg5[%dma_start3A_133, %dma_start3A_134] : memref<1000000x64xf32, #tpu.memory_space<hbm>> -> memref<1000000x64xf32, #tpu.memory_space<hbm>>
      tpu.enqueue_indirect_dma source(%dma_start3A_135 : memref<1000000x64xf32, #tpu.memory_space<hbm>>) target(%dma_start3A_130 : memref<128x64xf32, #tpu.memory_space<vmem>>) offsets(%dma_start3A_132 : memref<128xi32, #tpu.memory_space<vmem>>) semaphore(%arg20 : memref<!tpu.dma_semaphore, #tpu.memory_space<semaphore_mem>>)
      %dma_start3A_136 = arith.constant 384 : i32
      %dma_start3A_137 = arith.constant 0 : i32
      %dma_start3A_138 = tpu.memref_slice %arg16[%dma_start3A_136, %dma_start3A_137] : memref<640x64xf32, #tpu.memory_space<vmem>> -> memref<128x64xf32, #tpu.memory_space<vmem>>
      %dma_start3A_139 = arith.constant 384 : i32
      %dma_start3A_140 = tpu.memref_slice %arg10[%dma_start3A_139] : memref<640xi32, #tpu.memory_space<vmem>> -> memref<128xi32, #tpu.memory_space<vmem>>
      %dma_start3A_141 = arith.constant 0 : i32
      %dma_start3A_142 = arith.constant 0 : i32
      %dma_start3A_143 = tpu.memref_slice %arg5[%dma_start3A_141, %dma_start3A_142] : memref<1000000x64xf32, #tpu.memory_space<hbm>> -> memref<1000000x64xf32, #tpu.memory_space<hbm>>
      tpu.enqueue_indirect_dma source(%dma_start3A_143 : memref<1000000x64xf32, #tpu.memory_space<hbm>>) target(%dma_start3A_138 : memref<128x64xf32, #tpu.memory_space<vmem>>) offsets(%dma_start3A_140 : memref<128xi32, #tpu.memory_space<vmem>>) semaphore(%arg20 : memref<!tpu.dma_semaphore, #tpu.memory_space<semaphore_mem>>)
      %dma_start3A_144 = arith.constant 512 : i32
      %dma_start3A_145 = arith.constant 0 : i32
      %dma_start3A_146 = tpu.memref_slice %arg16[%dma_start3A_144, %dma_start3A_145] : memref<640x64xf32, #tpu.memory_space<vmem>> -> memref<128x64xf32, #tpu.memory_space<vmem>>
      %dma_start3A_147 = arith.constant 512 : i32
      %dma_start3A_148 = tpu.memref_slice %arg10[%dma_start3A_147] : memref<640xi32, #tpu.memory_space<vmem>> -> memref<128xi32, #tpu.memory_space<vmem>>
      %dma_start3A_149 = arith.constant 0 : i32
      %dma_start3A_150 = arith.constant 0 : i32
      %dma_start3A_151 = tpu.memref_slice %arg5[%dma_start3A_149, %dma_start3A_150] : memref<1000000x64xf32, #tpu.memory_space<hbm>> -> memref<1000000x64xf32, #tpu.memory_space<hbm>>
      tpu.enqueue_indirect_dma source(%dma_start3A_151 : memref<1000000x64xf32, #tpu.memory_space<hbm>>) target(%dma_start3A_146 : memref<128x64xf32, #tpu.memory_space<vmem>>) offsets(%dma_start3A_148 : memref<128xi32, #tpu.memory_space<vmem>>) semaphore(%arg20 : memref<!tpu.dma_semaphore, #tpu.memory_space<semaphore_mem>>)
      %dma_wait3A_152 = arith.constant 0 : i32
      %dma_wait3A_153 = arith.constant 0 : i32
      %dma_wait3A_154 = tpu.memref_slice %arg5[%dma_wait3A_152, %dma_wait3A_153] : memref<1000000x64xf32, #tpu.memory_space<hbm>> -> memref<1000000x64xf32, #tpu.memory_space<hbm>>
      tpu.wait_indirect_dma semaphore(%arg19 : memref<!tpu.dma_semaphore, #tpu.memory_space<semaphore_mem>>) src(%dma_wait3A_154 : memref<1000000x64xf32, #tpu.memory_space<hbm>>) dst(%arg13 : memref<32x64xf32, #tpu.memory_space<vmem>>)
      %dma_wait3A_155 = arith.constant 0 : i32
      %dma_wait3A_156 = arith.constant 0 : i32
      %dma_wait3A_157 = tpu.memref_slice %arg15[%dma_wait3A_155, %dma_wait3A_156] : memref<640x64xf32, #tpu.memory_space<vmem>> -> memref<128x64xf32, #tpu.memory_space<vmem>>
      %dma_wait3A_158 = arith.constant 0 : i32
      %dma_wait3A_159 = tpu.memref_slice %arg9[%dma_wait3A_158] : memref<640xi32, #tpu.memory_space<vmem>> -> memref<128xi32, #tpu.memory_space<vmem>>
      %dma_wait3A_160 = arith.constant 0 : i32
      %dma_wait3A_161 = arith.constant 0 : i32
      %dma_wait3A_162 = tpu.memref_slice %arg5[%dma_wait3A_160, %dma_wait3A_161] : memref<1000000x64xf32, #tpu.memory_space<hbm>> -> memref<1000000x64xf32, #tpu.memory_space<hbm>>
      tpu.wait_indirect_dma semaphore(%arg19 : memref<!tpu.dma_semaphore, #tpu.memory_space<semaphore_mem>>) src(%dma_wait3A_162 : memref<1000000x64xf32, #tpu.memory_space<hbm>>) dst(%dma_wait3A_157 : memref<128x64xf32, #tpu.memory_space<vmem>>)
      %dma_wait3A_163 = arith.constant 128 : i32
      %dma_wait3A_164 = arith.constant 0 : i32
      %dma_wait3A_165 = tpu.memref_slice %arg15[%dma_wait3A_163, %dma_wait3A_164] : memref<640x64xf32, #tpu.memory_space<vmem>> -> memref<128x64xf32, #tpu.memory_space<vmem>>
      %dma_wait3A_166 = arith.constant 128 : i32
      %dma_wait3A_167 = tpu.memref_slice %arg9[%dma_wait3A_166] : memref<640xi32, #tpu.memory_space<vmem>> -> memref<128xi32, #tpu.memory_space<vmem>>
      %dma_wait3A_168 = arith.constant 0 : i32
      %dma_wait3A_169 = arith.constant 0 : i32
      %dma_wait3A_170 = tpu.memref_slice %arg5[%dma_wait3A_168, %dma_wait3A_169] : memref<1000000x64xf32, #tpu.memory_space<hbm>> -> memref<1000000x64xf32, #tpu.memory_space<hbm>>
      tpu.wait_indirect_dma semaphore(%arg19 : memref<!tpu.dma_semaphore, #tpu.memory_space<semaphore_mem>>) src(%dma_wait3A_170 : memref<1000000x64xf32, #tpu.memory_space<hbm>>) dst(%dma_wait3A_165 : memref<128x64xf32, #tpu.memory_space<vmem>>)
      %dma_wait3A_171 = arith.constant 256 : i32
      %dma_wait3A_172 = arith.constant 0 : i32
      %dma_wait3A_173 = tpu.memref_slice %arg15[%dma_wait3A_171, %dma_wait3A_172] : memref<640x64xf32, #tpu.memory_space<vmem>> -> memref<128x64xf32, #tpu.memory_space<vmem>>
      %dma_wait3A_174 = arith.constant 256 : i32
      %dma_wait3A_175 = tpu.memref_slice %arg9[%dma_wait3A_174] : memref<640xi32, #tpu.memory_space<vmem>> -> memref<128xi32, #tpu.memory_space<vmem>>
      %dma_wait3A_176 = arith.constant 0 : i32
      %dma_wait3A_177 = arith.constant 0 : i32
      %dma_wait3A_178 = tpu.memref_slice %arg5[%dma_wait3A_176, %dma_wait3A_177] : memref<1000000x64xf32, #tpu.memory_space<hbm>> -> memref<1000000x64xf32, #tpu.memory_space<hbm>>
      tpu.wait_indirect_dma semaphore(%arg19 : memref<!tpu.dma_semaphore, #tpu.memory_space<semaphore_mem>>) src(%dma_wait3A_178 : memref<1000000x64xf32, #tpu.memory_space<hbm>>) dst(%dma_wait3A_173 : memref<128x64xf32, #tpu.memory_space<vmem>>)
      %dma_wait3A_179 = arith.constant 384 : i32
      %dma_wait3A_180 = arith.constant 0 : i32
      %dma_wait3A_181 = tpu.memref_slice %arg15[%dma_wait3A_179, %dma_wait3A_180] : memref<640x64xf32, #tpu.memory_space<vmem>> -> memref<128x64xf32, #tpu.memory_space<vmem>>
      %dma_wait3A_182 = arith.constant 384 : i32
      %dma_wait3A_183 = tpu.memref_slice %arg9[%dma_wait3A_182] : memref<640xi32, #tpu.memory_space<vmem>> -> memref<128xi32, #tpu.memory_space<vmem>>
      %dma_wait3A_184 = arith.constant 0 : i32
      %dma_wait3A_185 = arith.constant 0 : i32
      %dma_wait3A_186 = tpu.memref_slice %arg5[%dma_wait3A_184, %dma_wait3A_185] : memref<1000000x64xf32, #tpu.memory_space<hbm>> -> memref<1000000x64xf32, #tpu.memory_space<hbm>>
      tpu.wait_indirect_dma semaphore(%arg19 : memref<!tpu.dma_semaphore, #tpu.memory_space<semaphore_mem>>) src(%dma_wait3A_186 : memref<1000000x64xf32, #tpu.memory_space<hbm>>) dst(%dma_wait3A_181 : memref<128x64xf32, #tpu.memory_space<vmem>>)
      %dma_wait3A_187 = arith.constant 512 : i32
      %dma_wait3A_188 = arith.constant 0 : i32
      %dma_wait3A_189 = tpu.memref_slice %arg15[%dma_wait3A_187, %dma_wait3A_188] : memref<640x64xf32, #tpu.memory_space<vmem>> -> memref<128x64xf32, #tpu.memory_space<vmem>>
      %dma_wait3A_190 = arith.constant 512 : i32
      %dma_wait3A_191 = tpu.memref_slice %arg9[%dma_wait3A_190] : memref<640xi32, #tpu.memory_space<vmem>> -> memref<128xi32, #tpu.memory_space<vmem>>
      %dma_wait3A_192 = arith.constant 0 : i32
      %dma_wait3A_193 = arith.constant 0 : i32
      %dma_wait3A_194 = tpu.memref_slice %arg5[%dma_wait3A_192, %dma_wait3A_193] : memref<1000000x64xf32, #tpu.memory_space<hbm>> -> memref<1000000x64xf32, #tpu.memory_space<hbm>>
      tpu.wait_indirect_dma semaphore(%arg19 : memref<!tpu.dma_semaphore, #tpu.memory_space<semaphore_mem>>) src(%dma_wait3A_194 : memref<1000000x64xf32, #tpu.memory_space<hbm>>) dst(%dma_wait3A_189 : memref<128x64xf32, #tpu.memory_space<vmem>>)
      %mul3A_195 = arith.constant 512 : i32
      %mul3A_196 = arith.muli %add3A, %mul3A_195 : i32
      %mul3A_197 = arith.constant 32 : i32
      %mul3A_198 = arith.muli %mul3A_77, %mul3A_197 : i32
      %add3A_199 = arith.addi %mul3A_196, %mul3A_198 : i32
      %parallel_loop3A = arith.constant 0 : i32
      %parallel_loop3A_200 = arith.constant 32 : i32
      %parallel_loop3A_201 = arith.constant 1 : i32
      scf.for %parallel_loop3A_267 = %parallel_loop3A to %parallel_loop3A_200 step %parallel_loop3A_201  : i32 {
        %parallel_loop3A_268 = arith.index_cast %parallel_loop3A_267 : i32 to index
        %parallel_loop3A_269 = arith.constant 0 : index
        %parallel_loop3A_270 = tpu.vector_load %arg11[%parallel_loop3A_268, %parallel_loop3A_269] {strides = array<i32>} : memref<32x64xf32, #tpu.memory_space<vmem>>, vector<1x16xf32>,
        %parallel_loop3A_271 = vector.shape_cast %parallel_loop3A_270 : vector<1x16xf32> to vector<16xf32>
        %parallel_loop3A_272 = arith.index_cast %parallel_loop3A_267 : i32 to index
        %parallel_loop3A_273 = arith.constant 16 : index
        %parallel_loop3A_274 = tpu.vector_load %arg11[%parallel_loop3A_272, %parallel_loop3A_273] {strides = array<i32>} : memref<32x64xf32, #tpu.memory_space<vmem>>, vector<1x16xf32>,
        %parallel_loop3A_275 = vector.shape_cast %parallel_loop3A_274 : vector<1x16xf32> to vector<16xf32>
        %parallel_loop3A_276 = arith.index_cast %parallel_loop3A_267 : i32 to index
        %parallel_loop3A_277 = arith.constant 32 : index
        %parallel_loop3A_278 = tpu.vector_load %arg11[%parallel_loop3A_276, %parallel_loop3A_277] {strides = array<i32>} : memref<32x64xf32, #tpu.memory_space<vmem>>, vector<1x16xf32>,
        %parallel_loop3A_279 = vector.shape_cast %parallel_loop3A_278 : vector<1x16xf32> to vector<16xf32>
        %parallel_loop3A_280 = arith.index_cast %parallel_loop3A_267 : i32 to index
        %parallel_loop3A_281 = arith.constant 48 : index
        %parallel_loop3A_282 = tpu.vector_load %arg11[%parallel_loop3A_280, %parallel_loop3A_281] {strides = array<i32>} : memref<32x64xf32, #tpu.memory_space<vmem>>, vector<1x16xf32>,
        %parallel_loop3A_283 = vector.shape_cast %parallel_loop3A_282 : vector<1x16xf32> to vector<16xf32>
        %parallel_loop3A_284 = arith.index_cast %parallel_loop3A_267 : i32 to index
        %parallel_loop3A_285 = arith.constant 0 : index
        %parallel_loop3A_286 = tpu.vector_load %arg13[%parallel_loop3A_284, %parallel_loop3A_285] {strides = array<i32>} : memref<32x64xf32, #tpu.memory_space<vmem>>, vector<1x16xf32>,
        %parallel_loop3A_287 = vector.shape_cast %parallel_loop3A_286 : vector<1x16xf32> to vector<16xf32>
        %parallel_loop3A_288 = arith.index_cast %parallel_loop3A_267 : i32 to index
        %parallel_loop3A_289 = arith.constant 16 : index
        %parallel_loop3A_290 = tpu.vector_load %arg13[%parallel_loop3A_288, %parallel_loop3A_289] {strides = array<i32>} : memref<32x64xf32, #tpu.memory_space<vmem>>, vector<1x16xf32>,
        %parallel_loop3A_291 = vector.shape_cast %parallel_loop3A_290 : vector<1x16xf32> to vector<16xf32>
        %parallel_loop3A_292 = arith.index_cast %parallel_loop3A_267 : i32 to index
        %parallel_loop3A_293 = arith.constant 32 : index
        %parallel_loop3A_294 = tpu.vector_load %arg13[%parallel_loop3A_292, %parallel_loop3A_293] {strides = array<i32>} : memref<32x64xf32, #tpu.memory_space<vmem>>, vector<1x16xf32>,
        %parallel_loop3A_295 = vector.shape_cast %parallel_loop3A_294 : vector<1x16xf32> to vector<16xf32>
        %parallel_loop3A_296 = arith.index_cast %parallel_loop3A_267 : i32 to index
        %parallel_loop3A_297 = arith.constant 48 : index
        %parallel_loop3A_298 = tpu.vector_load %arg13[%parallel_loop3A_296, %parallel_loop3A_297] {strides = array<i32>} : memref<32x64xf32, #tpu.memory_space<vmem>>, vector<1x16xf32>,
        %parallel_loop3A_299 = vector.shape_cast %parallel_loop3A_298 : vector<1x16xf32> to vector<16xf32>
        %parallel_loop3A_300 = arith.mulf %parallel_loop3A_271, %parallel_loop3A_287 : vector<16xf32>
        %parallel_loop3A_301 = arith.mulf %parallel_loop3A_275, %parallel_loop3A_291 : vector<16xf32>
        %parallel_loop3A_302 = arith.addf %parallel_loop3A_300, %parallel_loop3A_301 : vector<16xf32>
        %parallel_loop3A_303 = arith.mulf %parallel_loop3A_279, %parallel_loop3A_295 : vector<16xf32>
        %parallel_loop3A_304 = arith.mulf %parallel_loop3A_283, %parallel_loop3A_299 : vector<16xf32>
        %parallel_loop3A_305 = arith.addf %parallel_loop3A_303, %parallel_loop3A_304 : vector<16xf32>
        %parallel_loop3A_306 = arith.addf %parallel_loop3A_302, %parallel_loop3A_305 : vector<16xf32>
        %parallel_loop3A_307 = arith.index_cast %parallel_loop3A_267 : i32 to index
        %parallel_loop3A_308 = arith.constant 0 : index
        %parallel_loop3A_309 = tpu.vector_load %arg17[%parallel_loop3A_307, %parallel_loop3A_308] {strides = array<i32>} : memref<32x16xf32, #tpu.memory_space<vmem>>, vector<1x16xf32>,
        %parallel_loop3A_310 = vector.shape_cast %parallel_loop3A_309 : vector<1x16xf32> to vector<16xf32>
        %parallel_loop3A_311 = vector.shape_cast %parallel_loop3A_306 : vector<16xf32> to vector<1x16xf32>
        tpu.vector_store %arg17[%parallel_loop3A_307, %parallel_loop3A_308], %parallel_loop3A_311 {strides = array<i32>} : memref<32x16xf32, #tpu.memory_space<vmem>>, vector<1x16xf32>,
        %parallel_loop3A_312 = arith.constant 20 : i32
        %parallel_loop3A_313 = arith.muli %parallel_loop3A_267, %parallel_loop3A_312 : i32
        %parallel_loop3A_314 = arith.constant 0 : i32
        %parallel_loop3A_315 = arith.addi %parallel_loop3A_313, %parallel_loop3A_314 : i32
        %parallel_loop3A_316 = arith.index_cast %parallel_loop3A_315 : i32 to index
        %parallel_loop3A_317 = arith.constant 0 : index
        %parallel_loop3A_318 = tpu.vector_load %arg15[%parallel_loop3A_316, %parallel_loop3A_317] {strides = array<i32>} : memref<640x64xf32, #tpu.memory_space<vmem>>, vector<1x16xf32>,
        %parallel_loop3A_319 = vector.shape_cast %parallel_loop3A_318 : vector<1x16xf32> to vector<16xf32>
        %parallel_loop3A_320 = arith.index_cast %parallel_loop3A_315 : i32 to index
        %parallel_loop3A_321 = arith.constant 16 : index
        %parallel_loop3A_322 = tpu.vector_load %arg15[%parallel_loop3A_320, %parallel_loop3A_321] {strides = array<i32>} : memref<640x64xf32, #tpu.memory_space<vmem>>, vector<1x16xf32>,
        %parallel_loop3A_323 = vector.shape_cast %parallel_loop3A_322 : vector<1x16xf32> to vector<16xf32>
        %parallel_loop3A_324 = arith.index_cast %parallel_loop3A_315 : i32 to index
        %parallel_loop3A_325 = arith.constant 32 : index
        %parallel_loop3A_326 = tpu.vector_load %arg15[%parallel_loop3A_324, %parallel_loop3A_325] {strides = array<i32>} : memref<640x64xf32, #tpu.memory_space<vmem>>, vector<1x16xf32>,
        %parallel_loop3A_327 = vector.shape_cast %parallel_loop3A_326 : vector<1x16xf32> to vector<16xf32>
        %parallel_loop3A_328 = arith.index_cast %parallel_loop3A_315 : i32 to index
        %parallel_loop3A_329 = arith.constant 48 : index
        %parallel_loop3A_330 = tpu.vector_load %arg15[%parallel_loop3A_328, %parallel_loop3A_329] {strides = array<i32>} : memref<640x64xf32, #tpu.memory_space<vmem>>, vector<1x16xf32>,
        %parallel_loop3A_331 = vector.shape_cast %parallel_loop3A_330 : vector<1x16xf32> to vector<16xf32>
        %parallel_loop3A_332 = arith.mulf %parallel_loop3A_271, %parallel_loop3A_319 : vector<16xf32>
        %parallel_loop3A_333 = arith.mulf %parallel_loop3A_275, %parallel_loop3A_323 : vector<16xf32>
        %parallel_loop3A_334 = arith.addf %parallel_loop3A_332, %parallel_loop3A_333 : vector<16xf32>
        %parallel_loop3A_335 = arith.mulf %parallel_loop3A_279, %parallel_loop3A_327 : vector<16xf32>
        %parallel_loop3A_336 = arith.mulf %parallel_loop3A_283, %parallel_loop3A_331 : vector<16xf32>
        %parallel_loop3A_337 = arith.addf %parallel_loop3A_335, %parallel_loop3A_336 : vector<16xf32>
        %parallel_loop3A_338 = arith.addf %parallel_loop3A_334, %parallel_loop3A_337 : vector<16xf32>
        %parallel_loop3A_339 = arith.index_cast %parallel_loop3A_315 : i32 to index
        %parallel_loop3A_340 = arith.constant 0 : index
        %parallel_loop3A_341 = tpu.vector_load %arg18[%parallel_loop3A_339, %parallel_loop3A_340] {strides = array<i32>} : memref<640x16xf32, #tpu.memory_space<vmem>>, vector<1x16xf32>,
        %parallel_loop3A_342 = vector.shape_cast %parallel_loop3A_341 : vector<1x16xf32> to vector<16xf32>
        %parallel_loop3A_343 = vector.shape_cast %parallel_loop3A_338 : vector<16xf32> to vector<1x16xf32>
        tpu.vector_store %arg18[%parallel_loop3A_339, %parallel_loop3A_340], %parallel_loop3A_343 {strides = array<i32>} : memref<640x16xf32, #tpu.memory_space<vmem>>, vector<1x16xf32>,
        %parallel_loop3A_344 = arith.constant 20 : i32
        %parallel_loop3A_345 = arith.muli %parallel_loop3A_267, %parallel_loop3A_344 : i32
        %parallel_loop3A_346 = arith.constant 1 : i32
        %parallel_loop3A_347 = arith.addi %parallel_loop3A_345, %parallel_loop3A_346 : i32
        %parallel_loop3A_348 = arith.index_cast %parallel_loop3A_347 : i32 to index
        %parallel_loop3A_349 = arith.constant 0 : index
        %parallel_loop3A_350 = tpu.vector_load %arg15[%parallel_loop3A_348, %parallel_loop3A_349] {strides = array<i32>} : memref<640x64xf32, #tpu.memory_space<vmem>>, vector<1x16xf32>,
        %parallel_loop3A_351 = vector.shape_cast %parallel_loop3A_350 : vector<1x16xf32> to vector<16xf32>
        %parallel_loop3A_352 = arith.index_cast %parallel_loop3A_347 : i32 to index
        %parallel_loop3A_353 = arith.constant 16 : index
        %parallel_loop3A_354 = tpu.vector_load %arg15[%parallel_loop3A_352, %parallel_loop3A_353] {strides = array<i32>} : memref<640x64xf32, #tpu.memory_space<vmem>>, vector<1x16xf32>,
        %parallel_loop3A_355 = vector.shape_cast %parallel_loop3A_354 : vector<1x16xf32> to vector<16xf32>
        %parallel_loop3A_356 = arith.index_cast %parallel_loop3A_347 : i32 to index
        %parallel_loop3A_357 = arith.constant 32 : index
        %parallel_loop3A_358 = tpu.vector_load %arg15[%parallel_loop3A_356, %parallel_loop3A_357] {strides = array<i32>} : memref<640x64xf32, #tpu.memory_space<vmem>>, vector<1x16xf32>,
        %parallel_loop3A_359 = vector.shape_cast %parallel_loop3A_358 : vector<1x16xf32> to vector<16xf32>
        %parallel_loop3A_360 = arith.index_cast %parallel_loop3A_347 : i32 to index
        %parallel_loop3A_361 = arith.constant 48 : index
        %parallel_loop3A_362 = tpu.vector_load %arg15[%parallel_loop3A_360, %parallel_loop3A_361] {strides = array<i32>} : memref<640x64xf32, #tpu.memory_space<vmem>>, vector<1x16xf32>,
        %parallel_loop3A_363 = vector.shape_cast %parallel_loop3A_362 : vector<1x16xf32> to vector<16xf32>
        %parallel_loop3A_364 = arith.mulf %parallel_loop3A_271, %parallel_loop3A_351 : vector<16xf32>
        %parallel_loop3A_365 = arith.mulf %parallel_loop3A_275, %parallel_loop3A_355 : vector<16xf32>
        %parallel_loop3A_366 = arith.addf %parallel_loop3A_364, %parallel_loop3A_365 : vector<16xf32>
        %parallel_loop3A_367 = arith.mulf %parallel_loop3A_279, %parallel_loop3A_359 : vector<16xf32>
        %parallel_loop3A_368 = arith.mulf %parallel_loop3A_283, %parallel_loop3A_363 : vector<16xf32>
        %parallel_loop3A_369 = arith.addf %parallel_loop3A_367, %parallel_loop3A_368 : vector<16xf32>
        %parallel_loop3A_370 = arith.addf %parallel_loop3A_366, %parallel_loop3A_369 : vector<16xf32>
        %parallel_loop3A_371 = arith.index_cast %parallel_loop3A_347 : i32 to index
        %parallel_loop3A_372 = arith.constant 0 : index
        %parallel_loop3A_373 = tpu.vector_load %arg18[%parallel_loop3A_371, %parallel_loop3A_372] {strides = array<i32>} : memref<640x16xf32, #tpu.memory_space<vmem>>, vector<1x16xf32>,
        %parallel_loop3A_374 = vector.shape_cast %parallel_loop3A_373 : vector<1x16xf32> to vector<16xf32>
        %parallel_loop3A_375 = vector.shape_cast %parallel_loop3A_370 : vector<16xf32> to vector<1x16xf32>
        tpu.vector_store %arg18[%parallel_loop3A_371, %parallel_loop3A_372], %parallel_loop3A_375 {strides = array<i32>} : memref<640x16xf32, #tpu.memory_space<vmem>>, vector<1x16xf32>,
        %parallel_loop3A_376 = arith.constant 20 : i32
        %parallel_loop3A_377 = arith.muli %parallel_loop3A_267, %parallel_loop3A_376 : i32
        %parallel_loop3A_378 = arith.constant 2 : i32
        %parallel_loop3A_379 = arith.addi %parallel_loop3A_377, %parallel_loop3A_378 : i32
        %parallel_loop3A_380 = arith.index_cast %parallel_loop3A_379 : i32 to index
        %parallel_loop3A_381 = arith.constant 0 : index
        %parallel_loop3A_382 = tpu.vector_load %arg15[%parallel_loop3A_380, %parallel_loop3A_381] {strides = array<i32>} : memref<640x64xf32, #tpu.memory_space<vmem>>, vector<1x16xf32>,
        %parallel_loop3A_383 = vector.shape_cast %parallel_loop3A_382 : vector<1x16xf32> to vector<16xf32>
        %parallel_loop3A_384 = arith.index_cast %parallel_loop3A_379 : i32 to index
        %parallel_loop3A_385 = arith.constant 16 : index
        %parallel_loop3A_386 = tpu.vector_load %arg15[%parallel_loop3A_384, %parallel_loop3A_385] {strides = array<i32>} : memref<640x64xf32, #tpu.memory_space<vmem>>, vector<1x16xf32>,
        %parallel_loop3A_387 = vector.shape_cast %parallel_loop3A_386 : vector<1x16xf32> to vector<16xf32>
        %parallel_loop3A_388 = arith.index_cast %parallel_loop3A_379 : i32 to index
        %parallel_loop3A_389 = arith.constant 32 : index
        %parallel_loop3A_390 = tpu.vector_load %arg15[%parallel_loop3A_388, %parallel_loop3A_389] {strides = array<i32>} : memref<640x64xf32, #tpu.memory_space<vmem>>, vector<1x16xf32>,
        %parallel_loop3A_391 = vector.shape_cast %parallel_loop3A_390 : vector<1x16xf32> to vector<16xf32>
        %parallel_loop3A_392 = arith.index_cast %parallel_loop3A_379 : i32 to index
        %parallel_loop3A_393 = arith.constant 48 : index
        %parallel_loop3A_394 = tpu.vector_load %arg15[%parallel_loop3A_392, %parallel_loop3A_393] {strides = array<i32>} : memref<640x64xf32, #tpu.memory_space<vmem>>, vector<1x16xf32>,
        %parallel_loop3A_395 = vector.shape_cast %parallel_loop3A_394 : vector<1x16xf32> to vector<16xf32>
        %parallel_loop3A_396 = arith.mulf %parallel_loop3A_271, %parallel_loop3A_383 : vector<16xf32>
        %parallel_loop3A_397 = arith.mulf %parallel_loop3A_275, %parallel_loop3A_387 : vector<16xf32>
        %parallel_loop3A_398 = arith.addf %parallel_loop3A_396, %parallel_loop3A_397 : vector<16xf32>
        %parallel_loop3A_399 = arith.mulf %parallel_loop3A_279, %parallel_loop3A_391 : vector<16xf32>
        %parallel_loop3A_400 = arith.mulf %parallel_loop3A_283, %parallel_loop3A_395 : vector<16xf32>
        %parallel_loop3A_401 = arith.addf %parallel_loop3A_399, %parallel_loop3A_400 : vector<16xf32>
        %parallel_loop3A_402 = arith.addf %parallel_loop3A_398, %parallel_loop3A_401 : vector<16xf32>
        %parallel_loop3A_403 = arith.index_cast %parallel_loop3A_379 : i32 to index
        %parallel_loop3A_404 = arith.constant 0 : index
        %parallel_loop3A_405 = tpu.vector_load %arg18[%parallel_loop3A_403, %parallel_loop3A_404] {strides = array<i32>} : memref<640x16xf32, #tpu.memory_space<vmem>>, vector<1x16xf32>,
        %parallel_loop3A_406 = vector.shape_cast %parallel_loop3A_405 : vector<1x16xf32> to vector<16xf32>
        %parallel_loop3A_407 = vector.shape_cast %parallel_loop3A_402 : vector<16xf32> to vector<1x16xf32>
        tpu.vector_store %arg18[%parallel_loop3A_403, %parallel_loop3A_404], %parallel_loop3A_407 {strides = array<i32>} : memref<640x16xf32, #tpu.memory_space<vmem>>, vector<1x16xf32>,
        %parallel_loop3A_408 = arith.constant 20 : i32
        %parallel_loop3A_409 = arith.muli %parallel_loop3A_267, %parallel_loop3A_408 : i32
        %parallel_loop3A_410 = arith.constant 3 : i32
        %parallel_loop3A_411 = arith.addi %parallel_loop3A_409, %parallel_loop3A_410 : i32
        %parallel_loop3A_412 = arith.index_cast %parallel_loop3A_411 : i32 to index
        %parallel_loop3A_413 = arith.constant 0 : index
        %parallel_loop3A_414 = tpu.vector_load %arg15[%parallel_loop3A_412, %parallel_loop3A_413] {strides = array<i32>} : memref<640x64xf32, #tpu.memory_space<vmem>>, vector<1x16xf32>,
        %parallel_loop3A_415 = vector.shape_cast %parallel_loop3A_414 : vector<1x16xf32> to vector<16xf32>
        %parallel_loop3A_416 = arith.index_cast %parallel_loop3A_411 : i32 to index
        %parallel_loop3A_417 = arith.constant 16 : index
        %parallel_loop3A_418 = tpu.vector_load %arg15[%parallel_loop3A_416, %parallel_loop3A_417] {strides = array<i32>} : memref<640x64xf32, #tpu.memory_space<vmem>>, vector<1x16xf32>,
        %parallel_loop3A_419 = vector.shape_cast %parallel_loop3A_418 : vector<1x16xf32> to vector<16xf32>
        %parallel_loop3A_420 = arith.index_cast %parallel_loop3A_411 : i32 to index
        %parallel_loop3A_421 = arith.constant 32 : index
        %parallel_loop3A_422 = tpu.vector_load %arg15[%parallel_loop3A_420, %parallel_loop3A_421] {strides = array<i32>} : memref<640x64xf32, #tpu.memory_space<vmem>>, vector<1x16xf32>,
        %parallel_loop3A_423 = vector.shape_cast %parallel_loop3A_422 : vector<1x16xf32> to vector<16xf32>
        %parallel_loop3A_424 = arith.index_cast %parallel_loop3A_411 : i32 to index
        %parallel_loop3A_425 = arith.constant 48 : index
        %parallel_loop3A_426 = tpu.vector_load %arg15[%parallel_loop3A_424, %parallel_loop3A_425] {strides = array<i32>} : memref<640x64xf32, #tpu.memory_space<vmem>>, vector<1x16xf32>,
        %parallel_loop3A_427 = vector.shape_cast %parallel_loop3A_426 : vector<1x16xf32> to vector<16xf32>
        %parallel_loop3A_428 = arith.mulf %parallel_loop3A_271, %parallel_loop3A_415 : vector<16xf32>
        %parallel_loop3A_429 = arith.mulf %parallel_loop3A_275, %parallel_loop3A_419 : vector<16xf32>
        %parallel_loop3A_430 = arith.addf %parallel_loop3A_428, %parallel_loop3A_429 : vector<16xf32>
        %parallel_loop3A_431 = arith.mulf %parallel_loop3A_279, %parallel_loop3A_423 : vector<16xf32>
        %parallel_loop3A_432 = arith.mulf %parallel_loop3A_283, %parallel_loop3A_427 : vector<16xf32>
        %parallel_loop3A_433 = arith.addf %parallel_loop3A_431, %parallel_loop3A_432 : vector<16xf32>
        %parallel_loop3A_434 = arith.addf %parallel_loop3A_430, %parallel_loop3A_433 : vector<16xf32>
        %parallel_loop3A_435 = arith.index_cast %parallel_loop3A_411 : i32 to index
        %parallel_loop3A_436 = arith.constant 0 : index
        %parallel_loop3A_437 = tpu.vector_load %arg18[%parallel_loop3A_435, %parallel_loop3A_436] {strides = array<i32>} : memref<640x16xf32, #tpu.memory_space<vmem>>, vector<1x16xf32>,
        %parallel_loop3A_438 = vector.shape_cast %parallel_loop3A_437 : vector<1x16xf32> to vector<16xf32>
        %parallel_loop3A_439 = vector.shape_cast %parallel_loop3A_434 : vector<16xf32> to vector<1x16xf32>
        tpu.vector_store %arg18[%parallel_loop3A_435, %parallel_loop3A_436], %parallel_loop3A_439 {strides = array<i32>} : memref<640x16xf32, #tpu.memory_space<vmem>>, vector<1x16xf32>,
        %parallel_loop3A_440 = arith.constant 20 : i32
        %parallel_loop3A_441 = arith.muli %parallel_loop3A_267, %parallel_loop3A_440 : i32
        %parallel_loop3A_442 = arith.constant 4 : i32
        %parallel_loop3A_443 = arith.addi %parallel_loop3A_441, %parallel_loop3A_442 : i32
        %parallel_loop3A_444 = arith.index_cast %parallel_loop3A_443 : i32 to index
        %parallel_loop3A_445 = arith.constant 0 : index
        %parallel_loop3A_446 = tpu.vector_load %arg15[%parallel_loop3A_444, %parallel_loop3A_445] {strides = array<i32>} : memref<640x64xf32, #tpu.memory_space<vmem>>, vector<1x16xf32>,
        %parallel_loop3A_447 = vector.shape_cast %parallel_loop3A_446 : vector<1x16xf32> to vector<16xf32>
        %parallel_loop3A_448 = arith.index_cast %parallel_loop3A_443 : i32 to index
        %parallel_loop3A_449 = arith.constant 16 : index
        %parallel_loop3A_450 = tpu.vector_load %arg15[%parallel_loop3A_448, %parallel_loop3A_449] {strides = array<i32>} : memref<640x64xf32, #tpu.memory_space<vmem>>, vector<1x16xf32>,
        %parallel_loop3A_451 = vector.shape_cast %parallel_loop3A_450 : vector<1x16xf32> to vector<16xf32>
        %parallel_loop3A_452 = arith.index_cast %parallel_loop3A_443 : i32 to index
        %parallel_loop3A_453 = arith.constant 32 : index
        %parallel_loop3A_454 = tpu.vector_load %arg15[%parallel_loop3A_452, %parallel_loop3A_453] {strides = array<i32>} : memref<640x64xf32, #tpu.memory_space<vmem>>, vector<1x16xf32>,
        %parallel_loop3A_455 = vector.shape_cast %parallel_loop3A_454 : vector<1x16xf32> to vector<16xf32>
        %parallel_loop3A_456 = arith.index_cast %parallel_loop3A_443 : i32 to index
        %parallel_loop3A_457 = arith.constant 48 : index
        %parallel_loop3A_458 = tpu.vector_load %arg15[%parallel_loop3A_456, %parallel_loop3A_457] {strides = array<i32>} : memref<640x64xf32, #tpu.memory_space<vmem>>, vector<1x16xf32>,
        %parallel_loop3A_459 = vector.shape_cast %parallel_loop3A_458 : vector<1x16xf32> to vector<16xf32>
        %parallel_loop3A_460 = arith.mulf %parallel_loop3A_271, %parallel_loop3A_447 : vector<16xf32>
        %parallel_loop3A_461 = arith.mulf %parallel_loop3A_275, %parallel_loop3A_451 : vector<16xf32>
        %parallel_loop3A_462 = arith.addf %parallel_loop3A_460, %parallel_loop3A_461 : vector<16xf32>
        %parallel_loop3A_463 = arith.mulf %parallel_loop3A_279, %parallel_loop3A_455 : vector<16xf32>
        %parallel_loop3A_464 = arith.mulf %parallel_loop3A_283, %parallel_loop3A_459 : vector<16xf32>
        %parallel_loop3A_465 = arith.addf %parallel_loop3A_463, %parallel_loop3A_464 : vector<16xf32>
        %parallel_loop3A_466 = arith.addf %parallel_loop3A_462, %parallel_loop3A_465 : vector<16xf32>
        %parallel_loop3A_467 = arith.index_cast %parallel_loop3A_443 : i32 to index
        %parallel_loop3A_468 = arith.constant 0 : index
        %parallel_loop3A_469 = tpu.vector_load %arg18[%parallel_loop3A_467, %parallel_loop3A_468] {strides = array<i32>} : memref<640x16xf32, #tpu.memory_space<vmem>>, vector<1x16xf32>,
        %parallel_loop3A_470 = vector.shape_cast %parallel_loop3A_469 : vector<1x16xf32> to vector<16xf32>
        %parallel_loop3A_471 = vector.shape_cast %parallel_loop3A_466 : vector<16xf32> to vector<1x16xf32>
        tpu.vector_store %arg18[%parallel_loop3A_467, %parallel_loop3A_468], %parallel_loop3A_471 {strides = array<i32>} : memref<640x16xf32, #tpu.memory_space<vmem>>, vector<1x16xf32>,
        %parallel_loop3A_472 = arith.constant 20 : i32
        %parallel_loop3A_473 = arith.muli %parallel_loop3A_267, %parallel_loop3A_472 : i32
        %parallel_loop3A_474 = arith.constant 5 : i32
        %parallel_loop3A_475 = arith.addi %parallel_loop3A_473, %parallel_loop3A_474 : i32
        %parallel_loop3A_476 = arith.index_cast %parallel_loop3A_475 : i32 to index
        %parallel_loop3A_477 = arith.constant 0 : index
        %parallel_loop3A_478 = tpu.vector_load %arg15[%parallel_loop3A_476, %parallel_loop3A_477] {strides = array<i32>} : memref<640x64xf32, #tpu.memory_space<vmem>>, vector<1x16xf32>,
        %parallel_loop3A_479 = vector.shape_cast %parallel_loop3A_478 : vector<1x16xf32> to vector<16xf32>
        %parallel_loop3A_480 = arith.index_cast %parallel_loop3A_475 : i32 to index
        %parallel_loop3A_481 = arith.constant 16 : index
        %parallel_loop3A_482 = tpu.vector_load %arg15[%parallel_loop3A_480, %parallel_loop3A_481] {strides = array<i32>} : memref<640x64xf32, #tpu.memory_space<vmem>>, vector<1x16xf32>,
        %parallel_loop3A_483 = vector.shape_cast %parallel_loop3A_482 : vector<1x16xf32> to vector<16xf32>
        %parallel_loop3A_484 = arith.index_cast %parallel_loop3A_475 : i32 to index
        %parallel_loop3A_485 = arith.constant 32 : index
        %parallel_loop3A_486 = tpu.vector_load %arg15[%parallel_loop3A_484, %parallel_loop3A_485] {strides = array<i32>} : memref<640x64xf32, #tpu.memory_space<vmem>>, vector<1x16xf32>,
        %parallel_loop3A_487 = vector.shape_cast %parallel_loop3A_486 : vector<1x16xf32> to vector<16xf32>
        %parallel_loop3A_488 = arith.index_cast %parallel_loop3A_475 : i32 to index
        %parallel_loop3A_489 = arith.constant 48 : index
        %parallel_loop3A_490 = tpu.vector_load %arg15[%parallel_loop3A_488, %parallel_loop3A_489] {strides = array<i32>} : memref<640x64xf32, #tpu.memory_space<vmem>>, vector<1x16xf32>,
        %parallel_loop3A_491 = vector.shape_cast %parallel_loop3A_490 : vector<1x16xf32> to vector<16xf32>
        %parallel_loop3A_492 = arith.mulf %parallel_loop3A_271, %parallel_loop3A_479 : vector<16xf32>
        %parallel_loop3A_493 = arith.mulf %parallel_loop3A_275, %parallel_loop3A_483 : vector<16xf32>
        %parallel_loop3A_494 = arith.addf %parallel_loop3A_492, %parallel_loop3A_493 : vector<16xf32>
        %parallel_loop3A_495 = arith.mulf %parallel_loop3A_279, %parallel_loop3A_487 : vector<16xf32>
        %parallel_loop3A_496 = arith.mulf %parallel_loop3A_283, %parallel_loop3A_491 : vector<16xf32>
        %parallel_loop3A_497 = arith.addf %parallel_loop3A_495, %parallel_loop3A_496 : vector<16xf32>
        %parallel_loop3A_498 = arith.addf %parallel_loop3A_494, %parallel_loop3A_497 : vector<16xf32>
        %parallel_loop3A_499 = arith.index_cast %parallel_loop3A_475 : i32 to index
        %parallel_loop3A_500 = arith.constant 0 : index
        %parallel_loop3A_501 = tpu.vector_load %arg18[%parallel_loop3A_499, %parallel_loop3A_500] {strides = array<i32>} : memref<640x16xf32, #tpu.memory_space<vmem>>, vector<1x16xf32>,
        %parallel_loop3A_502 = vector.shape_cast %parallel_loop3A_501 : vector<1x16xf32> to vector<16xf32>
        %parallel_loop3A_503 = vector.shape_cast %parallel_loop3A_498 : vector<16xf32> to vector<1x16xf32>
        tpu.vector_store %arg18[%parallel_loop3A_499, %parallel_loop3A_500], %parallel_loop3A_503 {strides = array<i32>} : memref<640x16xf32, #tpu.memory_space<vmem>>, vector<1x16xf32>,
        %parallel_loop3A_504 = arith.constant 20 : i32
        %parallel_loop3A_505 = arith.muli %parallel_loop3A_267, %parallel_loop3A_504 : i32
        %parallel_loop3A_506 = arith.constant 6 : i32
        %parallel_loop3A_507 = arith.addi %parallel_loop3A_505, %parallel_loop3A_506 : i32
        %parallel_loop3A_508 = arith.index_cast %parallel_loop3A_507 : i32 to index
        %parallel_loop3A_509 = arith.constant 0 : index
        %parallel_loop3A_510 = tpu.vector_load %arg15[%parallel_loop3A_508, %parallel_loop3A_509] {strides = array<i32>} : memref<640x64xf32, #tpu.memory_space<vmem>>, vector<1x16xf32>,
        %parallel_loop3A_511 = vector.shape_cast %parallel_loop3A_510 : vector<1x16xf32> to vector<16xf32>
        %parallel_loop3A_512 = arith.index_cast %parallel_loop3A_507 : i32 to index
        %parallel_loop3A_513 = arith.constant 16 : index
        %parallel_loop3A_514 = tpu.vector_load %arg15[%parallel_loop3A_512, %parallel_loop3A_513] {strides = array<i32>} : memref<640x64xf32, #tpu.memory_space<vmem>>, vector<1x16xf32>,
        %parallel_loop3A_515 = vector.shape_cast %parallel_loop3A_514 : vector<1x16xf32> to vector<16xf32>
        %parallel_loop3A_516 = arith.index_cast %parallel_loop3A_507 : i32 to index
        %parallel_loop3A_517 = arith.constant 32 : index
        %parallel_loop3A_518 = tpu.vector_load %arg15[%parallel_loop3A_516, %parallel_loop3A_517] {strides = array<i32>} : memref<640x64xf32, #tpu.memory_space<vmem>>, vector<1x16xf32>,
        %parallel_loop3A_519 = vector.shape_cast %parallel_loop3A_518 : vector<1x16xf32> to vector<16xf32>
        %parallel_loop3A_520 = arith.index_cast %parallel_loop3A_507 : i32 to index
        %parallel_loop3A_521 = arith.constant 48 : index
        %parallel_loop3A_522 = tpu.vector_load %arg15[%parallel_loop3A_520, %parallel_loop3A_521] {strides = array<i32>} : memref<640x64xf32, #tpu.memory_space<vmem>>, vector<1x16xf32>,
        %parallel_loop3A_523 = vector.shape_cast %parallel_loop3A_522 : vector<1x16xf32> to vector<16xf32>
        %parallel_loop3A_524 = arith.mulf %parallel_loop3A_271, %parallel_loop3A_511 : vector<16xf32>
        %parallel_loop3A_525 = arith.mulf %parallel_loop3A_275, %parallel_loop3A_515 : vector<16xf32>
        %parallel_loop3A_526 = arith.addf %parallel_loop3A_524, %parallel_loop3A_525 : vector<16xf32>
        %parallel_loop3A_527 = arith.mulf %parallel_loop3A_279, %parallel_loop3A_519 : vector<16xf32>
        %parallel_loop3A_528 = arith.mulf %parallel_loop3A_283, %parallel_loop3A_523 : vector<16xf32>
        %parallel_loop3A_529 = arith.addf %parallel_loop3A_527, %parallel_loop3A_528 : vector<16xf32>
        %parallel_loop3A_530 = arith.addf %parallel_loop3A_526, %parallel_loop3A_529 : vector<16xf32>
        %parallel_loop3A_531 = arith.index_cast %parallel_loop3A_507 : i32 to index
        %parallel_loop3A_532 = arith.constant 0 : index
        %parallel_loop3A_533 = tpu.vector_load %arg18[%parallel_loop3A_531, %parallel_loop3A_532] {strides = array<i32>} : memref<640x16xf32, #tpu.memory_space<vmem>>, vector<1x16xf32>,
        %parallel_loop3A_534 = vector.shape_cast %parallel_loop3A_533 : vector<1x16xf32> to vector<16xf32>
        %parallel_loop3A_535 = vector.shape_cast %parallel_loop3A_530 : vector<16xf32> to vector<1x16xf32>
        tpu.vector_store %arg18[%parallel_loop3A_531, %parallel_loop3A_532], %parallel_loop3A_535 {strides = array<i32>} : memref<640x16xf32, #tpu.memory_space<vmem>>, vector<1x16xf32>,
        %parallel_loop3A_536 = arith.constant 20 : i32
        %parallel_loop3A_537 = arith.muli %parallel_loop3A_267, %parallel_loop3A_536 : i32
        %parallel_loop3A_538 = arith.constant 7 : i32
        %parallel_loop3A_539 = arith.addi %parallel_loop3A_537, %parallel_loop3A_538 : i32
        %parallel_loop3A_540 = arith.index_cast %parallel_loop3A_539 : i32 to index
        %parallel_loop3A_541 = arith.constant 0 : index
        %parallel_loop3A_542 = tpu.vector_load %arg15[%parallel_loop3A_540, %parallel_loop3A_541] {strides = array<i32>} : memref<640x64xf32, #tpu.memory_space<vmem>>, vector<1x16xf32>,
        %parallel_loop3A_543 = vector.shape_cast %parallel_loop3A_542 : vector<1x16xf32> to vector<16xf32>
        %parallel_loop3A_544 = arith.index_cast %parallel_loop3A_539 : i32 to index
        %parallel_loop3A_545 = arith.constant 16 : index
        %parallel_loop3A_546 = tpu.vector_load %arg15[%parallel_loop3A_544, %parallel_loop3A_545] {strides = array<i32>} : memref<640x64xf32, #tpu.memory_space<vmem>>, vector<1x16xf32>,
        %parallel_loop3A_547 = vector.shape_cast %parallel_loop3A_546 : vector<1x16xf32> to vector<16xf32>
        %parallel_loop3A_548 = arith.index_cast %parallel_loop3A_539 : i32 to index
        %parallel_loop3A_549 = arith.constant 32 : index
        %parallel_loop3A_550 = tpu.vector_load %arg15[%parallel_loop3A_548, %parallel_loop3A_549] {strides = array<i32>} : memref<640x64xf32, #tpu.memory_space<vmem>>, vector<1x16xf32>,
        %parallel_loop3A_551 = vector.shape_cast %parallel_loop3A_550 : vector<1x16xf32> to vector<16xf32>
        %parallel_loop3A_552 = arith.index_cast %parallel_loop3A_539 : i32 to index
        %parallel_loop3A_553 = arith.constant 48 : index
        %parallel_loop3A_554 = tpu.vector_load %arg15[%parallel_loop3A_552, %parallel_loop3A_553] {strides = array<i32>} : memref<640x64xf32, #tpu.memory_space<vmem>>, vector<1x16xf32>,
        %parallel_loop3A_555 = vector.shape_cast %parallel_loop3A_554 : vector<1x16xf32> to vector<16xf32>
        %parallel_loop3A_556 = arith.mulf %parallel_loop3A_271, %parallel_loop3A_543 : vector<16xf32>
        %parallel_loop3A_557 = arith.mulf %parallel_loop3A_275, %parallel_loop3A_547 : vector<16xf32>
        %parallel_loop3A_558 = arith.addf %parallel_loop3A_556, %parallel_loop3A_557 : vector<16xf32>
        %parallel_loop3A_559 = arith.mulf %parallel_loop3A_279, %parallel_loop3A_551 : vector<16xf32>
        %parallel_loop3A_560 = arith.mulf %parallel_loop3A_283, %parallel_loop3A_555 : vector<16xf32>
        %parallel_loop3A_561 = arith.addf %parallel_loop3A_559, %parallel_loop3A_560 : vector<16xf32>
        %parallel_loop3A_562 = arith.addf %parallel_loop3A_558, %parallel_loop3A_561 : vector<16xf32>
        %parallel_loop3A_563 = arith.index_cast %parallel_loop3A_539 : i32 to index
        %parallel_loop3A_564 = arith.constant 0 : index
        %parallel_loop3A_565 = tpu.vector_load %arg18[%parallel_loop3A_563, %parallel_loop3A_564] {strides = array<i32>} : memref<640x16xf32, #tpu.memory_space<vmem>>, vector<1x16xf32>,
        %parallel_loop3A_566 = vector.shape_cast %parallel_loop3A_565 : vector<1x16xf32> to vector<16xf32>
        %parallel_loop3A_567 = vector.shape_cast %parallel_loop3A_562 : vector<16xf32> to vector<1x16xf32>
        tpu.vector_store %arg18[%parallel_loop3A_563, %parallel_loop3A_564], %parallel_loop3A_567 {strides = array<i32>} : memref<640x16xf32, #tpu.memory_space<vmem>>, vector<1x16xf32>,
        %parallel_loop3A_568 = arith.constant 20 : i32
        %parallel_loop3A_569 = arith.muli %parallel_loop3A_267, %parallel_loop3A_568 : i32
        %parallel_loop3A_570 = arith.constant 8 : i32
        %parallel_loop3A_571 = arith.addi %parallel_loop3A_569, %parallel_loop3A_570 : i32
        %parallel_loop3A_572 = arith.index_cast %parallel_loop3A_571 : i32 to index
        %parallel_loop3A_573 = arith.constant 0 : index
        %parallel_loop3A_574 = tpu.vector_load %arg15[%parallel_loop3A_572, %parallel_loop3A_573] {strides = array<i32>} : memref<640x64xf32, #tpu.memory_space<vmem>>, vector<1x16xf32>,
        %parallel_loop3A_575 = vector.shape_cast %parallel_loop3A_574 : vector<1x16xf32> to vector<16xf32>
        %parallel_loop3A_576 = arith.index_cast %parallel_loop3A_571 : i32 to index
        %parallel_loop3A_577 = arith.constant 16 : index
        %parallel_loop3A_578 = tpu.vector_load %arg15[%parallel_loop3A_576, %parallel_loop3A_577] {strides = array<i32>} : memref<640x64xf32, #tpu.memory_space<vmem>>, vector<1x16xf32>,
        %parallel_loop3A_579 = vector.shape_cast %parallel_loop3A_578 : vector<1x16xf32> to vector<16xf32>
        %parallel_loop3A_580 = arith.index_cast %parallel_loop3A_571 : i32 to index
        %parallel_loop3A_581 = arith.constant 32 : index
        %parallel_loop3A_582 = tpu.vector_load %arg15[%parallel_loop3A_580, %parallel_loop3A_581] {strides = array<i32>} : memref<640x64xf32, #tpu.memory_space<vmem>>, vector<1x16xf32>,
        %parallel_loop3A_583 = vector.shape_cast %parallel_loop3A_582 : vector<1x16xf32> to vector<16xf32>
        %parallel_loop3A_584 = arith.index_cast %parallel_loop3A_571 : i32 to index
        %parallel_loop3A_585 = arith.constant 48 : index
        %parallel_loop3A_586 = tpu.vector_load %arg15[%parallel_loop3A_584, %parallel_loop3A_585] {strides = array<i32>} : memref<640x64xf32, #tpu.memory_space<vmem>>, vector<1x16xf32>,
        %parallel_loop3A_587 = vector.shape_cast %parallel_loop3A_586 : vector<1x16xf32> to vector<16xf32>
        %parallel_loop3A_588 = arith.mulf %parallel_loop3A_271, %parallel_loop3A_575 : vector<16xf32>
        %parallel_loop3A_589 = arith.mulf %parallel_loop3A_275, %parallel_loop3A_579 : vector<16xf32>
        %parallel_loop3A_590 = arith.addf %parallel_loop3A_588, %parallel_loop3A_589 : vector<16xf32>
        %parallel_loop3A_591 = arith.mulf %parallel_loop3A_279, %parallel_loop3A_583 : vector<16xf32>
        %parallel_loop3A_592 = arith.mulf %parallel_loop3A_283, %parallel_loop3A_587 : vector<16xf32>
        %parallel_loop3A_593 = arith.addf %parallel_loop3A_591, %parallel_loop3A_592 : vector<16xf32>
        %parallel_loop3A_594 = arith.addf %parallel_loop3A_590, %parallel_loop3A_593 : vector<16xf32>
        %parallel_loop3A_595 = arith.index_cast %parallel_loop3A_571 : i32 to index
        %parallel_loop3A_596 = arith.constant 0 : index
        %parallel_loop3A_597 = tpu.vector_load %arg18[%parallel_loop3A_595, %parallel_loop3A_596] {strides = array<i32>} : memref<640x16xf32, #tpu.memory_space<vmem>>, vector<1x16xf32>,
        %parallel_loop3A_598 = vector.shape_cast %parallel_loop3A_597 : vector<1x16xf32> to vector<16xf32>
        %parallel_loop3A_599 = vector.shape_cast %parallel_loop3A_594 : vector<16xf32> to vector<1x16xf32>
        tpu.vector_store %arg18[%parallel_loop3A_595, %parallel_loop3A_596], %parallel_loop3A_599 {strides = array<i32>} : memref<640x16xf32, #tpu.memory_space<vmem>>, vector<1x16xf32>,
        %parallel_loop3A_600 = arith.constant 20 : i32
        %parallel_loop3A_601 = arith.muli %parallel_loop3A_267, %parallel_loop3A_600 : i32
        %parallel_loop3A_602 = arith.constant 9 : i32
        %parallel_loop3A_603 = arith.addi %parallel_loop3A_601, %parallel_loop3A_602 : i32
        %parallel_loop3A_604 = arith.index_cast %parallel_loop3A_603 : i32 to index
        %parallel_loop3A_605 = arith.constant 0 : index
        %parallel_loop3A_606 = tpu.vector_load %arg15[%parallel_loop3A_604, %parallel_loop3A_605] {strides = array<i32>} : memref<640x64xf32, #tpu.memory_space<vmem>>, vector<1x16xf32>,
        %parallel_loop3A_607 = vector.shape_cast %parallel_loop3A_606 : vector<1x16xf32> to vector<16xf32>
        %parallel_loop3A_608 = arith.index_cast %parallel_loop3A_603 : i32 to index
        %parallel_loop3A_609 = arith.constant 16 : index
        %parallel_loop3A_610 = tpu.vector_load %arg15[%parallel_loop3A_608, %parallel_loop3A_609] {strides = array<i32>} : memref<640x64xf32, #tpu.memory_space<vmem>>, vector<1x16xf32>,
        %parallel_loop3A_611 = vector.shape_cast %parallel_loop3A_610 : vector<1x16xf32> to vector<16xf32>
        %parallel_loop3A_612 = arith.index_cast %parallel_loop3A_603 : i32 to index
        %parallel_loop3A_613 = arith.constant 32 : index
        %parallel_loop3A_614 = tpu.vector_load %arg15[%parallel_loop3A_612, %parallel_loop3A_613] {strides = array<i32>} : memref<640x64xf32, #tpu.memory_space<vmem>>, vector<1x16xf32>,
        %parallel_loop3A_615 = vector.shape_cast %parallel_loop3A_614 : vector<1x16xf32> to vector<16xf32>
        %parallel_loop3A_616 = arith.index_cast %parallel_loop3A_603 : i32 to index
        %parallel_loop3A_617 = arith.constant 48 : index
        %parallel_loop3A_618 = tpu.vector_load %arg15[%parallel_loop3A_616, %parallel_loop3A_617] {strides = array<i32>} : memref<640x64xf32, #tpu.memory_space<vmem>>, vector<1x16xf32>,
        %parallel_loop3A_619 = vector.shape_cast %parallel_loop3A_618 : vector<1x16xf32> to vector<16xf32>
        %parallel_loop3A_620 = arith.mulf %parallel_loop3A_271, %parallel_loop3A_607 : vector<16xf32>
        %parallel_loop3A_621 = arith.mulf %parallel_loop3A_275, %parallel_loop3A_611 : vector<16xf32>
        %parallel_loop3A_622 = arith.addf %parallel_loop3A_620, %parallel_loop3A_621 : vector<16xf32>
        %parallel_loop3A_623 = arith.mulf %parallel_loop3A_279, %parallel_loop3A_615 : vector<16xf32>
        %parallel_loop3A_624 = arith.mulf %parallel_loop3A_283, %parallel_loop3A_619 : vector<16xf32>
        %parallel_loop3A_625 = arith.addf %parallel_loop3A_623, %parallel_loop3A_624 : vector<16xf32>
        %parallel_loop3A_626 = arith.addf %parallel_loop3A_622, %parallel_loop3A_625 : vector<16xf32>
        %parallel_loop3A_627 = arith.index_cast %parallel_loop3A_603 : i32 to index
        %parallel_loop3A_628 = arith.constant 0 : index
        %parallel_loop3A_629 = tpu.vector_load %arg18[%parallel_loop3A_627, %parallel_loop3A_628] {strides = array<i32>} : memref<640x16xf32, #tpu.memory_space<vmem>>, vector<1x16xf32>,
        %parallel_loop3A_630 = vector.shape_cast %parallel_loop3A_629 : vector<1x16xf32> to vector<16xf32>
        %parallel_loop3A_631 = vector.shape_cast %parallel_loop3A_626 : vector<16xf32> to vector<1x16xf32>
        tpu.vector_store %arg18[%parallel_loop3A_627, %parallel_loop3A_628], %parallel_loop3A_631 {strides = array<i32>} : memref<640x16xf32, #tpu.memory_space<vmem>>, vector<1x16xf32>,
        %parallel_loop3A_632 = arith.constant 20 : i32
        %parallel_loop3A_633 = arith.muli %parallel_loop3A_267, %parallel_loop3A_632 : i32
        %parallel_loop3A_634 = arith.constant 10 : i32
        %parallel_loop3A_635 = arith.addi %parallel_loop3A_633, %parallel_loop3A_634 : i32
        %parallel_loop3A_636 = arith.index_cast %parallel_loop3A_635 : i32 to index
        %parallel_loop3A_637 = arith.constant 0 : index
        %parallel_loop3A_638 = tpu.vector_load %arg15[%parallel_loop3A_636, %parallel_loop3A_637] {strides = array<i32>} : memref<640x64xf32, #tpu.memory_space<vmem>>, vector<1x16xf32>,
        %parallel_loop3A_639 = vector.shape_cast %parallel_loop3A_638 : vector<1x16xf32> to vector<16xf32>
        %parallel_loop3A_640 = arith.index_cast %parallel_loop3A_635 : i32 to index
        %parallel_loop3A_641 = arith.constant 16 : index
        %parallel_loop3A_642 = tpu.vector_load %arg15[%parallel_loop3A_640, %parallel_loop3A_641] {strides = array<i32>} : memref<640x64xf32, #tpu.memory_space<vmem>>, vector<1x16xf32>,
        %parallel_loop3A_643 = vector.shape_cast %parallel_loop3A_642 : vector<1x16xf32> to vector<16xf32>
        %parallel_loop3A_644 = arith.index_cast %parallel_loop3A_635 : i32 to index
        %parallel_loop3A_645 = arith.constant 32 : index
        %parallel_loop3A_646 = tpu.vector_load %arg15[%parallel_loop3A_644, %parallel_loop3A_645] {strides = array<i32>} : memref<640x64xf32, #tpu.memory_space<vmem>>, vector<1x16xf32>,
        %parallel_loop3A_647 = vector.shape_cast %parallel_loop3A_646 : vector<1x16xf32> to vector<16xf32>
        %parallel_loop3A_648 = arith.index_cast %parallel_loop3A_635 : i32 to index
        %parallel_loop3A_649 = arith.constant 48 : index
        %parallel_loop3A_650 = tpu.vector_load %arg15[%parallel_loop3A_648, %parallel_loop3A_649] {strides = array<i32>} : memref<640x64xf32, #tpu.memory_space<vmem>>, vector<1x16xf32>,
        %parallel_loop3A_651 = vector.shape_cast %parallel_loop3A_650 : vector<1x16xf32> to vector<16xf32>
        %parallel_loop3A_652 = arith.mulf %parallel_loop3A_271, %parallel_loop3A_639 : vector<16xf32>
        %parallel_loop3A_653 = arith.mulf %parallel_loop3A_275, %parallel_loop3A_643 : vector<16xf32>
        %parallel_loop3A_654 = arith.addf %parallel_loop3A_652, %parallel_loop3A_653 : vector<16xf32>
        %parallel_loop3A_655 = arith.mulf %parallel_loop3A_279, %parallel_loop3A_647 : vector<16xf32>
        %parallel_loop3A_656 = arith.mulf %parallel_loop3A_283, %parallel_loop3A_651 : vector<16xf32>
        %parallel_loop3A_657 = arith.addf %parallel_loop3A_655, %parallel_loop3A_656 : vector<16xf32>
        %parallel_loop3A_658 = arith.addf %parallel_loop3A_654, %parallel_loop3A_657 : vector<16xf32>
        %parallel_loop3A_659 = arith.index_cast %parallel_loop3A_635 : i32 to index
        %parallel_loop3A_660 = arith.constant 0 : index
        %parallel_loop3A_661 = tpu.vector_load %arg18[%parallel_loop3A_659, %parallel_loop3A_660] {strides = array<i32>} : memref<640x16xf32, #tpu.memory_space<vmem>>, vector<1x16xf32>,
        %parallel_loop3A_662 = vector.shape_cast %parallel_loop3A_661 : vector<1x16xf32> to vector<16xf32>
        %parallel_loop3A_663 = vector.shape_cast %parallel_loop3A_658 : vector<16xf32> to vector<1x16xf32>
        tpu.vector_store %arg18[%parallel_loop3A_659, %parallel_loop3A_660], %parallel_loop3A_663 {strides = array<i32>} : memref<640x16xf32, #tpu.memory_space<vmem>>, vector<1x16xf32>,
        %parallel_loop3A_664 = arith.constant 20 : i32
        %parallel_loop3A_665 = arith.muli %parallel_loop3A_267, %parallel_loop3A_664 : i32
        %parallel_loop3A_666 = arith.constant 11 : i32
        %parallel_loop3A_667 = arith.addi %parallel_loop3A_665, %parallel_loop3A_666 : i32
        %parallel_loop3A_668 = arith.index_cast %parallel_loop3A_667 : i32 to index
        %parallel_loop3A_669 = arith.constant 0 : index
        %parallel_loop3A_670 = tpu.vector_load %arg15[%parallel_loop3A_668, %parallel_loop3A_669] {strides = array<i32>} : memref<640x64xf32, #tpu.memory_space<vmem>>, vector<1x16xf32>,
        %parallel_loop3A_671 = vector.shape_cast %parallel_loop3A_670 : vector<1x16xf32> to vector<16xf32>
        %parallel_loop3A_672 = arith.index_cast %parallel_loop3A_667 : i32 to index
        %parallel_loop3A_673 = arith.constant 16 : index
        %parallel_loop3A_674 = tpu.vector_load %arg15[%parallel_loop3A_672, %parallel_loop3A_673] {strides = array<i32>} : memref<640x64xf32, #tpu.memory_space<vmem>>, vector<1x16xf32>,
        %parallel_loop3A_675 = vector.shape_cast %parallel_loop3A_674 : vector<1x16xf32> to vector<16xf32>
        %parallel_loop3A_676 = arith.index_cast %parallel_loop3A_667 : i32 to index
        %parallel_loop3A_677 = arith.constant 32 : index
        %parallel_loop3A_678 = tpu.vector_load %arg15[%parallel_loop3A_676, %parallel_loop3A_677] {strides = array<i32>} : memref<640x64xf32, #tpu.memory_space<vmem>>, vector<1x16xf32>,
        %parallel_loop3A_679 = vector.shape_cast %parallel_loop3A_678 : vector<1x16xf32> to vector<16xf32>
        %parallel_loop3A_680 = arith.index_cast %parallel_loop3A_667 : i32 to index
        %parallel_loop3A_681 = arith.constant 48 : index
        %parallel_loop3A_682 = tpu.vector_load %arg15[%parallel_loop3A_680, %parallel_loop3A_681] {strides = array<i32>} : memref<640x64xf32, #tpu.memory_space<vmem>>, vector<1x16xf32>,
        %parallel_loop3A_683 = vector.shape_cast %parallel_loop3A_682 : vector<1x16xf32> to vector<16xf32>
        %parallel_loop3A_684 = arith.mulf %parallel_loop3A_271, %parallel_loop3A_671 : vector<16xf32>
        %parallel_loop3A_685 = arith.mulf %parallel_loop3A_275, %parallel_loop3A_675 : vector<16xf32>
        %parallel_loop3A_686 = arith.addf %parallel_loop3A_684, %parallel_loop3A_685 : vector<16xf32>
        %parallel_loop3A_687 = arith.mulf %parallel_loop3A_279, %parallel_loop3A_679 : vector<16xf32>
        %parallel_loop3A_688 = arith.mulf %parallel_loop3A_283, %parallel_loop3A_683 : vector<16xf32>
        %parallel_loop3A_689 = arith.addf %parallel_loop3A_687, %parallel_loop3A_688 : vector<16xf32>
        %parallel_loop3A_690 = arith.addf %parallel_loop3A_686, %parallel_loop3A_689 : vector<16xf32>
        %parallel_loop3A_691 = arith.index_cast %parallel_loop3A_667 : i32 to index
        %parallel_loop3A_692 = arith.constant 0 : index
        %parallel_loop3A_693 = tpu.vector_load %arg18[%parallel_loop3A_691, %parallel_loop3A_692] {strides = array<i32>} : memref<640x16xf32, #tpu.memory_space<vmem>>, vector<1x16xf32>,
        %parallel_loop3A_694 = vector.shape_cast %parallel_loop3A_693 : vector<1x16xf32> to vector<16xf32>
        %parallel_loop3A_695 = vector.shape_cast %parallel_loop3A_690 : vector<16xf32> to vector<1x16xf32>
        tpu.vector_store %arg18[%parallel_loop3A_691, %parallel_loop3A_692], %parallel_loop3A_695 {strides = array<i32>} : memref<640x16xf32, #tpu.memory_space<vmem>>, vector<1x16xf32>,
        %parallel_loop3A_696 = arith.constant 20 : i32
        %parallel_loop3A_697 = arith.muli %parallel_loop3A_267, %parallel_loop3A_696 : i32
        %parallel_loop3A_698 = arith.constant 12 : i32
        %parallel_loop3A_699 = arith.addi %parallel_loop3A_697, %parallel_loop3A_698 : i32
        %parallel_loop3A_700 = arith.index_cast %parallel_loop3A_699 : i32 to index
        %parallel_loop3A_701 = arith.constant 0 : index
        %parallel_loop3A_702 = tpu.vector_load %arg15[%parallel_loop3A_700, %parallel_loop3A_701] {strides = array<i32>} : memref<640x64xf32, #tpu.memory_space<vmem>>, vector<1x16xf32>,
        %parallel_loop3A_703 = vector.shape_cast %parallel_loop3A_702 : vector<1x16xf32> to vector<16xf32>
        %parallel_loop3A_704 = arith.index_cast %parallel_loop3A_699 : i32 to index
        %parallel_loop3A_705 = arith.constant 16 : index
        %parallel_loop3A_706 = tpu.vector_load %arg15[%parallel_loop3A_704, %parallel_loop3A_705] {strides = array<i32>} : memref<640x64xf32, #tpu.memory_space<vmem>>, vector<1x16xf32>,
        %parallel_loop3A_707 = vector.shape_cast %parallel_loop3A_706 : vector<1x16xf32> to vector<16xf32>
        %parallel_loop3A_708 = arith.index_cast %parallel_loop3A_699 : i32 to index
        %parallel_loop3A_709 = arith.constant 32 : index
        %parallel_loop3A_710 = tpu.vector_load %arg15[%parallel_loop3A_708, %parallel_loop3A_709] {strides = array<i32>} : memref<640x64xf32, #tpu.memory_space<vmem>>, vector<1x16xf32>,
        %parallel_loop3A_711 = vector.shape_cast %parallel_loop3A_710 : vector<1x16xf32> to vector<16xf32>
        %parallel_loop3A_712 = arith.index_cast %parallel_loop3A_699 : i32 to index
        %parallel_loop3A_713 = arith.constant 48 : index
        %parallel_loop3A_714 = tpu.vector_load %arg15[%parallel_loop3A_712, %parallel_loop3A_713] {strides = array<i32>} : memref<640x64xf32, #tpu.memory_space<vmem>>, vector<1x16xf32>,
        %parallel_loop3A_715 = vector.shape_cast %parallel_loop3A_714 : vector<1x16xf32> to vector<16xf32>
        %parallel_loop3A_716 = arith.mulf %parallel_loop3A_271, %parallel_loop3A_703 : vector<16xf32>
        %parallel_loop3A_717 = arith.mulf %parallel_loop3A_275, %parallel_loop3A_707 : vector<16xf32>
        %parallel_loop3A_718 = arith.addf %parallel_loop3A_716, %parallel_loop3A_717 : vector<16xf32>
        %parallel_loop3A_719 = arith.mulf %parallel_loop3A_279, %parallel_loop3A_711 : vector<16xf32>
        %parallel_loop3A_720 = arith.mulf %parallel_loop3A_283, %parallel_loop3A_715 : vector<16xf32>
        %parallel_loop3A_721 = arith.addf %parallel_loop3A_719, %parallel_loop3A_720 : vector<16xf32>
        %parallel_loop3A_722 = arith.addf %parallel_loop3A_718, %parallel_loop3A_721 : vector<16xf32>
        %parallel_loop3A_723 = arith.index_cast %parallel_loop3A_699 : i32 to index
        %parallel_loop3A_724 = arith.constant 0 : index
        %parallel_loop3A_725 = tpu.vector_load %arg18[%parallel_loop3A_723, %parallel_loop3A_724] {strides = array<i32>} : memref<640x16xf32, #tpu.memory_space<vmem>>, vector<1x16xf32>,
        %parallel_loop3A_726 = vector.shape_cast %parallel_loop3A_725 : vector<1x16xf32> to vector<16xf32>
        %parallel_loop3A_727 = vector.shape_cast %parallel_loop3A_722 : vector<16xf32> to vector<1x16xf32>
        tpu.vector_store %arg18[%parallel_loop3A_723, %parallel_loop3A_724], %parallel_loop3A_727 {strides = array<i32>} : memref<640x16xf32, #tpu.memory_space<vmem>>, vector<1x16xf32>,
        %parallel_loop3A_728 = arith.constant 20 : i32
        %parallel_loop3A_729 = arith.muli %parallel_loop3A_267, %parallel_loop3A_728 : i32
        %parallel_loop3A_730 = arith.constant 13 : i32
        %parallel_loop3A_731 = arith.addi %parallel_loop3A_729, %parallel_loop3A_730 : i32
        %parallel_loop3A_732 = arith.index_cast %parallel_loop3A_731 : i32 to index
        %parallel_loop3A_733 = arith.constant 0 : index
        %parallel_loop3A_734 = tpu.vector_load %arg15[%parallel_loop3A_732, %parallel_loop3A_733] {strides = array<i32>} : memref<640x64xf32, #tpu.memory_space<vmem>>, vector<1x16xf32>,
        %parallel_loop3A_735 = vector.shape_cast %parallel_loop3A_734 : vector<1x16xf32> to vector<16xf32>
        %parallel_loop3A_736 = arith.index_cast %parallel_loop3A_731 : i32 to index
        %parallel_loop3A_737 = arith.constant 16 : index
        %parallel_loop3A_738 = tpu.vector_load %arg15[%parallel_loop3A_736, %parallel_loop3A_737] {strides = array<i32>} : memref<640x64xf32, #tpu.memory_space<vmem>>, vector<1x16xf32>,
        %parallel_loop3A_739 = vector.shape_cast %parallel_loop3A_738 : vector<1x16xf32> to vector<16xf32>
        %parallel_loop3A_740 = arith.index_cast %parallel_loop3A_731 : i32 to index
        %parallel_loop3A_741 = arith.constant 32 : index
        %parallel_loop3A_742 = tpu.vector_load %arg15[%parallel_loop3A_740, %parallel_loop3A_741] {strides = array<i32>} : memref<640x64xf32, #tpu.memory_space<vmem>>, vector<1x16xf32>,
        %parallel_loop3A_743 = vector.shape_cast %parallel_loop3A_742 : vector<1x16xf32> to vector<16xf32>
        %parallel_loop3A_744 = arith.index_cast %parallel_loop3A_731 : i32 to index
        %parallel_loop3A_745 = arith.constant 48 : index
        %parallel_loop3A_746 = tpu.vector_load %arg15[%parallel_loop3A_744, %parallel_loop3A_745] {strides = array<i32>} : memref<640x64xf32, #tpu.memory_space<vmem>>, vector<1x16xf32>,
        %parallel_loop3A_747 = vector.shape_cast %parallel_loop3A_746 : vector<1x16xf32> to vector<16xf32>
        %parallel_loop3A_748 = arith.mulf %parallel_loop3A_271, %parallel_loop3A_735 : vector<16xf32>
        %parallel_loop3A_749 = arith.mulf %parallel_loop3A_275, %parallel_loop3A_739 : vector<16xf32>
        %parallel_loop3A_750 = arith.addf %parallel_loop3A_748, %parallel_loop3A_749 : vector<16xf32>
        %parallel_loop3A_751 = arith.mulf %parallel_loop3A_279, %parallel_loop3A_743 : vector<16xf32>
        %parallel_loop3A_752 = arith.mulf %parallel_loop3A_283, %parallel_loop3A_747 : vector<16xf32>
        %parallel_loop3A_753 = arith.addf %parallel_loop3A_751, %parallel_loop3A_752 : vector<16xf32>
        %parallel_loop3A_754 = arith.addf %parallel_loop3A_750, %parallel_loop3A_753 : vector<16xf32>
        %parallel_loop3A_755 = arith.index_cast %parallel_loop3A_731 : i32 to index
        %parallel_loop3A_756 = arith.constant 0 : index
        %parallel_loop3A_757 = tpu.vector_load %arg18[%parallel_loop3A_755, %parallel_loop3A_756] {strides = array<i32>} : memref<640x16xf32, #tpu.memory_space<vmem>>, vector<1x16xf32>,
        %parallel_loop3A_758 = vector.shape_cast %parallel_loop3A_757 : vector<1x16xf32> to vector<16xf32>
        %parallel_loop3A_759 = vector.shape_cast %parallel_loop3A_754 : vector<16xf32> to vector<1x16xf32>
        tpu.vector_store %arg18[%parallel_loop3A_755, %parallel_loop3A_756], %parallel_loop3A_759 {strides = array<i32>} : memref<640x16xf32, #tpu.memory_space<vmem>>, vector<1x16xf32>,
        %parallel_loop3A_760 = arith.constant 20 : i32
        %parallel_loop3A_761 = arith.muli %parallel_loop3A_267, %parallel_loop3A_760 : i32
        %parallel_loop3A_762 = arith.constant 14 : i32
        %parallel_loop3A_763 = arith.addi %parallel_loop3A_761, %parallel_loop3A_762 : i32
        %parallel_loop3A_764 = arith.index_cast %parallel_loop3A_763 : i32 to index
        %parallel_loop3A_765 = arith.constant 0 : index
        %parallel_loop3A_766 = tpu.vector_load %arg15[%parallel_loop3A_764, %parallel_loop3A_765] {strides = array<i32>} : memref<640x64xf32, #tpu.memory_space<vmem>>, vector<1x16xf32>,
        %parallel_loop3A_767 = vector.shape_cast %parallel_loop3A_766 : vector<1x16xf32> to vector<16xf32>
        %parallel_loop3A_768 = arith.index_cast %parallel_loop3A_763 : i32 to index
        %parallel_loop3A_769 = arith.constant 16 : index
        %parallel_loop3A_770 = tpu.vector_load %arg15[%parallel_loop3A_768, %parallel_loop3A_769] {strides = array<i32>} : memref<640x64xf32, #tpu.memory_space<vmem>>, vector<1x16xf32>,
        %parallel_loop3A_771 = vector.shape_cast %parallel_loop3A_770 : vector<1x16xf32> to vector<16xf32>
        %parallel_loop3A_772 = arith.index_cast %parallel_loop3A_763 : i32 to index
        %parallel_loop3A_773 = arith.constant 32 : index
        %parallel_loop3A_774 = tpu.vector_load %arg15[%parallel_loop3A_772, %parallel_loop3A_773] {strides = array<i32>} : memref<640x64xf32, #tpu.memory_space<vmem>>, vector<1x16xf32>,
        %parallel_loop3A_775 = vector.shape_cast %parallel_loop3A_774 : vector<1x16xf32> to vector<16xf32>
        %parallel_loop3A_776 = arith.index_cast %parallel_loop3A_763 : i32 to index
        %parallel_loop3A_777 = arith.constant 48 : index
        %parallel_loop3A_778 = tpu.vector_load %arg15[%parallel_loop3A_776, %parallel_loop3A_777] {strides = array<i32>} : memref<640x64xf32, #tpu.memory_space<vmem>>, vector<1x16xf32>,
        %parallel_loop3A_779 = vector.shape_cast %parallel_loop3A_778 : vector<1x16xf32> to vector<16xf32>
        %parallel_loop3A_780 = arith.mulf %parallel_loop3A_271, %parallel_loop3A_767 : vector<16xf32>
        %parallel_loop3A_781 = arith.mulf %parallel_loop3A_275, %parallel_loop3A_771 : vector<16xf32>
        %parallel_loop3A_782 = arith.addf %parallel_loop3A_780, %parallel_loop3A_781 : vector<16xf32>
        %parallel_loop3A_783 = arith.mulf %parallel_loop3A_279, %parallel_loop3A_775 : vector<16xf32>
        %parallel_loop3A_784 = arith.mulf %parallel_loop3A_283, %parallel_loop3A_779 : vector<16xf32>
        %parallel_loop3A_785 = arith.addf %parallel_loop3A_783, %parallel_loop3A_784 : vector<16xf32>
        %parallel_loop3A_786 = arith.addf %parallel_loop3A_782, %parallel_loop3A_785 : vector<16xf32>
        %parallel_loop3A_787 = arith.index_cast %parallel_loop3A_763 : i32 to index
        %parallel_loop3A_788 = arith.constant 0 : index
        %parallel_loop3A_789 = tpu.vector_load %arg18[%parallel_loop3A_787, %parallel_loop3A_788] {strides = array<i32>} : memref<640x16xf32, #tpu.memory_space<vmem>>, vector<1x16xf32>,
        %parallel_loop3A_790 = vector.shape_cast %parallel_loop3A_789 : vector<1x16xf32> to vector<16xf32>
        %parallel_loop3A_791 = vector.shape_cast %parallel_loop3A_786 : vector<16xf32> to vector<1x16xf32>
        tpu.vector_store %arg18[%parallel_loop3A_787, %parallel_loop3A_788], %parallel_loop3A_791 {strides = array<i32>} : memref<640x16xf32, #tpu.memory_space<vmem>>, vector<1x16xf32>,
        %parallel_loop3A_792 = arith.constant 20 : i32
        %parallel_loop3A_793 = arith.muli %parallel_loop3A_267, %parallel_loop3A_792 : i32
        %parallel_loop3A_794 = arith.constant 15 : i32
        %parallel_loop3A_795 = arith.addi %parallel_loop3A_793, %parallel_loop3A_794 : i32
        %parallel_loop3A_796 = arith.index_cast %parallel_loop3A_795 : i32 to index
        %parallel_loop3A_797 = arith.constant 0 : index
        %parallel_loop3A_798 = tpu.vector_load %arg15[%parallel_loop3A_796, %parallel_loop3A_797] {strides = array<i32>} : memref<640x64xf32, #tpu.memory_space<vmem>>, vector<1x16xf32>,
        %parallel_loop3A_799 = vector.shape_cast %parallel_loop3A_798 : vector<1x16xf32> to vector<16xf32>
        %parallel_loop3A_800 = arith.index_cast %parallel_loop3A_795 : i32 to index
        %parallel_loop3A_801 = arith.constant 16 : index
        %parallel_loop3A_802 = tpu.vector_load %arg15[%parallel_loop3A_800, %parallel_loop3A_801] {strides = array<i32>} : memref<640x64xf32, #tpu.memory_space<vmem>>, vector<1x16xf32>,
        %parallel_loop3A_803 = vector.shape_cast %parallel_loop3A_802 : vector<1x16xf32> to vector<16xf32>
        %parallel_loop3A_804 = arith.index_cast %parallel_loop3A_795 : i32 to index
        %parallel_loop3A_805 = arith.constant 32 : index
        %parallel_loop3A_806 = tpu.vector_load %arg15[%parallel_loop3A_804, %parallel_loop3A_805] {strides = array<i32>} : memref<640x64xf32, #tpu.memory_space<vmem>>, vector<1x16xf32>,
        %parallel_loop3A_807 = vector.shape_cast %parallel_loop3A_806 : vector<1x16xf32> to vector<16xf32>
        %parallel_loop3A_808 = arith.index_cast %parallel_loop3A_795 : i32 to index
        %parallel_loop3A_809 = arith.constant 48 : index
        %parallel_loop3A_810 = tpu.vector_load %arg15[%parallel_loop3A_808, %parallel_loop3A_809] {strides = array<i32>} : memref<640x64xf32, #tpu.memory_space<vmem>>, vector<1x16xf32>,
        %parallel_loop3A_811 = vector.shape_cast %parallel_loop3A_810 : vector<1x16xf32> to vector<16xf32>
        %parallel_loop3A_812 = arith.mulf %parallel_loop3A_271, %parallel_loop3A_799 : vector<16xf32>
        %parallel_loop3A_813 = arith.mulf %parallel_loop3A_275, %parallel_loop3A_803 : vector<16xf32>
        %parallel_loop3A_814 = arith.addf %parallel_loop3A_812, %parallel_loop3A_813 : vector<16xf32>
        %parallel_loop3A_815 = arith.mulf %parallel_loop3A_279, %parallel_loop3A_807 : vector<16xf32>
        %parallel_loop3A_816 = arith.mulf %parallel_loop3A_283, %parallel_loop3A_811 : vector<16xf32>
        %parallel_loop3A_817 = arith.addf %parallel_loop3A_815, %parallel_loop3A_816 : vector<16xf32>
        %parallel_loop3A_818 = arith.addf %parallel_loop3A_814, %parallel_loop3A_817 : vector<16xf32>
        %parallel_loop3A_819 = arith.index_cast %parallel_loop3A_795 : i32 to index
        %parallel_loop3A_820 = arith.constant 0 : index
        %parallel_loop3A_821 = tpu.vector_load %arg18[%parallel_loop3A_819, %parallel_loop3A_820] {strides = array<i32>} : memref<640x16xf32, #tpu.memory_space<vmem>>, vector<1x16xf32>,
        %parallel_loop3A_822 = vector.shape_cast %parallel_loop3A_821 : vector<1x16xf32> to vector<16xf32>
        %parallel_loop3A_823 = vector.shape_cast %parallel_loop3A_818 : vector<16xf32> to vector<1x16xf32>
        tpu.vector_store %arg18[%parallel_loop3A_819, %parallel_loop3A_820], %parallel_loop3A_823 {strides = array<i32>} : memref<640x16xf32, #tpu.memory_space<vmem>>, vector<1x16xf32>,
        %parallel_loop3A_824 = arith.constant 20 : i32
        %parallel_loop3A_825 = arith.muli %parallel_loop3A_267, %parallel_loop3A_824 : i32
        %parallel_loop3A_826 = arith.constant 16 : i32
        %parallel_loop3A_827 = arith.addi %parallel_loop3A_825, %parallel_loop3A_826 : i32
        %parallel_loop3A_828 = arith.index_cast %parallel_loop3A_827 : i32 to index
        %parallel_loop3A_829 = arith.constant 0 : index
        %parallel_loop3A_830 = tpu.vector_load %arg15[%parallel_loop3A_828, %parallel_loop3A_829] {strides = array<i32>} : memref<640x64xf32, #tpu.memory_space<vmem>>, vector<1x16xf32>,
        %parallel_loop3A_831 = vector.shape_cast %parallel_loop3A_830 : vector<1x16xf32> to vector<16xf32>
        %parallel_loop3A_832 = arith.index_cast %parallel_loop3A_827 : i32 to index
        %parallel_loop3A_833 = arith.constant 16 : index
        %parallel_loop3A_834 = tpu.vector_load %arg15[%parallel_loop3A_832, %parallel_loop3A_833] {strides = array<i32>} : memref<640x64xf32, #tpu.memory_space<vmem>>, vector<1x16xf32>,
        %parallel_loop3A_835 = vector.shape_cast %parallel_loop3A_834 : vector<1x16xf32> to vector<16xf32>
        %parallel_loop3A_836 = arith.index_cast %parallel_loop3A_827 : i32 to index
        %parallel_loop3A_837 = arith.constant 32 : index
        %parallel_loop3A_838 = tpu.vector_load %arg15[%parallel_loop3A_836, %parallel_loop3A_837] {strides = array<i32>} : memref<640x64xf32, #tpu.memory_space<vmem>>, vector<1x16xf32>,
        %parallel_loop3A_839 = vector.shape_cast %parallel_loop3A_838 : vector<1x16xf32> to vector<16xf32>
        %parallel_loop3A_840 = arith.index_cast %parallel_loop3A_827 : i32 to index
        %parallel_loop3A_841 = arith.constant 48 : index
        %parallel_loop3A_842 = tpu.vector_load %arg15[%parallel_loop3A_840, %parallel_loop3A_841] {strides = array<i32>} : memref<640x64xf32, #tpu.memory_space<vmem>>, vector<1x16xf32>,
        %parallel_loop3A_843 = vector.shape_cast %parallel_loop3A_842 : vector<1x16xf32> to vector<16xf32>
        %parallel_loop3A_844 = arith.mulf %parallel_loop3A_271, %parallel_loop3A_831 : vector<16xf32>
        %parallel_loop3A_845 = arith.mulf %parallel_loop3A_275, %parallel_loop3A_835 : vector<16xf32>
        %parallel_loop3A_846 = arith.addf %parallel_loop3A_844, %parallel_loop3A_845 : vector<16xf32>
        %parallel_loop3A_847 = arith.mulf %parallel_loop3A_279, %parallel_loop3A_839 : vector<16xf32>
        %parallel_loop3A_848 = arith.mulf %parallel_loop3A_283, %parallel_loop3A_843 : vector<16xf32>
        %parallel_loop3A_849 = arith.addf %parallel_loop3A_847, %parallel_loop3A_848 : vector<16xf32>
        %parallel_loop3A_850 = arith.addf %parallel_loop3A_846, %parallel_loop3A_849 : vector<16xf32>
        %parallel_loop3A_851 = arith.index_cast %parallel_loop3A_827 : i32 to index
        %parallel_loop3A_852 = arith.constant 0 : index
        %parallel_loop3A_853 = tpu.vector_load %arg18[%parallel_loop3A_851, %parallel_loop3A_852] {strides = array<i32>} : memref<640x16xf32, #tpu.memory_space<vmem>>, vector<1x16xf32>,
        %parallel_loop3A_854 = vector.shape_cast %parallel_loop3A_853 : vector<1x16xf32> to vector<16xf32>
        %parallel_loop3A_855 = vector.shape_cast %parallel_loop3A_850 : vector<16xf32> to vector<1x16xf32>
        tpu.vector_store %arg18[%parallel_loop3A_851, %parallel_loop3A_852], %parallel_loop3A_855 {strides = array<i32>} : memref<640x16xf32, #tpu.memory_space<vmem>>, vector<1x16xf32>,
        %parallel_loop3A_856 = arith.constant 20 : i32
        %parallel_loop3A_857 = arith.muli %parallel_loop3A_267, %parallel_loop3A_856 : i32
        %parallel_loop3A_858 = arith.constant 17 : i32
        %parallel_loop3A_859 = arith.addi %parallel_loop3A_857, %parallel_loop3A_858 : i32
        %parallel_loop3A_860 = arith.index_cast %parallel_loop3A_859 : i32 to index
        %parallel_loop3A_861 = arith.constant 0 : index
        %parallel_loop3A_862 = tpu.vector_load %arg15[%parallel_loop3A_860, %parallel_loop3A_861] {strides = array<i32>} : memref<640x64xf32, #tpu.memory_space<vmem>>, vector<1x16xf32>,
        %parallel_loop3A_863 = vector.shape_cast %parallel_loop3A_862 : vector<1x16xf32> to vector<16xf32>
        %parallel_loop3A_864 = arith.index_cast %parallel_loop3A_859 : i32 to index
        %parallel_loop3A_865 = arith.constant 16 : index
        %parallel_loop3A_866 = tpu.vector_load %arg15[%parallel_loop3A_864, %parallel_loop3A_865] {strides = array<i32>} : memref<640x64xf32, #tpu.memory_space<vmem>>, vector<1x16xf32>,
        %parallel_loop3A_867 = vector.shape_cast %parallel_loop3A_866 : vector<1x16xf32> to vector<16xf32>
        %parallel_loop3A_868 = arith.index_cast %parallel_loop3A_859 : i32 to index
        %parallel_loop3A_869 = arith.constant 32 : index
        %parallel_loop3A_870 = tpu.vector_load %arg15[%parallel_loop3A_868, %parallel_loop3A_869] {strides = array<i32>} : memref<640x64xf32, #tpu.memory_space<vmem>>, vector<1x16xf32>,
        %parallel_loop3A_871 = vector.shape_cast %parallel_loop3A_870 : vector<1x16xf32> to vector<16xf32>
        %parallel_loop3A_872 = arith.index_cast %parallel_loop3A_859 : i32 to index
        %parallel_loop3A_873 = arith.constant 48 : index
        %parallel_loop3A_874 = tpu.vector_load %arg15[%parallel_loop3A_872, %parallel_loop3A_873] {strides = array<i32>} : memref<640x64xf32, #tpu.memory_space<vmem>>, vector<1x16xf32>,
        %parallel_loop3A_875 = vector.shape_cast %parallel_loop3A_874 : vector<1x16xf32> to vector<16xf32>
        %parallel_loop3A_876 = arith.mulf %parallel_loop3A_271, %parallel_loop3A_863 : vector<16xf32>
        %parallel_loop3A_877 = arith.mulf %parallel_loop3A_275, %parallel_loop3A_867 : vector<16xf32>
        %parallel_loop3A_878 = arith.addf %parallel_loop3A_876, %parallel_loop3A_877 : vector<16xf32>
        %parallel_loop3A_879 = arith.mulf %parallel_loop3A_279, %parallel_loop3A_871 : vector<16xf32>
        %parallel_loop3A_880 = arith.mulf %parallel_loop3A_283, %parallel_loop3A_875 : vector<16xf32>
        %parallel_loop3A_881 = arith.addf %parallel_loop3A_879, %parallel_loop3A_880 : vector<16xf32>
        %parallel_loop3A_882 = arith.addf %parallel_loop3A_878, %parallel_loop3A_881 : vector<16xf32>
        %parallel_loop3A_883 = arith.index_cast %parallel_loop3A_859 : i32 to index
        %parallel_loop3A_884 = arith.constant 0 : index
        %parallel_loop3A_885 = tpu.vector_load %arg18[%parallel_loop3A_883, %parallel_loop3A_884] {strides = array<i32>} : memref<640x16xf32, #tpu.memory_space<vmem>>, vector<1x16xf32>,
        %parallel_loop3A_886 = vector.shape_cast %parallel_loop3A_885 : vector<1x16xf32> to vector<16xf32>
        %parallel_loop3A_887 = vector.shape_cast %parallel_loop3A_882 : vector<16xf32> to vector<1x16xf32>
        tpu.vector_store %arg18[%parallel_loop3A_883, %parallel_loop3A_884], %parallel_loop3A_887 {strides = array<i32>} : memref<640x16xf32, #tpu.memory_space<vmem>>, vector<1x16xf32>,
        %parallel_loop3A_888 = arith.constant 20 : i32
        %parallel_loop3A_889 = arith.muli %parallel_loop3A_267, %parallel_loop3A_888 : i32
        %parallel_loop3A_890 = arith.constant 18 : i32
        %parallel_loop3A_891 = arith.addi %parallel_loop3A_889, %parallel_loop3A_890 : i32
        %parallel_loop3A_892 = arith.index_cast %parallel_loop3A_891 : i32 to index
        %parallel_loop3A_893 = arith.constant 0 : index
        %parallel_loop3A_894 = tpu.vector_load %arg15[%parallel_loop3A_892, %parallel_loop3A_893] {strides = array<i32>} : memref<640x64xf32, #tpu.memory_space<vmem>>, vector<1x16xf32>,
        %parallel_loop3A_895 = vector.shape_cast %parallel_loop3A_894 : vector<1x16xf32> to vector<16xf32>
        %parallel_loop3A_896 = arith.index_cast %parallel_loop3A_891 : i32 to index
        %parallel_loop3A_897 = arith.constant 16 : index
        %parallel_loop3A_898 = tpu.vector_load %arg15[%parallel_loop3A_896, %parallel_loop3A_897] {strides = array<i32>} : memref<640x64xf32, #tpu.memory_space<vmem>>, vector<1x16xf32>,
        %parallel_loop3A_899 = vector.shape_cast %parallel_loop3A_898 : vector<1x16xf32> to vector<16xf32>
        %parallel_loop3A_900 = arith.index_cast %parallel_loop3A_891 : i32 to index
        %parallel_loop3A_901 = arith.constant 32 : index
        %parallel_loop3A_902 = tpu.vector_load %arg15[%parallel_loop3A_900, %parallel_loop3A_901] {strides = array<i32>} : memref<640x64xf32, #tpu.memory_space<vmem>>, vector<1x16xf32>,
        %parallel_loop3A_903 = vector.shape_cast %parallel_loop3A_902 : vector<1x16xf32> to vector<16xf32>
        %parallel_loop3A_904 = arith.index_cast %parallel_loop3A_891 : i32 to index
        %parallel_loop3A_905 = arith.constant 48 : index
        %parallel_loop3A_906 = tpu.vector_load %arg15[%parallel_loop3A_904, %parallel_loop3A_905] {strides = array<i32>} : memref<640x64xf32, #tpu.memory_space<vmem>>, vector<1x16xf32>,
        %parallel_loop3A_907 = vector.shape_cast %parallel_loop3A_906 : vector<1x16xf32> to vector<16xf32>
        %parallel_loop3A_908 = arith.mulf %parallel_loop3A_271, %parallel_loop3A_895 : vector<16xf32>
        %parallel_loop3A_909 = arith.mulf %parallel_loop3A_275, %parallel_loop3A_899 : vector<16xf32>
        %parallel_loop3A_910 = arith.addf %parallel_loop3A_908, %parallel_loop3A_909 : vector<16xf32>
        %parallel_loop3A_911 = arith.mulf %parallel_loop3A_279, %parallel_loop3A_903 : vector<16xf32>
        %parallel_loop3A_912 = arith.mulf %parallel_loop3A_283, %parallel_loop3A_907 : vector<16xf32>
        %parallel_loop3A_913 = arith.addf %parallel_loop3A_911, %parallel_loop3A_912 : vector<16xf32>
        %parallel_loop3A_914 = arith.addf %parallel_loop3A_910, %parallel_loop3A_913 : vector<16xf32>
        %parallel_loop3A_915 = arith.index_cast %parallel_loop3A_891 : i32 to index
        %parallel_loop3A_916 = arith.constant 0 : index
        %parallel_loop3A_917 = tpu.vector_load %arg18[%parallel_loop3A_915, %parallel_loop3A_916] {strides = array<i32>} : memref<640x16xf32, #tpu.memory_space<vmem>>, vector<1x16xf32>,
        %parallel_loop3A_918 = vector.shape_cast %parallel_loop3A_917 : vector<1x16xf32> to vector<16xf32>
        %parallel_loop3A_919 = vector.shape_cast %parallel_loop3A_914 : vector<16xf32> to vector<1x16xf32>
        tpu.vector_store %arg18[%parallel_loop3A_915, %parallel_loop3A_916], %parallel_loop3A_919 {strides = array<i32>} : memref<640x16xf32, #tpu.memory_space<vmem>>, vector<1x16xf32>,
        %parallel_loop3A_920 = arith.constant 20 : i32
        %parallel_loop3A_921 = arith.muli %parallel_loop3A_267, %parallel_loop3A_920 : i32
        %parallel_loop3A_922 = arith.constant 19 : i32
        %parallel_loop3A_923 = arith.addi %parallel_loop3A_921, %parallel_loop3A_922 : i32
        %parallel_loop3A_924 = arith.index_cast %parallel_loop3A_923 : i32 to index
        %parallel_loop3A_925 = arith.constant 0 : index
        %parallel_loop3A_926 = tpu.vector_load %arg15[%parallel_loop3A_924, %parallel_loop3A_925] {strides = array<i32>} : memref<640x64xf32, #tpu.memory_space<vmem>>, vector<1x16xf32>,
        %parallel_loop3A_927 = vector.shape_cast %parallel_loop3A_926 : vector<1x16xf32> to vector<16xf32>
        %parallel_loop3A_928 = arith.index_cast %parallel_loop3A_923 : i32 to index
        %parallel_loop3A_929 = arith.constant 16 : index
        %parallel_loop3A_930 = tpu.vector_load %arg15[%parallel_loop3A_928, %parallel_loop3A_929] {strides = array<i32>} : memref<640x64xf32, #tpu.memory_space<vmem>>, vector<1x16xf32>,
        %parallel_loop3A_931 = vector.shape_cast %parallel_loop3A_930 : vector<1x16xf32> to vector<16xf32>
        %parallel_loop3A_932 = arith.index_cast %parallel_loop3A_923 : i32 to index
        %parallel_loop3A_933 = arith.constant 32 : index
        %parallel_loop3A_934 = tpu.vector_load %arg15[%parallel_loop3A_932, %parallel_loop3A_933] {strides = array<i32>} : memref<640x64xf32, #tpu.memory_space<vmem>>, vector<1x16xf32>,
        %parallel_loop3A_935 = vector.shape_cast %parallel_loop3A_934 : vector<1x16xf32> to vector<16xf32>
        %parallel_loop3A_936 = arith.index_cast %parallel_loop3A_923 : i32 to index
        %parallel_loop3A_937 = arith.constant 48 : index
        %parallel_loop3A_938 = tpu.vector_load %arg15[%parallel_loop3A_936, %parallel_loop3A_937] {strides = array<i32>} : memref<640x64xf32, #tpu.memory_space<vmem>>, vector<1x16xf32>,
        %parallel_loop3A_939 = vector.shape_cast %parallel_loop3A_938 : vector<1x16xf32> to vector<16xf32>
        %parallel_loop3A_940 = arith.mulf %parallel_loop3A_271, %parallel_loop3A_927 : vector<16xf32>
        %parallel_loop3A_941 = arith.mulf %parallel_loop3A_275, %parallel_loop3A_931 : vector<16xf32>
        %parallel_loop3A_942 = arith.addf %parallel_loop3A_940, %parallel_loop3A_941 : vector<16xf32>
        %parallel_loop3A_943 = arith.mulf %parallel_loop3A_279, %parallel_loop3A_935 : vector<16xf32>
        %parallel_loop3A_944 = arith.mulf %parallel_loop3A_283, %parallel_loop3A_939 : vector<16xf32>
        %parallel_loop3A_945 = arith.addf %parallel_loop3A_943, %parallel_loop3A_944 : vector<16xf32>
        %parallel_loop3A_946 = arith.addf %parallel_loop3A_942, %parallel_loop3A_945 : vector<16xf32>
        %parallel_loop3A_947 = arith.index_cast %parallel_loop3A_923 : i32 to index
        %parallel_loop3A_948 = arith.constant 0 : index
        %parallel_loop3A_949 = tpu.vector_load %arg18[%parallel_loop3A_947, %parallel_loop3A_948] {strides = array<i32>} : memref<640x16xf32, #tpu.memory_space<vmem>>, vector<1x16xf32>,
        %parallel_loop3A_950 = vector.shape_cast %parallel_loop3A_949 : vector<1x16xf32> to vector<16xf32>
        %parallel_loop3A_951 = vector.shape_cast %parallel_loop3A_946 : vector<16xf32> to vector<1x16xf32>
        tpu.vector_store %arg18[%parallel_loop3A_947, %parallel_loop3A_948], %parallel_loop3A_951 {strides = array<i32>} : memref<640x16xf32, #tpu.memory_space<vmem>>, vector<1x16xf32>,
      } {sc.loop_unroll_factor = 1 : i64, sc.parallel_access}
      "tpu.region"() ({
        %run_scoped3A = tpu.sem_alloc : memref<!tpu.dma_semaphore, #tpu.memory_space<semaphore_mem>>
        %dma_start3A_267 = arith.constant 0 : i32
        %dma_start3A_268 = tpu.memref_slice %arg6[%add3A_199, %dma_start3A_267] : memref<344064x16xf32, #tpu.memory_space<hbm>> -> memref<32x16xf32, #tpu.memory_space<hbm>>
        %dma_start3A_269 = arith.constant 0 : i32
        %dma_start3A_270 = tpu.memref_slice %arg6[%add3A_199, %dma_start3A_269] : memref<344064x16xf32, #tpu.memory_space<hbm>> -> memref<32x16xf32, #tpu.memory_space<hbm>>
        tpu.enqueue_dma source(%arg17 : memref<32x16xf32, #tpu.memory_space<vmem>>) target(%dma_start3A_270 : memref<32x16xf32, #tpu.memory_space<hbm>>) target_semaphore(%run_scoped3A : memref<!tpu.dma_semaphore, #tpu.memory_space<semaphore_mem>>)
        %dma_wait3A_271 = arith.constant 0 : i32
        %dma_wait3A_272 = tpu.memref_slice %arg6[%add3A_199, %dma_wait3A_271] : memref<344064x16xf32, #tpu.memory_space<hbm>> -> memref<32x16xf32, #tpu.memory_space<hbm>>
        %dma_wait3A_273 = arith.constant 0 : i32
        %dma_wait3A_274 = tpu.memref_slice %arg6[%add3A_199, %dma_wait3A_273] : memref<344064x16xf32, #tpu.memory_space<hbm>> -> memref<32x16xf32, #tpu.memory_space<hbm>>
        tpu.wait_dma2 semaphore(%run_scoped3A : memref<!tpu.dma_semaphore, #tpu.memory_space<semaphore_mem>>) src(%arg17 : memref<32x16xf32, #tpu.memory_space<vmem>>) dst(%dma_wait3A_274 : memref<32x16xf32, #tpu.memory_space<hbm>>)
        tpu.yield
      }) : () -> ()
      %mul3A_202 = arith.constant 20 : i32
      %mul3A_203 = arith.muli %add3A_199, %mul3A_202 : i32
      %add3A_204 = arith.constant 16384 : i32
      %add3A_205 = arith.addi %add3A_204, %mul3A_203 : i32
      "tpu.region"() ({
        %run_scoped3A = tpu.sem_alloc : memref<!tpu.dma_semaphore, #tpu.memory_space<semaphore_mem>>
        %dma_start3A_267 = arith.constant 0 : i32
        %dma_start3A_268 = tpu.memref_slice %arg6[%add3A_205, %dma_start3A_267] : memref<344064x16xf32, #tpu.memory_space<hbm>> -> memref<640x16xf32, #tpu.memory_space<hbm>>
        %dma_start3A_269 = arith.constant 0 : i32
        %dma_start3A_270 = tpu.memref_slice %arg6[%add3A_205, %dma_start3A_269] : memref<344064x16xf32, #tpu.memory_space<hbm>> -> memref<640x16xf32, #tpu.memory_space<hbm>>
        tpu.enqueue_dma source(%arg18 : memref<640x16xf32, #tpu.memory_space<vmem>>) target(%dma_start3A_270 : memref<640x16xf32, #tpu.memory_space<hbm>>) target_semaphore(%run_scoped3A : memref<!tpu.dma_semaphore, #tpu.memory_space<semaphore_mem>>)
        %dma_wait3A_271 = arith.constant 0 : i32
        %dma_wait3A_272 = tpu.memref_slice %arg6[%add3A_205, %dma_wait3A_271] : memref<344064x16xf32, #tpu.memory_space<hbm>> -> memref<640x16xf32, #tpu.memory_space<hbm>>
        %dma_wait3A_273 = arith.constant 0 : i32
        %dma_wait3A_274 = tpu.memref_slice %arg6[%add3A_205, %dma_wait3A_273] : memref<344064x16xf32, #tpu.memory_space<hbm>> -> memref<640x16xf32, #tpu.memory_space<hbm>>
        tpu.wait_dma2 semaphore(%run_scoped3A : memref<!tpu.dma_semaphore, #tpu.memory_space<semaphore_mem>>) src(%arg18 : memref<640x16xf32, #tpu.memory_space<vmem>>) dst(%dma_wait3A_274 : memref<640x16xf32, #tpu.memory_space<hbm>>)
        tpu.yield
      }) : () -> ()
      %add3A_206 = arith.constant 2 : i32
      %add3A_207 = arith.addi %mul3A_77, %add3A_206 : i32
      %lt3A = arith.constant 16 : i32
      %lt3A_208 = arith.cmpi slt, %add3A_207, %lt3A : i32
      %convert_element_type3A = arith.extui %lt3A_208 : i1 to i32
      %cond3A = arith.constant 0 : i32
      %cond3A_209 = arith.cmpi ne, %convert_element_type3A, %cond3A : i32
      scf.if %cond3A_209 {
        %add3A_267 = arith.constant 2 : i32
        %add3A_268 = arith.addi %mul3A_77, %add3A_267 : i32
        %mul3A_269 = arith.constant 512 : i32
        %mul3A_270 = arith.muli %add3A, %mul3A_269 : i32
        %mul3A_271 = arith.constant 32 : i32
        %mul3A_272 = arith.muli %add3A_268, %mul3A_271 : i32
        %add3A_273 = arith.addi %mul3A_270, %mul3A_272 : i32
        %dma_start3A_274 = tpu.memref_slice %arg2[%add3A_273] : memref<16384xi32, #tpu.memory_space<hbm>> -> memref<32xi32, #tpu.memory_space<hbm>>
        %dma_start3A_275 = tpu.memref_slice %arg2[%add3A_273] : memref<16384xi32, #tpu.memory_space<hbm>> -> memref<32xi32, #tpu.memory_space<hbm>>
        tpu.enqueue_dma source(%dma_start3A_275 : memref<32xi32, #tpu.memory_space<hbm>>) target(%arg7 : memref<32xi32, #tpu.memory_space<vmem>>) target_semaphore(%arg19 : memref<!tpu.dma_semaphore, #tpu.memory_space<semaphore_mem>>)
        %mul3A_276 = arith.constant 20 : i32
        %mul3A_277 = arith.muli %add3A_273, %mul3A_276 : i32
        %dma_start3A_278 = tpu.memref_slice %arg3[%mul3A_277] : memref<327680xi32, #tpu.memory_space<hbm>> -> memref<640xi32, #tpu.memory_space<hbm>>
        %dma_start3A_279 = tpu.memref_slice %arg3[%mul3A_277] : memref<327680xi32, #tpu.memory_space<hbm>> -> memref<640xi32, #tpu.memory_space<hbm>>
        tpu.enqueue_dma source(%dma_start3A_279 : memref<640xi32, #tpu.memory_space<hbm>>) target(%arg9 : memref<640xi32, #tpu.memory_space<vmem>>) target_semaphore(%arg19 : memref<!tpu.dma_semaphore, #tpu.memory_space<semaphore_mem>>)
        %dma_start3A_280 = arith.constant 0 : i32
        %dma_start3A_281 = tpu.memref_slice %arg4[%add3A_273, %dma_start3A_280] : memref<16384x64xf32, #tpu.memory_space<hbm>> -> memref<32x64xf32, #tpu.memory_space<hbm>>
        %dma_start3A_282 = arith.constant 0 : i32
        %dma_start3A_283 = tpu.memref_slice %arg4[%add3A_273, %dma_start3A_282] : memref<16384x64xf32, #tpu.memory_space<hbm>> -> memref<32x64xf32, #tpu.memory_space<hbm>>
        tpu.enqueue_dma source(%dma_start3A_283 : memref<32x64xf32, #tpu.memory_space<hbm>>) target(%arg11 : memref<32x64xf32, #tpu.memory_space<vmem>>) target_semaphore(%arg19 : memref<!tpu.dma_semaphore, #tpu.memory_space<semaphore_mem>>)
        %dma_wait3A_284 = arith.constant 0 : i32
        %dma_wait3A_285 = tpu.memref_slice %arg2[%dma_wait3A_284] : memref<16384xi32, #tpu.memory_space<hbm>> -> memref<32xi32, #tpu.memory_space<hbm>>
        %dma_wait3A_286 = arith.constant 0 : i32
        %dma_wait3A_287 = tpu.memref_slice %arg2[%dma_wait3A_286] : memref<16384xi32, #tpu.memory_space<hbm>> -> memref<32xi32, #tpu.memory_space<hbm>>
        tpu.wait_dma2 semaphore(%arg19 : memref<!tpu.dma_semaphore, #tpu.memory_space<semaphore_mem>>) src(%dma_wait3A_287 : memref<32xi32, #tpu.memory_space<hbm>>) dst(%arg7 : memref<32xi32, #tpu.memory_space<vmem>>)
        %dma_wait3A_288 = arith.constant 0 : i32
        %dma_wait3A_289 = tpu.memref_slice %arg3[%dma_wait3A_288] : memref<327680xi32, #tpu.memory_space<hbm>> -> memref<640xi32, #tpu.memory_space<hbm>>
        %dma_wait3A_290 = arith.constant 0 : i32
        %dma_wait3A_291 = tpu.memref_slice %arg3[%dma_wait3A_290] : memref<327680xi32, #tpu.memory_space<hbm>> -> memref<640xi32, #tpu.memory_space<hbm>>
        tpu.wait_dma2 semaphore(%arg19 : memref<!tpu.dma_semaphore, #tpu.memory_space<semaphore_mem>>) src(%dma_wait3A_291 : memref<640xi32, #tpu.memory_space<hbm>>) dst(%arg9 : memref<640xi32, #tpu.memory_space<vmem>>)
        %dma_wait3A_292 = arith.constant 0 : i32
        %dma_wait3A_293 = arith.constant 0 : i32
        %dma_wait3A_294 = tpu.memref_slice %arg4[%dma_wait3A_292, %dma_wait3A_293] : memref<16384x64xf32, #tpu.memory_space<hbm>> -> memref<32x64xf32, #tpu.memory_space<hbm>>
        %dma_wait3A_295 = arith.constant 0 : i32
        %dma_wait3A_296 = arith.constant 0 : i32
        %dma_wait3A_297 = tpu.memref_slice %arg4[%dma_wait3A_295, %dma_wait3A_296] : memref<16384x64xf32, #tpu.memory_space<hbm>> -> memref<32x64xf32, #tpu.memory_space<hbm>>
        tpu.wait_dma2 semaphore(%arg19 : memref<!tpu.dma_semaphore, #tpu.memory_space<semaphore_mem>>) src(%dma_wait3A_297 : memref<32x64xf32, #tpu.memory_space<hbm>>) dst(%arg11 : memref<32x64xf32, #tpu.memory_space<vmem>>)
        %dma_start3A_298 = arith.constant 0 : i32
        %dma_start3A_299 = arith.constant 0 : i32
        %dma_start3A_300 = tpu.memref_slice %arg5[%dma_start3A_298, %dma_start3A_299] : memref<1000000x64xf32, #tpu.memory_space<hbm>> -> memref<1000000x64xf32, #tpu.memory_space<hbm>>
        tpu.enqueue_indirect_dma source(%dma_start3A_300 : memref<1000000x64xf32, #tpu.memory_space<hbm>>) target(%arg13 : memref<32x64xf32, #tpu.memory_space<vmem>>) offsets(%arg7 : memref<32xi32, #tpu.memory_space<vmem>>) semaphore(%arg19 : memref<!tpu.dma_semaphore, #tpu.memory_space<semaphore_mem>>)
        %dma_start3A_301 = arith.constant 0 : i32
        %dma_start3A_302 = arith.constant 0 : i32
        %dma_start3A_303 = tpu.memref_slice %arg15[%dma_start3A_301, %dma_start3A_302] : memref<640x64xf32, #tpu.memory_space<vmem>> -> memref<128x64xf32, #tpu.memory_space<vmem>>
        %dma_start3A_304 = arith.constant 0 : i32
        %dma_start3A_305 = tpu.memref_slice %arg9[%dma_start3A_304] : memref<640xi32, #tpu.memory_space<vmem>> -> memref<128xi32, #tpu.memory_space<vmem>>
        %dma_start3A_306 = arith.constant 0 : i32
        %dma_start3A_307 = arith.constant 0 : i32
        %dma_start3A_308 = tpu.memref_slice %arg5[%dma_start3A_306, %dma_start3A_307] : memref<1000000x64xf32, #tpu.memory_space<hbm>> -> memref<1000000x64xf32, #tpu.memory_space<hbm>>
        tpu.enqueue_indirect_dma source(%dma_start3A_308 : memref<1000000x64xf32, #tpu.memory_space<hbm>>) target(%dma_start3A_303 : memref<128x64xf32, #tpu.memory_space<vmem>>) offsets(%dma_start3A_305 : memref<128xi32, #tpu.memory_space<vmem>>) semaphore(%arg19 : memref<!tpu.dma_semaphore, #tpu.memory_space<semaphore_mem>>)
        %dma_start3A_309 = arith.constant 128 : i32
        %dma_start3A_310 = arith.constant 0 : i32
        %dma_start3A_311 = tpu.memref_slice %arg15[%dma_start3A_309, %dma_start3A_310] : memref<640x64xf32, #tpu.memory_space<vmem>> -> memref<128x64xf32, #tpu.memory_space<vmem>>
        %dma_start3A_312 = arith.constant 128 : i32
        %dma_start3A_313 = tpu.memref_slice %arg9[%dma_start3A_312] : memref<640xi32, #tpu.memory_space<vmem>> -> memref<128xi32, #tpu.memory_space<vmem>>
        %dma_start3A_314 = arith.constant 0 : i32
        %dma_start3A_315 = arith.constant 0 : i32
        %dma_start3A_316 = tpu.memref_slice %arg5[%dma_start3A_314, %dma_start3A_315] : memref<1000000x64xf32, #tpu.memory_space<hbm>> -> memref<1000000x64xf32, #tpu.memory_space<hbm>>
        tpu.enqueue_indirect_dma source(%dma_start3A_316 : memref<1000000x64xf32, #tpu.memory_space<hbm>>) target(%dma_start3A_311 : memref<128x64xf32, #tpu.memory_space<vmem>>) offsets(%dma_start3A_313 : memref<128xi32, #tpu.memory_space<vmem>>) semaphore(%arg19 : memref<!tpu.dma_semaphore, #tpu.memory_space<semaphore_mem>>)
        %dma_start3A_317 = arith.constant 256 : i32
        %dma_start3A_318 = arith.constant 0 : i32
        %dma_start3A_319 = tpu.memref_slice %arg15[%dma_start3A_317, %dma_start3A_318] : memref<640x64xf32, #tpu.memory_space<vmem>> -> memref<128x64xf32, #tpu.memory_space<vmem>>
        %dma_start3A_320 = arith.constant 256 : i32
        %dma_start3A_321 = tpu.memref_slice %arg9[%dma_start3A_320] : memref<640xi32, #tpu.memory_space<vmem>> -> memref<128xi32, #tpu.memory_space<vmem>>
        %dma_start3A_322 = arith.constant 0 : i32
        %dma_start3A_323 = arith.constant 0 : i32
        %dma_start3A_324 = tpu.memref_slice %arg5[%dma_start3A_322, %dma_start3A_323] : memref<1000000x64xf32, #tpu.memory_space<hbm>> -> memref<1000000x64xf32, #tpu.memory_space<hbm>>
        tpu.enqueue_indirect_dma source(%dma_start3A_324 : memref<1000000x64xf32, #tpu.memory_space<hbm>>) target(%dma_start3A_319 : memref<128x64xf32, #tpu.memory_space<vmem>>) offsets(%dma_start3A_321 : memref<128xi32, #tpu.memory_space<vmem>>) semaphore(%arg19 : memref<!tpu.dma_semaphore, #tpu.memory_space<semaphore_mem>>)
        %dma_start3A_325 = arith.constant 384 : i32
        %dma_start3A_326 = arith.constant 0 : i32
        %dma_start3A_327 = tpu.memref_slice %arg15[%dma_start3A_325, %dma_start3A_326] : memref<640x64xf32, #tpu.memory_space<vmem>> -> memref<128x64xf32, #tpu.memory_space<vmem>>
        %dma_start3A_328 = arith.constant 384 : i32
        %dma_start3A_329 = tpu.memref_slice %arg9[%dma_start3A_328] : memref<640xi32, #tpu.memory_space<vmem>> -> memref<128xi32, #tpu.memory_space<vmem>>
        %dma_start3A_330 = arith.constant 0 : i32
        %dma_start3A_331 = arith.constant 0 : i32
        %dma_start3A_332 = tpu.memref_slice %arg5[%dma_start3A_330, %dma_start3A_331] : memref<1000000x64xf32, #tpu.memory_space<hbm>> -> memref<1000000x64xf32, #tpu.memory_space<hbm>>
        tpu.enqueue_indirect_dma source(%dma_start3A_332 : memref<1000000x64xf32, #tpu.memory_space<hbm>>) target(%dma_start3A_327 : memref<128x64xf32, #tpu.memory_space<vmem>>) offsets(%dma_start3A_329 : memref<128xi32, #tpu.memory_space<vmem>>) semaphore(%arg19 : memref<!tpu.dma_semaphore, #tpu.memory_space<semaphore_mem>>)
        %dma_start3A_333 = arith.constant 512 : i32
        %dma_start3A_334 = arith.constant 0 : i32
        %dma_start3A_335 = tpu.memref_slice %arg15[%dma_start3A_333, %dma_start3A_334] : memref<640x64xf32, #tpu.memory_space<vmem>> -> memref<128x64xf32, #tpu.memory_space<vmem>>
        %dma_start3A_336 = arith.constant 512 : i32
        %dma_start3A_337 = tpu.memref_slice %arg9[%dma_start3A_336] : memref<640xi32, #tpu.memory_space<vmem>> -> memref<128xi32, #tpu.memory_space<vmem>>
        %dma_start3A_338 = arith.constant 0 : i32
        %dma_start3A_339 = arith.constant 0 : i32
        %dma_start3A_340 = tpu.memref_slice %arg5[%dma_start3A_338, %dma_start3A_339] : memref<1000000x64xf32, #tpu.memory_space<hbm>> -> memref<1000000x64xf32, #tpu.memory_space<hbm>>
        tpu.enqueue_indirect_dma source(%dma_start3A_340 : memref<1000000x64xf32, #tpu.memory_space<hbm>>) target(%dma_start3A_335 : memref<128x64xf32, #tpu.memory_space<vmem>>) offsets(%dma_start3A_337 : memref<128xi32, #tpu.memory_space<vmem>>) semaphore(%arg19 : memref<!tpu.dma_semaphore, #tpu.memory_space<semaphore_mem>>)
      } else {
      }
      %dma_wait3A_210 = arith.constant 0 : i32
      %dma_wait3A_211 = arith.constant 0 : i32
      %dma_wait3A_212 = tpu.memref_slice %arg5[%dma_wait3A_210, %dma_wait3A_211] : memref<1000000x64xf32, #tpu.memory_space<hbm>> -> memref<1000000x64xf32, #tpu.memory_space<hbm>>
      tpu.wait_indirect_dma semaphore(%arg20 : memref<!tpu.dma_semaphore, #tpu.memory_space<semaphore_mem>>) src(%dma_wait3A_212 : memref<1000000x64xf32, #tpu.memory_space<hbm>>) dst(%arg14 : memref<32x64xf32, #tpu.memory_space<vmem>>)
      %dma_wait3A_213 = arith.constant 0 : i32
      %dma_wait3A_214 = arith.constant 0 : i32
      %dma_wait3A_215 = tpu.memref_slice %arg16[%dma_wait3A_213, %dma_wait3A_214] : memref<640x64xf32, #tpu.memory_space<vmem>> -> memref<128x64xf32, #tpu.memory_space<vmem>>
      %dma_wait3A_216 = arith.constant 0 : i32
      %dma_wait3A_217 = tpu.memref_slice %arg10[%dma_wait3A_216] : memref<640xi32, #tpu.memory_space<vmem>> -> memref<128xi32, #tpu.memory_space<vmem>>
      %dma_wait3A_218 = arith.constant 0 : i32
      %dma_wait3A_219 = arith.constant 0 : i32
      %dma_wait3A_220 = tpu.memref_slice %arg5[%dma_wait3A_218, %dma_wait3A_219] : memref<1000000x64xf32, #tpu.memory_space<hbm>> -> memref<1000000x64xf32, #tpu.memory_space<hbm>>
      tpu.wait_indirect_dma semaphore(%arg20 : memref<!tpu.dma_semaphore, #tpu.memory_space<semaphore_mem>>) src(%dma_wait3A_220 : memref<1000000x64xf32, #tpu.memory_space<hbm>>) dst(%dma_wait3A_215 : memref<128x64xf32, #tpu.memory_space<vmem>>)
      %dma_wait3A_221 = arith.constant 128 : i32
      %dma_wait3A_222 = arith.constant 0 : i32
      %dma_wait3A_223 = tpu.memref_slice %arg16[%dma_wait3A_221, %dma_wait3A_222] : memref<640x64xf32, #tpu.memory_space<vmem>> -> memref<128x64xf32, #tpu.memory_space<vmem>>
      %dma_wait3A_224 = arith.constant 128 : i32
      %dma_wait3A_225 = tpu.memref_slice %arg10[%dma_wait3A_224] : memref<640xi32, #tpu.memory_space<vmem>> -> memref<128xi32, #tpu.memory_space<vmem>>
      %dma_wait3A_226 = arith.constant 0 : i32
      %dma_wait3A_227 = arith.constant 0 : i32
      %dma_wait3A_228 = tpu.memref_slice %arg5[%dma_wait3A_226, %dma_wait3A_227] : memref<1000000x64xf32, #tpu.memory_space<hbm>> -> memref<1000000x64xf32, #tpu.memory_space<hbm>>
      tpu.wait_indirect_dma semaphore(%arg20 : memref<!tpu.dma_semaphore, #tpu.memory_space<semaphore_mem>>) src(%dma_wait3A_228 : memref<1000000x64xf32, #tpu.memory_space<hbm>>) dst(%dma_wait3A_223 : memref<128x64xf32, #tpu.memory_space<vmem>>)
      %dma_wait3A_229 = arith.constant 256 : i32
      %dma_wait3A_230 = arith.constant 0 : i32
      %dma_wait3A_231 = tpu.memref_slice %arg16[%dma_wait3A_229, %dma_wait3A_230] : memref<640x64xf32, #tpu.memory_space<vmem>> -> memref<128x64xf32, #tpu.memory_space<vmem>>
      %dma_wait3A_232 = arith.constant 256 : i32
      %dma_wait3A_233 = tpu.memref_slice %arg10[%dma_wait3A_232] : memref<640xi32, #tpu.memory_space<vmem>> -> memref<128xi32, #tpu.memory_space<vmem>>
      %dma_wait3A_234 = arith.constant 0 : i32
      %dma_wait3A_235 = arith.constant 0 : i32
      %dma_wait3A_236 = tpu.memref_slice %arg5[%dma_wait3A_234, %dma_wait3A_235] : memref<1000000x64xf32, #tpu.memory_space<hbm>> -> memref<1000000x64xf32, #tpu.memory_space<hbm>>
      tpu.wait_indirect_dma semaphore(%arg20 : memref<!tpu.dma_semaphore, #tpu.memory_space<semaphore_mem>>) src(%dma_wait3A_236 : memref<1000000x64xf32, #tpu.memory_space<hbm>>) dst(%dma_wait3A_231 : memref<128x64xf32, #tpu.memory_space<vmem>>)
      %dma_wait3A_237 = arith.constant 384 : i32
      %dma_wait3A_238 = arith.constant 0 : i32
      %dma_wait3A_239 = tpu.memref_slice %arg16[%dma_wait3A_237, %dma_wait3A_238] : memref<640x64xf32, #tpu.memory_space<vmem>> -> memref<128x64xf32, #tpu.memory_space<vmem>>
      %dma_wait3A_240 = arith.constant 384 : i32
      %dma_wait3A_241 = tpu.memref_slice %arg10[%dma_wait3A_240] : memref<640xi32, #tpu.memory_space<vmem>> -> memref<128xi32, #tpu.memory_space<vmem>>
      %dma_wait3A_242 = arith.constant 0 : i32
      %dma_wait3A_243 = arith.constant 0 : i32
      %dma_wait3A_244 = tpu.memref_slice %arg5[%dma_wait3A_242, %dma_wait3A_243] : memref<1000000x64xf32, #tpu.memory_space<hbm>> -> memref<1000000x64xf32, #tpu.memory_space<hbm>>
      tpu.wait_indirect_dma semaphore(%arg20 : memref<!tpu.dma_semaphore, #tpu.memory_space<semaphore_mem>>) src(%dma_wait3A_244 : memref<1000000x64xf32, #tpu.memory_space<hbm>>) dst(%dma_wait3A_239 : memref<128x64xf32, #tpu.memory_space<vmem>>)
      %dma_wait3A_245 = arith.constant 512 : i32
      %dma_wait3A_246 = arith.constant 0 : i32
      %dma_wait3A_247 = tpu.memref_slice %arg16[%dma_wait3A_245, %dma_wait3A_246] : memref<640x64xf32, #tpu.memory_space<vmem>> -> memref<128x64xf32, #tpu.memory_space<vmem>>
      %dma_wait3A_248 = arith.constant 512 : i32
      %dma_wait3A_249 = tpu.memref_slice %arg10[%dma_wait3A_248] : memref<640xi32, #tpu.memory_space<vmem>> -> memref<128xi32, #tpu.memory_space<vmem>>
      %dma_wait3A_250 = arith.constant 0 : i32
      %dma_wait3A_251 = arith.constant 0 : i32
      %dma_wait3A_252 = tpu.memref_slice %arg5[%dma_wait3A_250, %dma_wait3A_251] : memref<1000000x64xf32, #tpu.memory_space<hbm>> -> memref<1000000x64xf32, #tpu.memory_space<hbm>>
      tpu.wait_indirect_dma semaphore(%arg20 : memref<!tpu.dma_semaphore, #tpu.memory_space<semaphore_mem>>) src(%dma_wait3A_252 : memref<1000000x64xf32, #tpu.memory_space<hbm>>) dst(%dma_wait3A_247 : memref<128x64xf32, #tpu.memory_space<vmem>>)
      %add3A_253 = arith.constant 1 : i32
      %add3A_254 = arith.addi %mul3A_77, %add3A_253 : i32
      %mul3A_255 = arith.constant 512 : i32
      %mul3A_256 = arith.muli %add3A, %mul3A_255 : i32
      %mul3A_257 = arith.constant 32 : i32
      %mul3A_258 = arith.muli %add3A_254, %mul3A_257 : i32
      %add3A_259 = arith.addi %mul3A_256, %mul3A_258 : i32
      %parallel_loop3A_260 = arith.constant 0 : i32
      %parallel_loop3A_261 = arith.constant 32 : i32
      %parallel_loop3A_262 = arith.constant 1 : i32
      scf.for %parallel_loop3A_267 = %parallel_loop3A_260 to %parallel_loop3A_261 step %parallel_loop3A_262  : i32 {
        %parallel_loop3A_268 = arith.index_cast %parallel_loop3A_267 : i32 to index
        %parallel_loop3A_269 = arith.constant 0 : index
        %parallel_loop3A_270 = tpu.vector_load %arg12[%parallel_loop3A_268, %parallel_loop3A_269] {strides = array<i32>} : memref<32x64xf32, #tpu.memory_space<vmem>>, vector<1x16xf32>,
        %parallel_loop3A_271 = vector.shape_cast %parallel_loop3A_270 : vector<1x16xf32> to vector<16xf32>
        %parallel_loop3A_272 = arith.index_cast %parallel_loop3A_267 : i32 to index
        %parallel_loop3A_273 = arith.constant 16 : index
        %parallel_loop3A_274 = tpu.vector_load %arg12[%parallel_loop3A_272, %parallel_loop3A_273] {strides = array<i32>} : memref<32x64xf32, #tpu.memory_space<vmem>>, vector<1x16xf32>,
        %parallel_loop3A_275 = vector.shape_cast %parallel_loop3A_274 : vector<1x16xf32> to vector<16xf32>
        %parallel_loop3A_276 = arith.index_cast %parallel_loop3A_267 : i32 to index
        %parallel_loop3A_277 = arith.constant 32 : index
        %parallel_loop3A_278 = tpu.vector_load %arg12[%parallel_loop3A_276, %parallel_loop3A_277] {strides = array<i32>} : memref<32x64xf32, #tpu.memory_space<vmem>>, vector<1x16xf32>,
        %parallel_loop3A_279 = vector.shape_cast %parallel_loop3A_278 : vector<1x16xf32> to vector<16xf32>
        %parallel_loop3A_280 = arith.index_cast %parallel_loop3A_267 : i32 to index
        %parallel_loop3A_281 = arith.constant 48 : index
        %parallel_loop3A_282 = tpu.vector_load %arg12[%parallel_loop3A_280, %parallel_loop3A_281] {strides = array<i32>} : memref<32x64xf32, #tpu.memory_space<vmem>>, vector<1x16xf32>,
        %parallel_loop3A_283 = vector.shape_cast %parallel_loop3A_282 : vector<1x16xf32> to vector<16xf32>
        %parallel_loop3A_284 = arith.index_cast %parallel_loop3A_267 : i32 to index
        %parallel_loop3A_285 = arith.constant 0 : index
        %parallel_loop3A_286 = tpu.vector_load %arg14[%parallel_loop3A_284, %parallel_loop3A_285] {strides = array<i32>} : memref<32x64xf32, #tpu.memory_space<vmem>>, vector<1x16xf32>,
        %parallel_loop3A_287 = vector.shape_cast %parallel_loop3A_286 : vector<1x16xf32> to vector<16xf32>
        %parallel_loop3A_288 = arith.index_cast %parallel_loop3A_267 : i32 to index
        %parallel_loop3A_289 = arith.constant 16 : index
        %parallel_loop3A_290 = tpu.vector_load %arg14[%parallel_loop3A_288, %parallel_loop3A_289] {strides = array<i32>} : memref<32x64xf32, #tpu.memory_space<vmem>>, vector<1x16xf32>,
        %parallel_loop3A_291 = vector.shape_cast %parallel_loop3A_290 : vector<1x16xf32> to vector<16xf32>
        %parallel_loop3A_292 = arith.index_cast %parallel_loop3A_267 : i32 to index
        %parallel_loop3A_293 = arith.constant 32 : index
        %parallel_loop3A_294 = tpu.vector_load %arg14[%parallel_loop3A_292, %parallel_loop3A_293] {strides = array<i32>} : memref<32x64xf32, #tpu.memory_space<vmem>>, vector<1x16xf32>,
        %parallel_loop3A_295 = vector.shape_cast %parallel_loop3A_294 : vector<1x16xf32> to vector<16xf32>
        %parallel_loop3A_296 = arith.index_cast %parallel_loop3A_267 : i32 to index
        %parallel_loop3A_297 = arith.constant 48 : index
        %parallel_loop3A_298 = tpu.vector_load %arg14[%parallel_loop3A_296, %parallel_loop3A_297] {strides = array<i32>} : memref<32x64xf32, #tpu.memory_space<vmem>>, vector<1x16xf32>,
        %parallel_loop3A_299 = vector.shape_cast %parallel_loop3A_298 : vector<1x16xf32> to vector<16xf32>
        %parallel_loop3A_300 = arith.mulf %parallel_loop3A_271, %parallel_loop3A_287 : vector<16xf32>
        %parallel_loop3A_301 = arith.mulf %parallel_loop3A_275, %parallel_loop3A_291 : vector<16xf32>
        %parallel_loop3A_302 = arith.addf %parallel_loop3A_300, %parallel_loop3A_301 : vector<16xf32>
        %parallel_loop3A_303 = arith.mulf %parallel_loop3A_279, %parallel_loop3A_295 : vector<16xf32>
        %parallel_loop3A_304 = arith.mulf %parallel_loop3A_283, %parallel_loop3A_299 : vector<16xf32>
        %parallel_loop3A_305 = arith.addf %parallel_loop3A_303, %parallel_loop3A_304 : vector<16xf32>
        %parallel_loop3A_306 = arith.addf %parallel_loop3A_302, %parallel_loop3A_305 : vector<16xf32>
        %parallel_loop3A_307 = arith.index_cast %parallel_loop3A_267 : i32 to index
        %parallel_loop3A_308 = arith.constant 0 : index
        %parallel_loop3A_309 = tpu.vector_load %arg17[%parallel_loop3A_307, %parallel_loop3A_308] {strides = array<i32>} : memref<32x16xf32, #tpu.memory_space<vmem>>, vector<1x16xf32>,
        %parallel_loop3A_310 = vector.shape_cast %parallel_loop3A_309 : vector<1x16xf32> to vector<16xf32>
        %parallel_loop3A_311 = vector.shape_cast %parallel_loop3A_306 : vector<16xf32> to vector<1x16xf32>
        tpu.vector_store %arg17[%parallel_loop3A_307, %parallel_loop3A_308], %parallel_loop3A_311 {strides = array<i32>} : memref<32x16xf32, #tpu.memory_space<vmem>>, vector<1x16xf32>,
        %parallel_loop3A_312 = arith.constant 20 : i32
        %parallel_loop3A_313 = arith.muli %parallel_loop3A_267, %parallel_loop3A_312 : i32
        %parallel_loop3A_314 = arith.constant 0 : i32
        %parallel_loop3A_315 = arith.addi %parallel_loop3A_313, %parallel_loop3A_314 : i32
        %parallel_loop3A_316 = arith.index_cast %parallel_loop3A_315 : i32 to index
        %parallel_loop3A_317 = arith.constant 0 : index
        %parallel_loop3A_318 = tpu.vector_load %arg16[%parallel_loop3A_316, %parallel_loop3A_317] {strides = array<i32>} : memref<640x64xf32, #tpu.memory_space<vmem>>, vector<1x16xf32>,
        %parallel_loop3A_319 = vector.shape_cast %parallel_loop3A_318 : vector<1x16xf32> to vector<16xf32>
        %parallel_loop3A_320 = arith.index_cast %parallel_loop3A_315 : i32 to index
        %parallel_loop3A_321 = arith.constant 16 : index
        %parallel_loop3A_322 = tpu.vector_load %arg16[%parallel_loop3A_320, %parallel_loop3A_321] {strides = array<i32>} : memref<640x64xf32, #tpu.memory_space<vmem>>, vector<1x16xf32>,
        %parallel_loop3A_323 = vector.shape_cast %parallel_loop3A_322 : vector<1x16xf32> to vector<16xf32>
        %parallel_loop3A_324 = arith.index_cast %parallel_loop3A_315 : i32 to index
        %parallel_loop3A_325 = arith.constant 32 : index
        %parallel_loop3A_326 = tpu.vector_load %arg16[%parallel_loop3A_324, %parallel_loop3A_325] {strides = array<i32>} : memref<640x64xf32, #tpu.memory_space<vmem>>, vector<1x16xf32>,
        %parallel_loop3A_327 = vector.shape_cast %parallel_loop3A_326 : vector<1x16xf32> to vector<16xf32>
        %parallel_loop3A_328 = arith.index_cast %parallel_loop3A_315 : i32 to index
        %parallel_loop3A_329 = arith.constant 48 : index
        %parallel_loop3A_330 = tpu.vector_load %arg16[%parallel_loop3A_328, %parallel_loop3A_329] {strides = array<i32>} : memref<640x64xf32, #tpu.memory_space<vmem>>, vector<1x16xf32>,
        %parallel_loop3A_331 = vector.shape_cast %parallel_loop3A_330 : vector<1x16xf32> to vector<16xf32>
        %parallel_loop3A_332 = arith.mulf %parallel_loop3A_271, %parallel_loop3A_319 : vector<16xf32>
        %parallel_loop3A_333 = arith.mulf %parallel_loop3A_275, %parallel_loop3A_323 : vector<16xf32>
        %parallel_loop3A_334 = arith.addf %parallel_loop3A_332, %parallel_loop3A_333 : vector<16xf32>
        %parallel_loop3A_335 = arith.mulf %parallel_loop3A_279, %parallel_loop3A_327 : vector<16xf32>
        %parallel_loop3A_336 = arith.mulf %parallel_loop3A_283, %parallel_loop3A_331 : vector<16xf32>
        %parallel_loop3A_337 = arith.addf %parallel_loop3A_335, %parallel_loop3A_336 : vector<16xf32>
        %parallel_loop3A_338 = arith.addf %parallel_loop3A_334, %parallel_loop3A_337 : vector<16xf32>
        %parallel_loop3A_339 = arith.index_cast %parallel_loop3A_315 : i32 to index
        %parallel_loop3A_340 = arith.constant 0 : index
        %parallel_loop3A_341 = tpu.vector_load %arg18[%parallel_loop3A_339, %parallel_loop3A_340] {strides = array<i32>} : memref<640x16xf32, #tpu.memory_space<vmem>>, vector<1x16xf32>,
        %parallel_loop3A_342 = vector.shape_cast %parallel_loop3A_341 : vector<1x16xf32> to vector<16xf32>
        %parallel_loop3A_343 = vector.shape_cast %parallel_loop3A_338 : vector<16xf32> to vector<1x16xf32>
        tpu.vector_store %arg18[%parallel_loop3A_339, %parallel_loop3A_340], %parallel_loop3A_343 {strides = array<i32>} : memref<640x16xf32, #tpu.memory_space<vmem>>, vector<1x16xf32>,
        %parallel_loop3A_344 = arith.constant 20 : i32
        %parallel_loop3A_345 = arith.muli %parallel_loop3A_267, %parallel_loop3A_344 : i32
        %parallel_loop3A_346 = arith.constant 1 : i32
        %parallel_loop3A_347 = arith.addi %parallel_loop3A_345, %parallel_loop3A_346 : i32
        %parallel_loop3A_348 = arith.index_cast %parallel_loop3A_347 : i32 to index
        %parallel_loop3A_349 = arith.constant 0 : index
        %parallel_loop3A_350 = tpu.vector_load %arg16[%parallel_loop3A_348, %parallel_loop3A_349] {strides = array<i32>} : memref<640x64xf32, #tpu.memory_space<vmem>>, vector<1x16xf32>,
        %parallel_loop3A_351 = vector.shape_cast %parallel_loop3A_350 : vector<1x16xf32> to vector<16xf32>
        %parallel_loop3A_352 = arith.index_cast %parallel_loop3A_347 : i32 to index
        %parallel_loop3A_353 = arith.constant 16 : index
        %parallel_loop3A_354 = tpu.vector_load %arg16[%parallel_loop3A_352, %parallel_loop3A_353] {strides = array<i32>} : memref<640x64xf32, #tpu.memory_space<vmem>>, vector<1x16xf32>,
        %parallel_loop3A_355 = vector.shape_cast %parallel_loop3A_354 : vector<1x16xf32> to vector<16xf32>
        %parallel_loop3A_356 = arith.index_cast %parallel_loop3A_347 : i32 to index
        %parallel_loop3A_357 = arith.constant 32 : index
        %parallel_loop3A_358 = tpu.vector_load %arg16[%parallel_loop3A_356, %parallel_loop3A_357] {strides = array<i32>} : memref<640x64xf32, #tpu.memory_space<vmem>>, vector<1x16xf32>,
        %parallel_loop3A_359 = vector.shape_cast %parallel_loop3A_358 : vector<1x16xf32> to vector<16xf32>
        %parallel_loop3A_360 = arith.index_cast %parallel_loop3A_347 : i32 to index
        %parallel_loop3A_361 = arith.constant 48 : index
        %parallel_loop3A_362 = tpu.vector_load %arg16[%parallel_loop3A_360, %parallel_loop3A_361] {strides = array<i32>} : memref<640x64xf32, #tpu.memory_space<vmem>>, vector<1x16xf32>,
        %parallel_loop3A_363 = vector.shape_cast %parallel_loop3A_362 : vector<1x16xf32> to vector<16xf32>
        %parallel_loop3A_364 = arith.mulf %parallel_loop3A_271, %parallel_loop3A_351 : vector<16xf32>
        %parallel_loop3A_365 = arith.mulf %parallel_loop3A_275, %parallel_loop3A_355 : vector<16xf32>
        %parallel_loop3A_366 = arith.addf %parallel_loop3A_364, %parallel_loop3A_365 : vector<16xf32>
        %parallel_loop3A_367 = arith.mulf %parallel_loop3A_279, %parallel_loop3A_359 : vector<16xf32>
        %parallel_loop3A_368 = arith.mulf %parallel_loop3A_283, %parallel_loop3A_363 : vector<16xf32>
        %parallel_loop3A_369 = arith.addf %parallel_loop3A_367, %parallel_loop3A_368 : vector<16xf32>
        %parallel_loop3A_370 = arith.addf %parallel_loop3A_366, %parallel_loop3A_369 : vector<16xf32>
        %parallel_loop3A_371 = arith.index_cast %parallel_loop3A_347 : i32 to index
        %parallel_loop3A_372 = arith.constant 0 : index
        %parallel_loop3A_373 = tpu.vector_load %arg18[%parallel_loop3A_371, %parallel_loop3A_372] {strides = array<i32>} : memref<640x16xf32, #tpu.memory_space<vmem>>, vector<1x16xf32>,
        %parallel_loop3A_374 = vector.shape_cast %parallel_loop3A_373 : vector<1x16xf32> to vector<16xf32>
        %parallel_loop3A_375 = vector.shape_cast %parallel_loop3A_370 : vector<16xf32> to vector<1x16xf32>
        tpu.vector_store %arg18[%parallel_loop3A_371, %parallel_loop3A_372], %parallel_loop3A_375 {strides = array<i32>} : memref<640x16xf32, #tpu.memory_space<vmem>>, vector<1x16xf32>,
        %parallel_loop3A_376 = arith.constant 20 : i32
        %parallel_loop3A_377 = arith.muli %parallel_loop3A_267, %parallel_loop3A_376 : i32
        %parallel_loop3A_378 = arith.constant 2 : i32
        %parallel_loop3A_379 = arith.addi %parallel_loop3A_377, %parallel_loop3A_378 : i32
        %parallel_loop3A_380 = arith.index_cast %parallel_loop3A_379 : i32 to index
        %parallel_loop3A_381 = arith.constant 0 : index
        %parallel_loop3A_382 = tpu.vector_load %arg16[%parallel_loop3A_380, %parallel_loop3A_381] {strides = array<i32>} : memref<640x64xf32, #tpu.memory_space<vmem>>, vector<1x16xf32>,
        %parallel_loop3A_383 = vector.shape_cast %parallel_loop3A_382 : vector<1x16xf32> to vector<16xf32>
        %parallel_loop3A_384 = arith.index_cast %parallel_loop3A_379 : i32 to index
        %parallel_loop3A_385 = arith.constant 16 : index
        %parallel_loop3A_386 = tpu.vector_load %arg16[%parallel_loop3A_384, %parallel_loop3A_385] {strides = array<i32>} : memref<640x64xf32, #tpu.memory_space<vmem>>, vector<1x16xf32>,
        %parallel_loop3A_387 = vector.shape_cast %parallel_loop3A_386 : vector<1x16xf32> to vector<16xf32>
        %parallel_loop3A_388 = arith.index_cast %parallel_loop3A_379 : i32 to index
        %parallel_loop3A_389 = arith.constant 32 : index
        %parallel_loop3A_390 = tpu.vector_load %arg16[%parallel_loop3A_388, %parallel_loop3A_389] {strides = array<i32>} : memref<640x64xf32, #tpu.memory_space<vmem>>, vector<1x16xf32>,
        %parallel_loop3A_391 = vector.shape_cast %parallel_loop3A_390 : vector<1x16xf32> to vector<16xf32>
        %parallel_loop3A_392 = arith.index_cast %parallel_loop3A_379 : i32 to index
        %parallel_loop3A_393 = arith.constant 48 : index
        %parallel_loop3A_394 = tpu.vector_load %arg16[%parallel_loop3A_392, %parallel_loop3A_393] {strides = array<i32>} : memref<640x64xf32, #tpu.memory_space<vmem>>, vector<1x16xf32>,
        %parallel_loop3A_395 = vector.shape_cast %parallel_loop3A_394 : vector<1x16xf32> to vector<16xf32>
        %parallel_loop3A_396 = arith.mulf %parallel_loop3A_271, %parallel_loop3A_383 : vector<16xf32>
        %parallel_loop3A_397 = arith.mulf %parallel_loop3A_275, %parallel_loop3A_387 : vector<16xf32>
        %parallel_loop3A_398 = arith.addf %parallel_loop3A_396, %parallel_loop3A_397 : vector<16xf32>
        %parallel_loop3A_399 = arith.mulf %parallel_loop3A_279, %parallel_loop3A_391 : vector<16xf32>
        %parallel_loop3A_400 = arith.mulf %parallel_loop3A_283, %parallel_loop3A_395 : vector<16xf32>
        %parallel_loop3A_401 = arith.addf %parallel_loop3A_399, %parallel_loop3A_400 : vector<16xf32>
        %parallel_loop3A_402 = arith.addf %parallel_loop3A_398, %parallel_loop3A_401 : vector<16xf32>
        %parallel_loop3A_403 = arith.index_cast %parallel_loop3A_379 : i32 to index
        %parallel_loop3A_404 = arith.constant 0 : index
        %parallel_loop3A_405 = tpu.vector_load %arg18[%parallel_loop3A_403, %parallel_loop3A_404] {strides = array<i32>} : memref<640x16xf32, #tpu.memory_space<vmem>>, vector<1x16xf32>,
        %parallel_loop3A_406 = vector.shape_cast %parallel_loop3A_405 : vector<1x16xf32> to vector<16xf32>
        %parallel_loop3A_407 = vector.shape_cast %parallel_loop3A_402 : vector<16xf32> to vector<1x16xf32>
        tpu.vector_store %arg18[%parallel_loop3A_403, %parallel_loop3A_404], %parallel_loop3A_407 {strides = array<i32>} : memref<640x16xf32, #tpu.memory_space<vmem>>, vector<1x16xf32>,
        %parallel_loop3A_408 = arith.constant 20 : i32
        %parallel_loop3A_409 = arith.muli %parallel_loop3A_267, %parallel_loop3A_408 : i32
        %parallel_loop3A_410 = arith.constant 3 : i32
        %parallel_loop3A_411 = arith.addi %parallel_loop3A_409, %parallel_loop3A_410 : i32
        %parallel_loop3A_412 = arith.index_cast %parallel_loop3A_411 : i32 to index
        %parallel_loop3A_413 = arith.constant 0 : index
        %parallel_loop3A_414 = tpu.vector_load %arg16[%parallel_loop3A_412, %parallel_loop3A_413] {strides = array<i32>} : memref<640x64xf32, #tpu.memory_space<vmem>>, vector<1x16xf32>,
        %parallel_loop3A_415 = vector.shape_cast %parallel_loop3A_414 : vector<1x16xf32> to vector<16xf32>
        %parallel_loop3A_416 = arith.index_cast %parallel_loop3A_411 : i32 to index
        %parallel_loop3A_417 = arith.constant 16 : index
        %parallel_loop3A_418 = tpu.vector_load %arg16[%parallel_loop3A_416, %parallel_loop3A_417] {strides = array<i32>} : memref<640x64xf32, #tpu.memory_space<vmem>>, vector<1x16xf32>,
        %parallel_loop3A_419 = vector.shape_cast %parallel_loop3A_418 : vector<1x16xf32> to vector<16xf32>
        %parallel_loop3A_420 = arith.index_cast %parallel_loop3A_411 : i32 to index
        %parallel_loop3A_421 = arith.constant 32 : index
        %parallel_loop3A_422 = tpu.vector_load %arg16[%parallel_loop3A_420, %parallel_loop3A_421] {strides = array<i32>} : memref<640x64xf32, #tpu.memory_space<vmem>>, vector<1x16xf32>,
        %parallel_loop3A_423 = vector.shape_cast %parallel_loop3A_422 : vector<1x16xf32> to vector<16xf32>
        %parallel_loop3A_424 = arith.index_cast %parallel_loop3A_411 : i32 to index
        %parallel_loop3A_425 = arith.constant 48 : index
        %parallel_loop3A_426 = tpu.vector_load %arg16[%parallel_loop3A_424, %parallel_loop3A_425] {strides = array<i32>} : memref<640x64xf32, #tpu.memory_space<vmem>>, vector<1x16xf32>,
        %parallel_loop3A_427 = vector.shape_cast %parallel_loop3A_426 : vector<1x16xf32> to vector<16xf32>
        %parallel_loop3A_428 = arith.mulf %parallel_loop3A_271, %parallel_loop3A_415 : vector<16xf32>
        %parallel_loop3A_429 = arith.mulf %parallel_loop3A_275, %parallel_loop3A_419 : vector<16xf32>
        %parallel_loop3A_430 = arith.addf %parallel_loop3A_428, %parallel_loop3A_429 : vector<16xf32>
        %parallel_loop3A_431 = arith.mulf %parallel_loop3A_279, %parallel_loop3A_423 : vector<16xf32>
        %parallel_loop3A_432 = arith.mulf %parallel_loop3A_283, %parallel_loop3A_427 : vector<16xf32>
        %parallel_loop3A_433 = arith.addf %parallel_loop3A_431, %parallel_loop3A_432 : vector<16xf32>
        %parallel_loop3A_434 = arith.addf %parallel_loop3A_430, %parallel_loop3A_433 : vector<16xf32>
        %parallel_loop3A_435 = arith.index_cast %parallel_loop3A_411 : i32 to index
        %parallel_loop3A_436 = arith.constant 0 : index
        %parallel_loop3A_437 = tpu.vector_load %arg18[%parallel_loop3A_435, %parallel_loop3A_436] {strides = array<i32>} : memref<640x16xf32, #tpu.memory_space<vmem>>, vector<1x16xf32>,
        %parallel_loop3A_438 = vector.shape_cast %parallel_loop3A_437 : vector<1x16xf32> to vector<16xf32>
        %parallel_loop3A_439 = vector.shape_cast %parallel_loop3A_434 : vector<16xf32> to vector<1x16xf32>
        tpu.vector_store %arg18[%parallel_loop3A_435, %parallel_loop3A_436], %parallel_loop3A_439 {strides = array<i32>} : memref<640x16xf32, #tpu.memory_space<vmem>>, vector<1x16xf32>,
        %parallel_loop3A_440 = arith.constant 20 : i32
        %parallel_loop3A_441 = arith.muli %parallel_loop3A_267, %parallel_loop3A_440 : i32
        %parallel_loop3A_442 = arith.constant 4 : i32
        %parallel_loop3A_443 = arith.addi %parallel_loop3A_441, %parallel_loop3A_442 : i32
        %parallel_loop3A_444 = arith.index_cast %parallel_loop3A_443 : i32 to index
        %parallel_loop3A_445 = arith.constant 0 : index
        %parallel_loop3A_446 = tpu.vector_load %arg16[%parallel_loop3A_444, %parallel_loop3A_445] {strides = array<i32>} : memref<640x64xf32, #tpu.memory_space<vmem>>, vector<1x16xf32>,
        %parallel_loop3A_447 = vector.shape_cast %parallel_loop3A_446 : vector<1x16xf32> to vector<16xf32>
        %parallel_loop3A_448 = arith.index_cast %parallel_loop3A_443 : i32 to index
        %parallel_loop3A_449 = arith.constant 16 : index
        %parallel_loop3A_450 = tpu.vector_load %arg16[%parallel_loop3A_448, %parallel_loop3A_449] {strides = array<i32>} : memref<640x64xf32, #tpu.memory_space<vmem>>, vector<1x16xf32>,
        %parallel_loop3A_451 = vector.shape_cast %parallel_loop3A_450 : vector<1x16xf32> to vector<16xf32>
        %parallel_loop3A_452 = arith.index_cast %parallel_loop3A_443 : i32 to index
        %parallel_loop3A_453 = arith.constant 32 : index
        %parallel_loop3A_454 = tpu.vector_load %arg16[%parallel_loop3A_452, %parallel_loop3A_453] {strides = array<i32>} : memref<640x64xf32, #tpu.memory_space<vmem>>, vector<1x16xf32>,
        %parallel_loop3A_455 = vector.shape_cast %parallel_loop3A_454 : vector<1x16xf32> to vector<16xf32>
        %parallel_loop3A_456 = arith.index_cast %parallel_loop3A_443 : i32 to index
        %parallel_loop3A_457 = arith.constant 48 : index
        %parallel_loop3A_458 = tpu.vector_load %arg16[%parallel_loop3A_456, %parallel_loop3A_457] {strides = array<i32>} : memref<640x64xf32, #tpu.memory_space<vmem>>, vector<1x16xf32>,
        %parallel_loop3A_459 = vector.shape_cast %parallel_loop3A_458 : vector<1x16xf32> to vector<16xf32>
        %parallel_loop3A_460 = arith.mulf %parallel_loop3A_271, %parallel_loop3A_447 : vector<16xf32>
        %parallel_loop3A_461 = arith.mulf %parallel_loop3A_275, %parallel_loop3A_451 : vector<16xf32>
        %parallel_loop3A_462 = arith.addf %parallel_loop3A_460, %parallel_loop3A_461 : vector<16xf32>
        %parallel_loop3A_463 = arith.mulf %parallel_loop3A_279, %parallel_loop3A_455 : vector<16xf32>
        %parallel_loop3A_464 = arith.mulf %parallel_loop3A_283, %parallel_loop3A_459 : vector<16xf32>
        %parallel_loop3A_465 = arith.addf %parallel_loop3A_463, %parallel_loop3A_464 : vector<16xf32>
        %parallel_loop3A_466 = arith.addf %parallel_loop3A_462, %parallel_loop3A_465 : vector<16xf32>
        %parallel_loop3A_467 = arith.index_cast %parallel_loop3A_443 : i32 to index
        %parallel_loop3A_468 = arith.constant 0 : index
        %parallel_loop3A_469 = tpu.vector_load %arg18[%parallel_loop3A_467, %parallel_loop3A_468] {strides = array<i32>} : memref<640x16xf32, #tpu.memory_space<vmem>>, vector<1x16xf32>,
        %parallel_loop3A_470 = vector.shape_cast %parallel_loop3A_469 : vector<1x16xf32> to vector<16xf32>
        %parallel_loop3A_471 = vector.shape_cast %parallel_loop3A_466 : vector<16xf32> to vector<1x16xf32>
        tpu.vector_store %arg18[%parallel_loop3A_467, %parallel_loop3A_468], %parallel_loop3A_471 {strides = array<i32>} : memref<640x16xf32, #tpu.memory_space<vmem>>, vector<1x16xf32>,
        %parallel_loop3A_472 = arith.constant 20 : i32
        %parallel_loop3A_473 = arith.muli %parallel_loop3A_267, %parallel_loop3A_472 : i32
        %parallel_loop3A_474 = arith.constant 5 : i32
        %parallel_loop3A_475 = arith.addi %parallel_loop3A_473, %parallel_loop3A_474 : i32
        %parallel_loop3A_476 = arith.index_cast %parallel_loop3A_475 : i32 to index
        %parallel_loop3A_477 = arith.constant 0 : index
        %parallel_loop3A_478 = tpu.vector_load %arg16[%parallel_loop3A_476, %parallel_loop3A_477] {strides = array<i32>} : memref<640x64xf32, #tpu.memory_space<vmem>>, vector<1x16xf32>,
        %parallel_loop3A_479 = vector.shape_cast %parallel_loop3A_478 : vector<1x16xf32> to vector<16xf32>
        %parallel_loop3A_480 = arith.index_cast %parallel_loop3A_475 : i32 to index
        %parallel_loop3A_481 = arith.constant 16 : index
        %parallel_loop3A_482 = tpu.vector_load %arg16[%parallel_loop3A_480, %parallel_loop3A_481] {strides = array<i32>} : memref<640x64xf32, #tpu.memory_space<vmem>>, vector<1x16xf32>,
        %parallel_loop3A_483 = vector.shape_cast %parallel_loop3A_482 : vector<1x16xf32> to vector<16xf32>
        %parallel_loop3A_484 = arith.index_cast %parallel_loop3A_475 : i32 to index
        %parallel_loop3A_485 = arith.constant 32 : index
        %parallel_loop3A_486 = tpu.vector_load %arg16[%parallel_loop3A_484, %parallel_loop3A_485] {strides = array<i32>} : memref<640x64xf32, #tpu.memory_space<vmem>>, vector<1x16xf32>,
        %parallel_loop3A_487 = vector.shape_cast %parallel_loop3A_486 : vector<1x16xf32> to vector<16xf32>
        %parallel_loop3A_488 = arith.index_cast %parallel_loop3A_475 : i32 to index
        %parallel_loop3A_489 = arith.constant 48 : index
        %parallel_loop3A_490 = tpu.vector_load %arg16[%parallel_loop3A_488, %parallel_loop3A_489] {strides = array<i32>} : memref<640x64xf32, #tpu.memory_space<vmem>>, vector<1x16xf32>,
        %parallel_loop3A_491 = vector.shape_cast %parallel_loop3A_490 : vector<1x16xf32> to vector<16xf32>
        %parallel_loop3A_492 = arith.mulf %parallel_loop3A_271, %parallel_loop3A_479 : vector<16xf32>
        %parallel_loop3A_493 = arith.mulf %parallel_loop3A_275, %parallel_loop3A_483 : vector<16xf32>
        %parallel_loop3A_494 = arith.addf %parallel_loop3A_492, %parallel_loop3A_493 : vector<16xf32>
        %parallel_loop3A_495 = arith.mulf %parallel_loop3A_279, %parallel_loop3A_487 : vector<16xf32>
        %parallel_loop3A_496 = arith.mulf %parallel_loop3A_283, %parallel_loop3A_491 : vector<16xf32>
        %parallel_loop3A_497 = arith.addf %parallel_loop3A_495, %parallel_loop3A_496 : vector<16xf32>
        %parallel_loop3A_498 = arith.addf %parallel_loop3A_494, %parallel_loop3A_497 : vector<16xf32>
        %parallel_loop3A_499 = arith.index_cast %parallel_loop3A_475 : i32 to index
        %parallel_loop3A_500 = arith.constant 0 : index
        %parallel_loop3A_501 = tpu.vector_load %arg18[%parallel_loop3A_499, %parallel_loop3A_500] {strides = array<i32>} : memref<640x16xf32, #tpu.memory_space<vmem>>, vector<1x16xf32>,
        %parallel_loop3A_502 = vector.shape_cast %parallel_loop3A_501 : vector<1x16xf32> to vector<16xf32>
        %parallel_loop3A_503 = vector.shape_cast %parallel_loop3A_498 : vector<16xf32> to vector<1x16xf32>
        tpu.vector_store %arg18[%parallel_loop3A_499, %parallel_loop3A_500], %parallel_loop3A_503 {strides = array<i32>} : memref<640x16xf32, #tpu.memory_space<vmem>>, vector<1x16xf32>,
        %parallel_loop3A_504 = arith.constant 20 : i32
        %parallel_loop3A_505 = arith.muli %parallel_loop3A_267, %parallel_loop3A_504 : i32
        %parallel_loop3A_506 = arith.constant 6 : i32
        %parallel_loop3A_507 = arith.addi %parallel_loop3A_505, %parallel_loop3A_506 : i32
        %parallel_loop3A_508 = arith.index_cast %parallel_loop3A_507 : i32 to index
        %parallel_loop3A_509 = arith.constant 0 : index
        %parallel_loop3A_510 = tpu.vector_load %arg16[%parallel_loop3A_508, %parallel_loop3A_509] {strides = array<i32>} : memref<640x64xf32, #tpu.memory_space<vmem>>, vector<1x16xf32>,
        %parallel_loop3A_511 = vector.shape_cast %parallel_loop3A_510 : vector<1x16xf32> to vector<16xf32>
        %parallel_loop3A_512 = arith.index_cast %parallel_loop3A_507 : i32 to index
        %parallel_loop3A_513 = arith.constant 16 : index
        %parallel_loop3A_514 = tpu.vector_load %arg16[%parallel_loop3A_512, %parallel_loop3A_513] {strides = array<i32>} : memref<640x64xf32, #tpu.memory_space<vmem>>, vector<1x16xf32>,
        %parallel_loop3A_515 = vector.shape_cast %parallel_loop3A_514 : vector<1x16xf32> to vector<16xf32>
        %parallel_loop3A_516 = arith.index_cast %parallel_loop3A_507 : i32 to index
        %parallel_loop3A_517 = arith.constant 32 : index
        %parallel_loop3A_518 = tpu.vector_load %arg16[%parallel_loop3A_516, %parallel_loop3A_517] {strides = array<i32>} : memref<640x64xf32, #tpu.memory_space<vmem>>, vector<1x16xf32>,
        %parallel_loop3A_519 = vector.shape_cast %parallel_loop3A_518 : vector<1x16xf32> to vector<16xf32>
        %parallel_loop3A_520 = arith.index_cast %parallel_loop3A_507 : i32 to index
        %parallel_loop3A_521 = arith.constant 48 : index
        %parallel_loop3A_522 = tpu.vector_load %arg16[%parallel_loop3A_520, %parallel_loop3A_521] {strides = array<i32>} : memref<640x64xf32, #tpu.memory_space<vmem>>, vector<1x16xf32>,
        %parallel_loop3A_523 = vector.shape_cast %parallel_loop3A_522 : vector<1x16xf32> to vector<16xf32>
        %parallel_loop3A_524 = arith.mulf %parallel_loop3A_271, %parallel_loop3A_511 : vector<16xf32>
        %parallel_loop3A_525 = arith.mulf %parallel_loop3A_275, %parallel_loop3A_515 : vector<16xf32>
        %parallel_loop3A_526 = arith.addf %parallel_loop3A_524, %parallel_loop3A_525 : vector<16xf32>
        %parallel_loop3A_527 = arith.mulf %parallel_loop3A_279, %parallel_loop3A_519 : vector<16xf32>
        %parallel_loop3A_528 = arith.mulf %parallel_loop3A_283, %parallel_loop3A_523 : vector<16xf32>
        %parallel_loop3A_529 = arith.addf %parallel_loop3A_527, %parallel_loop3A_528 : vector<16xf32>
        %parallel_loop3A_530 = arith.addf %parallel_loop3A_526, %parallel_loop3A_529 : vector<16xf32>
        %parallel_loop3A_531 = arith.index_cast %parallel_loop3A_507 : i32 to index
        %parallel_loop3A_532 = arith.constant 0 : index
        %parallel_loop3A_533 = tpu.vector_load %arg18[%parallel_loop3A_531, %parallel_loop3A_532] {strides = array<i32>} : memref<640x16xf32, #tpu.memory_space<vmem>>, vector<1x16xf32>,
        %parallel_loop3A_534 = vector.shape_cast %parallel_loop3A_533 : vector<1x16xf32> to vector<16xf32>
        %parallel_loop3A_535 = vector.shape_cast %parallel_loop3A_530 : vector<16xf32> to vector<1x16xf32>
        tpu.vector_store %arg18[%parallel_loop3A_531, %parallel_loop3A_532], %parallel_loop3A_535 {strides = array<i32>} : memref<640x16xf32, #tpu.memory_space<vmem>>, vector<1x16xf32>,
        %parallel_loop3A_536 = arith.constant 20 : i32
        %parallel_loop3A_537 = arith.muli %parallel_loop3A_267, %parallel_loop3A_536 : i32
        %parallel_loop3A_538 = arith.constant 7 : i32
        %parallel_loop3A_539 = arith.addi %parallel_loop3A_537, %parallel_loop3A_538 : i32
        %parallel_loop3A_540 = arith.index_cast %parallel_loop3A_539 : i32 to index
        %parallel_loop3A_541 = arith.constant 0 : index
        %parallel_loop3A_542 = tpu.vector_load %arg16[%parallel_loop3A_540, %parallel_loop3A_541] {strides = array<i32>} : memref<640x64xf32, #tpu.memory_space<vmem>>, vector<1x16xf32>,
        %parallel_loop3A_543 = vector.shape_cast %parallel_loop3A_542 : vector<1x16xf32> to vector<16xf32>
        %parallel_loop3A_544 = arith.index_cast %parallel_loop3A_539 : i32 to index
        %parallel_loop3A_545 = arith.constant 16 : index
        %parallel_loop3A_546 = tpu.vector_load %arg16[%parallel_loop3A_544, %parallel_loop3A_545] {strides = array<i32>} : memref<640x64xf32, #tpu.memory_space<vmem>>, vector<1x16xf32>,
        %parallel_loop3A_547 = vector.shape_cast %parallel_loop3A_546 : vector<1x16xf32> to vector<16xf32>
        %parallel_loop3A_548 = arith.index_cast %parallel_loop3A_539 : i32 to index
        %parallel_loop3A_549 = arith.constant 32 : index
        %parallel_loop3A_550 = tpu.vector_load %arg16[%parallel_loop3A_548, %parallel_loop3A_549] {strides = array<i32>} : memref<640x64xf32, #tpu.memory_space<vmem>>, vector<1x16xf32>,
        %parallel_loop3A_551 = vector.shape_cast %parallel_loop3A_550 : vector<1x16xf32> to vector<16xf32>
        %parallel_loop3A_552 = arith.index_cast %parallel_loop3A_539 : i32 to index
        %parallel_loop3A_553 = arith.constant 48 : index
        %parallel_loop3A_554 = tpu.vector_load %arg16[%parallel_loop3A_552, %parallel_loop3A_553] {strides = array<i32>} : memref<640x64xf32, #tpu.memory_space<vmem>>, vector<1x16xf32>,
        %parallel_loop3A_555 = vector.shape_cast %parallel_loop3A_554 : vector<1x16xf32> to vector<16xf32>
        %parallel_loop3A_556 = arith.mulf %parallel_loop3A_271, %parallel_loop3A_543 : vector<16xf32>
        %parallel_loop3A_557 = arith.mulf %parallel_loop3A_275, %parallel_loop3A_547 : vector<16xf32>
        %parallel_loop3A_558 = arith.addf %parallel_loop3A_556, %parallel_loop3A_557 : vector<16xf32>
        %parallel_loop3A_559 = arith.mulf %parallel_loop3A_279, %parallel_loop3A_551 : vector<16xf32>
        %parallel_loop3A_560 = arith.mulf %parallel_loop3A_283, %parallel_loop3A_555 : vector<16xf32>
        %parallel_loop3A_561 = arith.addf %parallel_loop3A_559, %parallel_loop3A_560 : vector<16xf32>
        %parallel_loop3A_562 = arith.addf %parallel_loop3A_558, %parallel_loop3A_561 : vector<16xf32>
        %parallel_loop3A_563 = arith.index_cast %parallel_loop3A_539 : i32 to index
        %parallel_loop3A_564 = arith.constant 0 : index
        %parallel_loop3A_565 = tpu.vector_load %arg18[%parallel_loop3A_563, %parallel_loop3A_564] {strides = array<i32>} : memref<640x16xf32, #tpu.memory_space<vmem>>, vector<1x16xf32>,
        %parallel_loop3A_566 = vector.shape_cast %parallel_loop3A_565 : vector<1x16xf32> to vector<16xf32>
        %parallel_loop3A_567 = vector.shape_cast %parallel_loop3A_562 : vector<16xf32> to vector<1x16xf32>
        tpu.vector_store %arg18[%parallel_loop3A_563, %parallel_loop3A_564], %parallel_loop3A_567 {strides = array<i32>} : memref<640x16xf32, #tpu.memory_space<vmem>>, vector<1x16xf32>,
        %parallel_loop3A_568 = arith.constant 20 : i32
        %parallel_loop3A_569 = arith.muli %parallel_loop3A_267, %parallel_loop3A_568 : i32
        %parallel_loop3A_570 = arith.constant 8 : i32
        %parallel_loop3A_571 = arith.addi %parallel_loop3A_569, %parallel_loop3A_570 : i32
        %parallel_loop3A_572 = arith.index_cast %parallel_loop3A_571 : i32 to index
        %parallel_loop3A_573 = arith.constant 0 : index
        %parallel_loop3A_574 = tpu.vector_load %arg16[%parallel_loop3A_572, %parallel_loop3A_573] {strides = array<i32>} : memref<640x64xf32, #tpu.memory_space<vmem>>, vector<1x16xf32>,
        %parallel_loop3A_575 = vector.shape_cast %parallel_loop3A_574 : vector<1x16xf32> to vector<16xf32>
        %parallel_loop3A_576 = arith.index_cast %parallel_loop3A_571 : i32 to index
        %parallel_loop3A_577 = arith.constant 16 : index
        %parallel_loop3A_578 = tpu.vector_load %arg16[%parallel_loop3A_576, %parallel_loop3A_577] {strides = array<i32>} : memref<640x64xf32, #tpu.memory_space<vmem>>, vector<1x16xf32>,
        %parallel_loop3A_579 = vector.shape_cast %parallel_loop3A_578 : vector<1x16xf32> to vector<16xf32>
        %parallel_loop3A_580 = arith.index_cast %parallel_loop3A_571 : i32 to index
        %parallel_loop3A_581 = arith.constant 32 : index
        %parallel_loop3A_582 = tpu.vector_load %arg16[%parallel_loop3A_580, %parallel_loop3A_581] {strides = array<i32>} : memref<640x64xf32, #tpu.memory_space<vmem>>, vector<1x16xf32>,
        %parallel_loop3A_583 = vector.shape_cast %parallel_loop3A_582 : vector<1x16xf32> to vector<16xf32>
        %parallel_loop3A_584 = arith.index_cast %parallel_loop3A_571 : i32 to index
        %parallel_loop3A_585 = arith.constant 48 : index
        %parallel_loop3A_586 = tpu.vector_load %arg16[%parallel_loop3A_584, %parallel_loop3A_585] {strides = array<i32>} : memref<640x64xf32, #tpu.memory_space<vmem>>, vector<1x16xf32>,
        %parallel_loop3A_587 = vector.shape_cast %parallel_loop3A_586 : vector<1x16xf32> to vector<16xf32>
        %parallel_loop3A_588 = arith.mulf %parallel_loop3A_271, %parallel_loop3A_575 : vector<16xf32>
        %parallel_loop3A_589 = arith.mulf %parallel_loop3A_275, %parallel_loop3A_579 : vector<16xf32>
        %parallel_loop3A_590 = arith.addf %parallel_loop3A_588, %parallel_loop3A_589 : vector<16xf32>
        %parallel_loop3A_591 = arith.mulf %parallel_loop3A_279, %parallel_loop3A_583 : vector<16xf32>
        %parallel_loop3A_592 = arith.mulf %parallel_loop3A_283, %parallel_loop3A_587 : vector<16xf32>
        %parallel_loop3A_593 = arith.addf %parallel_loop3A_591, %parallel_loop3A_592 : vector<16xf32>
        %parallel_loop3A_594 = arith.addf %parallel_loop3A_590, %parallel_loop3A_593 : vector<16xf32>
        %parallel_loop3A_595 = arith.index_cast %parallel_loop3A_571 : i32 to index
        %parallel_loop3A_596 = arith.constant 0 : index
        %parallel_loop3A_597 = tpu.vector_load %arg18[%parallel_loop3A_595, %parallel_loop3A_596] {strides = array<i32>} : memref<640x16xf32, #tpu.memory_space<vmem>>, vector<1x16xf32>,
        %parallel_loop3A_598 = vector.shape_cast %parallel_loop3A_597 : vector<1x16xf32> to vector<16xf32>
        %parallel_loop3A_599 = vector.shape_cast %parallel_loop3A_594 : vector<16xf32> to vector<1x16xf32>
        tpu.vector_store %arg18[%parallel_loop3A_595, %parallel_loop3A_596], %parallel_loop3A_599 {strides = array<i32>} : memref<640x16xf32, #tpu.memory_space<vmem>>, vector<1x16xf32>,
        %parallel_loop3A_600 = arith.constant 20 : i32
        %parallel_loop3A_601 = arith.muli %parallel_loop3A_267, %parallel_loop3A_600 : i32
        %parallel_loop3A_602 = arith.constant 9 : i32
        %parallel_loop3A_603 = arith.addi %parallel_loop3A_601, %parallel_loop3A_602 : i32
        %parallel_loop3A_604 = arith.index_cast %parallel_loop3A_603 : i32 to index
        %parallel_loop3A_605 = arith.constant 0 : index
        %parallel_loop3A_606 = tpu.vector_load %arg16[%parallel_loop3A_604, %parallel_loop3A_605] {strides = array<i32>} : memref<640x64xf32, #tpu.memory_space<vmem>>, vector<1x16xf32>,
        %parallel_loop3A_607 = vector.shape_cast %parallel_loop3A_606 : vector<1x16xf32> to vector<16xf32>
        %parallel_loop3A_608 = arith.index_cast %parallel_loop3A_603 : i32 to index
        %parallel_loop3A_609 = arith.constant 16 : index
        %parallel_loop3A_610 = tpu.vector_load %arg16[%parallel_loop3A_608, %parallel_loop3A_609] {strides = array<i32>} : memref<640x64xf32, #tpu.memory_space<vmem>>, vector<1x16xf32>,
        %parallel_loop3A_611 = vector.shape_cast %parallel_loop3A_610 : vector<1x16xf32> to vector<16xf32>
        %parallel_loop3A_612 = arith.index_cast %parallel_loop3A_603 : i32 to index
        %parallel_loop3A_613 = arith.constant 32 : index
        %parallel_loop3A_614 = tpu.vector_load %arg16[%parallel_loop3A_612, %parallel_loop3A_613] {strides = array<i32>} : memref<640x64xf32, #tpu.memory_space<vmem>>, vector<1x16xf32>,
        %parallel_loop3A_615 = vector.shape_cast %parallel_loop3A_614 : vector<1x16xf32> to vector<16xf32>
        %parallel_loop3A_616 = arith.index_cast %parallel_loop3A_603 : i32 to index
        %parallel_loop3A_617 = arith.constant 48 : index
        %parallel_loop3A_618 = tpu.vector_load %arg16[%parallel_loop3A_616, %parallel_loop3A_617] {strides = array<i32>} : memref<640x64xf32, #tpu.memory_space<vmem>>, vector<1x16xf32>,
        %parallel_loop3A_619 = vector.shape_cast %parallel_loop3A_618 : vector<1x16xf32> to vector<16xf32>
        %parallel_loop3A_620 = arith.mulf %parallel_loop3A_271, %parallel_loop3A_607 : vector<16xf32>
        %parallel_loop3A_621 = arith.mulf %parallel_loop3A_275, %parallel_loop3A_611 : vector<16xf32>
        %parallel_loop3A_622 = arith.addf %parallel_loop3A_620, %parallel_loop3A_621 : vector<16xf32>
        %parallel_loop3A_623 = arith.mulf %parallel_loop3A_279, %parallel_loop3A_615 : vector<16xf32>
        %parallel_loop3A_624 = arith.mulf %parallel_loop3A_283, %parallel_loop3A_619 : vector<16xf32>
        %parallel_loop3A_625 = arith.addf %parallel_loop3A_623, %parallel_loop3A_624 : vector<16xf32>
        %parallel_loop3A_626 = arith.addf %parallel_loop3A_622, %parallel_loop3A_625 : vector<16xf32>
        %parallel_loop3A_627 = arith.index_cast %parallel_loop3A_603 : i32 to index
        %parallel_loop3A_628 = arith.constant 0 : index
        %parallel_loop3A_629 = tpu.vector_load %arg18[%parallel_loop3A_627, %parallel_loop3A_628] {strides = array<i32>} : memref<640x16xf32, #tpu.memory_space<vmem>>, vector<1x16xf32>,
        %parallel_loop3A_630 = vector.shape_cast %parallel_loop3A_629 : vector<1x16xf32> to vector<16xf32>
        %parallel_loop3A_631 = vector.shape_cast %parallel_loop3A_626 : vector<16xf32> to vector<1x16xf32>
        tpu.vector_store %arg18[%parallel_loop3A_627, %parallel_loop3A_628], %parallel_loop3A_631 {strides = array<i32>} : memref<640x16xf32, #tpu.memory_space<vmem>>, vector<1x16xf32>,
        %parallel_loop3A_632 = arith.constant 20 : i32
        %parallel_loop3A_633 = arith.muli %parallel_loop3A_267, %parallel_loop3A_632 : i32
        %parallel_loop3A_634 = arith.constant 10 : i32
        %parallel_loop3A_635 = arith.addi %parallel_loop3A_633, %parallel_loop3A_634 : i32
        %parallel_loop3A_636 = arith.index_cast %parallel_loop3A_635 : i32 to index
        %parallel_loop3A_637 = arith.constant 0 : index
        %parallel_loop3A_638 = tpu.vector_load %arg16[%parallel_loop3A_636, %parallel_loop3A_637] {strides = array<i32>} : memref<640x64xf32, #tpu.memory_space<vmem>>, vector<1x16xf32>,
        %parallel_loop3A_639 = vector.shape_cast %parallel_loop3A_638 : vector<1x16xf32> to vector<16xf32>
        %parallel_loop3A_640 = arith.index_cast %parallel_loop3A_635 : i32 to index
        %parallel_loop3A_641 = arith.constant 16 : index
        %parallel_loop3A_642 = tpu.vector_load %arg16[%parallel_loop3A_640, %parallel_loop3A_641] {strides = array<i32>} : memref<640x64xf32, #tpu.memory_space<vmem>>, vector<1x16xf32>,
        %parallel_loop3A_643 = vector.shape_cast %parallel_loop3A_642 : vector<1x16xf32> to vector<16xf32>
        %parallel_loop3A_644 = arith.index_cast %parallel_loop3A_635 : i32 to index
        %parallel_loop3A_645 = arith.constant 32 : index
        %parallel_loop3A_646 = tpu.vector_load %arg16[%parallel_loop3A_644, %parallel_loop3A_645] {strides = array<i32>} : memref<640x64xf32, #tpu.memory_space<vmem>>, vector<1x16xf32>,
        %parallel_loop3A_647 = vector.shape_cast %parallel_loop3A_646 : vector<1x16xf32> to vector<16xf32>
        %parallel_loop3A_648 = arith.index_cast %parallel_loop3A_635 : i32 to index
        %parallel_loop3A_649 = arith.constant 48 : index
        %parallel_loop3A_650 = tpu.vector_load %arg16[%parallel_loop3A_648, %parallel_loop3A_649] {strides = array<i32>} : memref<640x64xf32, #tpu.memory_space<vmem>>, vector<1x16xf32>,
        %parallel_loop3A_651 = vector.shape_cast %parallel_loop3A_650 : vector<1x16xf32> to vector<16xf32>
        %parallel_loop3A_652 = arith.mulf %parallel_loop3A_271, %parallel_loop3A_639 : vector<16xf32>
        %parallel_loop3A_653 = arith.mulf %parallel_loop3A_275, %parallel_loop3A_643 : vector<16xf32>
        %parallel_loop3A_654 = arith.addf %parallel_loop3A_652, %parallel_loop3A_653 : vector<16xf32>
        %parallel_loop3A_655 = arith.mulf %parallel_loop3A_279, %parallel_loop3A_647 : vector<16xf32>
        %parallel_loop3A_656 = arith.mulf %parallel_loop3A_283, %parallel_loop3A_651 : vector<16xf32>
        %parallel_loop3A_657 = arith.addf %parallel_loop3A_655, %parallel_loop3A_656 : vector<16xf32>
        %parallel_loop3A_658 = arith.addf %parallel_loop3A_654, %parallel_loop3A_657 : vector<16xf32>
        %parallel_loop3A_659 = arith.index_cast %parallel_loop3A_635 : i32 to index
        %parallel_loop3A_660 = arith.constant 0 : index
        %parallel_loop3A_661 = tpu.vector_load %arg18[%parallel_loop3A_659, %parallel_loop3A_660] {strides = array<i32>} : memref<640x16xf32, #tpu.memory_space<vmem>>, vector<1x16xf32>,
        %parallel_loop3A_662 = vector.shape_cast %parallel_loop3A_661 : vector<1x16xf32> to vector<16xf32>
        %parallel_loop3A_663 = vector.shape_cast %parallel_loop3A_658 : vector<16xf32> to vector<1x16xf32>
        tpu.vector_store %arg18[%parallel_loop3A_659, %parallel_loop3A_660], %parallel_loop3A_663 {strides = array<i32>} : memref<640x16xf32, #tpu.memory_space<vmem>>, vector<1x16xf32>,
        %parallel_loop3A_664 = arith.constant 20 : i32
        %parallel_loop3A_665 = arith.muli %parallel_loop3A_267, %parallel_loop3A_664 : i32
        %parallel_loop3A_666 = arith.constant 11 : i32
        %parallel_loop3A_667 = arith.addi %parallel_loop3A_665, %parallel_loop3A_666 : i32
        %parallel_loop3A_668 = arith.index_cast %parallel_loop3A_667 : i32 to index
        %parallel_loop3A_669 = arith.constant 0 : index
        %parallel_loop3A_670 = tpu.vector_load %arg16[%parallel_loop3A_668, %parallel_loop3A_669] {strides = array<i32>} : memref<640x64xf32, #tpu.memory_space<vmem>>, vector<1x16xf32>,
        %parallel_loop3A_671 = vector.shape_cast %parallel_loop3A_670 : vector<1x16xf32> to vector<16xf32>
        %parallel_loop3A_672 = arith.index_cast %parallel_loop3A_667 : i32 to index
        %parallel_loop3A_673 = arith.constant 16 : index
        %parallel_loop3A_674 = tpu.vector_load %arg16[%parallel_loop3A_672, %parallel_loop3A_673] {strides = array<i32>} : memref<640x64xf32, #tpu.memory_space<vmem>>, vector<1x16xf32>,
        %parallel_loop3A_675 = vector.shape_cast %parallel_loop3A_674 : vector<1x16xf32> to vector<16xf32>
        %parallel_loop3A_676 = arith.index_cast %parallel_loop3A_667 : i32 to index
        %parallel_loop3A_677 = arith.constant 32 : index
        %parallel_loop3A_678 = tpu.vector_load %arg16[%parallel_loop3A_676, %parallel_loop3A_677] {strides = array<i32>} : memref<640x64xf32, #tpu.memory_space<vmem>>, vector<1x16xf32>,
        %parallel_loop3A_679 = vector.shape_cast %parallel_loop3A_678 : vector<1x16xf32> to vector<16xf32>
        %parallel_loop3A_680 = arith.index_cast %parallel_loop3A_667 : i32 to index
        %parallel_loop3A_681 = arith.constant 48 : index
        %parallel_loop3A_682 = tpu.vector_load %arg16[%parallel_loop3A_680, %parallel_loop3A_681] {strides = array<i32>} : memref<640x64xf32, #tpu.memory_space<vmem>>, vector<1x16xf32>,
        %parallel_loop3A_683 = vector.shape_cast %parallel_loop3A_682 : vector<1x16xf32> to vector<16xf32>
        %parallel_loop3A_684 = arith.mulf %parallel_loop3A_271, %parallel_loop3A_671 : vector<16xf32>
        %parallel_loop3A_685 = arith.mulf %parallel_loop3A_275, %parallel_loop3A_675 : vector<16xf32>
        %parallel_loop3A_686 = arith.addf %parallel_loop3A_684, %parallel_loop3A_685 : vector<16xf32>
        %parallel_loop3A_687 = arith.mulf %parallel_loop3A_279, %parallel_loop3A_679 : vector<16xf32>
        %parallel_loop3A_688 = arith.mulf %parallel_loop3A_283, %parallel_loop3A_683 : vector<16xf32>
        %parallel_loop3A_689 = arith.addf %parallel_loop3A_687, %parallel_loop3A_688 : vector<16xf32>
        %parallel_loop3A_690 = arith.addf %parallel_loop3A_686, %parallel_loop3A_689 : vector<16xf32>
        %parallel_loop3A_691 = arith.index_cast %parallel_loop3A_667 : i32 to index
        %parallel_loop3A_692 = arith.constant 0 : index
        %parallel_loop3A_693 = tpu.vector_load %arg18[%parallel_loop3A_691, %parallel_loop3A_692] {strides = array<i32>} : memref<640x16xf32, #tpu.memory_space<vmem>>, vector<1x16xf32>,
        %parallel_loop3A_694 = vector.shape_cast %parallel_loop3A_693 : vector<1x16xf32> to vector<16xf32>
        %parallel_loop3A_695 = vector.shape_cast %parallel_loop3A_690 : vector<16xf32> to vector<1x16xf32>
        tpu.vector_store %arg18[%parallel_loop3A_691, %parallel_loop3A_692], %parallel_loop3A_695 {strides = array<i32>} : memref<640x16xf32, #tpu.memory_space<vmem>>, vector<1x16xf32>,
        %parallel_loop3A_696 = arith.constant 20 : i32
        %parallel_loop3A_697 = arith.muli %parallel_loop3A_267, %parallel_loop3A_696 : i32
        %parallel_loop3A_698 = arith.constant 12 : i32
        %parallel_loop3A_699 = arith.addi %parallel_loop3A_697, %parallel_loop3A_698 : i32
        %parallel_loop3A_700 = arith.index_cast %parallel_loop3A_699 : i32 to index
        %parallel_loop3A_701 = arith.constant 0 : index
        %parallel_loop3A_702 = tpu.vector_load %arg16[%parallel_loop3A_700, %parallel_loop3A_701] {strides = array<i32>} : memref<640x64xf32, #tpu.memory_space<vmem>>, vector<1x16xf32>,
        %parallel_loop3A_703 = vector.shape_cast %parallel_loop3A_702 : vector<1x16xf32> to vector<16xf32>
        %parallel_loop3A_704 = arith.index_cast %parallel_loop3A_699 : i32 to index
        %parallel_loop3A_705 = arith.constant 16 : index
        %parallel_loop3A_706 = tpu.vector_load %arg16[%parallel_loop3A_704, %parallel_loop3A_705] {strides = array<i32>} : memref<640x64xf32, #tpu.memory_space<vmem>>, vector<1x16xf32>,
        %parallel_loop3A_707 = vector.shape_cast %parallel_loop3A_706 : vector<1x16xf32> to vector<16xf32>
        %parallel_loop3A_708 = arith.index_cast %parallel_loop3A_699 : i32 to index
        %parallel_loop3A_709 = arith.constant 32 : index
        %parallel_loop3A_710 = tpu.vector_load %arg16[%parallel_loop3A_708, %parallel_loop3A_709] {strides = array<i32>} : memref<640x64xf32, #tpu.memory_space<vmem>>, vector<1x16xf32>,
        %parallel_loop3A_711 = vector.shape_cast %parallel_loop3A_710 : vector<1x16xf32> to vector<16xf32>
        %parallel_loop3A_712 = arith.index_cast %parallel_loop3A_699 : i32 to index
        %parallel_loop3A_713 = arith.constant 48 : index
        %parallel_loop3A_714 = tpu.vector_load %arg16[%parallel_loop3A_712, %parallel_loop3A_713] {strides = array<i32>} : memref<640x64xf32, #tpu.memory_space<vmem>>, vector<1x16xf32>,
        %parallel_loop3A_715 = vector.shape_cast %parallel_loop3A_714 : vector<1x16xf32> to vector<16xf32>
        %parallel_loop3A_716 = arith.mulf %parallel_loop3A_271, %parallel_loop3A_703 : vector<16xf32>
        %parallel_loop3A_717 = arith.mulf %parallel_loop3A_275, %parallel_loop3A_707 : vector<16xf32>
        %parallel_loop3A_718 = arith.addf %parallel_loop3A_716, %parallel_loop3A_717 : vector<16xf32>
        %parallel_loop3A_719 = arith.mulf %parallel_loop3A_279, %parallel_loop3A_711 : vector<16xf32>
        %parallel_loop3A_720 = arith.mulf %parallel_loop3A_283, %parallel_loop3A_715 : vector<16xf32>
        %parallel_loop3A_721 = arith.addf %parallel_loop3A_719, %parallel_loop3A_720 : vector<16xf32>
        %parallel_loop3A_722 = arith.addf %parallel_loop3A_718, %parallel_loop3A_721 : vector<16xf32>
        %parallel_loop3A_723 = arith.index_cast %parallel_loop3A_699 : i32 to index
        %parallel_loop3A_724 = arith.constant 0 : index
        %parallel_loop3A_725 = tpu.vector_load %arg18[%parallel_loop3A_723, %parallel_loop3A_724] {strides = array<i32>} : memref<640x16xf32, #tpu.memory_space<vmem>>, vector<1x16xf32>,
        %parallel_loop3A_726 = vector.shape_cast %parallel_loop3A_725 : vector<1x16xf32> to vector<16xf32>
        %parallel_loop3A_727 = vector.shape_cast %parallel_loop3A_722 : vector<16xf32> to vector<1x16xf32>
        tpu.vector_store %arg18[%parallel_loop3A_723, %parallel_loop3A_724], %parallel_loop3A_727 {strides = array<i32>} : memref<640x16xf32, #tpu.memory_space<vmem>>, vector<1x16xf32>,
        %parallel_loop3A_728 = arith.constant 20 : i32
        %parallel_loop3A_729 = arith.muli %parallel_loop3A_267, %parallel_loop3A_728 : i32
        %parallel_loop3A_730 = arith.constant 13 : i32
        %parallel_loop3A_731 = arith.addi %parallel_loop3A_729, %parallel_loop3A_730 : i32
        %parallel_loop3A_732 = arith.index_cast %parallel_loop3A_731 : i32 to index
        %parallel_loop3A_733 = arith.constant 0 : index
        %parallel_loop3A_734 = tpu.vector_load %arg16[%parallel_loop3A_732, %parallel_loop3A_733] {strides = array<i32>} : memref<640x64xf32, #tpu.memory_space<vmem>>, vector<1x16xf32>,
        %parallel_loop3A_735 = vector.shape_cast %parallel_loop3A_734 : vector<1x16xf32> to vector<16xf32>
        %parallel_loop3A_736 = arith.index_cast %parallel_loop3A_731 : i32 to index
        %parallel_loop3A_737 = arith.constant 16 : index
        %parallel_loop3A_738 = tpu.vector_load %arg16[%parallel_loop3A_736, %parallel_loop3A_737] {strides = array<i32>} : memref<640x64xf32, #tpu.memory_space<vmem>>, vector<1x16xf32>,
        %parallel_loop3A_739 = vector.shape_cast %parallel_loop3A_738 : vector<1x16xf32> to vector<16xf32>
        %parallel_loop3A_740 = arith.index_cast %parallel_loop3A_731 : i32 to index
        %parallel_loop3A_741 = arith.constant 32 : index
        %parallel_loop3A_742 = tpu.vector_load %arg16[%parallel_loop3A_740, %parallel_loop3A_741] {strides = array<i32>} : memref<640x64xf32, #tpu.memory_space<vmem>>, vector<1x16xf32>,
        %parallel_loop3A_743 = vector.shape_cast %parallel_loop3A_742 : vector<1x16xf32> to vector<16xf32>
        %parallel_loop3A_744 = arith.index_cast %parallel_loop3A_731 : i32 to index
        %parallel_loop3A_745 = arith.constant 48 : index
        %parallel_loop3A_746 = tpu.vector_load %arg16[%parallel_loop3A_744, %parallel_loop3A_745] {strides = array<i32>} : memref<640x64xf32, #tpu.memory_space<vmem>>, vector<1x16xf32>,
        %parallel_loop3A_747 = vector.shape_cast %parallel_loop3A_746 : vector<1x16xf32> to vector<16xf32>
        %parallel_loop3A_748 = arith.mulf %parallel_loop3A_271, %parallel_loop3A_735 : vector<16xf32>
        %parallel_loop3A_749 = arith.mulf %parallel_loop3A_275, %parallel_loop3A_739 : vector<16xf32>
        %parallel_loop3A_750 = arith.addf %parallel_loop3A_748, %parallel_loop3A_749 : vector<16xf32>
        %parallel_loop3A_751 = arith.mulf %parallel_loop3A_279, %parallel_loop3A_743 : vector<16xf32>
        %parallel_loop3A_752 = arith.mulf %parallel_loop3A_283, %parallel_loop3A_747 : vector<16xf32>
        %parallel_loop3A_753 = arith.addf %parallel_loop3A_751, %parallel_loop3A_752 : vector<16xf32>
        %parallel_loop3A_754 = arith.addf %parallel_loop3A_750, %parallel_loop3A_753 : vector<16xf32>
        %parallel_loop3A_755 = arith.index_cast %parallel_loop3A_731 : i32 to index
        %parallel_loop3A_756 = arith.constant 0 : index
        %parallel_loop3A_757 = tpu.vector_load %arg18[%parallel_loop3A_755, %parallel_loop3A_756] {strides = array<i32>} : memref<640x16xf32, #tpu.memory_space<vmem>>, vector<1x16xf32>,
        %parallel_loop3A_758 = vector.shape_cast %parallel_loop3A_757 : vector<1x16xf32> to vector<16xf32>
        %parallel_loop3A_759 = vector.shape_cast %parallel_loop3A_754 : vector<16xf32> to vector<1x16xf32>
        tpu.vector_store %arg18[%parallel_loop3A_755, %parallel_loop3A_756], %parallel_loop3A_759 {strides = array<i32>} : memref<640x16xf32, #tpu.memory_space<vmem>>, vector<1x16xf32>,
        %parallel_loop3A_760 = arith.constant 20 : i32
        %parallel_loop3A_761 = arith.muli %parallel_loop3A_267, %parallel_loop3A_760 : i32
        %parallel_loop3A_762 = arith.constant 14 : i32
        %parallel_loop3A_763 = arith.addi %parallel_loop3A_761, %parallel_loop3A_762 : i32
        %parallel_loop3A_764 = arith.index_cast %parallel_loop3A_763 : i32 to index
        %parallel_loop3A_765 = arith.constant 0 : index
        %parallel_loop3A_766 = tpu.vector_load %arg16[%parallel_loop3A_764, %parallel_loop3A_765] {strides = array<i32>} : memref<640x64xf32, #tpu.memory_space<vmem>>, vector<1x16xf32>,
        %parallel_loop3A_767 = vector.shape_cast %parallel_loop3A_766 : vector<1x16xf32> to vector<16xf32>
        %parallel_loop3A_768 = arith.index_cast %parallel_loop3A_763 : i32 to index
        %parallel_loop3A_769 = arith.constant 16 : index
        %parallel_loop3A_770 = tpu.vector_load %arg16[%parallel_loop3A_768, %parallel_loop3A_769] {strides = array<i32>} : memref<640x64xf32, #tpu.memory_space<vmem>>, vector<1x16xf32>,
        %parallel_loop3A_771 = vector.shape_cast %parallel_loop3A_770 : vector<1x16xf32> to vector<16xf32>
        %parallel_loop3A_772 = arith.index_cast %parallel_loop3A_763 : i32 to index
        %parallel_loop3A_773 = arith.constant 32 : index
        %parallel_loop3A_774 = tpu.vector_load %arg16[%parallel_loop3A_772, %parallel_loop3A_773] {strides = array<i32>} : memref<640x64xf32, #tpu.memory_space<vmem>>, vector<1x16xf32>,
        %parallel_loop3A_775 = vector.shape_cast %parallel_loop3A_774 : vector<1x16xf32> to vector<16xf32>
        %parallel_loop3A_776 = arith.index_cast %parallel_loop3A_763 : i32 to index
        %parallel_loop3A_777 = arith.constant 48 : index
        %parallel_loop3A_778 = tpu.vector_load %arg16[%parallel_loop3A_776, %parallel_loop3A_777] {strides = array<i32>} : memref<640x64xf32, #tpu.memory_space<vmem>>, vector<1x16xf32>,
        %parallel_loop3A_779 = vector.shape_cast %parallel_loop3A_778 : vector<1x16xf32> to vector<16xf32>
        %parallel_loop3A_780 = arith.mulf %parallel_loop3A_271, %parallel_loop3A_767 : vector<16xf32>
        %parallel_loop3A_781 = arith.mulf %parallel_loop3A_275, %parallel_loop3A_771 : vector<16xf32>
        %parallel_loop3A_782 = arith.addf %parallel_loop3A_780, %parallel_loop3A_781 : vector<16xf32>
        %parallel_loop3A_783 = arith.mulf %parallel_loop3A_279, %parallel_loop3A_775 : vector<16xf32>
        %parallel_loop3A_784 = arith.mulf %parallel_loop3A_283, %parallel_loop3A_779 : vector<16xf32>
        %parallel_loop3A_785 = arith.addf %parallel_loop3A_783, %parallel_loop3A_784 : vector<16xf32>
        %parallel_loop3A_786 = arith.addf %parallel_loop3A_782, %parallel_loop3A_785 : vector<16xf32>
        %parallel_loop3A_787 = arith.index_cast %parallel_loop3A_763 : i32 to index
        %parallel_loop3A_788 = arith.constant 0 : index
        %parallel_loop3A_789 = tpu.vector_load %arg18[%parallel_loop3A_787, %parallel_loop3A_788] {strides = array<i32>} : memref<640x16xf32, #tpu.memory_space<vmem>>, vector<1x16xf32>,
        %parallel_loop3A_790 = vector.shape_cast %parallel_loop3A_789 : vector<1x16xf32> to vector<16xf32>
        %parallel_loop3A_791 = vector.shape_cast %parallel_loop3A_786 : vector<16xf32> to vector<1x16xf32>
        tpu.vector_store %arg18[%parallel_loop3A_787, %parallel_loop3A_788], %parallel_loop3A_791 {strides = array<i32>} : memref<640x16xf32, #tpu.memory_space<vmem>>, vector<1x16xf32>,
        %parallel_loop3A_792 = arith.constant 20 : i32
        %parallel_loop3A_793 = arith.muli %parallel_loop3A_267, %parallel_loop3A_792 : i32
        %parallel_loop3A_794 = arith.constant 15 : i32
        %parallel_loop3A_795 = arith.addi %parallel_loop3A_793, %parallel_loop3A_794 : i32
        %parallel_loop3A_796 = arith.index_cast %parallel_loop3A_795 : i32 to index
        %parallel_loop3A_797 = arith.constant 0 : index
        %parallel_loop3A_798 = tpu.vector_load %arg16[%parallel_loop3A_796, %parallel_loop3A_797] {strides = array<i32>} : memref<640x64xf32, #tpu.memory_space<vmem>>, vector<1x16xf32>,
        %parallel_loop3A_799 = vector.shape_cast %parallel_loop3A_798 : vector<1x16xf32> to vector<16xf32>
        %parallel_loop3A_800 = arith.index_cast %parallel_loop3A_795 : i32 to index
        %parallel_loop3A_801 = arith.constant 16 : index
        %parallel_loop3A_802 = tpu.vector_load %arg16[%parallel_loop3A_800, %parallel_loop3A_801] {strides = array<i32>} : memref<640x64xf32, #tpu.memory_space<vmem>>, vector<1x16xf32>,
        %parallel_loop3A_803 = vector.shape_cast %parallel_loop3A_802 : vector<1x16xf32> to vector<16xf32>
        %parallel_loop3A_804 = arith.index_cast %parallel_loop3A_795 : i32 to index
        %parallel_loop3A_805 = arith.constant 32 : index
        %parallel_loop3A_806 = tpu.vector_load %arg16[%parallel_loop3A_804, %parallel_loop3A_805] {strides = array<i32>} : memref<640x64xf32, #tpu.memory_space<vmem>>, vector<1x16xf32>,
        %parallel_loop3A_807 = vector.shape_cast %parallel_loop3A_806 : vector<1x16xf32> to vector<16xf32>
        %parallel_loop3A_808 = arith.index_cast %parallel_loop3A_795 : i32 to index
        %parallel_loop3A_809 = arith.constant 48 : index
        %parallel_loop3A_810 = tpu.vector_load %arg16[%parallel_loop3A_808, %parallel_loop3A_809] {strides = array<i32>} : memref<640x64xf32, #tpu.memory_space<vmem>>, vector<1x16xf32>,
        %parallel_loop3A_811 = vector.shape_cast %parallel_loop3A_810 : vector<1x16xf32> to vector<16xf32>
        %parallel_loop3A_812 = arith.mulf %parallel_loop3A_271, %parallel_loop3A_799 : vector<16xf32>
        %parallel_loop3A_813 = arith.mulf %parallel_loop3A_275, %parallel_loop3A_803 : vector<16xf32>
        %parallel_loop3A_814 = arith.addf %parallel_loop3A_812, %parallel_loop3A_813 : vector<16xf32>
        %parallel_loop3A_815 = arith.mulf %parallel_loop3A_279, %parallel_loop3A_807 : vector<16xf32>
        %parallel_loop3A_816 = arith.mulf %parallel_loop3A_283, %parallel_loop3A_811 : vector<16xf32>
        %parallel_loop3A_817 = arith.addf %parallel_loop3A_815, %parallel_loop3A_816 : vector<16xf32>
        %parallel_loop3A_818 = arith.addf %parallel_loop3A_814, %parallel_loop3A_817 : vector<16xf32>
        %parallel_loop3A_819 = arith.index_cast %parallel_loop3A_795 : i32 to index
        %parallel_loop3A_820 = arith.constant 0 : index
        %parallel_loop3A_821 = tpu.vector_load %arg18[%parallel_loop3A_819, %parallel_loop3A_820] {strides = array<i32>} : memref<640x16xf32, #tpu.memory_space<vmem>>, vector<1x16xf32>,
        %parallel_loop3A_822 = vector.shape_cast %parallel_loop3A_821 : vector<1x16xf32> to vector<16xf32>
        %parallel_loop3A_823 = vector.shape_cast %parallel_loop3A_818 : vector<16xf32> to vector<1x16xf32>
        tpu.vector_store %arg18[%parallel_loop3A_819, %parallel_loop3A_820], %parallel_loop3A_823 {strides = array<i32>} : memref<640x16xf32, #tpu.memory_space<vmem>>, vector<1x16xf32>,
        %parallel_loop3A_824 = arith.constant 20 : i32
        %parallel_loop3A_825 = arith.muli %parallel_loop3A_267, %parallel_loop3A_824 : i32
        %parallel_loop3A_826 = arith.constant 16 : i32
        %parallel_loop3A_827 = arith.addi %parallel_loop3A_825, %parallel_loop3A_826 : i32
        %parallel_loop3A_828 = arith.index_cast %parallel_loop3A_827 : i32 to index
        %parallel_loop3A_829 = arith.constant 0 : index
        %parallel_loop3A_830 = tpu.vector_load %arg16[%parallel_loop3A_828, %parallel_loop3A_829] {strides = array<i32>} : memref<640x64xf32, #tpu.memory_space<vmem>>, vector<1x16xf32>,
        %parallel_loop3A_831 = vector.shape_cast %parallel_loop3A_830 : vector<1x16xf32> to vector<16xf32>
        %parallel_loop3A_832 = arith.index_cast %parallel_loop3A_827 : i32 to index
        %parallel_loop3A_833 = arith.constant 16 : index
        %parallel_loop3A_834 = tpu.vector_load %arg16[%parallel_loop3A_832, %parallel_loop3A_833] {strides = array<i32>} : memref<640x64xf32, #tpu.memory_space<vmem>>, vector<1x16xf32>,
        %parallel_loop3A_835 = vector.shape_cast %parallel_loop3A_834 : vector<1x16xf32> to vector<16xf32>
        %parallel_loop3A_836 = arith.index_cast %parallel_loop3A_827 : i32 to index
        %parallel_loop3A_837 = arith.constant 32 : index
        %parallel_loop3A_838 = tpu.vector_load %arg16[%parallel_loop3A_836, %parallel_loop3A_837] {strides = array<i32>} : memref<640x64xf32, #tpu.memory_space<vmem>>, vector<1x16xf32>,
        %parallel_loop3A_839 = vector.shape_cast %parallel_loop3A_838 : vector<1x16xf32> to vector<16xf32>
        %parallel_loop3A_840 = arith.index_cast %parallel_loop3A_827 : i32 to index
        %parallel_loop3A_841 = arith.constant 48 : index
        %parallel_loop3A_842 = tpu.vector_load %arg16[%parallel_loop3A_840, %parallel_loop3A_841] {strides = array<i32>} : memref<640x64xf32, #tpu.memory_space<vmem>>, vector<1x16xf32>,
        %parallel_loop3A_843 = vector.shape_cast %parallel_loop3A_842 : vector<1x16xf32> to vector<16xf32>
        %parallel_loop3A_844 = arith.mulf %parallel_loop3A_271, %parallel_loop3A_831 : vector<16xf32>
        %parallel_loop3A_845 = arith.mulf %parallel_loop3A_275, %parallel_loop3A_835 : vector<16xf32>
        %parallel_loop3A_846 = arith.addf %parallel_loop3A_844, %parallel_loop3A_845 : vector<16xf32>
        %parallel_loop3A_847 = arith.mulf %parallel_loop3A_279, %parallel_loop3A_839 : vector<16xf32>
        %parallel_loop3A_848 = arith.mulf %parallel_loop3A_283, %parallel_loop3A_843 : vector<16xf32>
        %parallel_loop3A_849 = arith.addf %parallel_loop3A_847, %parallel_loop3A_848 : vector<16xf32>
        %parallel_loop3A_850 = arith.addf %parallel_loop3A_846, %parallel_loop3A_849 : vector<16xf32>
        %parallel_loop3A_851 = arith.index_cast %parallel_loop3A_827 : i32 to index
        %parallel_loop3A_852 = arith.constant 0 : index
        %parallel_loop3A_853 = tpu.vector_load %arg18[%parallel_loop3A_851, %parallel_loop3A_852] {strides = array<i32>} : memref<640x16xf32, #tpu.memory_space<vmem>>, vector<1x16xf32>,
        %parallel_loop3A_854 = vector.shape_cast %parallel_loop3A_853 : vector<1x16xf32> to vector<16xf32>
        %parallel_loop3A_855 = vector.shape_cast %parallel_loop3A_850 : vector<16xf32> to vector<1x16xf32>
        tpu.vector_store %arg18[%parallel_loop3A_851, %parallel_loop3A_852], %parallel_loop3A_855 {strides = array<i32>} : memref<640x16xf32, #tpu.memory_space<vmem>>, vector<1x16xf32>,
        %parallel_loop3A_856 = arith.constant 20 : i32
        %parallel_loop3A_857 = arith.muli %parallel_loop3A_267, %parallel_loop3A_856 : i32
        %parallel_loop3A_858 = arith.constant 17 : i32
        %parallel_loop3A_859 = arith.addi %parallel_loop3A_857, %parallel_loop3A_858 : i32
        %parallel_loop3A_860 = arith.index_cast %parallel_loop3A_859 : i32 to index
        %parallel_loop3A_861 = arith.constant 0 : index
        %parallel_loop3A_862 = tpu.vector_load %arg16[%parallel_loop3A_860, %parallel_loop3A_861] {strides = array<i32>} : memref<640x64xf32, #tpu.memory_space<vmem>>, vector<1x16xf32>,
        %parallel_loop3A_863 = vector.shape_cast %parallel_loop3A_862 : vector<1x16xf32> to vector<16xf32>
        %parallel_loop3A_864 = arith.index_cast %parallel_loop3A_859 : i32 to index
        %parallel_loop3A_865 = arith.constant 16 : index
        %parallel_loop3A_866 = tpu.vector_load %arg16[%parallel_loop3A_864, %parallel_loop3A_865] {strides = array<i32>} : memref<640x64xf32, #tpu.memory_space<vmem>>, vector<1x16xf32>,
        %parallel_loop3A_867 = vector.shape_cast %parallel_loop3A_866 : vector<1x16xf32> to vector<16xf32>
        %parallel_loop3A_868 = arith.index_cast %parallel_loop3A_859 : i32 to index
        %parallel_loop3A_869 = arith.constant 32 : index
        %parallel_loop3A_870 = tpu.vector_load %arg16[%parallel_loop3A_868, %parallel_loop3A_869] {strides = array<i32>} : memref<640x64xf32, #tpu.memory_space<vmem>>, vector<1x16xf32>,
        %parallel_loop3A_871 = vector.shape_cast %parallel_loop3A_870 : vector<1x16xf32> to vector<16xf32>
        %parallel_loop3A_872 = arith.index_cast %parallel_loop3A_859 : i32 to index
        %parallel_loop3A_873 = arith.constant 48 : index
        %parallel_loop3A_874 = tpu.vector_load %arg16[%parallel_loop3A_872, %parallel_loop3A_873] {strides = array<i32>} : memref<640x64xf32, #tpu.memory_space<vmem>>, vector<1x16xf32>,
        %parallel_loop3A_875 = vector.shape_cast %parallel_loop3A_874 : vector<1x16xf32> to vector<16xf32>
        %parallel_loop3A_876 = arith.mulf %parallel_loop3A_271, %parallel_loop3A_863 : vector<16xf32>
        %parallel_loop3A_877 = arith.mulf %parallel_loop3A_275, %parallel_loop3A_867 : vector<16xf32>
        %parallel_loop3A_878 = arith.addf %parallel_loop3A_876, %parallel_loop3A_877 : vector<16xf32>
        %parallel_loop3A_879 = arith.mulf %parallel_loop3A_279, %parallel_loop3A_871 : vector<16xf32>
        %parallel_loop3A_880 = arith.mulf %parallel_loop3A_283, %parallel_loop3A_875 : vector<16xf32>
        %parallel_loop3A_881 = arith.addf %parallel_loop3A_879, %parallel_loop3A_880 : vector<16xf32>
        %parallel_loop3A_882 = arith.addf %parallel_loop3A_878, %parallel_loop3A_881 : vector<16xf32>
        %parallel_loop3A_883 = arith.index_cast %parallel_loop3A_859 : i32 to index
        %parallel_loop3A_884 = arith.constant 0 : index
        %parallel_loop3A_885 = tpu.vector_load %arg18[%parallel_loop3A_883, %parallel_loop3A_884] {strides = array<i32>} : memref<640x16xf32, #tpu.memory_space<vmem>>, vector<1x16xf32>,
        %parallel_loop3A_886 = vector.shape_cast %parallel_loop3A_885 : vector<1x16xf32> to vector<16xf32>
        %parallel_loop3A_887 = vector.shape_cast %parallel_loop3A_882 : vector<16xf32> to vector<1x16xf32>
        tpu.vector_store %arg18[%parallel_loop3A_883, %parallel_loop3A_884], %parallel_loop3A_887 {strides = array<i32>} : memref<640x16xf32, #tpu.memory_space<vmem>>, vector<1x16xf32>,
        %parallel_loop3A_888 = arith.constant 20 : i32
        %parallel_loop3A_889 = arith.muli %parallel_loop3A_267, %parallel_loop3A_888 : i32
        %parallel_loop3A_890 = arith.constant 18 : i32
        %parallel_loop3A_891 = arith.addi %parallel_loop3A_889, %parallel_loop3A_890 : i32
        %parallel_loop3A_892 = arith.index_cast %parallel_loop3A_891 : i32 to index
        %parallel_loop3A_893 = arith.constant 0 : index
        %parallel_loop3A_894 = tpu.vector_load %arg16[%parallel_loop3A_892, %parallel_loop3A_893] {strides = array<i32>} : memref<640x64xf32, #tpu.memory_space<vmem>>, vector<1x16xf32>,
        %parallel_loop3A_895 = vector.shape_cast %parallel_loop3A_894 : vector<1x16xf32> to vector<16xf32>
        %parallel_loop3A_896 = arith.index_cast %parallel_loop3A_891 : i32 to index
        %parallel_loop3A_897 = arith.constant 16 : index
        %parallel_loop3A_898 = tpu.vector_load %arg16[%parallel_loop3A_896, %parallel_loop3A_897] {strides = array<i32>} : memref<640x64xf32, #tpu.memory_space<vmem>>, vector<1x16xf32>,
        %parallel_loop3A_899 = vector.shape_cast %parallel_loop3A_898 : vector<1x16xf32> to vector<16xf32>
        %parallel_loop3A_900 = arith.index_cast %parallel_loop3A_891 : i32 to index
        %parallel_loop3A_901 = arith.constant 32 : index
        %parallel_loop3A_902 = tpu.vector_load %arg16[%parallel_loop3A_900, %parallel_loop3A_901] {strides = array<i32>} : memref<640x64xf32, #tpu.memory_space<vmem>>, vector<1x16xf32>,
        %parallel_loop3A_903 = vector.shape_cast %parallel_loop3A_902 : vector<1x16xf32> to vector<16xf32>
        %parallel_loop3A_904 = arith.index_cast %parallel_loop3A_891 : i32 to index
        %parallel_loop3A_905 = arith.constant 48 : index
        %parallel_loop3A_906 = tpu.vector_load %arg16[%parallel_loop3A_904, %parallel_loop3A_905] {strides = array<i32>} : memref<640x64xf32, #tpu.memory_space<vmem>>, vector<1x16xf32>,
        %parallel_loop3A_907 = vector.shape_cast %parallel_loop3A_906 : vector<1x16xf32> to vector<16xf32>
        %parallel_loop3A_908 = arith.mulf %parallel_loop3A_271, %parallel_loop3A_895 : vector<16xf32>
        %parallel_loop3A_909 = arith.mulf %parallel_loop3A_275, %parallel_loop3A_899 : vector<16xf32>
        %parallel_loop3A_910 = arith.addf %parallel_loop3A_908, %parallel_loop3A_909 : vector<16xf32>
        %parallel_loop3A_911 = arith.mulf %parallel_loop3A_279, %parallel_loop3A_903 : vector<16xf32>
        %parallel_loop3A_912 = arith.mulf %parallel_loop3A_283, %parallel_loop3A_907 : vector<16xf32>
        %parallel_loop3A_913 = arith.addf %parallel_loop3A_911, %parallel_loop3A_912 : vector<16xf32>
        %parallel_loop3A_914 = arith.addf %parallel_loop3A_910, %parallel_loop3A_913 : vector<16xf32>
        %parallel_loop3A_915 = arith.index_cast %parallel_loop3A_891 : i32 to index
        %parallel_loop3A_916 = arith.constant 0 : index
        %parallel_loop3A_917 = tpu.vector_load %arg18[%parallel_loop3A_915, %parallel_loop3A_916] {strides = array<i32>} : memref<640x16xf32, #tpu.memory_space<vmem>>, vector<1x16xf32>,
        %parallel_loop3A_918 = vector.shape_cast %parallel_loop3A_917 : vector<1x16xf32> to vector<16xf32>
        %parallel_loop3A_919 = vector.shape_cast %parallel_loop3A_914 : vector<16xf32> to vector<1x16xf32>
        tpu.vector_store %arg18[%parallel_loop3A_915, %parallel_loop3A_916], %parallel_loop3A_919 {strides = array<i32>} : memref<640x16xf32, #tpu.memory_space<vmem>>, vector<1x16xf32>,
        %parallel_loop3A_920 = arith.constant 20 : i32
        %parallel_loop3A_921 = arith.muli %parallel_loop3A_267, %parallel_loop3A_920 : i32
        %parallel_loop3A_922 = arith.constant 19 : i32
        %parallel_loop3A_923 = arith.addi %parallel_loop3A_921, %parallel_loop3A_922 : i32
        %parallel_loop3A_924 = arith.index_cast %parallel_loop3A_923 : i32 to index
        %parallel_loop3A_925 = arith.constant 0 : index
        %parallel_loop3A_926 = tpu.vector_load %arg16[%parallel_loop3A_924, %parallel_loop3A_925] {strides = array<i32>} : memref<640x64xf32, #tpu.memory_space<vmem>>, vector<1x16xf32>,
        %parallel_loop3A_927 = vector.shape_cast %parallel_loop3A_926 : vector<1x16xf32> to vector<16xf32>
        %parallel_loop3A_928 = arith.index_cast %parallel_loop3A_923 : i32 to index
        %parallel_loop3A_929 = arith.constant 16 : index
        %parallel_loop3A_930 = tpu.vector_load %arg16[%parallel_loop3A_928, %parallel_loop3A_929] {strides = array<i32>} : memref<640x64xf32, #tpu.memory_space<vmem>>, vector<1x16xf32>,
        %parallel_loop3A_931 = vector.shape_cast %parallel_loop3A_930 : vector<1x16xf32> to vector<16xf32>
        %parallel_loop3A_932 = arith.index_cast %parallel_loop3A_923 : i32 to index
        %parallel_loop3A_933 = arith.constant 32 : index
        %parallel_loop3A_934 = tpu.vector_load %arg16[%parallel_loop3A_932, %parallel_loop3A_933] {strides = array<i32>} : memref<640x64xf32, #tpu.memory_space<vmem>>, vector<1x16xf32>,
        %parallel_loop3A_935 = vector.shape_cast %parallel_loop3A_934 : vector<1x16xf32> to vector<16xf32>
        %parallel_loop3A_936 = arith.index_cast %parallel_loop3A_923 : i32 to index
        %parallel_loop3A_937 = arith.constant 48 : index
        %parallel_loop3A_938 = tpu.vector_load %arg16[%parallel_loop3A_936, %parallel_loop3A_937] {strides = array<i32>} : memref<640x64xf32, #tpu.memory_space<vmem>>, vector<1x16xf32>,
        %parallel_loop3A_939 = vector.shape_cast %parallel_loop3A_938 : vector<1x16xf32> to vector<16xf32>
        %parallel_loop3A_940 = arith.mulf %parallel_loop3A_271, %parallel_loop3A_927 : vector<16xf32>
        %parallel_loop3A_941 = arith.mulf %parallel_loop3A_275, %parallel_loop3A_931 : vector<16xf32>
        %parallel_loop3A_942 = arith.addf %parallel_loop3A_940, %parallel_loop3A_941 : vector<16xf32>
        %parallel_loop3A_943 = arith.mulf %parallel_loop3A_279, %parallel_loop3A_935 : vector<16xf32>
        %parallel_loop3A_944 = arith.mulf %parallel_loop3A_283, %parallel_loop3A_939 : vector<16xf32>
        %parallel_loop3A_945 = arith.addf %parallel_loop3A_943, %parallel_loop3A_944 : vector<16xf32>
        %parallel_loop3A_946 = arith.addf %parallel_loop3A_942, %parallel_loop3A_945 : vector<16xf32>
        %parallel_loop3A_947 = arith.index_cast %parallel_loop3A_923 : i32 to index
        %parallel_loop3A_948 = arith.constant 0 : index
        %parallel_loop3A_949 = tpu.vector_load %arg18[%parallel_loop3A_947, %parallel_loop3A_948] {strides = array<i32>} : memref<640x16xf32, #tpu.memory_space<vmem>>, vector<1x16xf32>,
        %parallel_loop3A_950 = vector.shape_cast %parallel_loop3A_949 : vector<1x16xf32> to vector<16xf32>
        %parallel_loop3A_951 = vector.shape_cast %parallel_loop3A_946 : vector<16xf32> to vector<1x16xf32>
        tpu.vector_store %arg18[%parallel_loop3A_947, %parallel_loop3A_948], %parallel_loop3A_951 {strides = array<i32>} : memref<640x16xf32, #tpu.memory_space<vmem>>, vector<1x16xf32>,
      } {sc.loop_unroll_factor = 1 : i64, sc.parallel_access}
      "tpu.region"() ({
        %run_scoped3A = tpu.sem_alloc : memref<!tpu.dma_semaphore, #tpu.memory_space<semaphore_mem>>
        %dma_start3A_267 = arith.constant 0 : i32
        %dma_start3A_268 = tpu.memref_slice %arg6[%add3A_259, %dma_start3A_267] : memref<344064x16xf32, #tpu.memory_space<hbm>> -> memref<32x16xf32, #tpu.memory_space<hbm>>
        %dma_start3A_269 = arith.constant 0 : i32
        %dma_start3A_270 = tpu.memref_slice %arg6[%add3A_259, %dma_start3A_269] : memref<344064x16xf32, #tpu.memory_space<hbm>> -> memref<32x16xf32, #tpu.memory_space<hbm>>
        tpu.enqueue_dma source(%arg17 : memref<32x16xf32, #tpu.memory_space<vmem>>) target(%dma_start3A_270 : memref<32x16xf32, #tpu.memory_space<hbm>>) target_semaphore(%run_scoped3A : memref<!tpu.dma_semaphore, #tpu.memory_space<semaphore_mem>>)
        %dma_wait3A_271 = arith.constant 0 : i32
        %dma_wait3A_272 = tpu.memref_slice %arg6[%add3A_259, %dma_wait3A_271] : memref<344064x16xf32, #tpu.memory_space<hbm>> -> memref<32x16xf32, #tpu.memory_space<hbm>>
        %dma_wait3A_273 = arith.constant 0 : i32
        %dma_wait3A_274 = tpu.memref_slice %arg6[%add3A_259, %dma_wait3A_273] : memref<344064x16xf32, #tpu.memory_space<hbm>> -> memref<32x16xf32, #tpu.memory_space<hbm>>
        tpu.wait_dma2 semaphore(%run_scoped3A : memref<!tpu.dma_semaphore, #tpu.memory_space<semaphore_mem>>) src(%arg17 : memref<32x16xf32, #tpu.memory_space<vmem>>) dst(%dma_wait3A_274 : memref<32x16xf32, #tpu.memory_space<hbm>>)
        tpu.yield
      }) : () -> ()
      %mul3A_263 = arith.constant 20 : i32
      %mul3A_264 = arith.muli %add3A_259, %mul3A_263 : i32
      %add3A_265 = arith.constant 16384 : i32
      %add3A_266 = arith.addi %add3A_265, %mul3A_264 : i32
      "tpu.region"() ({
        %run_scoped3A = tpu.sem_alloc : memref<!tpu.dma_semaphore, #tpu.memory_space<semaphore_mem>>
        %dma_start3A_267 = arith.constant 0 : i32
        %dma_start3A_268 = tpu.memref_slice %arg6[%add3A_266, %dma_start3A_267] : memref<344064x16xf32, #tpu.memory_space<hbm>> -> memref<640x16xf32, #tpu.memory_space<hbm>>
        %dma_start3A_269 = arith.constant 0 : i32
        %dma_start3A_270 = tpu.memref_slice %arg6[%add3A_266, %dma_start3A_269] : memref<344064x16xf32, #tpu.memory_space<hbm>> -> memref<640x16xf32, #tpu.memory_space<hbm>>
        tpu.enqueue_dma source(%arg18 : memref<640x16xf32, #tpu.memory_space<vmem>>) target(%dma_start3A_270 : memref<640x16xf32, #tpu.memory_space<hbm>>) target_semaphore(%run_scoped3A : memref<!tpu.dma_semaphore, #tpu.memory_space<semaphore_mem>>)
        %dma_wait3A_271 = arith.constant 0 : i32
        %dma_wait3A_272 = tpu.memref_slice %arg6[%add3A_266, %dma_wait3A_271] : memref<344064x16xf32, #tpu.memory_space<hbm>> -> memref<640x16xf32, #tpu.memory_space<hbm>>
        %dma_wait3A_273 = arith.constant 0 : i32
        %dma_wait3A_274 = tpu.memref_slice %arg6[%add3A_266, %dma_wait3A_273] : memref<344064x16xf32, #tpu.memory_space<hbm>> -> memref<640x16xf32, #tpu.memory_space<hbm>>
        tpu.wait_dma2 semaphore(%run_scoped3A : memref<!tpu.dma_semaphore, #tpu.memory_space<semaphore_mem>>) src(%arg18 : memref<640x16xf32, #tpu.memory_space<vmem>>) dst(%dma_wait3A_274 : memref<640x16xf32, #tpu.memory_space<hbm>>)
        tpu.yield
      }) : () -> ()
    }
    %scan3A_74 = arith.constant 8 : i32
    return
  }
}

module attributes {stable_mosaic.version = 14 : i64} {
  func.func @_mm_body(%arg0: i32, %arg1: memref<2048x768xbf16, #tpu.memory_space<vmem>>, %arg2: memref<768x64xf32, #tpu.memory_space<vmem>>, %arg3: memref<1x64xf32, #tpu.memory_space<vmem>>, %arg4: memref<2048x64xf32, #tpu.memory_space<vmem>>) attributes {dimension_semantics = [#tpu.dimension_semantics<arbitrary>], iteration_bounds = array<i64: 8>, scalar_prefetch = 0 : i64, scratch_operands = 0 : i64, tpu.core_type = #tpu.core_type<tc>, window_params = [{transform_indices = @transform_0, window_bounds = array<i64: 2048, 768>}, {pipeline_mode = #tpu.pipeline_mode<synchronous>, transform_indices = @transform_1, window_bounds = array<i64: 768, 64>}, {pipeline_mode = #tpu.pipeline_mode<synchronous>, transform_indices = @transform_2, window_bounds = array<i64: 1, 64>}, {transform_indices = @transform_3, window_bounds = array<i64: 2048, 64>}]} {
    %get3A = arith.constant 0 : index
    %get3A_0 = arith.constant 0 : index
    %get3A_1 = vector.load %arg1[%get3A, %get3A_0] : memref<2048x768xbf16, #tpu.memory_space<vmem>>, vector<2048x768xbf16>
    %get3A_2 = arith.constant 0 : index
    %get3A_3 = arith.constant 0 : index
    %get3A_4 = vector.load %arg2[%get3A_2, %get3A_3] : memref<768x64xf32, #tpu.memory_space<vmem>>, vector<768x64xf32>
    %dot_general3A = arith.constant dense<0.000000e+00> : vector<2048x64xf32>
    %dot_general3A_5 = tpu.matmul %get3A_1, %get3A_4, %dot_general3A {dimension_numbers = #tpu.dot_dimension_numbers<[1], [0], [0], [1], [0, 0, 1, 1], [], []>, transpose_lhs_hint = false} : vector<2048x768xbf16>, vector<768x64xf32>, vector<2048x64xf32> -> vector<2048x64xf32>
    %get3A_6 = arith.constant 0 : index
    %get3A_7 = arith.constant 0 : index
    %get3A_8 = vector.load %arg3[%get3A_6, %get3A_7] : memref<1x64xf32, #tpu.memory_space<vmem>>, vector<1x64xf32>
    %add3A = vector.broadcast %get3A_8 : vector<1x64xf32> to vector<2048x64xf32>
    %add3A_9 = arith.addf %dot_general3A_5, %add3A : vector<2048x64xf32>
    %swap3A = arith.constant 0 : index
    %swap3A_10 = arith.constant 0 : index
    %swap3A_11 = vector.load %arg4[%swap3A, %swap3A_10] : memref<2048x64xf32, #tpu.memory_space<vmem>>, vector<2048x64xf32>
    tpu.vector_store %arg4[%swap3A, %swap3A_10], %add3A_9 {strides = array<i32>} : memref<2048x64xf32, #tpu.memory_space<vmem>>, vector<2048x64xf32>,
    return
  }
  func.func @transform_0(%arg0: i32) -> (i32, i32) {
    %c0_i32 = arith.constant 0 : i32
    %c0_i32_0 = arith.constant 0 : i32
    return %arg0, %c0_i32 : i32, i32
  }
  func.func @transform_1(%arg0: i32) -> (i32, i32) {
    %c0_i32 = arith.constant 0 : i32
    %c0_i32_0 = arith.constant 0 : i32
    %c0_i32_1 = arith.constant 0 : i32
    return %c0_i32, %c0_i32_0 : i32, i32
  }
  func.func @transform_2(%arg0: i32) -> (i32, i32) {
    %c0_i32 = arith.constant 0 : i32
    %c0_i32_0 = arith.constant 0 : i32
    %c0_i32_1 = arith.constant 0 : i32
    return %c0_i32, %c0_i32_0 : i32, i32
  }
  func.func @transform_3(%arg0: i32) -> (i32, i32) {
    %c0_i32 = arith.constant 0 : i32
    %c0_i32_0 = arith.constant 0 : i32
    return %arg0, %c0_i32 : i32, i32
  }
}

module attributes {stable_mosaic.version = 14 : i64} {
  func.func @_red_body(%arg0: i32, %arg1: memref<2048x128xf32, #tpu.memory_space<vmem>>, %arg2: memref<1xf32, #tpu.memory_space<smem>>) attributes {dimension_semantics = [#tpu.dimension_semantics<arbitrary>], iteration_bounds = array<i64: 21>, scalar_prefetch = 0 : i64, scratch_operands = 0 : i64, tpu.core_type = #tpu.core_type<tc>, window_params = [{transform_indices = @transform_0, window_bounds = array<i64: 2048, 128>}, {transform_indices = @transform_1, window_bounds = array<i64: 1>}]} {
    %iota3A = tpu.iota {dimensions = array<i32: 0>} : vector<128x8xi32>
    %iota3A_0 = tpu.iota {dimensions = array<i32: 1>} : vector<128x8xi32>
    %jit3A = arith.constant 16 : i32
    %div3A = vector.broadcast %jit3A : i32 to vector<128x8xi32>
    %div3A_1 = arith.divsi %iota3A, %div3A : vector<128x8xi32>
    %sign3A = arith.constant 0 : i32
    %sign3A_2 = vector.broadcast %sign3A : i32 to vector<128x8xi32>
    %sign3A_3 = arith.cmpi sgt, %iota3A, %sign3A_2 : vector<128x8xi32>
    %sign3A_4 = arith.extui %sign3A_3 : vector<128x8xi1> to vector<128x8xi32>
    %sign3A_5 = arith.constant 0 : i32
    %sign3A_6 = vector.broadcast %sign3A_5 : i32 to vector<128x8xi32>
    %sign3A_7 = arith.cmpi slt, %iota3A, %sign3A_6 : vector<128x8xi32>
    %sign3A_8 = arith.extui %sign3A_7 : vector<128x8xi1> to vector<128x8xi32>
    %sign3A_9 = arith.subi %sign3A_4, %sign3A_8 : vector<128x8xi32>
    %sign3A_10 = arith.constant 0 : i32
    %sign3A_11 = arith.cmpi sgt, %jit3A, %sign3A_10 : i32
    %sign3A_12 = arith.extui %sign3A_11 : i1 to i32
    %sign3A_13 = arith.constant 0 : i32
    %sign3A_14 = arith.cmpi slt, %jit3A, %sign3A_13 : i32
    %sign3A_15 = arith.extui %sign3A_14 : i1 to i32
    %sign3A_16 = arith.subi %sign3A_12, %sign3A_15 : i32
    %ne3A = vector.broadcast %sign3A_16 : i32 to vector<128x8xi32>
    %ne3A_17 = arith.cmpi ne, %sign3A_9, %ne3A : vector<128x8xi32>
    %rem3A = vector.broadcast %jit3A : i32 to vector<128x8xi32>
    %rem3A_18 = arith.remsi %iota3A, %rem3A : vector<128x8xi32>
    %ne3A_19 = arith.constant 0 : i32
    %ne3A_20 = vector.broadcast %ne3A_19 : i32 to vector<128x8xi32>
    %ne3A_21 = arith.cmpi ne, %rem3A_18, %ne3A_20 : vector<128x8xi32>
    %and3A = arith.andi %ne3A_17, %ne3A_21 : vector<128x8xi1>
    %sub3A = arith.constant 1 : i32
    %sub3A_22 = vector.broadcast %sub3A : i32 to vector<128x8xi32>
    %sub3A_23 = arith.subi %div3A_1, %sub3A_22 : vector<128x8xi32>
    %select_n3A = arith.select %and3A, %sub3A_23, %div3A_1 : vector<128x8xi1>, vector<128x8xi32>
    %eq3A = arith.cmpi eq, %select_n3A, %iota3A_0 : vector<128x8xi32>
    %convert_element_type3A = arith.extui %eq3A : vector<128x8xi1> to vector<128x8xi32>
    %convert_element_type3A_24 = arith.sitofp %convert_element_type3A : vector<128x8xi32> to vector<128x8xf32>
    %get3A = arith.constant 0 : index
    %get3A_25 = arith.constant 0 : index
    %get3A_26 = vector.load %arg1[%get3A, %get3A_25] : memref<2048x128xf32, #tpu.memory_space<vmem>>, vector<2048x128xf32>
    %dot_general3A = arith.constant dense<0.000000e+00> : vector<2048x8xf32>
    %dot_general3A_27 = tpu.matmul %get3A_26, %convert_element_type3A_24, %dot_general3A {dimension_numbers = #tpu.dot_dimension_numbers<[1], [0], [0], [1], [0, 0, 1, 1], [], []>, transpose_lhs_hint = false} : vector<2048x128xf32>, vector<128x8xf32>, vector<2048x8xf32> -> vector<2048x8xf32>
    %eq3A_28 = arith.constant 0 : i32
    %eq3A_29 = arith.cmpi eq, %arg0, %eq3A_28 : i32
    %jit3A_30 = arith.constant 1.000000e+00 : f32
    %jit3A_31 = arith.constant -1.000000e+00 : f32
    %select_n3A_32 = arith.select %eq3A_29, %jit3A_30, %jit3A_31 : f32
    %mul3A = vector.broadcast %select_n3A_32 : f32 to vector<2048x8xf32>
    %mul3A_33 = arith.mulf %mul3A, %dot_general3A_27 : vector<2048x8xf32>
    %neg3A = arith.constant 0.000000e+00 : f32
    %neg3A_34 = vector.broadcast %neg3A : f32 to vector<2048x8xf32>
    %neg3A_35 = arith.subf %neg3A_34, %mul3A_33 : vector<2048x8xf32>
    %custom_jvp_call3A = arith.constant 0.000000e+00 : f32
    %max3A = vector.broadcast %custom_jvp_call3A : f32 to vector<2048x8xf32>
    %max3A_36 = arith.maximumf %neg3A_35, %max3A : vector<2048x8xf32>
    %sub3A_37 = vector.broadcast %custom_jvp_call3A : f32 to vector<2048x8xf32>
    %sub3A_38 = arith.subf %neg3A_35, %sub3A_37 : vector<2048x8xf32>
    %ne3A_39 = arith.cmpf one, %sub3A_38, %sub3A_38 : vector<2048x8xf32>
    %add3A = vector.broadcast %custom_jvp_call3A : f32 to vector<2048x8xf32>
    %add3A_40 = arith.addf %neg3A_35, %add3A : vector<2048x8xf32>
    %abs3A = math.absf %sub3A_38 : vector<2048x8xf32>
    %neg3A_41 = arith.constant 0.000000e+00 : f32
    %neg3A_42 = vector.broadcast %neg3A_41 : f32 to vector<2048x8xf32>
    %neg3A_43 = arith.subf %neg3A_42, %abs3A : vector<2048x8xf32>
    %exp3A = math.exp %neg3A_43 : vector<2048x8xf32>
    %log1p3A = math.log1p %exp3A : vector<2048x8xf32>
    %add3A_44 = arith.addf %max3A_36, %log1p3A : vector<2048x8xf32>
    %select_n3A_45 = arith.select %ne3A_39, %add3A_40, %add3A_44 : vector<2048x8xi1>, vector<2048x8xf32>
    %neg3A_46 = arith.constant 0.000000e+00 : f32
    %neg3A_47 = vector.broadcast %neg3A_46 : f32 to vector<2048x8xf32>
    %neg3A_48 = arith.subf %neg3A_47, %select_n3A_45 : vector<2048x8xf32>
    %eq3A_49 = arith.constant 0 : i32
    %eq3A_50 = arith.cmpi eq, %arg0, %eq3A_49 : i32
    %convert_element_type3A_51 = arith.extui %eq3A_50 : i1 to i32
    %cond3A = arith.constant 0 : i32
    %cond3A_52 = arith.cmpi ne, %convert_element_type3A_51, %cond3A : i32
    scf.if %cond3A_52 {
      %swap3A_61 = arith.constant 0.000000e+00 : f32
      %swap3A_62 = arith.constant 0 : index
      %swap3A_63 = memref.load %arg2[%swap3A_62] : memref<1xf32, #tpu.memory_space<smem>>
      memref.store %swap3A_61, %arg2[%swap3A_62] : memref<1xf32, #tpu.memory_space<smem>>
    } else {
    }
    %get3A_53 = arith.constant 0 : index
    %get3A_54 = memref.load %arg2[%get3A_53] : memref<1xf32, #tpu.memory_space<smem>>
    %reduce_sum3A = vector.shape_cast %neg3A_48 : vector<2048x8xf32> to vector<1x2048x8xf32>
    %reduce_sum3A_55 = arith.constant dense<0.000000e+00> : vector<1xf32>
    %reduce_sum3A_56 = vector.multi_reduction <add>, %reduce_sum3A, %reduce_sum3A_55 [1, 2] : vector<1x2048x8xf32> to vector<1xf32>
    %reduce_sum3A_57 = vector.shape_cast %reduce_sum3A_56 : vector<1xf32> to vector<1x1x1xf32>
    %reduce_sum3A_58 = vector.extract %reduce_sum3A_57[0, 0, 0] : f32 from vector<1x1x1xf32>
    %sub3A_59 = arith.subf %get3A_54, %reduce_sum3A_58 : f32
    %swap3A = arith.constant 0 : index
    %swap3A_60 = memref.load %arg2[%swap3A] : memref<1xf32, #tpu.memory_space<smem>>
    memref.store %sub3A_59, %arg2[%swap3A] : memref<1xf32, #tpu.memory_space<smem>>
    return
  }
  func.func @transform_0(%arg0: i32) -> (i32, i32) {
    %c0_i32 = arith.constant 0 : i32
    %c0_i32_0 = arith.constant 0 : i32
    return %arg0, %c0_i32 : i32, i32
  }
  func.func @transform_1(%arg0: i32) -> i32 {
    %c0_i32 = arith.constant 0 : i32
    %c0_i32_0 = arith.constant 0 : i32
    return %c0_i32 : i32
  }
}

</mosaic_0001>

<sc_bundles>
// kernel: kernel.5.cloned.1.call-start
scs
__scs_entry_jumppad:
0x0: {  	(pc) =	sbr.rel $0x88, $3  }
0x1: {  	(tag) =	ssettag $0x0;
	lr =	simm.s32 $0x1  }
0x2: {  	[smem:$0x3F9B] =	sst lr;
	_ =	strace $0xD0000000  }
0x3: {  	_ = 	snop  }
0x4: {  	_ = 	snop  }
0x5: {  	_ = 	snop  }
0x6: {  	_ = 	snop  }
0x7: {  	_ = 	snop  }
__scs_overlays_trampoline_lowered:
0x8: {  	[smem:$0x3FAA] =	sst s0  }
0x9: {  	[smem:$0x3FAB] =	sst s1  }
0xa: {  	[smem:$0x3FAC] =	sst s2  }
0xb: {  	[smem:$0x3FAD] =	sst s3  }
0xc: {  	[smem:$0x3FAE] =	sst s4  }
0xd: {  	[smem:$0x3FAF] =	sst s5  }
0xe: {  	[smem:$0x3FB0] =	sst s6  }
0xf: {  	[smem:$0x3FB1] =	sst s7  }
0x10: {  	[smem:$0x3FB2] =	sst s8  }
0x11: {  	[smem:$0x3FB3] =	sst s9;
	s0 =	simm.s32 @!p0 $0x0  }
0x12: {  	s1 =	sld [smem:$0x3F99];
	s0 =	simm.s32 @p0 $0x1  }
0x13: {  	[smem:$0x3FB4] =	sst s0;
	s0 =	simm.s32 @!p1 $0x0  }
0x14: {  	s2 =	sld [smem:$0x3F98];
	s0 =	simm.s32 @p1 $0x1  }
0x15: {  	[smem:$0x3FB5] =	sst s0;
	s0 =	simm.s32 @!p2 $0x0  }
0x16: {  	s3 =	sld [smem:$0x3FDB];
	s0 =	simm.s32 @p2 $0x1  }
0x17: {  	s4 =	simm.s32 $0x1BF5;
	[smem:$0x3FB7] =	sst s0  }
0x18: {  	s0 =	sld [smem:$0x3F9A];
	_ =	swait.ge [sflag:s4], $0x0  }
0x19: {  	s7 =	sld [smem:$0x3F9B]  }
0x1a: {  	s8 =	sadd.s32 $0xFFFFE003, lr  }
0x1b: {  	s9 =	sadd.s32 $0xFFFFFEF7, lr;
	s5 =	simm.s32 $0xFFFFFFFF;
	p2 =	slt.u32 s8, $0xFFFFF086  }
0x1c: {  	p1 =	slt.u32 s9, $0xF7A;
	s5 =	simm.s32 @!p2 $0x0  }
0x1d: {  	s5 =	simm.s32 @p1 $0x1;
	p0 =	seq.s32 s7, s2  }
0x1e: {  	s7 =	smul.u32 @!p0 $0xF7A, s2;
	p2 =	seq.s32 @!p0 s5, $0x0  }
0x1f: {  	s9 =	smul.u32 $0xF7A, s1;
	s8 =	simm.s32 @!p0 $0x1BF5;
	p2 =	por !p2, p0  }
0x20: {  	[sflag:s8] =	ssyncset.s32 @!p0 $0xFFFFF086;
	s6 =	sadd.s32 @!p0 s3, s7;
	s7 =	simm.s32 @!p0 $0x108  }
0x21: {  	s3 =	sadd.s32 s3, s9;
	s6 =	sadd.s32 @!p0 $0x88, s6;
	s7 =	simm.s32 @p2 $0x1082  }
0x22: {  	[simem:s7], [sflag:s8] =	dma.local @!p0 [hbm:s6], $0xF7A  }
0x23: {  	s9 =	sor.u32 $0xD0000000, s2;
	s6 =	simm.s32 $0x108;
	_ =	swait.ge @!p0 [sflag:s8], $0x0  }
0x24: {  	s3 =	sadd.s32 $0x88, s3;
	s6 =	simm.s32 @!p1 $0x1082;
	[sflag:s4] =	ssyncset.s32 $0xFFFFF086  }
0x25: {  	[simem:s6], [sflag:s4] =	dma.local [hbm:s3], $0xF7A  }
0x26: {  	[smem:$0x3F9B] =	sst s1;
	(tag) =	ssettag s2;
	_ =	strace s9  }
0x27: {  	s1 =	sld [smem:$0x3FAB]  }
0x28: {  	s2 =	sld [smem:$0x3FAC]  }
0x29: {  	s4 =	sld [smem:$0x3FAE]  }
0x2a: {  	p0 =	seq.s32 s5, $0x0;
	s5 =	sld [smem:$0x3FAF]  }
0x2b: {  	s6 =	sld [smem:$0x3FB0]  }
0x2c: {  	s7 =	sld [smem:$0x3FB1]  }
0x2d: {  	s3 =	simm.s32 $0x108;
	s8 =	sld [smem:$0x3FB2]  }
0x2e: {  	s3 =	simm.s32 @!p0 $0x1082;
	s9 =	sld [smem:$0x3FB3]  }
0x2f: {  	lr =	sadd.s32 s0, s3;
	s0 =	sld [smem:$0x3FAA]  }
0x30: {  	s3 =	sld [smem:$0x3FAD]  }
0x31: {  	[smem:$0x3FB6] =	sst s10  }
0x32: {  	s10 =	sld [smem:$0x3FB4];
	_ =	sdelay $0x3  }
0x33: {  	p0 =	seq.s32 s10, $0x1;
	s10 =	sld [smem:$0x3FB6];
	_ =	sdelay $0x3  }
0x34: {  	[smem:$0x3FB6] =	sst s10  }
0x35: {  	s10 =	sld [smem:$0x3FB5];
	_ =	sdelay $0x3  }
0x36: {  	p1 =	seq.s32 s10, $0x1;
	s10 =	sld [smem:$0x3FB6];
	_ =	sdelay $0x3  }
0x37: {  	[smem:$0x3FB6] =	sst s10  }
0x38: {  	s10 =	sld [smem:$0x3FB7]  }
0x39: {  	_ = 	snop;
	(pc) =	sbr.ind lr, $3  }
0x3a: {  	_ = 	snop  }
0x3b: {  	_ = 	snop  }
0x3c: {  	p2 =	seq.s32 s10, $0x1;
	s10 =	sld [smem:$0x3FB6]  }
0x3d: {  	_ =	shalt  }
0x3e: {  	_ =	shalt  }
0x3f: {  	_ =	shalt  }
0x40: {  	_ =	shalt  }
0x41: {  	_ =	shalt  }
0x42: {  	_ =	shalt  }
0x43: {  	_ =	shalt  }
0x44: {  	_ =	shalt  }
0x45: {  	_ =	shalt  }
0x46: {  	_ =	shalt  }
0x47: {  	_ =	shalt  }
0x48: {  	_ =	shalt  }
0x49: {  	_ =	shalt  }
0x4a: {  	_ =	shalt  }
0x4b: {  	_ =	shalt  }
0x4c: {  	_ =	shalt  }
0x4d: {  	_ =	shalt  }
0x4e: {  	_ =	shalt  }
0x4f: {  	_ =	shalt  }
0x50: {  	_ =	shalt  }
0x51: {  	_ =	shalt  }
0x52: {  	_ =	shalt  }
0x53: {  	_ =	shalt  }
0x54: {  	_ =	shalt  }
0x55: {  	_ =	shalt  }
0x56: {  	_ =	shalt  }
0x57: {  	_ =	shalt  }
0x58: {  	_ =	shalt  }
0x59: {  	_ =	shalt  }
0x5a: {  	_ =	shalt  }
0x5b: {  	_ =	shalt  }
0x5c: {  	_ =	shalt  }
0x5d: {  	_ =	shalt  }
0x5e: {  	_ =	shalt  }
0x5f: {  	_ =	shalt  }
0x60: {  	_ =	shalt  }
0x61: {  	_ =	shalt  }
0x62: {  	_ =	shalt  }
0x63: {  	_ =	shalt  }
0x64: {  	_ =	shalt  }
0x65: {  	_ =	shalt  }
0x66: {  	_ =	shalt  }
0x67: {  	_ =	shalt  }
0x68: {  	_ =	shalt  }
0x69: {  	_ =	shalt  }
0x6a: {  	_ =	shalt  }
0x6b: {  	_ =	shalt  }
0x6c: {  	_ =	shalt  }
0x6d: {  	_ =	shalt  }
0x6e: {  	_ =	shalt  }
0x6f: {  	_ =	shalt  }
0x70: {  	_ =	shalt  }
0x71: {  	_ =	shalt  }
0x72: {  	_ =	shalt  }
0x73: {  	_ =	shalt  }
0x74: {  	_ =	shalt  }
0x75: {  	_ =	shalt  }
0x76: {  	_ =	shalt  }
0x77: {  	_ =	shalt  }
0x78: {  	_ =	shalt  }
0x79: {  	_ =	shalt  }
0x7a: {  	_ =	shalt  }
0x7b: {  	_ =	shalt  }
0x7c: {  	_ =	shalt  }
0x7d: {  	_ =	shalt  }
0x7e: {  	_ =	shalt  }
0x7f: {  	_ =	shalt  }
0x80: {  	_ =	shalt  }
0x81: {  	_ =	shalt  }
0x82: {  	_ =	shalt  }
0x83: {  	_ =	shalt  }
0x84: {  	_ =	shalt  }
0x85: {  	_ =	shalt  }
0x86: {  	_ =	shalt  }
0x87: {  	_ =	shalt  }
.Lfunc_end0:
.L_simem_size_0:
called_computation_lowered:
.L_overlay_start_0:
0x88: {  	s2 =	sld [smem:$0x3FD9]  }
0x89: {  	s3 =	sld [smem:$0x3FFE];
	_ =	sdelay $0x1  }
0x8a: {  	s1 =	srdreg.scid  }
0x8b: {  	s0 =	sand.u32 $0x1, s1  }
0x8c: {  	s17 =	sshll.u32 s0, $0xA;
	s2 =	sadd.s32 s3, s2  }
0x8d: {  	s2 =	sadd.s32 s2, s17  }
0x8e: {  	[smem:$0x3FC2] =	sst s2  }
0x8f: {  	_ = 	snop  }
0x90: {  	s2 =	sld [smem:$0x3FC9];
	(tm) =	ssettm $0x1  }
0x91: {  	s18 =	sld [smem:$0x3FFB];
	_ =	sdelay $0x3  }
0x92: {  	_ =	strace s18  }
0x93: {  	s3 =	sld [smem:$0x3FFC];
	_ =	sdelay $0x3  }
0x94: {  	_ =	strace s3  }
0x95: {  	s3 =	sld [smem:$0x3FFD];
	_ =	sdelay $0x3  }
0x96: {  	_ =	strace s3  }
0x97: {  	_ =	strace $0x8FFFFFFF  }
0x98: {  	s19 =	sld [smem:$0x3FDB];
	_ =	sdelay $0x1  }
0x99: {  	s4 =	simm.s32 $_scs_section_size  }
0x9a: {  	s5 =	simm.s32 $_size__tile_overlayer_lowered;
	s6 =	simm.s32 $_tile_overlayer_lowered  }
0x9b: {  	s22 =	simm.s32 $0x1BFF;
	s21 =	sshll.u32 s6, $0x1;
	s3 =	sadd.s32 s4, s19  }
0x9c: {  	s7 =	simm.s32 $0x0;
	s20 =	sshll.u32 s5, $0x1;
	s5 =	sadd.s32 s21, s3  }
0x9d: {  	[timem:s7], [sflag:s22] =	dma.local [hbm:s5], s20  }
0x9e: {  	_ =	swait.ge [sflag:s22], s20  }
0x9f: {  	s4 =	ssub.s32 $0x0, s20;
	[sflag:s22] =	ssyncset.done $0x0  }
0xa0: {  	[sflag:s22] =	ssyncadd.s32 s4;
	_ =	sdelay $0x1  }
0xa1: {  	s23 =	simm.s32 $0x1B8B  }
0xa2: {  	_ =	swait.ge [sflag:s23], $0x1  }
0xa3: {  	[sflag:s23] =	ssyncset.done $0x0  }
0xa4: {  	s25 =	simm.s32 $0x1B8E;
	s24 =	sld [smem:$0x3FFE];
	[sflag:s23] =	ssyncadd.s32 $0xFFFFFFFF  }
0xa5: {  	s26 =	simm.s32 $execute0_lowered;
	[smem:$0x3FD2] =	sst s25  }
0xa6: {  	s5 =	sshll.u32 s26, $0x1;
	_ =	strace $0x80000046;
	[dreg:$0x1] =	wrdreg $0xFFFFFFFF  }
0xa7: {  	s28 =	simm.s32 $_size_execute0_lowered;
	s3 =	sadd.s32 s3, s5;
	[dreg:$0x0] =	wrdreg $0x0  }
0xa8: {  	s5 =	sshll.u32 s28, $0x1;
	[dreg:$0x2] =	wrdreg s3  }
0xa9: {  	[dreg:$0x3] =	wrdreg s5  }
0xaa: {  	[dreg:$0x4] =	wrdreg $0xC0  }
0xab: {  	_ =	task [dreg:s7], $0x5FFFF  }
0xac: {  	[dreg:$0x1] =	wrdreg $0xFFFFFFFF  }
0xad: {  	[dreg:$0x0] =	wrdreg $0x60  }
0xae: {  	[dreg:$0x2] =	wrdreg s2  }
0xaf: {  	[dreg:$0x3] =	wrdreg s24  }
0xb0: {  	[dreg:$0x4] =	wrdreg $0x9  }
0xb1: {  	_ =	task.clear_ibuf [dreg:s7], $0x5FFFF;
	_ =	strace $0x90000046  }
0xb2: {  	s29 =	simm.s32 $0x9;
	_ =	strace $0x80000048  }
0xb3: {  	_ =	swait.ge [sflag:s29], $0x1  }
0xb4: {  	[sflag:s29] =	ssyncadd.s32 $0xFFFFFFFF  }
0xb5: {  	_ =	strace $0x90000048  }
0xb6: {  	_ =	sfence  }
0xb7: {  	s30 =	sld [smem:$0x0];
	_ =	sdelay $0x2  }
0xb8: {  	s31 =	sshll.u32 s1, $0xD;
	s1 =	sshrl.u32 s1, $0x2  }
0xb9: {  	s3 =	sand.u32 $0x4000, s31;
	s1 =	sadd.s32 s1, s30  }
0xba: {  	s0 =	sor.u32 s3, s0;
	s1 =	sshll.u32 s1, $0x11  }
0xbb: {  	s0 =	sor.u32 s1, s0  }
0xbc: {  	s0 =	sadd.s32 $0x8F2B, s0  }
0xbd: {  	[sflag:s0] =	ssyncadd.remote.s32 $0x1  }
0xbe: {  	_ =	sfence.sel $0xFFFF  }
0xbf: {  	[dreg:$0x0] =	wrdreg $0xFFFFFFFF;
	(pc) =	sbr.abs _section_cstart, $3  }
0xc0: {  	[dreg:$0x1] =	wrdreg $0xFFFFFFFF  }
0xc1: {  	_ =	task.clear_ibuf [dreg:s7], $0x2FFFF;
	_ =	strace $0x9FFFFFFF  }
0xc2: {  	(tm) =	ssettm $0x7FFFFFFF  }
0xc3: {  	_ =	shalt  }
tec
execute0_lowered:
.L_overlay_start_1:
0x0: {  	(tag) =	ssettag $0x1  }
0x1: {  	s1 =	rddreg [dreg:$0x0]  }
0x2: {  	s0 =	rddreg [dreg:$0x1]  }
0x3: {  	s2 =	simm.s32 $0x0;
	s3 =	srdreg.scid;
	s7 =	stileid.u32  }
0x4: {  	s16 =	simm.s32 $0x1;
	s17 =	simm.s32 $0x20;
	s19 =	simm.s32 $0x80  }
0x5: {  	s30 =	simm.s32 $0x2C0;
	s25 =	simm.s32 $0x4C0;
	s28 =	simm.s32 $0x16540  }
0x6: {  	s29 =	simm.s32 $0x3;
	s14 =	simm.s32 $0x16740;
	[smem:$0x7FF] =	sst s2  }
0x7: {  	s4 =	sadd.s32 $0x20C00, s0;
	s5 =	sadd.s32 $0xC00, s0;
	s3 =	sand.u32 $0x1, s3  }
0x8: {  	s6 =	sadd.s32 $0xF43000, s0;
	s9 =	sshll.u32 s7, $0x1;
	s7 =	sadd.s32 $0x2AC00, s0  }
0x9: {  	_ =	strace $0x80000047;
	s8 =	ssub.s32 $0x2, s3;
	s3 =	sor.u32 s3, s9  }
0xa: {  	s26 =	sshrl.u32 s8, $0x1;
	s9 =	sshll.u32 s3, $0x6;
	s10 =	smul.u32 $0x500, s3  }
0xb: {  	s0 =	ssub.s32 s8, s26;
	s8 =	sshll.u32 s3, $0x9;
	s9 =	sadd.s32 s1, s9  }
0xc: {  	s3 =	sshll.u32 s3, $0xC;
	[dreg:$0x3] =	wrdreg s9;
	s31 =	sadd.s32 s4, s10  }
0xd: {  	s26 =	simm.s32 $0x14540;
	s3 =	sadd.s32 s5, s3;
	[dreg:$0x4] =	wrdreg s31  }
0xe: {  	s12 =	sor.u32 $0x40, s8;
	s0 =	smax.u32 s0, $0x1;
	[dreg:$0x5] =	wrdreg s3  }
0xf: {  	s9 =	simm.s32 $0x0;
	[dreg:$0x6] =	wrdreg s0;
	s0 =	simm.s32 $0x2  }
.LBB2_1:
0x10: {  	[dreg:$0x7] =	wrdreg s9  }
0x11: {  	s3 =	rddreg [dreg:$0x3]  }
0x12: {  	[tilespmem:s2], [sflag:$0x1] =	stream.linear.gather [hbm4b:s3+s2], $0x20, $0x38;
	[tilespmem:$0x18F40] =	vst v63  }
0x13: {  	s23 =	rddreg [dreg:$0x4];
	s24 =	simm.s32 $0x40  }
0x14: {  	[tilespmem:s24], [sflag:$0x1] =	stream.linear.gather [hbm4b:s23+s2], $0x280, $0x38;
	[tilespmem:$0x18F40] =	vst v63  }
0x15: {  	s31 =	rddreg [dreg:$0x5];
	s10 =	simm.s32 $0x540  }
0x16: {  	[tilespmem:s10], [sflag:$0x1] =	stream.linear.gather [hbm4b:s31+s2], $0x800, $0x38;
	[tilespmem:$0x18F40] =	vst v63  }
0x17: {  	_ =	swait.ge [sflag:s16], $0x20  }
0x18: {  	[sflag:s16] =	ssyncset.done $0x0  }
0x19: {  	[sflag:s16] =	ssyncadd.s32 $0xFFFFFFE0  }
0x1a: {  	_ =	swait.ge [sflag:s16], $0x280  }
0x1b: {  	[sflag:s16] =	ssyncset.done $0x0  }
0x1c: {  	[sflag:s16] =	ssyncadd.s32 $0xFFFFFD80  }
0x1d: {  	_ =	swait.ge [sflag:s16], $0x800  }
0x1e: {  	[sflag:s16] =	ssyncset.done $0x0  }
0x1f: {  	s11 =	simm.s32 $0x1540;
	[sflag:s16] =	ssyncadd.s32 $0xFFFFF800  }
0x20: {  	[tilespmem:s11], [sflag:$0x1] =	stream.indirect.gather [hbm4b:s6+s17], $0x40, s2, s17, $0xb8;
	[tilespmem:$0x18F40] =	vst v63  }
0x21: {  	s13 =	simm.s32 $0x2540  }
0x22: {  	[tilespmem:s13], [sflag:$0x1] =	stream.indirect.gather [hbm4b:s6+s19], $0x40, s24, s19, $0xb8;
	[tilespmem:$0x18F40] =	vst v63  }
0x23: {  	s15 =	simm.s32 $0xC0;
	s18 =	simm.s32 $0x4540  }
0x24: {  	[tilespmem:s18], [sflag:$0x1] =	stream.indirect.gather [hbm4b:s6+s19], $0x40, s15, s19, $0xb8;
	[tilespmem:$0x18F40] =	vst v63  }
0x25: {  	s20 =	simm.s32 $0x140;
	s21 =	simm.s32 $0x6540  }
0x26: {  	[tilespmem:s21], [sflag:$0x1] =	stream.indirect.gather [hbm4b:s6+s19], $0x40, s20, s19, $0xb8;
	[tilespmem:$0x18F40] =	vst v63  }
0x27: {  	s22 =	simm.s32 $0x1C0;
	s23 =	simm.s32 $0x8540  }
0x28: {  	[tilespmem:s23], [sflag:$0x1] =	stream.indirect.gather [hbm4b:s6+s19], $0x40, s22, s19, $0xb8;
	[tilespmem:$0x18F40] =	vst v63  }
0x29: {  	s31 =	simm.s32 $0xA540;
	s10 =	simm.s32 $0x0;
	s24 =	simm.s32 $0x240  }
0x2a: {  	[tilespmem:s31], [sflag:$0x1] =	stream.indirect.gather [hbm4b:s6+s19], $0x40, s24, s19, $0xb8;
	[tilespmem:$0x18F40] =	vst v63  }
.LBB2_2:
0x2b: {  	s13 =	sshll.u32 s10, $0x6  }
0x2c: {  	s9 =	sor.u32 s13, s8  }
0x2d: {  	s11 =	sor.u32 $0x20, s9  }
0x2e: {  	s3 =	sshrl.u32 s11, $0x3  }
0x2f: {  	s15 =	simm.s32 $0x0;
	s18 =	smul.u32 $0x14, s11;
	s3 =	sadd.s32 s1, s3  }
0x30: {  	[tilespmem:s17], [sflag:$0x2] =	stream.linear.gather [hbm4b:s3+s15], $0x20, $0x38;
	[tilespmem:$0x18F40] =	vst v63  }
0x31: {  	s22 =	sshrl.u32 s18, $0x3  }
0x32: {  	s23 =	sshll.u32 s11, $0x3;
	s3 =	sadd.s32 s4, s22  }
0x33: {  	[tilespmem:s30], [sflag:$0x2] =	stream.linear.gather [hbm4b:s3+s15], $0x280, $0x38;
	[tilespmem:$0x18F40] =	vst v63  }
0x34: {  	s3 =	sand.u32 $0x1FFFFF00, s23  }
0x35: {  	s24 =	simm.s32 $0xD40;
	s3 =	sadd.s32 s5, s3  }
0x36: {  	[tilespmem:s24], [sflag:$0x2] =	stream.linear.gather [hbm4b:s3+s15], $0x800, $0x38;
	[tilespmem:$0x18F40] =	vst v63  }
0x37: {  	_ =	swait.ge [sflag:s0], $0x20  }
0x38: {  	[sflag:s0] =	ssyncset.done $0x0  }
0x39: {  	[sflag:s0] =	ssyncadd.s32 $0xFFFFFFE0  }
0x3a: {  	_ =	swait.ge [sflag:s0], $0x280  }
0x3b: {  	[sflag:s0] =	ssyncset.done $0x0  }
0x3c: {  	[sflag:s0] =	ssyncadd.s32 $0xFFFFFD80  }
0x3d: {  	_ =	swait.ge [sflag:s0], $0x800  }
0x3e: {  	[sflag:s0] =	ssyncset.done $0x0  }
0x3f: {  	s18 =	simm.s32 $0x1D40;
	[sflag:s0] =	ssyncadd.s32 $0xFFFFF800  }
0x40: {  	[tilespmem:s18], [sflag:$0x2] =	stream.indirect.gather [hbm4b:s6+s17], $0x40, s17, s17, $0xb8;
	[tilespmem:$0x18F40] =	vst v63  }
0x41: {  	s20 =	simm.s32 $0xC540  }
0x42: {  	[tilespmem:s20], [sflag:$0x2] =	stream.indirect.gather [hbm4b:s6+s19], $0x40, s30, s19, $0xb8;
	[tilespmem:$0x18F40] =	vst v63  }
0x43: {  	s21 =	simm.s32 $0x340;
	s22 =	simm.s32 $0xE540  }
0x44: {  	[tilespmem:s22], [sflag:$0x2] =	stream.indirect.gather [hbm4b:s6+s19], $0x40, s21, s19, $0xb8;
	[tilespmem:$0x18F40] =	vst v63  }
0x45: {  	s23 =	simm.s32 $0x3C0;
	s24 =	simm.s32 $0x10540  }
0x46: {  	[tilespmem:s24], [sflag:$0x2] =	stream.indirect.gather [hbm4b:s6+s19], $0x40, s23, s19, $0xb8;
	[tilespmem:$0x18F40] =	vst v63  }
0x47: {  	s18 =	simm.s32 $0x440;
	s20 =	simm.s32 $0x12540  }
0x48: {  	[tilespmem:s20], [sflag:$0x2] =	stream.indirect.gather [hbm4b:s6+s19], $0x40, s18, s19, $0xb8;
	[tilespmem:$0x18F40] =	vst v63  }
0x49: {  	_ = 	snop  }
0x4a: {  	[tilespmem:s26], [sflag:$0x2] =	stream.indirect.gather [hbm4b:s6+s19], $0x40, s25, s19, $0xb8;
	[tilespmem:$0x18F40] =	vst v63  }
0x4b: {  	_ =	swait.ge [sflag:s16], $0x800  }
0x4c: {  	[sflag:s16] =	ssyncset.done $0x0  }
0x4d: {  	[sflag:s16] =	ssyncadd.s32 $0xFFFFF800  }
0x4e: {  	_ =	swait.ge [sflag:s16], $0x2000  }
0x4f: {  	[sflag:s16] =	ssyncset.done $0x0  }
0x50: {  	[sflag:s16] =	ssyncadd.s32 $0xFFFFE000  }
0x51: {  	_ =	swait.ge [sflag:s16], $0x2000  }
0x52: {  	[sflag:s16] =	ssyncset.done $0x0  }
0x53: {  	[sflag:s16] =	ssyncadd.s32 $0xFFFFE000  }
0x54: {  	_ =	swait.ge [sflag:s16], $0x2000  }
0x55: {  	[sflag:s16] =	ssyncset.done $0x0  }
0x56: {  	[sflag:s16] =	ssyncadd.s32 $0xFFFFE000  }
0x57: {  	_ =	swait.ge [sflag:s16], $0x2000  }
0x58: {  	[sflag:s16] =	ssyncset.done $0x0  }
0x59: {  	[sflag:s16] =	ssyncadd.s32 $0xFFFFE000  }
0x5a: {  	_ =	swait.ge [sflag:s16], $0x2000  }
0x5b: {  	[sflag:s16] =	ssyncset.done $0x0  }
0x5c: {  	s21 =	simm.s32 $0x0;
	[sflag:s16] =	ssyncadd.s32 $0xFFFFE000  }
0x5d: {  	v0 =	vld [tilespmem:s21+$0x540]  }
0x5e: {  	v1 =	vld [tilespmem:s21+$0x550]  }
0x5f: {  	v2 =	vld [tilespmem:s21+$0x560]  }
0x60: {  	v3 =	vld [tilespmem:s21+$0x570]  }
0x61: {  	v4 =	vld [tilespmem:s21+$0x1540]  }
0x62: {  	v5 =	vld [tilespmem:s21+$0x1550]  }
0x63: {  	v6 =	vld [tilespmem:s21+$0x1560]  }
0x64: {  	v7 =	vld [tilespmem:s21+$0x1570];
	_ =	sdelay $0x3  }
0x65: {  	v4 =	vmul.f32 v4, v0;
	v5 =	vmul.f32 v5, v1  }
0x66: {  	v6 =	vmul.f32 v6, v2;
	v7 =	vmul.f32 v7, v3;
	_ =	sdelay $0x1  }
0x67: {  	v4 =	vadd.f32 v5, v4;
	v5 =	vadd.f32 v7, v6;
	_ =	sdelay $0x1  }
0x68: {  	v4 =	vadd.f32 v5, v4  }
0x69: {  	s22 =	simm.s32 $0x16540  }
0x6a: {  	s3 =	simm.s32 $0x27C0;
	[tilespmem:s22+$0x0] =	vst v4  }
0x6b: {  	v4 =	vld [tilespmem:s3+$0xFFFFFD80]  }
0x6c: {  	v5 =	vld [tilespmem:s3+$0xFFFFFD90]  }
0x6d: {  	v6 =	vld [tilespmem:s3+$0xFFFFFDA0]  }
0x6e: {  	v7 =	vld [tilespmem:s3+$0xFFFFFDB0];
	_ =	sdelay $0x3  }
0x6f: {  	v4 =	vmul.f32 v4, v0;
	v5 =	vmul.f32 v5, v1  }
0x70: {  	v6 =	vmul.f32 v6, v2;
	v7 =	vmul.f32 v7, v3;
	_ =	sdelay $0x1  }
0x71: {  	v4 =	vadd.f32 v5, v4;
	v5 =	vadd.f32 v7, v6;
	_ =	sdelay $0x1  }
0x72: {  	v4 =	vadd.f32 v5, v4  }
0x73: {  	s31 =	simm.s32 $0x167E0  }
0x74: {  	[tilespmem:s31+$0xFFFFFF60] =	vst v4  }
0x75: {  	v4 =	vld [tilespmem:s3+$0xFFFFFDC0]  }
0x76: {  	v5 =	vld [tilespmem:s3+$0xFFFFFDD0]  }
0x77: {  	v6 =	vld [tilespmem:s3+$0xFFFFFDE0]  }
0x78: {  	v7 =	vld [tilespmem:s3+$0xFFFFFDF0];
	_ =	sdelay $0x3  }
0x79: {  	v4 =	vmul.f32 v4, v0;
	v5 =	vmul.f32 v5, v1  }
0x7a: {  	v6 =	vmul.f32 v6, v2;
	v7 =	vmul.f32 v7, v3;
	_ =	sdelay $0x1  }
0x7b: {  	v4 =	vadd.f32 v5, v4;
	v5 =	vadd.f32 v7, v6;
	_ =	sdelay $0x1  }
0x7c: {  	v4 =	vadd.f32 v5, v4;
	_ =	sdelay $0x1  }
0x7d: {  	[tilespmem:s31+$0xFFFFFF70] =	vst v4  }
0x7e: {  	v4 =	vld [tilespmem:s3+$0xFFFFFE00]  }
0x7f: {  	v5 =	vld [tilespmem:s3+$0xFFFFFE10]  }
0x80: {  	v6 =	vld [tilespmem:s3+$0xFFFFFE20]  }
0x81: {  	v7 =	vld [tilespmem:s3+$0xFFFFFE30];
	_ =	sdelay $0x3  }
0x82: {  	v4 =	vmul.f32 v4, v0;
	v5 =	vmul.f32 v5, v1  }
0x83: {  	v6 =	vmul.f32 v6, v2;
	v7 =	vmul.f32 v7, v3;
	_ =	sdelay $0x1  }
0x84: {  	v4 =	vadd.f32 v5, v4;
	v5 =	vadd.f32 v7, v6;
	_ =	sdelay $0x1  }
0x85: {  	v4 =	vadd.f32 v5, v4;
	_ =	sdelay $0x1  }
0x86: {  	[tilespmem:s31+$0xFFFFFF80] =	vst v4  }
0x87: {  	v4 =	vld [tilespmem:s3+$0xFFFFFE40]  }
0x88: {  	v5 =	vld [tilespmem:s3+$0xFFFFFE50]  }
0x89: {  	v6 =	vld [tilespmem:s3+$0xFFFFFE60]  }
0x8a: {  	v7 =	vld [tilespmem:s3+$0xFFFFFE70];
	_ =	sdelay $0x3  }
0x8b: {  	v4 =	vmul.f32 v4, v0;
	v5 =	vmul.f32 v5, v1  }
0x8c: {  	v6 =	vmul.f32 v6, v2;
	v7 =	vmul.f32 v7, v3;
	_ =	sdelay $0x1  }
0x8d: {  	v4 =	vadd.f32 v5, v4;
	v5 =	vadd.f32 v7, v6;
	_ =	sdelay $0x1  }
0x8e: {  	v4 =	vadd.f32 v5, v4;
	_ =	sdelay $0x1  }
0x8f: {  	[tilespmem:s31+$0xFFFFFF90] =	vst v4  }
0x90: {  	v4 =	vld [tilespmem:s3+$0xFFFFFE80]  }
0x91: {  	v5 =	vld [tilespmem:s3+$0xFFFFFE90]  }
0x92: {  	v6 =	vld [tilespmem:s3+$0xFFFFFEA0]  }
0x93: {  	v7 =	vld [tilespmem:s3+$0xFFFFFEB0];
	_ =	sdelay $0x3  }
0x94: {  	v4 =	vmul.f32 v4, v0;
	v5 =	vmul.f32 v5, v1  }
0x95: {  	v6 =	vmul.f32 v6, v2;
	v7 =	vmul.f32 v7, v3;
	_ =	sdelay $0x1  }
0x96: {  	v4 =	vadd.f32 v5, v4;
	v5 =	vadd.f32 v7, v6;
	_ =	sdelay $0x1  }
0x97: {  	v4 =	vadd.f32 v5, v4;
	_ =	sdelay $0x1  }
0x98: {  	[tilespmem:s31+$0xFFFFFFA0] =	vst v4  }
0x99: {  	v5 =	vld [tilespmem:s3+$0xFFFFFEC0]  }
0x9a: {  	v8 =	vld [tilespmem:s3+$0xFFFFFED0]  }
0x9b: {  	v9 =	vld [tilespmem:s3+$0xFFFFFEE0]  }
0x9c: {  	v10 =	vld [tilespmem:s3+$0xFFFFFEF0]  }
0x9d: {  	s23 =	simm.s32 $0x40  }
0x9e: {  	v12 =	vld [tilespmem:s23+$0x1540]  }
0x9f: {  	v13 =	vld [tilespmem:s23+$0x1550]  }
0xa0: {  	v6 =	vld [tilespmem:s23+$0x540];
	v11 =	vmul.f32 v5, v0;
	v8 =	vmul.f32 v8, v1  }
0xa1: {  	v7 =	vld [tilespmem:s23+$0x550];
	v9 =	vmul.f32 v9, v2;
	v10 =	vmul.f32 v10, v3  }
0xa2: {  	v4 =	vld [tilespmem:s23+$0x560]  }
0xa3: {  	v5 =	vld [tilespmem:s23+$0x570];
	v8 =	vadd.f32 v8, v11;
	v9 =	vadd.f32 v10, v9  }
0xa4: {  	v10 =	vld [tilespmem:s23+$0x1560]  }
0xa5: {  	v11 =	vld [tilespmem:s23+$0x1570];
	v8 =	vadd.f32 v9, v8;
	_ =	sdelay $0x1  }
0xa6: {  	[tilespmem:s31+$0xFFFFFFB0] =	vst v8  }
0xa7: {  	v8 =	vld [tilespmem:s3+$0xFFFFFF00]  }
0xa8: {  	v9 =	vmul.f32 v12, v6;
	v12 =	vmul.f32 v13, v7;
	v13 =	vld [tilespmem:s3+$0xFFFFFF10]  }
0xa9: {  	v10 =	vmul.f32 v10, v4;
	v11 =	vmul.f32 v11, v5;
	v14 =	vld [tilespmem:s3+$0xFFFFFF20]  }
0xaa: {  	v15 =	vld [tilespmem:s3+$0xFFFFFF30]  }
0xab: {  	v9 =	vadd.f32 v12, v9;
	v10 =	vadd.f32 v11, v10;
	_ =	sdelay $0x1  }
0xac: {  	v9 =	vadd.f32 v10, v9  }
0xad: {  	s24 =	simm.s32 $0x16550;
	v8 =	vmul.f32 v8, v0;
	v10 =	vmul.f32 v13, v1  }
0xae: {  	v11 =	vmul.f32 v15, v3;
	[tilespmem:s24+$0x0] =	vst v9;
	v9 =	vmul.f32 v14, v2  }
0xaf: {  	s18 =	simm.s32 $0x2CC0  }
0xb0: {  	v12 =	vld [tilespmem:s18+$0xFFFFFD80];
	v8 =	vadd.f32 v10, v8;
	v9 =	vadd.f32 v11, v9  }
0xb1: {  	v10 =	vld [tilespmem:s18+$0xFFFFFD90]  }
0xb2: {  	v11 =	vld [tilespmem:s18+$0xFFFFFDA0];
	v8 =	vadd.f32 v9, v8  }
0xb3: {  	v9 =	vld [tilespmem:s18+$0xFFFFFDB0]  }
0xb4: {  	[tilespmem:s31+$0xFFFFFFC0] =	vst v8  }
0xb5: {  	v8 =	vld [tilespmem:s3+$0xFFFFFF40]  }
0xb6: {  	v13 =	vld [tilespmem:s3+$0xFFFFFF50]  }
0xb7: {  	v12 =	vmul.f32 v12, v6;
	v10 =	vmul.f32 v10, v7;
	v14 =	vld [tilespmem:s3+$0xFFFFFF60]  }
0xb8: {  	v11 =	vmul.f32 v11, v4;
	v15 =	vld [tilespmem:s3+$0xFFFFFF70];
	v9 =	vmul.f32 v9, v5;
	_ =	sdelay $0x1  }
0xb9: {  	v10 =	vadd.f32 v10, v12;
	v9 =	vadd.f32 v9, v11;
	_ =	sdelay $0x1  }
0xba: {  	v8 =	vmul.f32 v8, v0;
	v11 =	vmul.f32 v14, v2;
	v9 =	vadd.f32 v9, v10  }
0xbb: {  	s15 =	simm.s32 $0x16920;
	v12 =	vmul.f32 v15, v3;
	v10 =	vmul.f32 v13, v1  }
0xbc: {  	[tilespmem:s15+$0xFFFFFF60] =	vst v9  }
0xbd: {  	v8 =	vadd.f32 v10, v8;
	v10 =	vadd.f32 v12, v11;
	v9 =	vld [tilespmem:s18+$0xFFFFFDC0]  }
0xbe: {  	v11 =	vld [tilespmem:s18+$0xFFFFFDD0]  }
0xbf: {  	v12 =	vld [tilespmem:s18+$0xFFFFFDE0];
	v8 =	vadd.f32 v10, v8  }
0xc0: {  	v10 =	vld [tilespmem:s18+$0xFFFFFDF0]  }
0xc1: {  	[tilespmem:s31+$0xFFFFFFD0] =	vst v8  }
0xc2: {  	v8 =	vld [tilespmem:s3+$0xFFFFFF80]  }
0xc3: {  	v13 =	vld [tilespmem:s3+$0xFFFFFF90]  }
0xc4: {  	v14 =	vld [tilespmem:s3+$0xFFFFFFA0];
	v9 =	vmul.f32 v9, v6;
	v11 =	vmul.f32 v11, v7  }
0xc5: {  	v15 =	vld [tilespmem:s3+$0xFFFFFFB0];
	v12 =	vmul.f32 v12, v4;
	v10 =	vmul.f32 v10, v5;
	_ =	sdelay $0x1  }
0xc6: {  	v9 =	vadd.f32 v11, v9;
	v10 =	vadd.f32 v10, v12;
	_ =	sdelay $0x1  }
0xc7: {  	v8 =	vmul.f32 v8, v0;
	v11 =	vmul.f32 v14, v2;
	v9 =	vadd.f32 v10, v9  }
0xc8: {  	v12 =	vmul.f32 v15, v3;
	v10 =	vmul.f32 v13, v1  }
0xc9: {  	[tilespmem:s15+$0xFFFFFF70] =	vst v9  }
0xca: {  	v8 =	vadd.f32 v10, v8;
	v10 =	vadd.f32 v12, v11;
	v9 =	vld [tilespmem:s18+$0xFFFFFE00]  }
0xcb: {  	v11 =	vld [tilespmem:s18+$0xFFFFFE10]  }
0xcc: {  	v12 =	vld [tilespmem:s18+$0xFFFFFE20];
	v8 =	vadd.f32 v10, v8  }
0xcd: {  	v10 =	vld [tilespmem:s18+$0xFFFFFE30]  }
0xce: {  	[tilespmem:s31+$0xFFFFFFE0] =	vst v8  }
0xcf: {  	v8 =	vld [tilespmem:s3+$0xFFFFFFC0]  }
0xd0: {  	v13 =	vld [tilespmem:s3+$0xFFFFFFD0]  }
0xd1: {  	v14 =	vld [tilespmem:s3+$0xFFFFFFE0];
	v9 =	vmul.f32 v9, v6;
	v11 =	vmul.f32 v11, v7  }
0xd2: {  	v15 =	vld [tilespmem:s3+$0xFFFFFFF0];
	v12 =	vmul.f32 v12, v4;
	v10 =	vmul.f32 v10, v5;
	_ =	sdelay $0x1  }
0xd3: {  	v9 =	vadd.f32 v11, v9;
	v10 =	vadd.f32 v10, v12;
	_ =	sdelay $0x1  }
0xd4: {  	v8 =	vmul.f32 v8, v0;
	v11 =	vmul.f32 v14, v2;
	v9 =	vadd.f32 v10, v9  }
0xd5: {  	v12 =	vmul.f32 v15, v3;
	v10 =	vmul.f32 v13, v1  }
0xd6: {  	[tilespmem:s15+$0xFFFFFF80] =	vst v9  }
0xd7: {  	v8 =	vadd.f32 v10, v8;
	v10 =	vadd.f32 v12, v11;
	v9 =	vld [tilespmem:s18+$0xFFFFFE40]  }
0xd8: {  	v11 =	vld [tilespmem:s18+$0xFFFFFE50]  }
0xd9: {  	v12 =	vld [tilespmem:s18+$0xFFFFFE60];
	v8 =	vadd.f32 v10, v8  }
0xda: {  	v10 =	vld [tilespmem:s18+$0xFFFFFE70]  }
0xdb: {  	[tilespmem:s31+$0xFFFFFFF0] =	vst v8  }
0xdc: {  	v8 =	vld [tilespmem:s3+$0x0]  }
0xdd: {  	v13 =	vld [tilespmem:s3+$0x10]  }
0xde: {  	v14 =	vld [tilespmem:s3+$0x20];
	v9 =	vmul.f32 v9, v6;
	v11 =	vmul.f32 v11, v7  }
0xdf: {  	v15 =	vld [tilespmem:s3+$0x30];
	v12 =	vmul.f32 v12, v4;
	v10 =	vmul.f32 v10, v5;
	_ =	sdelay $0x1  }
0xe0: {  	v9 =	vadd.f32 v11, v9;
	v10 =	vadd.f32 v10, v12;
	_ =	sdelay $0x1  }
0xe1: {  	v8 =	vmul.f32 v8, v0;
	v11 =	vmul.f32 v14, v2;
	v9 =	vadd.f32 v10, v9  }
0xe2: {  	v12 =	vmul.f32 v15, v3;
	v10 =	vmul.f32 v13, v1  }
0xe3: {  	[tilespmem:s15+$0xFFFFFF90] =	vst v9  }
0xe4: {  	v8 =	vadd.f32 v10, v8;
	v10 =	vadd.f32 v12, v11;
	v9 =	vld [tilespmem:s18+$0xFFFFFE80]  }
0xe5: {  	v11 =	vld [tilespmem:s18+$0xFFFFFE90]  }
0xe6: {  	v12 =	vld [tilespmem:s18+$0xFFFFFEA0];
	v8 =	vadd.f32 v10, v8  }
0xe7: {  	v10 =	vld [tilespmem:s18+$0xFFFFFEB0]  }
0xe8: {  	[tilespmem:s31+$0x0] =	vst v8  }
0xe9: {  	v13 =	vld [tilespmem:s3+$0x40]  }
0xea: {  	v14 =	vld [tilespmem:s3+$0x50]  }
0xeb: {  	v15 =	vld [tilespmem:s3+$0x70];
	v8 =	vmul.f32 v9, v6;
	v9 =	vmul.f32 v11, v7  }
0xec: {  	v11 =	vld [tilespmem:s3+$0x60];
	v12 =	vmul.f32 v12, v4;
	v10 =	vmul.f32 v10, v5;
	_ =	sdelay $0x1  }
0xed: {  	v8 =	vadd.f32 v9, v8;
	v9 =	vadd.f32 v10, v12  }
0xee: {  	s20 =	simm.s32 $0x80  }
0xef: {  	v20 =	vld [tilespmem:s20+$0x1540];
	v12 =	vmul.f32 v13, v0;
	v13 =	vmul.f32 v14, v1;
	v10 =	vadd.f32 v9, v8  }
0xf0: {  	v14 =	vmul.f32 v15, v3;
	v8 =	vld [tilespmem:s20+$0x540];
	v11 =	vmul.f32 v11, v2  }
0xf1: {  	v9 =	vld [tilespmem:s20+$0x550];
	[tilespmem:s15+$0xFFFFFFA0] =	vst v10  }
0xf2: {  	v10 =	vadd.f32 v13, v12;
	v11 =	vadd.f32 v14, v11;
	v15 =	vld [tilespmem:s18+$0xFFFFFEC0]  }
0xf3: {  	v12 =	vld [tilespmem:s18+$0xFFFFFED0]  }
0xf4: {  	v13 =	vld [tilespmem:s18+$0xFFFFFEE0];
	v14 =	vadd.f32 v11, v10  }
0xf5: {  	v16 =	vld [tilespmem:s18+$0xFFFFFEF0]  }
0xf6: {  	v10 =	vld [tilespmem:s20+$0x560];
	[tilespmem:s31+$0x10] =	vst v14  }
0xf7: {  	v14 =	vld [tilespmem:s3+$0x80]  }
0xf8: {  	v17 =	vld [tilespmem:s3+$0x90]  }
0xf9: {  	v18 =	vld [tilespmem:s3+$0xA0];
	v15 =	vmul.f32 v15, v6;
	v12 =	vmul.f32 v12, v7  }
0xfa: {  	v19 =	vld [tilespmem:s3+$0xB0];
	v13 =	vmul.f32 v13, v4;
	v16 =	vmul.f32 v16, v5  }
0xfb: {  	v11 =	vld [tilespmem:s20+$0x570]  }
0xfc: {  	v12 =	vadd.f32 v12, v15;
	v13 =	vadd.f32 v16, v13;
	v15 =	vld [tilespmem:s20+$0x1550]  }
0xfd: {  	v16 =	vld [tilespmem:s20+$0x1560]  }
0xfe: {  	v12 =	vadd.f32 v13, v12;
	v13 =	vld [tilespmem:s20+$0x1570];
	v14 =	vmul.f32 v14, v0;
	v17 =	vmul.f32 v17, v1  }
0xff: {  	v18 =	vmul.f32 v18, v2;
	v19 =	vmul.f32 v19, v3  }
0x100: {  	[tilespmem:s15+$0xFFFFFFB0] =	vst v12  }
0x101: {  	v14 =	vadd.f32 v17, v14;
	v17 =	vadd.f32 v19, v18;
	v12 =	vld [tilespmem:s18+$0xFFFFFF00]  }
0x102: {  	v19 =	vmul.f32 v20, v8;
	v18 =	vld [tilespmem:s18+$0xFFFFFF10];
	v15 =	vmul.f32 v15, v9  }
0x103: {  	v20 =	vld [tilespmem:s18+$0xFFFFFF20];
	v16 =	vmul.f32 v16, v10;
	v14 =	vadd.f32 v17, v14;
	v13 =	vmul.f32 v13, v11  }
0x104: {  	v17 =	vld [tilespmem:s18+$0xFFFFFF30]  }
0x105: {  	v15 =	vadd.f32 v15, v19;
	[tilespmem:s31+$0x20] =	vst v14;
	v13 =	vadd.f32 v13, v16  }
0x106: {  	v14 =	vld [tilespmem:s3+$0xC0]  }
0x107: {  	v16 =	vmul.f32 v18, v7;
	v18 =	vld [tilespmem:s3+$0xE0];
	v13 =	vadd.f32 v13, v15  }
0x108: {  	s22 =	simm.s32 $0x16560;
	v12 =	vmul.f32 v12, v6;
	v15 =	vld [tilespmem:s3+$0xD0]  }
0x109: {  	v19 =	vmul.f32 v20, v4;
	v17 =	vmul.f32 v17, v5;
	[tilespmem:s22+$0x0] =	vst v13;
	v13 =	vld [tilespmem:s3+$0xF0]  }
0x10a: {  	s20 =	simm.s32 $0x31C0  }
0x10b: {  	v12 =	vadd.f32 v16, v12;
	v16 =	vadd.f32 v17, v19;
	v20 =	vld [tilespmem:s20+$0xFFFFFD80]  }
0x10c: {  	v17 =	vld [tilespmem:s20+$0xFFFFFD90]  }
0x10d: {  	v19 =	vld [tilespmem:s20+$0xFFFFFDA0];
	v14 =	vmul.f32 v14, v0;
	v12 =	vadd.f32 v16, v12;
	v18 =	vmul.f32 v18, v2  }
0x10e: {  	v16 =	vld [tilespmem:s20+$0xFFFFFDB0];
	v15 =	vmul.f32 v15, v1;
	v13 =	vmul.f32 v13, v3  }
0x10f: {  	[tilespmem:s15+$0xFFFFFFC0] =	vst v12  }
0x110: {  	v12 =	vld [tilespmem:s18+$0xFFFFFF40];
	v14 =	vadd.f32 v15, v14;
	v13 =	vadd.f32 v13, v18  }
0x111: {  	v15 =	vld [tilespmem:s18+$0xFFFFFF50]  }
0x112: {  	v17 =	vmul.f32 v17, v9;
	v18 =	vmul.f32 v20, v8;
	v20 =	vld [tilespmem:s18+$0xFFFFFF60];
	v13 =	vadd.f32 v13, v14  }
0x113: {  	v16 =	vmul.f32 v16, v11;
	v14 =	vmul.f32 v19, v10;
	v19 =	vld [tilespmem:s18+$0xFFFFFF70]  }
0x114: {  	[tilespmem:s31+$0x30] =	vst v13  }
0x115: {  	v13 =	vadd.f32 v17, v18;
	v14 =	vadd.f32 v16, v14;
	v16 =	vld [tilespmem:s3+$0x100]  }
0x116: {  	v17 =	vld [tilespmem:s3+$0x110]  }
0x117: {  	v12 =	vmul.f32 v12, v6;
	v18 =	vmul.f32 v20, v4;
	v20 =	vld [tilespmem:s3+$0x130];
	v13 =	vadd.f32 v14, v13  }
0x118: {  	s21 =	simm.s32 $0x16A60;
	v14 =	vmul.f32 v15, v7;
	v15 =	vld [tilespmem:s3+$0x120];
	v19 =	vmul.f32 v19, v5  }
0x119: {  	[tilespmem:s21+$0xFFFFFF60] =	vst v13  }
0x11a: {  	v12 =	vadd.f32 v14, v12;
	v13 =	vld [tilespmem:s20+$0xFFFFFDC0];
	v14 =	vadd.f32 v19, v18  }
0x11b: {  	v18 =	vld [tilespmem:s20+$0xFFFFFDD0]  }
0x11c: {  	v19 =	vld [tilespmem:s20+$0xFFFFFDE0];
	v20 =	vmul.f32 v20, v3;
	v12 =	vadd.f32 v14, v12;
	v14 =	vmul.f32 v16, v0  }
0x11d: {  	v16 =	vmul.f32 v17, v1;
	v17 =	vld [tilespmem:s20+$0xFFFFFDF0];
	v15 =	vmul.f32 v15, v2  }
0x11e: {  	[tilespmem:s15+$0xFFFFFFD0] =	vst v12  }
0x11f: {  	v14 =	vadd.f32 v16, v14;
	v15 =	vadd.f32 v20, v15;
	v12 =	vld [tilespmem:s18+$0xFFFFFF80]  }
0x120: {  	v16 =	vld [tilespmem:s18+$0xFFFFFF90]  }
0x121: {  	v13 =	vmul.f32 v13, v8;
	v18 =	vmul.f32 v18, v9;
	v20 =	vld [tilespmem:s18+$0xFFFFFFA0];
	v14 =	vadd.f32 v15, v14  }
0x122: {  	v15 =	vmul.f32 v19, v10;
	v19 =	vld [tilespmem:s18+$0xFFFFFFB0];
	v17 =	vmul.f32 v17, v11  }
0x123: {  	[tilespmem:s31+$0x40] =	vst v14  }
0x124: {  	v13 =	vadd.f32 v18, v13;
	v14 =	vadd.f32 v17, v15;
	v15 =	vld [tilespmem:s3+$0x140]  }
0x125: {  	v17 =	vld [tilespmem:s3+$0x150]  }
0x126: {  	v12 =	vmul.f32 v12, v6;
	v18 =	vmul.f32 v20, v4;
	v20 =	vld [tilespmem:s3+$0x170];
	v13 =	vadd.f32 v14, v13  }
0x127: {  	v14 =	vmul.f32 v16, v7;
	v16 =	vld [tilespmem:s3+$0x160];
	v19 =	vmul.f32 v19, v5  }
0x128: {  	[tilespmem:s21+$0xFFFFFF70] =	vst v13  }
0x129: {  	v12 =	vadd.f32 v14, v12;
	v14 =	vadd.f32 v19, v18;
	v13 =	vld [tilespmem:s20+$0xFFFFFE00]  }
0x12a: {  	v18 =	vld [tilespmem:s20+$0xFFFFFE10]  }
0x12b: {  	v19 =	vld [tilespmem:s20+$0xFFFFFE20];
	v12 =	vadd.f32 v14, v12;
	v14 =	vmul.f32 v15, v0;
	v15 =	vmul.f32 v17, v1  }
0x12c: {  	v17 =	vld [tilespmem:s20+$0xFFFFFE30];
	v20 =	vmul.f32 v20, v3;
	v16 =	vmul.f32 v16, v2  }
0x12d: {  	[tilespmem:s15+$0xFFFFFFE0] =	vst v12  }
0x12e: {  	v14 =	vadd.f32 v15, v14;
	v12 =	vld [tilespmem:s18+$0xFFFFFFC0];
	v15 =	vadd.f32 v20, v16  }
0x12f: {  	v16 =	vld [tilespmem:s18+$0xFFFFFFD0]  }
0x130: {  	v20 =	vld [tilespmem:s18+$0xFFFFFFE0];
	v13 =	vmul.f32 v13, v8;
	v18 =	vmul.f32 v18, v9;
	v14 =	vadd.f32 v15, v14  }
0x131: {  	v15 =	vmul.f32 v19, v10;
	v17 =	vmul.f32 v17, v11;
	v19 =	vld [tilespmem:s18+$0xFFFFFFF0]  }
0x132: {  	[tilespmem:s31+$0x50] =	vst v14  }
0x133: {  	v13 =	vadd.f32 v18, v13;
	v14 =	vadd.f32 v17, v15;
	v15 =	vld [tilespmem:s3+$0x180]  }
0x134: {  	v21 =	vld [tilespmem:s3+$0x190]  }
0x135: {  	v18 =	vmul.f32 v12, v6;
	v16 =	vmul.f32 v16, v7;
	v12 =	vld [tilespmem:s3+$0x1A0];
	v14 =	vadd.f32 v14, v13  }
0x136: {  	v20 =	vmul.f32 v20, v4;
	v13 =	vld [tilespmem:s3+$0x1B0];
	v19 =	vmul.f32 v19, v5  }
0x137: {  	[tilespmem:s21+$0xFFFFFF80] =	vst v14  }
0x138: {  	v14 =	vadd.f32 v16, v18;
	v17 =	vld [tilespmem:s20+$0xFFFFFE40];
	v16 =	vadd.f32 v19, v20  }
0x139: {  	v19 =	vld [tilespmem:s20+$0xFFFFFE50]  }
0x13a: {  	s23 =	simm.s32 $0x300;
	v18 =	vld [tilespmem:s20+$0xFFFFFE60];
	v16 =	vadd.f32 v16, v14;
	v14 =	vmul.f32 v15, v0;
	v15 =	vmul.f32 v21, v1  }
.LBB2_3:
0x13b: {  	s24 =	sshra.s32 s23, $0x2;
	p0 =	sne.s32 s23, $0x1F00;
	v20 =	vld [tilespmem:s20+$0xFFFFFE70];
	v21 =	vmul.f32 v12, v2;
	v13 =	vmul.f32 v13, v3  }
0x13c: {  	v12 =	vld [tilespmem:s24+$0x540];
	[tilespmem:s15+$0xFFFFFFF0] =	vst v16  }
0x13d: {  	v14 =	vadd.f32 v15, v14;
	v16 =	vld [tilespmem:s18+$0x0];
	v13 =	vadd.f32 v13, v21  }
0x13e: {  	v15 =	vld [tilespmem:s18+$0x10]  }
0x13f: {  	v17 =	vmul.f32 v17, v8;
	v19 =	vmul.f32 v19, v9;
	v21 =	vld [tilespmem:s18+$0x20];
	v14 =	vadd.f32 v13, v14  }
0x140: {  	v18 =	vmul.f32 v18, v10;
	v20 =	vmul.f32 v20, v11;
	v22 =	vld [tilespmem:s18+$0x30]  }
0x141: {  	v13 =	vld [tilespmem:s24+$0x550];
	[tilespmem:s31+$0x60] =	vst v14  }
0x142: {  	v14 =	vadd.f32 v19, v17;
	v17 =	vadd.f32 v20, v18;
	v18 =	vld [tilespmem:s3+$0x1C0]  }
0x143: {  	v19 =	vld [tilespmem:s3+$0x1D0]  }
0x144: {  	v16 =	vmul.f32 v16, v6;
	v15 =	vmul.f32 v15, v7;
	v17 =	vadd.f32 v17, v14;
	v20 =	vld [tilespmem:s3+$0x1E0]  }
0x145: {  	v21 =	vmul.f32 v21, v4;
	v22 =	vmul.f32 v22, v5;
	v23 =	vld [tilespmem:s3+$0x1F0]  }
0x146: {  	v14 =	vld [tilespmem:s24+$0x560];
	[tilespmem:s21+$0xFFFFFF90] =	vst v17  }
0x147: {  	v15 =	vadd.f32 v15, v16;
	v17 =	vld [tilespmem:s20+$0xFFFFFE80];
	v16 =	vadd.f32 v22, v21  }
0x148: {  	v21 =	vld [tilespmem:s20+$0xFFFFFE90]  }
0x149: {  	v18 =	vmul.f32 v18, v0;
	v19 =	vmul.f32 v19, v1;
	v22 =	vld [tilespmem:s20+$0xFFFFFEA0];
	v16 =	vadd.f32 v16, v15  }
0x14a: {  	v20 =	vmul.f32 v20, v2;
	v24 =	vld [tilespmem:s20+$0xFFFFFEB0];
	v23 =	vmul.f32 v23, v3  }
0x14b: {  	v15 =	vld [tilespmem:s24+$0x570];
	[tilespmem:s15+$0x0] =	vst v16  }
0x14c: {  	v18 =	vadd.f32 v19, v18;
	v16 =	vld [tilespmem:s18+$0x40];
	v19 =	vadd.f32 v23, v20  }
0x14d: {  	v20 =	vld [tilespmem:s18+$0x50]  }
0x14e: {  	v17 =	vmul.f32 v17, v8;
	v21 =	vmul.f32 v21, v9;
	v23 =	vld [tilespmem:s18+$0x60];
	v18 =	vadd.f32 v19, v18  }
0x14f: {  	v19 =	vmul.f32 v22, v10;
	v22 =	vmul.f32 v24, v11;
	v24 =	vld [tilespmem:s18+$0x70]  }
0x150: {  	v25 =	vld [tilespmem:s24+$0x1540];
	[tilespmem:s31+$0x70] =	vst v18  }
0x151: {  	v17 =	vadd.f32 v21, v17;
	v18 =	vadd.f32 v22, v19;
	v19 =	vld [tilespmem:s3+$0x200]  }
0x152: {  	v21 =	vld [tilespmem:s3+$0x210]  }
0x153: {  	v16 =	vmul.f32 v16, v6;
	v17 =	vadd.f32 v18, v17;
	v18 =	vmul.f32 v20, v7;
	v20 =	vld [tilespmem:s3+$0x220]  }
0x154: {  	v22 =	vmul.f32 v23, v4;
	v23 =	vmul.f32 v24, v5;
	v24 =	vld [tilespmem:s3+$0x230]  }
0x155: {  	v26 =	vld [tilespmem:s24+$0x1550];
	[tilespmem:s21+$0xFFFFFFA0] =	vst v17  }
0x156: {  	v16 =	vadd.f32 v18, v16;
	v17 =	vld [tilespmem:s20+$0xFFFFFEC0];
	v18 =	vadd.f32 v23, v22  }
0x157: {  	v22 =	vld [tilespmem:s20+$0xFFFFFED0]  }
0x158: {  	v23 =	vld [tilespmem:s20+$0xFFFFFEE0];
	v16 =	vadd.f32 v18, v16;
	v18 =	vmul.f32 v19, v0;
	v19 =	vmul.f32 v21, v1  }
0x159: {  	v20 =	vmul.f32 v20, v2;
	v21 =	vld [tilespmem:s20+$0xFFFFFEF0];
	v24 =	vmul.f32 v24, v3  }
0x15a: {  	v27 =	vld [tilespmem:s24+$0x1560];
	[tilespmem:s15+$0x10] =	vst v16  }
0x15b: {  	v18 =	vadd.f32 v19, v18;
	v16 =	vld [tilespmem:s18+$0x80];
	v19 =	vadd.f32 v24, v20  }
0x15c: {  	v20 =	vld [tilespmem:s18+$0x90]  }
0x15d: {  	v17 =	vmul.f32 v17, v8;
	v22 =	vmul.f32 v22, v9;
	v24 =	vld [tilespmem:s18+$0xA0];
	v18 =	vadd.f32 v19, v18  }
0x15e: {  	v19 =	vmul.f32 v23, v10;
	v21 =	vmul.f32 v21, v11;
	v23 =	vld [tilespmem:s18+$0xB0]  }
0x15f: {  	v28 =	vld [tilespmem:s24+$0x1570];
	[tilespmem:s31+$0x80] =	vst v18  }
0x160: {  	v17 =	vadd.f32 v22, v17;
	v18 =	vadd.f32 v21, v19;
	v19 =	vld [tilespmem:s3+$0x240]  }
0x161: {  	v21 =	vld [tilespmem:s3+$0x250]  }
0x162: {  	v16 =	vmul.f32 v16, v6;
	v17 =	vadd.f32 v18, v17;
	v18 =	vmul.f32 v20, v7;
	v20 =	vld [tilespmem:s3+$0x260]  }
0x163: {  	v22 =	vmul.f32 v24, v4;
	v23 =	vmul.f32 v23, v5;
	v24 =	vld [tilespmem:s3+$0x270];
	s3 =	smov.u32 s18;
	s18 =	smov.u32 s20  }
0x164: {  	v25 =	vmul.f32 v25, v12;
	[tilespmem:s21+$0xFFFFFFB0] =	vst v17  }
0x165: {  	v17 =	vmul.f32 v26, v13;
	v16 =	vadd.f32 v18, v16;
	v26 =	vld [tilespmem:s20+$0xFFFFFF00];
	v18 =	vadd.f32 v23, v22  }
0x166: {  	v22 =	vmul.f32 v27, v14;
	v23 =	vmul.f32 v28, v15;
	v27 =	vld [tilespmem:s20+$0xFFFFFF10]  }
0x167: {  	v28 =	vld [tilespmem:s20+$0xFFFFFF20];
	v16 =	vadd.f32 v18, v16;
	v18 =	vmul.f32 v19, v0;
	v19 =	vmul.f32 v21, v1;
	v0 =	vmovc v6  }
0x168: {  	v20 =	vmul.f32 v20, v2;
	v6 =	vmovc v8;
	v8 =	vmovc v12;
	v1 =	vmov v7;
	v21 =	vld [tilespmem:s20+$0xFFFFFF30];
	v24 =	vmul.f32 v24, v3  }
0x169: {  	v12 =	vadd.f32 v17, v25;
	v17 =	vadd.f32 v23, v22;
	v7 =	vmovc v9;
	v9 =	vmov v13;
	[tilespmem:s15+$0x20] =	vst v16  }
0x16a: {  	v2 =	vmovc v4;
	v4 =	vmovc v10;
	v10 =	vmov v14;
	v16 =	vadd.f32 v19, v18;
	v13 =	vld [tilespmem:s3+$0xC0];
	v18 =	vadd.f32 v24, v20  }
0x16b: {  	v3 =	vmovc v5;
	v5 =	vmov v11;
	v11 =	vmov v15;
	v12 =	vadd.f32 v17, v12;
	v14 =	vld [tilespmem:s3+$0xD0]  }
0x16c: {  	s22 =	sadd.s32 $0x10, s22;
	v15 =	vmul.f32 v26, v6;
	v17 =	vmul.f32 v27, v7;
	v19 =	vld [tilespmem:s3+$0xE0];
	v16 =	vadd.f32 v18, v16  }
0x16d: {  	[tilespmem:s22+$0x0] =	vst v12;
	v12 =	vmul.f32 v28, v4;
	v18 =	vmul.f32 v21, v5;
	v20 =	vld [tilespmem:s3+$0xF0]  }
0x16e: {  	s20 =	sadd.s32 $0x500, s20;
	[tilespmem:s31+$0x90] =	vst v16;
	s31 =	smov.u32 s15;
	s15 =	smov.u32 s21  }
0x16f: {  	v15 =	vadd.f32 v17, v15;
	v16 =	vld [tilespmem:s20+$0xFFFFFD80];
	v12 =	vadd.f32 v18, v12  }
0x170: {  	v17 =	vld [tilespmem:s20+$0xFFFFFD90]  }
0x171: {  	v13 =	vmul.f32 v13, v0;
	v14 =	vmul.f32 v14, v1;
	v18 =	vld [tilespmem:s20+$0xFFFFFDA0];
	v12 =	vadd.f32 v12, v15  }
0x172: {  	v19 =	vmul.f32 v19, v2;
	v15 =	vld [tilespmem:s20+$0xFFFFFDB0];
	v20 =	vmul.f32 v20, v3  }
0x173: {  	[tilespmem:s21+$0xFFFFFFC0] =	vst v12  }
0x174: {  	v13 =	vadd.f32 v14, v13;
	v12 =	vld [tilespmem:s18+$0xFFFFFF40];
	v14 =	vadd.f32 v20, v19  }
0x175: {  	v19 =	vld [tilespmem:s18+$0xFFFFFF50]  }
0x176: {  	v16 =	vmul.f32 v16, v8;
	v17 =	vmul.f32 v17, v9;
	v20 =	vld [tilespmem:s18+$0xFFFFFF60];
	v13 =	vadd.f32 v14, v13  }
0x177: {  	v14 =	vmul.f32 v18, v10;
	v15 =	vmul.f32 v15, v11;
	v18 =	vld [tilespmem:s18+$0xFFFFFF70]  }
0x178: {  	[tilespmem:s31+$0x30] =	vst v13  }
0x179: {  	v13 =	vadd.f32 v17, v16;
	v14 =	vadd.f32 v15, v14;
	v15 =	vld [tilespmem:s3+$0x100]  }
0x17a: {  	v16 =	vld [tilespmem:s3+$0x110]  }
0x17b: {  	v12 =	vmul.f32 v12, v6;
	v13 =	vadd.f32 v14, v13;
	v14 =	vmul.f32 v19, v7;
	v17 =	vld [tilespmem:s3+$0x120]  }
0x17c: {  	s21 =	sadd.s32 $0x140, s21;
	v19 =	vmul.f32 v20, v4;
	v18 =	vmul.f32 v18, v5;
	v20 =	vld [tilespmem:s3+$0x130]  }
0x17d: {  	[tilespmem:s21+$0xFFFFFF60] =	vst v13  }
0x17e: {  	v12 =	vadd.f32 v14, v12;
	v13 =	vld [tilespmem:s20+$0xFFFFFDC0];
	v14 =	vadd.f32 v18, v19  }
0x17f: {  	v18 =	vld [tilespmem:s20+$0xFFFFFDD0]  }
0x180: {  	v19 =	vld [tilespmem:s20+$0xFFFFFDE0];
	v12 =	vadd.f32 v14, v12;
	v14 =	vmul.f32 v15, v0;
	v15 =	vmul.f32 v16, v1  }
0x181: {  	v17 =	vmul.f32 v17, v2;
	v16 =	vld [tilespmem:s20+$0xFFFFFDF0];
	v20 =	vmul.f32 v20, v3  }
0x182: {  	[tilespmem:s15+$0xFFFFFFD0] =	vst v12  }
0x183: {  	v14 =	vadd.f32 v15, v14;
	v12 =	vld [tilespmem:s18+$0xFFFFFF80];
	v15 =	vadd.f32 v20, v17  }
0x184: {  	v17 =	vld [tilespmem:s18+$0xFFFFFF90]  }
0x185: {  	v13 =	vmul.f32 v13, v8;
	v18 =	vmul.f32 v18, v9;
	v20 =	vld [tilespmem:s18+$0xFFFFFFA0];
	v14 =	vadd.f32 v15, v14  }
0x186: {  	v15 =	vmul.f32 v19, v10;
	v16 =	vmul.f32 v16, v11;
	v19 =	vld [tilespmem:s18+$0xFFFFFFB0]  }
0x187: {  	[tilespmem:s31+$0x40] =	vst v14  }
0x188: {  	v13 =	vadd.f32 v18, v13;
	v14 =	vadd.f32 v16, v15;
	v15 =	vld [tilespmem:s3+$0x140]  }
0x189: {  	v16 =	vld [tilespmem:s3+$0x150]  }
0x18a: {  	v12 =	vmul.f32 v12, v6;
	v13 =	vadd.f32 v14, v13;
	v14 =	vmul.f32 v17, v7;
	v17 =	vld [tilespmem:s3+$0x160]  }
0x18b: {  	v18 =	vmul.f32 v20, v4;
	v19 =	vmul.f32 v19, v5;
	v20 =	vld [tilespmem:s3+$0x170]  }
0x18c: {  	[tilespmem:s21+$0xFFFFFF70] =	vst v13  }
0x18d: {  	v12 =	vadd.f32 v14, v12;
	v13 =	vld [tilespmem:s20+$0xFFFFFE00];
	v14 =	vadd.f32 v19, v18  }
0x18e: {  	v18 =	vld [tilespmem:s20+$0xFFFFFE10]  }
0x18f: {  	v19 =	vld [tilespmem:s20+$0xFFFFFE20];
	v12 =	vadd.f32 v14, v12;
	v14 =	vmul.f32 v15, v0;
	v15 =	vmul.f32 v16, v1  }
0x190: {  	v17 =	vmul.f32 v17, v2;
	v16 =	vld [tilespmem:s20+$0xFFFFFE30];
	v20 =	vmul.f32 v20, v3  }
0x191: {  	[tilespmem:s15+$0xFFFFFFE0] =	vst v12  }
0x192: {  	v14 =	vadd.f32 v15, v14;
	v12 =	vld [tilespmem:s18+$0xFFFFFFC0];
	v15 =	vadd.f32 v20, v17  }
0x193: {  	v17 =	vld [tilespmem:s18+$0xFFFFFFD0]  }
0x194: {  	v13 =	vmul.f32 v13, v8;
	v18 =	vmul.f32 v18, v9;
	v20 =	vld [tilespmem:s18+$0xFFFFFFE0];
	v14 =	vadd.f32 v15, v14  }
0x195: {  	v15 =	vmul.f32 v19, v10;
	v16 =	vmul.f32 v16, v11;
	v19 =	vld [tilespmem:s18+$0xFFFFFFF0]  }
0x196: {  	[tilespmem:s31+$0x50] =	vst v14  }
0x197: {  	v13 =	vadd.f32 v18, v13;
	v14 =	vadd.f32 v16, v15;
	v15 =	vld [tilespmem:s3+$0x180]  }
0x198: {  	v21 =	vld [tilespmem:s3+$0x190]  }
0x199: {  	v16 =	vmul.f32 v12, v6;
	v18 =	vmul.f32 v17, v7;
	v14 =	vadd.f32 v14, v13;
	v12 =	vld [tilespmem:s3+$0x1A0]  }
.Ltmp0:
0x19a: {  	v20 =	vmul.f32 v20, v4;
	v19 =	vmul.f32 v19, v5;
	v13 =	vld [tilespmem:s3+$0x1B0];
	(pc) =	sbr.rel @p0 .LBB2_3-.Ltmp0, $4  }
0x19b: {  	[tilespmem:s21+$0xFFFFFF80] =	vst v14  }
0x19c: {  	v14 =	vadd.f32 v18, v16;
	v17 =	vld [tilespmem:s20+$0xFFFFFE40];
	v16 =	vadd.f32 v19, v20  }
0x19d: {  	v19 =	vld [tilespmem:s20+$0xFFFFFE50]  }
0x19e: {  	s23 =	sadd.s32 $0x100, s23;
	v18 =	vld [tilespmem:s20+$0xFFFFFE60];
	v16 =	vadd.f32 v16, v14;
	v14 =	vmul.f32 v15, v0;
	v15 =	vmul.f32 v21, v1  }
0x19f: {  	v20 =	vld [tilespmem:s20+$0xFFFFFE70];
	_ =	sdelay $0x3  }
0x1a0: {  	v17 =	vmul.f32 v17, v8;
	v19 =	vmul.f32 v19, v9  }
0x1a1: {  	v18 =	vmul.f32 v18, v10;
	v20 =	vmul.f32 v20, v11;
	_ =	sdelay $0x1  }
0x1a2: {  	v17 =	vadd.f32 v19, v17;
	v18 =	vadd.f32 v20, v18;
	_ =	sdelay $0x1  }
0x1a3: {  	v17 =	vadd.f32 v18, v17;
	_ =	sdelay $0x1  }
0x1a4: {  	[tilespmem:s21+$0xFFFFFF90] =	vst v17  }
0x1a5: {  	v17 =	vld [tilespmem:s20+$0xFFFFFE80]  }
0x1a6: {  	v18 =	vld [tilespmem:s20+$0xFFFFFE90]  }
0x1a7: {  	v19 =	vld [tilespmem:s20+$0xFFFFFEA0]  }
0x1a8: {  	v20 =	vld [tilespmem:s20+$0xFFFFFEB0];
	_ =	sdelay $0x3  }
0x1a9: {  	v17 =	vmul.f32 v17, v8;
	v18 =	vmul.f32 v18, v9  }
0x1aa: {  	v19 =	vmul.f32 v19, v10;
	v20 =	vmul.f32 v20, v11;
	_ =	sdelay $0x1  }
0x1ab: {  	v17 =	vadd.f32 v18, v17;
	v18 =	vadd.f32 v20, v19;
	_ =	sdelay $0x1  }
0x1ac: {  	v17 =	vadd.f32 v18, v17;
	_ =	sdelay $0x1  }
0x1ad: {  	[tilespmem:s21+$0xFFFFFFA0] =	vst v17  }
0x1ae: {  	v17 =	vld [tilespmem:s20+$0xFFFFFEC0]  }
0x1af: {  	v18 =	vld [tilespmem:s20+$0xFFFFFED0]  }
0x1b0: {  	v19 =	vld [tilespmem:s20+$0xFFFFFEE0]  }
0x1b1: {  	v20 =	vld [tilespmem:s20+$0xFFFFFEF0];
	_ =	sdelay $0x3  }
0x1b2: {  	v17 =	vmul.f32 v17, v8;
	v18 =	vmul.f32 v18, v9  }
0x1b3: {  	v19 =	vmul.f32 v19, v10;
	v20 =	vmul.f32 v20, v11;
	_ =	sdelay $0x1  }
0x1b4: {  	v17 =	vadd.f32 v18, v17;
	v18 =	vadd.f32 v20, v19;
	_ =	sdelay $0x1  }
0x1b5: {  	v17 =	vadd.f32 v18, v17;
	_ =	sdelay $0x1  }
0x1b6: {  	[tilespmem:s21+$0xFFFFFFB0] =	vst v17  }
0x1b7: {  	v17 =	vld [tilespmem:s20+$0xFFFFFF00]  }
0x1b8: {  	v18 =	vld [tilespmem:s20+$0xFFFFFF10]  }
0x1b9: {  	v19 =	vld [tilespmem:s20+$0xFFFFFF20]  }
0x1ba: {  	v20 =	vld [tilespmem:s20+$0xFFFFFF30];
	_ =	sdelay $0x3  }
0x1bb: {  	v17 =	vmul.f32 v17, v8;
	v18 =	vmul.f32 v18, v9  }
0x1bc: {  	v19 =	vmul.f32 v19, v10;
	v20 =	vmul.f32 v20, v11;
	_ =	sdelay $0x1  }
0x1bd: {  	v17 =	vadd.f32 v18, v17;
	v18 =	vadd.f32 v20, v19;
	_ =	sdelay $0x1  }
0x1be: {  	v17 =	vadd.f32 v18, v17;
	_ =	sdelay $0x1  }
0x1bf: {  	[tilespmem:s21+$0xFFFFFFC0] =	vst v17  }
0x1c0: {  	v17 =	vld [tilespmem:s20+$0xFFFFFF40]  }
0x1c1: {  	v18 =	vld [tilespmem:s20+$0xFFFFFF50]  }
0x1c2: {  	v19 =	vld [tilespmem:s20+$0xFFFFFF60]  }
0x1c3: {  	v20 =	vld [tilespmem:s20+$0xFFFFFF70];
	_ =	sdelay $0x3  }
0x1c4: {  	v17 =	vmul.f32 v17, v8;
	v18 =	vmul.f32 v18, v9  }
0x1c5: {  	v19 =	vmul.f32 v19, v10;
	v20 =	vmul.f32 v20, v11;
	_ =	sdelay $0x1  }
0x1c6: {  	v17 =	vadd.f32 v18, v17;
	v18 =	vadd.f32 v20, v19;
	_ =	sdelay $0x1  }
0x1c7: {  	v17 =	vadd.f32 v18, v17;
	_ =	sdelay $0x1  }
0x1c8: {  	[tilespmem:s21+$0xFFFFFFD0] =	vst v17  }
0x1c9: {  	v17 =	vld [tilespmem:s20+$0xFFFFFF80]  }
0x1ca: {  	v18 =	vld [tilespmem:s20+$0xFFFFFF90]  }
0x1cb: {  	v19 =	vld [tilespmem:s20+$0xFFFFFFA0]  }
0x1cc: {  	v20 =	vld [tilespmem:s20+$0xFFFFFFB0];
	_ =	sdelay $0x3  }
0x1cd: {  	v17 =	vmul.f32 v17, v8;
	v18 =	vmul.f32 v18, v9  }
0x1ce: {  	v19 =	vmul.f32 v19, v10;
	v20 =	vmul.f32 v20, v11;
	_ =	sdelay $0x1  }
0x1cf: {  	v17 =	vadd.f32 v18, v17;
	v18 =	vadd.f32 v20, v19;
	_ =	sdelay $0x1  }
0x1d0: {  	v17 =	vadd.f32 v18, v17;
	_ =	sdelay $0x1  }
0x1d1: {  	[tilespmem:s21+$0xFFFFFFE0] =	vst v17  }
0x1d2: {  	v17 =	vld [tilespmem:s20+$0xFFFFFFC0]  }
0x1d3: {  	v18 =	vld [tilespmem:s20+$0xFFFFFFD0]  }
0x1d4: {  	v19 =	vld [tilespmem:s20+$0xFFFFFFE0]  }
0x1d5: {  	v20 =	vld [tilespmem:s20+$0xFFFFFFF0];
	_ =	sdelay $0x3  }
0x1d6: {  	v17 =	vmul.f32 v17, v8;
	v18 =	vmul.f32 v18, v9  }
0x1d7: {  	v19 =	vmul.f32 v19, v10;
	v20 =	vmul.f32 v20, v11;
	_ =	sdelay $0x1  }
0x1d8: {  	[tilespmem:s15+$0xFFFFFFF0] =	vst v16;
	v16 =	vadd.f32 v18, v17;
	v17 =	vadd.f32 v20, v19  }
0x1d9: {  	v18 =	vld [tilespmem:s18+$0x0]  }
0x1da: {  	v19 =	vld [tilespmem:s18+$0x10];
	v16 =	vadd.f32 v17, v16  }
0x1db: {  	v20 =	vld [tilespmem:s18+$0x30]  }
0x1dc: {  	v17 =	vld [tilespmem:s18+$0x20];
	[tilespmem:s21+$0xFFFFFFF0] =	vst v16  }
0x1dd: {  	v16 =	vld [tilespmem:s20+$0x0]  }
0x1de: {  	v21 =	vld [tilespmem:s20+$0x10]  }
0x1df: {  	v22 =	vld [tilespmem:s20+$0x20]  }
0x1e0: {  	v18 =	vmul.f32 v18, v6;
	v19 =	vmul.f32 v19, v7;
	v23 =	vld [tilespmem:s20+$0x30]  }
0x1e1: {  	v20 =	vmul.f32 v20, v5;
	v17 =	vmul.f32 v17, v4;
	_ =	sdelay $0x1  }
0x1e2: {  	v18 =	vadd.f32 v19, v18;
	v17 =	vadd.f32 v20, v17  }
0x1e3: {  	v16 =	vmul.f32 v16, v8;
	v19 =	vmul.f32 v21, v9  }
0x1e4: {  	v20 =	vmul.f32 v23, v11;
	v17 =	vadd.f32 v17, v18;
	v18 =	vmul.f32 v22, v10;
	_ =	sdelay $0x1  }
0x1e5: {  	v16 =	vadd.f32 v19, v16;
	[tilespmem:s15+$0x0] =	vst v17;
	v17 =	vadd.f32 v20, v18  }
0x1e6: {  	v18 =	vld [tilespmem:s18+$0x40]  }
0x1e7: {  	v19 =	vld [tilespmem:s18+$0x50];
	v16 =	vadd.f32 v17, v16  }
0x1e8: {  	v20 =	vld [tilespmem:s18+$0x70]  }
0x1e9: {  	v17 =	vld [tilespmem:s18+$0x60];
	[tilespmem:s21+$0x0] =	vst v16  }
0x1ea: {  	v16 =	vld [tilespmem:s20+$0x40]  }
0x1eb: {  	v43 =	vld [tilespmem:s20+$0x50]  }
0x1ec: {  	v44 =	vld [tilespmem:s20+$0x60]  }
0x1ed: {  	v45 =	vld [tilespmem:s20+$0x70];
	v18 =	vmul.f32 v18, v6;
	v19 =	vmul.f32 v19, v7  }
0x1ee: {  	v20 =	vmul.f32 v20, v5;
	v17 =	vmul.f32 v17, v4;
	_ =	sdelay $0x1  }
0x1ef: {  	v18 =	vadd.f32 v19, v18;
	v17 =	vadd.f32 v20, v17  }
0x1f0: {  	v16 =	vmul.f32 v16, v8;
	v19 =	vmul.f32 v43, v9  }
0x1f1: {  	v20 =	vmul.f32 v45, v11;
	v17 =	vadd.f32 v17, v18;
	v18 =	vmul.f32 v44, v10;
	_ =	sdelay $0x1  }
0x1f2: {  	v16 =	vadd.f32 v19, v16;
	[tilespmem:s15+$0x10] =	vst v17;
	v17 =	vadd.f32 v20, v18  }
0x1f3: {  	v18 =	vld [tilespmem:s18+$0x80]  }
0x1f4: {  	v19 =	vld [tilespmem:s18+$0x90];
	v16 =	vadd.f32 v17, v16  }
0x1f5: {  	v20 =	vld [tilespmem:s18+$0xB0]  }
0x1f6: {  	v17 =	vld [tilespmem:s18+$0xA0];
	[tilespmem:s21+$0x10] =	vst v16  }
0x1f7: {  	v16 =	vld [tilespmem:s20+$0x80]  }
0x1f8: {  	v46 =	vld [tilespmem:s20+$0x90]  }
0x1f9: {  	v47 =	vld [tilespmem:s20+$0xA0]  }
0x1fa: {  	v48 =	vld [tilespmem:s20+$0xB0];
	v18 =	vmul.f32 v18, v6;
	v19 =	vmul.f32 v19, v7  }
0x1fb: {  	v20 =	vmul.f32 v20, v5;
	v17 =	vmul.f32 v17, v4;
	_ =	sdelay $0x1  }
0x1fc: {  	v18 =	vadd.f32 v19, v18;
	v17 =	vadd.f32 v20, v17  }
0x1fd: {  	v16 =	vmul.f32 v16, v8;
	v19 =	vmul.f32 v46, v9  }
0x1fe: {  	v20 =	vmul.f32 v48, v11;
	v17 =	vadd.f32 v17, v18;
	v18 =	vmul.f32 v47, v10;
	_ =	sdelay $0x1  }
0x1ff: {  	v16 =	vadd.f32 v19, v16;
	[tilespmem:s15+$0x20] =	vst v17;
	v17 =	vadd.f32 v20, v18  }
0x200: {  	v18 =	vld [tilespmem:s18+$0xC0]  }
0x201: {  	v19 =	vld [tilespmem:s18+$0xD0];
	v16 =	vadd.f32 v17, v16  }
0x202: {  	v20 =	vld [tilespmem:s18+$0xF0]  }
0x203: {  	v17 =	vld [tilespmem:s18+$0xE0];
	[tilespmem:s21+$0x20] =	vst v16  }
0x204: {  	v16 =	vld [tilespmem:s20+$0xC0]  }
0x205: {  	v49 =	vld [tilespmem:s20+$0xD0]  }
0x206: {  	v50 =	vld [tilespmem:s20+$0xE0]  }
0x207: {  	v51 =	vld [tilespmem:s20+$0xF0];
	v18 =	vmul.f32 v18, v6;
	v19 =	vmul.f32 v19, v7  }
0x208: {  	v20 =	vmul.f32 v20, v5;
	v17 =	vmul.f32 v17, v4;
	_ =	sdelay $0x1  }
0x209: {  	v18 =	vadd.f32 v19, v18;
	v17 =	vadd.f32 v20, v17  }
0x20a: {  	v16 =	vmul.f32 v16, v8;
	v19 =	vmul.f32 v49, v9  }
0x20b: {  	v20 =	vmul.f32 v51, v11;
	v17 =	vadd.f32 v17, v18;
	v18 =	vmul.f32 v50, v10;
	_ =	sdelay $0x1  }
0x20c: {  	v16 =	vadd.f32 v19, v16;
	[tilespmem:s15+$0x30] =	vst v17;
	v17 =	vadd.f32 v20, v18  }
0x20d: {  	v18 =	vld [tilespmem:s18+$0x100]  }
0x20e: {  	v19 =	vld [tilespmem:s18+$0x110];
	v16 =	vadd.f32 v17, v16  }
0x20f: {  	v20 =	vld [tilespmem:s18+$0x130]  }
0x210: {  	v17 =	vld [tilespmem:s18+$0x120];
	[tilespmem:s21+$0x30] =	vst v16  }
0x211: {  	v16 =	vld [tilespmem:s20+$0x100]  }
0x212: {  	v52 =	vld [tilespmem:s20+$0x110]  }
0x213: {  	v53 =	vld [tilespmem:s20+$0x120]  }
0x214: {  	v54 =	vld [tilespmem:s20+$0x130];
	v18 =	vmul.f32 v18, v6;
	v19 =	vmul.f32 v19, v7  }
0x215: {  	v20 =	vmul.f32 v20, v5;
	v17 =	vmul.f32 v17, v4;
	_ =	sdelay $0x1  }
0x216: {  	v18 =	vadd.f32 v19, v18;
	v17 =	vadd.f32 v20, v17  }
0x217: {  	v16 =	vmul.f32 v16, v8;
	v19 =	vmul.f32 v52, v9  }
0x218: {  	v20 =	vmul.f32 v54, v11;
	v17 =	vadd.f32 v17, v18;
	v18 =	vmul.f32 v53, v10;
	_ =	sdelay $0x1  }
0x219: {  	v16 =	vadd.f32 v19, v16;
	[tilespmem:s15+$0x40] =	vst v17;
	v17 =	vadd.f32 v20, v18  }
0x21a: {  	v18 =	vld [tilespmem:s18+$0x140]  }
0x21b: {  	v19 =	vld [tilespmem:s18+$0x150];
	v16 =	vadd.f32 v17, v16  }
0x21c: {  	v20 =	vld [tilespmem:s18+$0x170]  }
0x21d: {  	v17 =	vld [tilespmem:s18+$0x160];
	[tilespmem:s21+$0x40] =	vst v16  }
0x21e: {  	v16 =	vld [tilespmem:s20+$0x140]  }
0x21f: {  	v55 =	vld [tilespmem:s20+$0x150]  }
0x220: {  	v56 =	vld [tilespmem:s20+$0x160]  }
0x221: {  	v57 =	vld [tilespmem:s20+$0x170];
	v18 =	vmul.f32 v18, v6;
	v19 =	vmul.f32 v19, v7  }
0x222: {  	v20 =	vmul.f32 v20, v5;
	v17 =	vmul.f32 v17, v4;
	_ =	sdelay $0x1  }
0x223: {  	v18 =	vadd.f32 v19, v18;
	v17 =	vadd.f32 v20, v17  }
0x224: {  	v16 =	vmul.f32 v16, v8;
	v19 =	vmul.f32 v55, v9  }
0x225: {  	v20 =	vmul.f32 v57, v11;
	v17 =	vadd.f32 v17, v18;
	v18 =	vmul.f32 v56, v10;
	_ =	sdelay $0x1  }
0x226: {  	v16 =	vadd.f32 v19, v16;
	[tilespmem:s15+$0x50] =	vst v17;
	v17 =	vadd.f32 v20, v18  }
0x227: {  	v18 =	vld [tilespmem:s18+$0x180]  }
0x228: {  	v19 =	vld [tilespmem:s18+$0x190];
	v16 =	vadd.f32 v17, v16  }
0x229: {  	v20 =	vld [tilespmem:s18+$0x1B0]  }
0x22a: {  	v17 =	vld [tilespmem:s18+$0x1A0];
	[tilespmem:s21+$0x50] =	vst v16  }
0x22b: {  	v12 =	vmul.f32 v12, v2;
	v13 =	vmul.f32 v13, v3;
	v16 =	vld [tilespmem:s20+$0x180]  }
0x22c: {  	v58 =	vld [tilespmem:s20+$0x190]  }
0x22d: {  	v14 =	vadd.f32 v15, v14;
	v12 =	vadd.f32 v13, v12;
	v13 =	vld [tilespmem:s20+$0x1A0]  }
0x22e: {  	v15 =	vmul.f32 v18, v6;
	v18 =	vmul.f32 v19, v7;
	v19 =	vld [tilespmem:s20+$0x1B0]  }
0x22f: {  	v12 =	vadd.f32 v12, v14;
	v14 =	vmul.f32 v17, v4;
	v17 =	vmul.f32 v20, v5;
	_ =	sdelay $0x1  }
0x230: {  	[tilespmem:s31+$0x60] =	vst v12;
	v12 =	vadd.f32 v18, v15;
	v14 =	vadd.f32 v17, v14  }
0x231: {  	v20 =	vld [tilespmem:s3+$0x1F0];
	v16 =	vmul.f32 v16, v8;
	v17 =	vmul.f32 v58, v9  }
0x232: {  	v18 =	vld [tilespmem:s3+$0x1D0];
	v13 =	vmul.f32 v13, v10;
	v12 =	vadd.f32 v14, v12;
	v14 =	vmul.f32 v19, v11  }
0x233: {  	v15 =	vld [tilespmem:s3+$0x1C0]  }
0x234: {  	v19 =	vld [tilespmem:s3+$0x1E0];
	[tilespmem:s15+$0x60] =	vst v12;
	v12 =	vadd.f32 v17, v16;
	v13 =	vadd.f32 v14, v13  }
0x235: {  	v14 =	vld [tilespmem:s18+$0x1C0]  }
0x236: {  	v16 =	vld [tilespmem:s18+$0x1D0];
	v12 =	vadd.f32 v13, v12  }
0x237: {  	v17 =	vmul.f32 v18, v1;
	v18 =	vld [tilespmem:s18+$0x1F0]  }
0x238: {  	v15 =	vmul.f32 v15, v0;
	v13 =	vld [tilespmem:s18+$0x1E0];
	[tilespmem:s21+$0x60] =	vst v12  }
0x239: {  	v12 =	vmul.f32 v19, v2;
	v19 =	vmul.f32 v20, v3;
	v20 =	vld [tilespmem:s20+$0x1C0]  }
0x23a: {  	v59 =	vld [tilespmem:s20+$0x1D0]  }
0x23b: {  	v15 =	vadd.f32 v17, v15;
	v17 =	vld [tilespmem:s20+$0x1E0];
	v12 =	vadd.f32 v19, v12  }
0x23c: {  	v14 =	vmul.f32 v14, v6;
	v16 =	vmul.f32 v16, v7;
	v19 =	vld [tilespmem:s20+$0x1F0]  }
0x23d: {  	v13 =	vmul.f32 v13, v4;
	v12 =	vadd.f32 v12, v15;
	v15 =	vmul.f32 v18, v5;
	_ =	sdelay $0x1  }
0x23e: {  	[tilespmem:s31+$0x70] =	vst v12;
	v12 =	vadd.f32 v16, v14;
	v13 =	vadd.f32 v15, v13  }
0x23f: {  	v15 =	vmul.f32 v20, v8;
	v16 =	vmul.f32 v59, v9;
	v14 =	vld [tilespmem:s3+$0x200]  }
0x240: {  	v18 =	vld [tilespmem:s3+$0x210];
	v12 =	vadd.f32 v13, v12;
	v13 =	vmul.f32 v17, v10;
	v17 =	vmul.f32 v19, v11  }
0x241: {  	v20 =	vld [tilespmem:s3+$0x230]  }
0x242: {  	v19 =	vld [tilespmem:s3+$0x220];
	[tilespmem:s15+$0x70] =	vst v12;
	v12 =	vadd.f32 v16, v15;
	v13 =	vadd.f32 v17, v13  }
0x243: {  	v15 =	vld [tilespmem:s18+$0x200]  }
0x244: {  	v16 =	vld [tilespmem:s18+$0x210];
	v12 =	vadd.f32 v13, v12  }
0x245: {  	v13 =	vld [tilespmem:s18+$0x220]  }
0x246: {  	v14 =	vmul.f32 v14, v0;
	v17 =	vmul.f32 v18, v1;
	v18 =	vld [tilespmem:s18+$0x230];
	[tilespmem:s21+$0x70] =	vst v12  }
0x247: {  	v12 =	vmul.f32 v19, v2;
	v19 =	vmul.f32 v20, v3;
	v20 =	vld [tilespmem:s20+$0x200]  }
0x248: {  	v60 =	vld [tilespmem:s20+$0x210]  }
0x249: {  	v14 =	vadd.f32 v17, v14;
	v17 =	vld [tilespmem:s20+$0x220];
	v12 =	vadd.f32 v19, v12  }
0x24a: {  	v15 =	vmul.f32 v15, v6;
	v16 =	vmul.f32 v16, v7;
	v19 =	vld [tilespmem:s20+$0x230]  }
0x24b: {  	v13 =	vmul.f32 v13, v4;
	v12 =	vadd.f32 v12, v14;
	v14 =	vmul.f32 v18, v5;
	_ =	sdelay $0x1  }
0x24c: {  	[tilespmem:s31+$0x80] =	vst v12;
	v12 =	vadd.f32 v16, v15;
	v13 =	vadd.f32 v14, v13  }
0x24d: {  	v15 =	vmul.f32 v20, v8;
	v16 =	vmul.f32 v60, v9;
	v14 =	vld [tilespmem:s3+$0x240]  }
0x24e: {  	v18 =	vld [tilespmem:s3+$0x250];
	v12 =	vadd.f32 v13, v12;
	v13 =	vmul.f32 v17, v10;
	v17 =	vmul.f32 v19, v11  }
0x24f: {  	v20 =	vld [tilespmem:s3+$0x270]  }
0x250: {  	v19 =	vld [tilespmem:s3+$0x260];
	[tilespmem:s15+$0x80] =	vst v12;
	v12 =	vadd.f32 v16, v15;
	v13 =	vadd.f32 v17, v13  }
0x251: {  	v15 =	vld [tilespmem:s18+$0x240]  }
0x252: {  	v16 =	vld [tilespmem:s18+$0x250];
	v12 =	vadd.f32 v13, v12  }
0x253: {  	v17 =	vld [tilespmem:s18+$0x270]  }
0x254: {  	v13 =	vld [tilespmem:s18+$0x260];
	[tilespmem:s21+$0x80] =	vst v12  }
0x255: {  	v12 =	vld [tilespmem:s20+$0x240]  }
0x256: {  	v61 =	vld [tilespmem:s20+$0x250]  }
0x257: {  	v62 =	vld [tilespmem:s20+$0x260]  }
0x258: {  	v0 =	vmul.f32 v14, v0;
	v1 =	vmul.f32 v18, v1;
	v14 =	vld [tilespmem:s20+$0x270]  }
0x259: {  	v3 =	vmul.f32 v20, v3;
	v2 =	vmul.f32 v19, v2  }
0x25a: {  	v0 =	vadd.f32 v1, v0;
	v1 =	vmul.f32 v15, v6;
	v6 =	vmul.f32 v16, v7  }
0x25b: {  	v2 =	vadd.f32 v3, v2;
	v3 =	vmul.f32 v13, v4;
	v4 =	vmul.f32 v17, v5  }
0x25c: {  	v5 =	vmul.f32 v12, v8;
	v7 =	vmul.f32 v61, v9  }
0x25d: {  	v0 =	vadd.f32 v2, v0;
	v2 =	vmul.f32 v62, v10;
	v8 =	vmul.f32 v14, v11  }
0x25e: {  	v1 =	vadd.f32 v6, v1;
	v3 =	vadd.f32 v4, v3  }
0x25f: {  	v4 =	vadd.f32 v7, v5;
	v2 =	vadd.f32 v8, v2  }
0x260: {  	v1 =	vadd.f32 v3, v1  }
0x261: {  	[tilespmem:s31+$0x90] =	vst v0;
	v0 =	vadd.f32 v2, v4  }
0x262: {  	[tilespmem:s15+$0x90] =	vst v1;
	s15 =	sshll.u32 s9, $0x1  }
0x263: {  	s18 =	smul.u32 $0x140, s9;
	s3 =	sadd.s32 s7, s15;
	[tilespmem:s21+$0x90] =	vst v0  }
0x264: {  	[hbm4b:s3+s2] =	stream.linear.scatter [tilespmem:s28], [sflag:$0x3], $0x200, $0x38;
	[tilespmem:$0x18F40] =	vst v63  }
0x265: {  	s20 =	sshrl.u32 s18, $0x3;
	_ =	swait.ge [sflag:s29], $0x200  }
0x266: {  	s3 =	sadd.s32 s7, s20;
	[sflag:s29] =	ssyncset.done $0x0  }
0x267: {  	p0 =	seq.s32 s10, $0x7;
	s3 =	sadd.s32 $0x8000, s3;
	[sflag:s29] =	ssyncadd.s32 $0xFFFFFE00  }
0x268: {  	[hbm4b:s3+s2] =	stream.linear.scatter [tilespmem:s14], [sflag:$0x3], $0x2800, $0x38;
	[tilespmem:$0x18F40] =	vst v63  }
0x269: {  	s3 =	sadd.s32 @!p0 s13, s12;
	_ =	swait.ge [sflag:s29], $0x2800  }
0x26a: {  	s13 =	simm.s32 @!p0 $0x0;
	s9 =	sshrl.u32 @!p0 s3, $0x3;
	[sflag:s29] =	ssyncset.done $0x0  }
0x26b: {  	s15 =	smul.u32 @!p0 $0x14, s3;
	s9 =	sadd.s32 @!p0 s1, s9;
	[sflag:s29] =	ssyncadd.s32 $0xFFFFD800  }
0x26c: {  	[tilespmem:s13], [sflag:$0x1] =	stream.linear.gather @!p0 [hbm4b:s9+s13], $0x20, $0x38;
	[tilespmem:$0x18F40] =	vst v63  }
0x26d: {  	s3 =	sshll.u32 @!p0 s3, $0x3;
	s9 =	sshrl.u32 @!p0 s15, $0x3  }
0x26e: {  	s3 =	sand.u32 @!p0 $0x1FFFFE00, s3;
	s15 =	simm.s32 @!p0 $0x40;
	s9 =	sadd.s32 @!p0 s4, s9  }
0x26f: {  	[tilespmem:s15], [sflag:$0x1] =	stream.linear.gather @!p0 [hbm4b:s9+s13], $0x280, $0x38;
	[tilespmem:$0x18F40] =	vst v63  }
0x270: {  	s3 =	sadd.s32 @!p0 s5, s3;
	s9 =	simm.s32 @!p0 $0x540  }
0x271: {  	[tilespmem:s9], [sflag:$0x1] =	stream.linear.gather @!p0 [hbm4b:s3+s13], $0x800, $0x38;
	[tilespmem:$0x18F40] =	vst v63  }
0x272: {  	s3 =	simm.s32 @!p0 $0x1  }
0x273: {  	_ =	swait.ge @!p0 [sflag:s3], $0x20  }
0x274: {  	[sflag:s3] =	ssyncset.done @!p0 $0x0  }
0x275: {  	[sflag:s3] =	ssyncadd.s32 @!p0 $0xFFFFFFE0  }
0x276: {  	_ =	swait.ge @!p0 [sflag:s3], $0x280  }
0x277: {  	[sflag:s3] =	ssyncset.done @!p0 $0x0  }
0x278: {  	[sflag:s3] =	ssyncadd.s32 @!p0 $0xFFFFFD80  }
0x279: {  	_ =	swait.ge @!p0 [sflag:s3], $0x800  }
0x27a: {  	[sflag:s3] =	ssyncset.done @!p0 $0x0  }
0x27b: {  	s9 =	simm.s32 @!p0 $0x1540;
	[sflag:s3] =	ssyncadd.s32 @!p0 $0xFFFFF800;
	s3 =	simm.s32 @!p0 $0x20  }
0x27c: {  	[tilespmem:s9], [sflag:$0x1] =	stream.indirect.gather @!p0 [hbm4b:s6+s3], $0x40, s13, s3, $0xb8;
	[tilespmem:$0x18F40] =	vst v63  }
0x27d: {  	s3 =	simm.s32 @!p0 $0x80;
	s9 =	simm.s32 @!p0 $0x2540  }
0x27e: {  	[tilespmem:s9], [sflag:$0x1] =	stream.indirect.gather @!p0 [hbm4b:s6+s3], $0x40, s15, s3, $0xb8;
	[tilespmem:$0x18F40] =	vst v63  }
0x27f: {  	s13 =	simm.s32 @!p0 $0x4540;
	s9 =	simm.s32 @!p0 $0xC0  }
0x280: {  	[tilespmem:s13], [sflag:$0x1] =	stream.indirect.gather @!p0 [hbm4b:s6+s3], $0x40, s9, s3, $0xb8;
	[tilespmem:$0x18F40] =	vst v63  }
0x281: {  	s9 =	simm.s32 @!p0 $0x140;
	s13 =	simm.s32 @!p0 $0x6540  }
0x282: {  	[tilespmem:s13], [sflag:$0x1] =	stream.indirect.gather @!p0 [hbm4b:s6+s3], $0x40, s9, s3, $0xb8;
	[tilespmem:$0x18F40] =	vst v63  }
0x283: {  	s9 =	simm.s32 @!p0 $0x1C0;
	s13 =	simm.s32 @!p0 $0x8540  }
0x284: {  	[tilespmem:s13], [sflag:$0x1] =	stream.indirect.gather @!p0 [hbm4b:s6+s3], $0x40, s9, s3, $0xb8;
	[tilespmem:$0x18F40] =	vst v63  }
0x285: {  	s9 =	simm.s32 @!p0 $0x240;
	s13 =	simm.s32 @!p0 $0xA540  }
0x286: {  	[tilespmem:s13], [sflag:$0x1] =	stream.indirect.gather @!p0 [hbm4b:s6+s3], $0x40, s9, s3, $0xb8;
	[tilespmem:$0x18F40] =	vst v63  }
0x287: {  	_ =	swait.ge [sflag:s0], $0x800  }
0x288: {  	[sflag:s0] =	ssyncset.done $0x0  }
0x289: {  	[sflag:s0] =	ssyncadd.s32 $0xFFFFF800  }
0x28a: {  	_ =	swait.ge [sflag:s0], $0x2000  }
0x28b: {  	[sflag:s0] =	ssyncset.done $0x0  }
0x28c: {  	[sflag:s0] =	ssyncadd.s32 $0xFFFFE000  }
0x28d: {  	_ =	swait.ge [sflag:s0], $0x2000  }
0x28e: {  	[sflag:s0] =	ssyncset.done $0x0  }
0x28f: {  	[sflag:s0] =	ssyncadd.s32 $0xFFFFE000  }
0x290: {  	_ =	swait.ge [sflag:s0], $0x2000  }
0x291: {  	[sflag:s0] =	ssyncset.done $0x0  }
0x292: {  	[sflag:s0] =	ssyncadd.s32 $0xFFFFE000  }
0x293: {  	_ =	swait.ge [sflag:s0], $0x2000  }
0x294: {  	[sflag:s0] =	ssyncset.done $0x0  }
0x295: {  	[sflag:s0] =	ssyncadd.s32 $0xFFFFE000  }
0x296: {  	_ =	swait.ge [sflag:s0], $0x2000  }
0x297: {  	[sflag:s0] =	ssyncset.done $0x0  }
0x298: {  	s21 =	simm.s32 $0x0;
	[sflag:s0] =	ssyncadd.s32 $0xFFFFE000  }
0x299: {  	v0 =	vld [tilespmem:s21+$0xD40]  }
0x29a: {  	v1 =	vld [tilespmem:s21+$0xD50]  }
0x29b: {  	v2 =	vld [tilespmem:s21+$0xD60]  }
0x29c: {  	v3 =	vld [tilespmem:s21+$0xD70]  }
0x29d: {  	v4 =	vld [tilespmem:s21+$0x1D40]  }
0x29e: {  	v5 =	vld [tilespmem:s21+$0x1D50]  }
0x29f: {  	v6 =	vld [tilespmem:s21+$0x1D60]  }
0x2a0: {  	v7 =	vld [tilespmem:s21+$0x1D70];
	_ =	sdelay $0x3  }
0x2a1: {  	v4 =	vmul.f32 v4, v0;
	v5 =	vmul.f32 v5, v1  }
0x2a2: {  	v6 =	vmul.f32 v6, v2;
	v7 =	vmul.f32 v7, v3;
	_ =	sdelay $0x1  }
0x2a3: {  	v4 =	vadd.f32 v5, v4;
	v5 =	vadd.f32 v7, v6;
	_ =	sdelay $0x1  }
0x2a4: {  	v4 =	vadd.f32 v5, v4  }
0x2a5: {  	s22 =	simm.s32 $0x16540  }
0x2a6: {  	s3 =	simm.s32 $0xC7C0;
	[tilespmem:s22+$0x0] =	vst v4  }
0x2a7: {  	v4 =	vld [tilespmem:s3+$0xFFFFFD80]  }
0x2a8: {  	v5 =	vld [tilespmem:s3+$0xFFFFFD90]  }
0x2a9: {  	v6 =	vld [tilespmem:s3+$0xFFFFFDA0]  }
0x2aa: {  	v7 =	vld [tilespmem:s3+$0xFFFFFDB0];
	_ =	sdelay $0x3  }
0x2ab: {  	v4 =	vmul.f32 v4, v0;
	v5 =	vmul.f32 v5, v1  }
0x2ac: {  	v6 =	vmul.f32 v6, v2;
	v7 =	vmul.f32 v7, v3;
	_ =	sdelay $0x1  }
0x2ad: {  	v4 =	vadd.f32 v5, v4;
	v5 =	vadd.f32 v7, v6;
	_ =	sdelay $0x1  }
0x2ae: {  	v4 =	vadd.f32 v5, v4  }
0x2af: {  	s9 =	simm.s32 $0x167E0  }
0x2b0: {  	[tilespmem:s9+$0xFFFFFF60] =	vst v4  }
0x2b1: {  	v4 =	vld [tilespmem:s3+$0xFFFFFDC0]  }
0x2b2: {  	v5 =	vld [tilespmem:s3+$0xFFFFFDD0]  }
0x2b3: {  	v6 =	vld [tilespmem:s3+$0xFFFFFDE0]  }
0x2b4: {  	v7 =	vld [tilespmem:s3+$0xFFFFFDF0];
	_ =	sdelay $0x3  }
0x2b5: {  	v4 =	vmul.f32 v4, v0;
	v5 =	vmul.f32 v5, v1  }
0x2b6: {  	v6 =	vmul.f32 v6, v2;
	v7 =	vmul.f32 v7, v3;
	_ =	sdelay $0x1  }
0x2b7: {  	v4 =	vadd.f32 v5, v4;
	v5 =	vadd.f32 v7, v6;
	_ =	sdelay $0x1  }
0x2b8: {  	v4 =	vadd.f32 v5, v4;
	_ =	sdelay $0x1  }
0x2b9: {  	[tilespmem:s9+$0xFFFFFF70] =	vst v4  }
0x2ba: {  	v4 =	vld [tilespmem:s3+$0xFFFFFE00]  }
0x2bb: {  	v5 =	vld [tilespmem:s3+$0xFFFFFE10]  }
0x2bc: {  	v6 =	vld [tilespmem:s3+$0xFFFFFE20]  }
0x2bd: {  	v7 =	vld [tilespmem:s3+$0xFFFFFE30];
	_ =	sdelay $0x3  }
0x2be: {  	v4 =	vmul.f32 v4, v0;
	v5 =	vmul.f32 v5, v1  }
0x2bf: {  	v6 =	vmul.f32 v6, v2;
	v7 =	vmul.f32 v7, v3;
	_ =	sdelay $0x1  }
0x2c0: {  	v4 =	vadd.f32 v5, v4;
	v5 =	vadd.f32 v7, v6;
	_ =	sdelay $0x1  }
0x2c1: {  	v4 =	vadd.f32 v5, v4;
	_ =	sdelay $0x1  }
0x2c2: {  	[tilespmem:s9+$0xFFFFFF80] =	vst v4  }
0x2c3: {  	v4 =	vld [tilespmem:s3+$0xFFFFFE40]  }
0x2c4: {  	v5 =	vld [tilespmem:s3+$0xFFFFFE50]  }
0x2c5: {  	v6 =	vld [tilespmem:s3+$0xFFFFFE60]  }
0x2c6: {  	v7 =	vld [tilespmem:s3+$0xFFFFFE70];
	_ =	sdelay $0x3  }
0x2c7: {  	v4 =	vmul.f32 v4, v0;
	v5 =	vmul.f32 v5, v1  }
0x2c8: {  	v6 =	vmul.f32 v6, v2;
	v7 =	vmul.f32 v7, v3;
	_ =	sdelay $0x1  }
0x2c9: {  	v4 =	vadd.f32 v5, v4;
	v5 =	vadd.f32 v7, v6;
	_ =	sdelay $0x1  }
0x2ca: {  	v4 =	vadd.f32 v5, v4;
	_ =	sdelay $0x1  }
0x2cb: {  	[tilespmem:s9+$0xFFFFFF90] =	vst v4  }
0x2cc: {  	v4 =	vld [tilespmem:s3+$0xFFFFFE80]  }
0x2cd: {  	v5 =	vld [tilespmem:s3+$0xFFFFFE90]  }
0x2ce: {  	v6 =	vld [tilespmem:s3+$0xFFFFFEA0]  }
0x2cf: {  	v7 =	vld [tilespmem:s3+$0xFFFFFEB0];
	_ =	sdelay $0x3  }
0x2d0: {  	v4 =	vmul.f32 v4, v0;
	v5 =	vmul.f32 v5, v1  }
0x2d1: {  	v6 =	vmul.f32 v6, v2;
	v7 =	vmul.f32 v7, v3;
	_ =	sdelay $0x1  }
0x2d2: {  	v4 =	vadd.f32 v5, v4;
	v5 =	vadd.f32 v7, v6;
	_ =	sdelay $0x1  }
0x2d3: {  	v4 =	vadd.f32 v5, v4;
	_ =	sdelay $0x1  }
0x2d4: {  	[tilespmem:s9+$0xFFFFFFA0] =	vst v4  }
0x2d5: {  	v5 =	vld [tilespmem:s3+$0xFFFFFEC0]  }
0x2d6: {  	v8 =	vld [tilespmem:s3+$0xFFFFFED0]  }
0x2d7: {  	v9 =	vld [tilespmem:s3+$0xFFFFFEE0]  }
0x2d8: {  	v10 =	vld [tilespmem:s3+$0xFFFFFEF0]  }
0x2d9: {  	s23 =	simm.s32 $0x40  }
0x2da: {  	v12 =	vld [tilespmem:s23+$0x1D40]  }
0x2db: {  	v13 =	vld [tilespmem:s23+$0x1D50]  }
0x2dc: {  	v6 =	vld [tilespmem:s23+$0xD40];
	v11 =	vmul.f32 v5, v0;
	v8 =	vmul.f32 v8, v1  }
0x2dd: {  	v7 =	vld [tilespmem:s23+$0xD50];
	v9 =	vmul.f32 v9, v2;
	v10 =	vmul.f32 v10, v3  }
0x2de: {  	v4 =	vld [tilespmem:s23+$0xD60]  }
0x2df: {  	v5 =	vld [tilespmem:s23+$0xD70];
	v8 =	vadd.f32 v8, v11;
	v9 =	vadd.f32 v10, v9  }
0x2e0: {  	v10 =	vld [tilespmem:s23+$0x1D60]  }
0x2e1: {  	v11 =	vld [tilespmem:s23+$0x1D70];
	v8 =	vadd.f32 v9, v8;
	_ =	sdelay $0x1  }
0x2e2: {  	[tilespmem:s9+$0xFFFFFFB0] =	vst v8  }
0x2e3: {  	v8 =	vld [tilespmem:s3+$0xFFFFFF00]  }
0x2e4: {  	v9 =	vmul.f32 v12, v6;
	v12 =	vmul.f32 v13, v7;
	v13 =	vld [tilespmem:s3+$0xFFFFFF10]  }
0x2e5: {  	v10 =	vmul.f32 v10, v4;
	v11 =	vmul.f32 v11, v5;
	v14 =	vld [tilespmem:s3+$0xFFFFFF20]  }
0x2e6: {  	v15 =	vld [tilespmem:s3+$0xFFFFFF30]  }
0x2e7: {  	v9 =	vadd.f32 v12, v9;
	v10 =	vadd.f32 v11, v10;
	_ =	sdelay $0x1  }
0x2e8: {  	v9 =	vadd.f32 v10, v9  }
0x2e9: {  	s24 =	simm.s32 $0x16550;
	v8 =	vmul.f32 v8, v0;
	v10 =	vmul.f32 v13, v1  }
0x2ea: {  	v11 =	vmul.f32 v15, v3;
	[tilespmem:s24+$0x0] =	vst v9;
	v9 =	vmul.f32 v14, v2  }
0x2eb: {  	s15 =	simm.s32 $0xCCC0  }
0x2ec: {  	v12 =	vld [tilespmem:s15+$0xFFFFFD80];
	v8 =	vadd.f32 v10, v8;
	v9 =	vadd.f32 v11, v9  }
0x2ed: {  	v10 =	vld [tilespmem:s15+$0xFFFFFD90]  }
0x2ee: {  	v11 =	vld [tilespmem:s15+$0xFFFFFDA0];
	v8 =	vadd.f32 v9, v8  }
0x2ef: {  	v9 =	vld [tilespmem:s15+$0xFFFFFDB0]  }
0x2f0: {  	[tilespmem:s9+$0xFFFFFFC0] =	vst v8  }
0x2f1: {  	v8 =	vld [tilespmem:s3+$0xFFFFFF40]  }
0x2f2: {  	v13 =	vld [tilespmem:s3+$0xFFFFFF50]  }
0x2f3: {  	v12 =	vmul.f32 v12, v6;
	v10 =	vmul.f32 v10, v7;
	v14 =	vld [tilespmem:s3+$0xFFFFFF60]  }
0x2f4: {  	v11 =	vmul.f32 v11, v4;
	v15 =	vld [tilespmem:s3+$0xFFFFFF70];
	v9 =	vmul.f32 v9, v5;
	_ =	sdelay $0x1  }
0x2f5: {  	v10 =	vadd.f32 v10, v12;
	v9 =	vadd.f32 v9, v11;
	_ =	sdelay $0x1  }
0x2f6: {  	v8 =	vmul.f32 v8, v0;
	v11 =	vmul.f32 v14, v2;
	v9 =	vadd.f32 v9, v10  }
0x2f7: {  	s13 =	simm.s32 $0x16920;
	v12 =	vmul.f32 v15, v3;
	v10 =	vmul.f32 v13, v1  }
0x2f8: {  	[tilespmem:s13+$0xFFFFFF60] =	vst v9  }
0x2f9: {  	v8 =	vadd.f32 v10, v8;
	v10 =	vadd.f32 v12, v11;
	v9 =	vld [tilespmem:s15+$0xFFFFFDC0]  }
0x2fa: {  	v11 =	vld [tilespmem:s15+$0xFFFFFDD0]  }
0x2fb: {  	v12 =	vld [tilespmem:s15+$0xFFFFFDE0];
	v8 =	vadd.f32 v10, v8  }
0x2fc: {  	v10 =	vld [tilespmem:s15+$0xFFFFFDF0]  }
0x2fd: {  	[tilespmem:s9+$0xFFFFFFD0] =	vst v8  }
0x2fe: {  	v8 =	vld [tilespmem:s3+$0xFFFFFF80]  }
0x2ff: {  	v13 =	vld [tilespmem:s3+$0xFFFFFF90]  }
0x300: {  	v14 =	vld [tilespmem:s3+$0xFFFFFFA0];
	v9 =	vmul.f32 v9, v6;
	v11 =	vmul.f32 v11, v7  }
0x301: {  	v15 =	vld [tilespmem:s3+$0xFFFFFFB0];
	v12 =	vmul.f32 v12, v4;
	v10 =	vmul.f32 v10, v5;
	_ =	sdelay $0x1  }
0x302: {  	v9 =	vadd.f32 v11, v9;
	v10 =	vadd.f32 v10, v12;
	_ =	sdelay $0x1  }
0x303: {  	v8 =	vmul.f32 v8, v0;
	v11 =	vmul.f32 v14, v2;
	v9 =	vadd.f32 v10, v9  }
0x304: {  	v12 =	vmul.f32 v15, v3;
	v10 =	vmul.f32 v13, v1  }
0x305: {  	[tilespmem:s13+$0xFFFFFF70] =	vst v9  }
0x306: {  	v8 =	vadd.f32 v10, v8;
	v10 =	vadd.f32 v12, v11;
	v9 =	vld [tilespmem:s15+$0xFFFFFE00]  }
0x307: {  	v11 =	vld [tilespmem:s15+$0xFFFFFE10]  }
0x308: {  	v12 =	vld [tilespmem:s15+$0xFFFFFE20];
	v8 =	vadd.f32 v10, v8  }
0x309: {  	v10 =	vld [tilespmem:s15+$0xFFFFFE30]  }
0x30a: {  	[tilespmem:s9+$0xFFFFFFE0] =	vst v8  }
0x30b: {  	v8 =	vld [tilespmem:s3+$0xFFFFFFC0]  }
0x30c: {  	v13 =	vld [tilespmem:s3+$0xFFFFFFD0]  }
0x30d: {  	v14 =	vld [tilespmem:s3+$0xFFFFFFE0];
	v9 =	vmul.f32 v9, v6;
	v11 =	vmul.f32 v11, v7  }
0x30e: {  	v15 =	vld [tilespmem:s3+$0xFFFFFFF0];
	v12 =	vmul.f32 v12, v4;
	v10 =	vmul.f32 v10, v5;
	_ =	sdelay $0x1  }
0x30f: {  	v9 =	vadd.f32 v11, v9;
	v10 =	vadd.f32 v10, v12;
	_ =	sdelay $0x1  }
0x310: {  	v8 =	vmul.f32 v8, v0;
	v11 =	vmul.f32 v14, v2;
	v9 =	vadd.f32 v10, v9  }
0x311: {  	v12 =	vmul.f32 v15, v3;
	v10 =	vmul.f32 v13, v1  }
0x312: {  	[tilespmem:s13+$0xFFFFFF80] =	vst v9  }
0x313: {  	v8 =	vadd.f32 v10, v8;
	v10 =	vadd.f32 v12, v11;
	v9 =	vld [tilespmem:s15+$0xFFFFFE40]  }
0x314: {  	v11 =	vld [tilespmem:s15+$0xFFFFFE50]  }
0x315: {  	v12 =	vld [tilespmem:s15+$0xFFFFFE60];
	v8 =	vadd.f32 v10, v8  }
0x316: {  	v10 =	vld [tilespmem:s15+$0xFFFFFE70]  }
0x317: {  	[tilespmem:s9+$0xFFFFFFF0] =	vst v8  }
0x318: {  	v8 =	vld [tilespmem:s3+$0x0]  }
0x319: {  	v13 =	vld [tilespmem:s3+$0x10]  }
0x31a: {  	v14 =	vld [tilespmem:s3+$0x20];
	v9 =	vmul.f32 v9, v6;
	v11 =	vmul.f32 v11, v7  }
0x31b: {  	v15 =	vld [tilespmem:s3+$0x30];
	v12 =	vmul.f32 v12, v4;
	v10 =	vmul.f32 v10, v5;
	_ =	sdelay $0x1  }
0x31c: {  	v9 =	vadd.f32 v11, v9;
	v10 =	vadd.f32 v10, v12;
	_ =	sdelay $0x1  }
0x31d: {  	v8 =	vmul.f32 v8, v0;
	v11 =	vmul.f32 v14, v2;
	v9 =	vadd.f32 v10, v9  }
0x31e: {  	v12 =	vmul.f32 v15, v3;
	v10 =	vmul.f32 v13, v1  }
0x31f: {  	[tilespmem:s13+$0xFFFFFF90] =	vst v9  }
0x320: {  	v8 =	vadd.f32 v10, v8;
	v10 =	vadd.f32 v12, v11;
	v9 =	vld [tilespmem:s15+$0xFFFFFE80]  }
0x321: {  	v11 =	vld [tilespmem:s15+$0xFFFFFE90]  }
0x322: {  	v12 =	vld [tilespmem:s15+$0xFFFFFEA0];
	v8 =	vadd.f32 v10, v8  }
0x323: {  	v10 =	vld [tilespmem:s15+$0xFFFFFEB0]  }
0x324: {  	[tilespmem:s9+$0x0] =	vst v8  }
0x325: {  	v13 =	vld [tilespmem:s3+$0x40]  }
0x326: {  	v14 =	vld [tilespmem:s3+$0x50]  }
0x327: {  	v15 =	vld [tilespmem:s3+$0x70];
	v8 =	vmul.f32 v9, v6;
	v9 =	vmul.f32 v11, v7  }
0x328: {  	v11 =	vld [tilespmem:s3+$0x60];
	v12 =	vmul.f32 v12, v4;
	v10 =	vmul.f32 v10, v5;
	_ =	sdelay $0x1  }
0x329: {  	v8 =	vadd.f32 v9, v8;
	v9 =	vadd.f32 v10, v12  }
0x32a: {  	s31 =	simm.s32 $0x80  }
0x32b: {  	v20 =	vld [tilespmem:s31+$0x1D40];
	v12 =	vmul.f32 v13, v0;
	v13 =	vmul.f32 v14, v1;
	v10 =	vadd.f32 v9, v8  }
0x32c: {  	v14 =	vmul.f32 v15, v3;
	v8 =	vld [tilespmem:s31+$0xD40];
	v11 =	vmul.f32 v11, v2  }
0x32d: {  	v9 =	vld [tilespmem:s31+$0xD50];
	[tilespmem:s13+$0xFFFFFFA0] =	vst v10  }
0x32e: {  	v10 =	vadd.f32 v13, v12;
	v11 =	vadd.f32 v14, v11;
	v15 =	vld [tilespmem:s15+$0xFFFFFEC0]  }
0x32f: {  	v12 =	vld [tilespmem:s15+$0xFFFFFED0]  }
0x330: {  	v13 =	vld [tilespmem:s15+$0xFFFFFEE0];
	v14 =	vadd.f32 v11, v10  }
0x331: {  	v16 =	vld [tilespmem:s15+$0xFFFFFEF0]  }
0x332: {  	v10 =	vld [tilespmem:s31+$0xD60];
	[tilespmem:s9+$0x10] =	vst v14  }
0x333: {  	v14 =	vld [tilespmem:s3+$0x80]  }
0x334: {  	v17 =	vld [tilespmem:s3+$0x90]  }
0x335: {  	v18 =	vld [tilespmem:s3+$0xA0];
	v15 =	vmul.f32 v15, v6;
	v12 =	vmul.f32 v12, v7  }
0x336: {  	v19 =	vld [tilespmem:s3+$0xB0];
	v13 =	vmul.f32 v13, v4;
	v16 =	vmul.f32 v16, v5  }
0x337: {  	v11 =	vld [tilespmem:s31+$0xD70]  }
0x338: {  	v12 =	vadd.f32 v12, v15;
	v13 =	vadd.f32 v16, v13;
	v15 =	vld [tilespmem:s31+$0x1D50]  }
0x339: {  	v16 =	vld [tilespmem:s31+$0x1D60]  }
0x33a: {  	v12 =	vadd.f32 v13, v12;
	v13 =	vld [tilespmem:s31+$0x1D70];
	v14 =	vmul.f32 v14, v0;
	v17 =	vmul.f32 v17, v1  }
0x33b: {  	v18 =	vmul.f32 v18, v2;
	v19 =	vmul.f32 v19, v3  }
0x33c: {  	[tilespmem:s13+$0xFFFFFFB0] =	vst v12  }
0x33d: {  	v14 =	vadd.f32 v17, v14;
	v17 =	vadd.f32 v19, v18;
	v12 =	vld [tilespmem:s15+$0xFFFFFF00]  }
0x33e: {  	v19 =	vmul.f32 v20, v8;
	v18 =	vld [tilespmem:s15+$0xFFFFFF10];
	v15 =	vmul.f32 v15, v9  }
0x33f: {  	v20 =	vld [tilespmem:s15+$0xFFFFFF20];
	v16 =	vmul.f32 v16, v10;
	v14 =	vadd.f32 v17, v14;
	v13 =	vmul.f32 v13, v11  }
0x340: {  	v17 =	vld [tilespmem:s15+$0xFFFFFF30]  }
0x341: {  	v15 =	vadd.f32 v15, v19;
	[tilespmem:s9+$0x20] =	vst v14;
	v13 =	vadd.f32 v13, v16  }
0x342: {  	v14 =	vld [tilespmem:s3+$0xC0]  }
0x343: {  	v16 =	vmul.f32 v18, v7;
	v18 =	vld [tilespmem:s3+$0xE0];
	v13 =	vadd.f32 v13, v15  }
0x344: {  	s21 =	simm.s32 $0x16560;
	v12 =	vmul.f32 v12, v6;
	v15 =	vld [tilespmem:s3+$0xD0]  }
0x345: {  	v19 =	vmul.f32 v20, v4;
	v17 =	vmul.f32 v17, v5;
	[tilespmem:s21+$0x0] =	vst v13;
	v13 =	vld [tilespmem:s3+$0xF0]  }
0x346: {  	s18 =	simm.s32 $0xD1C0  }
0x347: {  	v12 =	vadd.f32 v16, v12;
	v16 =	vadd.f32 v17, v19;
	v20 =	vld [tilespmem:s18+$0xFFFFFD80]  }
0x348: {  	v17 =	vld [tilespmem:s18+$0xFFFFFD90]  }
0x349: {  	v19 =	vld [tilespmem:s18+$0xFFFFFDA0];
	v14 =	vmul.f32 v14, v0;
	v12 =	vadd.f32 v16, v12;
	v18 =	vmul.f32 v18, v2  }
0x34a: {  	v16 =	vld [tilespmem:s18+$0xFFFFFDB0];
	v15 =	vmul.f32 v15, v1;
	v13 =	vmul.f32 v13, v3  }
0x34b: {  	[tilespmem:s13+$0xFFFFFFC0] =	vst v12  }
0x34c: {  	v12 =	vld [tilespmem:s15+$0xFFFFFF40];
	v14 =	vadd.f32 v15, v14;
	v13 =	vadd.f32 v13, v18  }
0x34d: {  	v15 =	vld [tilespmem:s15+$0xFFFFFF50]  }
0x34e: {  	v17 =	vmul.f32 v17, v9;
	v18 =	vmul.f32 v20, v8;
	v20 =	vld [tilespmem:s15+$0xFFFFFF60];
	v13 =	vadd.f32 v13, v14  }
0x34f: {  	v16 =	vmul.f32 v16, v11;
	v14 =	vmul.f32 v19, v10;
	v19 =	vld [tilespmem:s15+$0xFFFFFF70]  }
0x350: {  	[tilespmem:s9+$0x30] =	vst v13  }
0x351: {  	v13 =	vadd.f32 v17, v18;
	v14 =	vadd.f32 v16, v14;
	v16 =	vld [tilespmem:s3+$0x100]  }
0x352: {  	v17 =	vld [tilespmem:s3+$0x110]  }
0x353: {  	v12 =	vmul.f32 v12, v6;
	v18 =	vmul.f32 v20, v4;
	v20 =	vld [tilespmem:s3+$0x130];
	v13 =	vadd.f32 v14, v13  }
0x354: {  	s20 =	simm.s32 $0x16A60;
	v14 =	vmul.f32 v15, v7;
	v15 =	vld [tilespmem:s3+$0x120];
	v19 =	vmul.f32 v19, v5  }
0x355: {  	[tilespmem:s20+$0xFFFFFF60] =	vst v13  }
0x356: {  	v12 =	vadd.f32 v14, v12;
	v13 =	vld [tilespmem:s18+$0xFFFFFDC0];
	v14 =	vadd.f32 v19, v18  }
0x357: {  	v18 =	vld [tilespmem:s18+$0xFFFFFDD0]  }
0x358: {  	v19 =	vld [tilespmem:s18+$0xFFFFFDE0];
	v20 =	vmul.f32 v20, v3;
	v12 =	vadd.f32 v14, v12;
	v14 =	vmul.f32 v16, v0  }
0x359: {  	v16 =	vmul.f32 v17, v1;
	v17 =	vld [tilespmem:s18+$0xFFFFFDF0];
	v15 =	vmul.f32 v15, v2  }
0x35a: {  	[tilespmem:s13+$0xFFFFFFD0] =	vst v12  }
0x35b: {  	v14 =	vadd.f32 v16, v14;
	v15 =	vadd.f32 v20, v15;
	v12 =	vld [tilespmem:s15+$0xFFFFFF80]  }
0x35c: {  	v16 =	vld [tilespmem:s15+$0xFFFFFF90]  }
0x35d: {  	v13 =	vmul.f32 v13, v8;
	v18 =	vmul.f32 v18, v9;
	v20 =	vld [tilespmem:s15+$0xFFFFFFA0];
	v14 =	vadd.f32 v15, v14  }
0x35e: {  	v15 =	vmul.f32 v19, v10;
	v19 =	vld [tilespmem:s15+$0xFFFFFFB0];
	v17 =	vmul.f32 v17, v11  }
0x35f: {  	[tilespmem:s9+$0x40] =	vst v14  }
0x360: {  	v13 =	vadd.f32 v18, v13;
	v14 =	vadd.f32 v17, v15;
	v15 =	vld [tilespmem:s3+$0x140]  }
0x361: {  	v17 =	vld [tilespmem:s3+$0x150]  }
0x362: {  	v12 =	vmul.f32 v12, v6;
	v18 =	vmul.f32 v20, v4;
	v20 =	vld [tilespmem:s3+$0x170];
	v13 =	vadd.f32 v14, v13  }
0x363: {  	v14 =	vmul.f32 v16, v7;
	v16 =	vld [tilespmem:s3+$0x160];
	v19 =	vmul.f32 v19, v5  }
0x364: {  	[tilespmem:s20+$0xFFFFFF70] =	vst v13  }
0x365: {  	v12 =	vadd.f32 v14, v12;
	v14 =	vadd.f32 v19, v18;
	v13 =	vld [tilespmem:s18+$0xFFFFFE00]  }
0x366: {  	v18 =	vld [tilespmem:s18+$0xFFFFFE10]  }
0x367: {  	v19 =	vld [tilespmem:s18+$0xFFFFFE20];
	v12 =	vadd.f32 v14, v12;
	v14 =	vmul.f32 v15, v0;
	v15 =	vmul.f32 v17, v1  }
0x368: {  	v17 =	vld [tilespmem:s18+$0xFFFFFE30];
	v20 =	vmul.f32 v20, v3;
	v16 =	vmul.f32 v16, v2  }
0x369: {  	[tilespmem:s13+$0xFFFFFFE0] =	vst v12  }
0x36a: {  	v14 =	vadd.f32 v15, v14;
	v12 =	vld [tilespmem:s15+$0xFFFFFFC0];
	v15 =	vadd.f32 v20, v16  }
0x36b: {  	v16 =	vld [tilespmem:s15+$0xFFFFFFD0]  }
0x36c: {  	v20 =	vld [tilespmem:s15+$0xFFFFFFE0];
	v13 =	vmul.f32 v13, v8;
	v18 =	vmul.f32 v18, v9;
	v14 =	vadd.f32 v15, v14  }
0x36d: {  	v15 =	vmul.f32 v19, v10;
	v17 =	vmul.f32 v17, v11;
	v19 =	vld [tilespmem:s15+$0xFFFFFFF0]  }
0x36e: {  	[tilespmem:s9+$0x50] =	vst v14  }
0x36f: {  	v13 =	vadd.f32 v18, v13;
	v14 =	vadd.f32 v17, v15;
	v15 =	vld [tilespmem:s3+$0x180]  }
0x370: {  	v63 =	vld [tilespmem:s3+$0x190]  }
0x371: {  	v18 =	vmul.f32 v12, v6;
	v16 =	vmul.f32 v16, v7;
	v12 =	vld [tilespmem:s3+$0x1A0];
	v14 =	vadd.f32 v14, v13  }
0x372: {  	v20 =	vmul.f32 v20, v4;
	v13 =	vld [tilespmem:s3+$0x1B0];
	v19 =	vmul.f32 v19, v5  }
0x373: {  	[tilespmem:s20+$0xFFFFFF80] =	vst v14  }
0x374: {  	v14 =	vadd.f32 v16, v18;
	v17 =	vld [tilespmem:s18+$0xFFFFFE40];
	v16 =	vadd.f32 v19, v20  }
0x375: {  	v19 =	vld [tilespmem:s18+$0xFFFFFE50]  }
0x376: {  	s22 =	simm.s32 $0x300;
	v18 =	vld [tilespmem:s18+$0xFFFFFE60];
	v16 =	vadd.f32 v16, v14;
	v14 =	vmul.f32 v15, v0;
	v15 =	vmul.f32 v63, v1  }
.LBB2_5:
0x377: {  	s23 =	sshra.s32 s22, $0x2;
	p0 =	sne.s32 s22, $0x1F00;
	v20 =	vld [tilespmem:s18+$0xFFFFFE70];
	v21 =	vmul.f32 v12, v2;
	v13 =	vmul.f32 v13, v3  }
0x378: {  	v12 =	vld [tilespmem:s23+$0xD40];
	[tilespmem:s13+$0xFFFFFFF0] =	vst v16  }
0x379: {  	v14 =	vadd.f32 v15, v14;
	v16 =	vld [tilespmem:s15+$0x0];
	v13 =	vadd.f32 v13, v21  }
0x37a: {  	v15 =	vld [tilespmem:s15+$0x10]  }
0x37b: {  	v17 =	vmul.f32 v17, v8;
	v19 =	vmul.f32 v19, v9;
	v21 =	vld [tilespmem:s15+$0x20];
	v14 =	vadd.f32 v13, v14  }
0x37c: {  	v18 =	vmul.f32 v18, v10;
	v20 =	vmul.f32 v20, v11;
	v22 =	vld [tilespmem:s15+$0x30]  }
0x37d: {  	v13 =	vld [tilespmem:s23+$0xD50];
	[tilespmem:s9+$0x60] =	vst v14  }
0x37e: {  	v14 =	vadd.f32 v19, v17;
	v17 =	vadd.f32 v20, v18;
	v18 =	vld [tilespmem:s3+$0x1C0]  }
0x37f: {  	v19 =	vld [tilespmem:s3+$0x1D0]  }
0x380: {  	v16 =	vmul.f32 v16, v6;
	v15 =	vmul.f32 v15, v7;
	v17 =	vadd.f32 v17, v14;
	v20 =	vld [tilespmem:s3+$0x1E0]  }
0x381: {  	v21 =	vmul.f32 v21, v4;
	v22 =	vmul.f32 v22, v5;
	v23 =	vld [tilespmem:s3+$0x1F0]  }
0x382: {  	v14 =	vld [tilespmem:s23+$0xD60];
	[tilespmem:s20+$0xFFFFFF90] =	vst v17  }
0x383: {  	v15 =	vadd.f32 v15, v16;
	v17 =	vld [tilespmem:s18+$0xFFFFFE80];
	v16 =	vadd.f32 v22, v21  }
0x384: {  	v21 =	vld [tilespmem:s18+$0xFFFFFE90]  }
0x385: {  	v18 =	vmul.f32 v18, v0;
	v19 =	vmul.f32 v19, v1;
	v22 =	vld [tilespmem:s18+$0xFFFFFEA0];
	v16 =	vadd.f32 v16, v15  }
0x386: {  	v20 =	vmul.f32 v20, v2;
	v24 =	vld [tilespmem:s18+$0xFFFFFEB0];
	v23 =	vmul.f32 v23, v3  }
0x387: {  	v15 =	vld [tilespmem:s23+$0xD70];
	[tilespmem:s13+$0x0] =	vst v16  }
0x388: {  	v18 =	vadd.f32 v19, v18;
	v16 =	vld [tilespmem:s15+$0x40];
	v19 =	vadd.f32 v23, v20  }
0x389: {  	v20 =	vld [tilespmem:s15+$0x50]  }
0x38a: {  	v17 =	vmul.f32 v17, v8;
	v21 =	vmul.f32 v21, v9;
	v23 =	vld [tilespmem:s15+$0x60];
	v18 =	vadd.f32 v19, v18  }
0x38b: {  	v19 =	vmul.f32 v22, v10;
	v22 =	vmul.f32 v24, v11;
	v24 =	vld [tilespmem:s15+$0x70]  }
0x38c: {  	v25 =	vld [tilespmem:s23+$0x1D40];
	[tilespmem:s9+$0x70] =	vst v18  }
0x38d: {  	v17 =	vadd.f32 v21, v17;
	v18 =	vadd.f32 v22, v19;
	v19 =	vld [tilespmem:s3+$0x200]  }
0x38e: {  	v21 =	vld [tilespmem:s3+$0x210]  }
0x38f: {  	v16 =	vmul.f32 v16, v6;
	v17 =	vadd.f32 v18, v17;
	v18 =	vmul.f32 v20, v7;
	v20 =	vld [tilespmem:s3+$0x220]  }
0x390: {  	v22 =	vmul.f32 v23, v4;
	v23 =	vmul.f32 v24, v5;
	v24 =	vld [tilespmem:s3+$0x230]  }
0x391: {  	v26 =	vld [tilespmem:s23+$0x1D50];
	[tilespmem:s20+$0xFFFFFFA0] =	vst v17  }
0x392: {  	v16 =	vadd.f32 v18, v16;
	v17 =	vld [tilespmem:s18+$0xFFFFFEC0];
	v18 =	vadd.f32 v23, v22  }
0x393: {  	v22 =	vld [tilespmem:s18+$0xFFFFFED0]  }
0x394: {  	v23 =	vld [tilespmem:s18+$0xFFFFFEE0];
	v16 =	vadd.f32 v18, v16;
	v18 =	vmul.f32 v19, v0;
	v19 =	vmul.f32 v21, v1  }
0x395: {  	v20 =	vmul.f32 v20, v2;
	v21 =	vld [tilespmem:s18+$0xFFFFFEF0];
	v24 =	vmul.f32 v24, v3  }
0x396: {  	v27 =	vld [tilespmem:s23+$0x1D60];
	[tilespmem:s13+$0x10] =	vst v16  }
0x397: {  	v18 =	vadd.f32 v19, v18;
	v16 =	vld [tilespmem:s15+$0x80];
	v19 =	vadd.f32 v24, v20  }
0x398: {  	v20 =	vld [tilespmem:s15+$0x90]  }
0x399: {  	v17 =	vmul.f32 v17, v8;
	v22 =	vmul.f32 v22, v9;
	v24 =	vld [tilespmem:s15+$0xA0];
	v18 =	vadd.f32 v19, v18  }
0x39a: {  	v19 =	vmul.f32 v23, v10;
	v21 =	vmul.f32 v21, v11;
	v23 =	vld [tilespmem:s15+$0xB0]  }
0x39b: {  	v28 =	vld [tilespmem:s23+$0x1D70];
	[tilespmem:s9+$0x80] =	vst v18  }
0x39c: {  	v17 =	vadd.f32 v22, v17;
	v18 =	vadd.f32 v21, v19;
	v19 =	vld [tilespmem:s3+$0x240]  }
0x39d: {  	v21 =	vld [tilespmem:s3+$0x250]  }
0x39e: {  	v16 =	vmul.f32 v16, v6;
	v17 =	vadd.f32 v18, v17;
	v18 =	vmul.f32 v20, v7;
	v20 =	vld [tilespmem:s3+$0x260]  }
0x39f: {  	v22 =	vmul.f32 v24, v4;
	v23 =	vmul.f32 v23, v5;
	v24 =	vld [tilespmem:s3+$0x270];
	s3 =	smov.u32 s15;
	s15 =	smov.u32 s18  }
0x3a0: {  	v25 =	vmul.f32 v25, v12;
	[tilespmem:s20+$0xFFFFFFB0] =	vst v17  }
0x3a1: {  	v17 =	vmul.f32 v26, v13;
	v16 =	vadd.f32 v18, v16;
	v26 =	vld [tilespmem:s18+$0xFFFFFF00];
	v18 =	vadd.f32 v23, v22  }
0x3a2: {  	v22 =	vmul.f32 v27, v14;
	v23 =	vmul.f32 v28, v15;
	v27 =	vld [tilespmem:s18+$0xFFFFFF10]  }
0x3a3: {  	v28 =	vld [tilespmem:s18+$0xFFFFFF20];
	v16 =	vadd.f32 v18, v16;
	v18 =	vmul.f32 v19, v0;
	v19 =	vmul.f32 v21, v1;
	v0 =	vmovc v6  }
0x3a4: {  	v20 =	vmul.f32 v20, v2;
	v6 =	vmovc v8;
	v8 =	vmovc v12;
	v1 =	vmov v7;
	v21 =	vld [tilespmem:s18+$0xFFFFFF30];
	v24 =	vmul.f32 v24, v3  }
0x3a5: {  	v12 =	vadd.f32 v17, v25;
	v17 =	vadd.f32 v23, v22;
	v7 =	vmovc v9;
	v9 =	vmov v13;
	[tilespmem:s13+$0x20] =	vst v16  }
0x3a6: {  	v2 =	vmovc v4;
	v4 =	vmovc v10;
	v10 =	vmov v14;
	v16 =	vadd.f32 v19, v18;
	v13 =	vld [tilespmem:s3+$0xC0];
	v18 =	vadd.f32 v24, v20  }
0x3a7: {  	v3 =	vmovc v5;
	v5 =	vmov v11;
	v11 =	vmov v15;
	v12 =	vadd.f32 v17, v12;
	v14 =	vld [tilespmem:s3+$0xD0]  }
0x3a8: {  	s21 =	sadd.s32 $0x10, s21;
	v15 =	vmul.f32 v26, v6;
	v17 =	vmul.f32 v27, v7;
	v19 =	vld [tilespmem:s3+$0xE0];
	v16 =	vadd.f32 v18, v16  }
0x3a9: {  	[tilespmem:s21+$0x0] =	vst v12;
	v12 =	vmul.f32 v28, v4;
	v18 =	vmul.f32 v21, v5;
	v20 =	vld [tilespmem:s3+$0xF0]  }
0x3aa: {  	s18 =	sadd.s32 $0x500, s18;
	[tilespmem:s9+$0x90] =	vst v16;
	s9 =	smov.u32 s13;
	s13 =	smov.u32 s20  }
0x3ab: {  	v15 =	vadd.f32 v17, v15;
	v16 =	vld [tilespmem:s18+$0xFFFFFD80];
	v12 =	vadd.f32 v18, v12  }
0x3ac: {  	v17 =	vld [tilespmem:s18+$0xFFFFFD90]  }
0x3ad: {  	v13 =	vmul.f32 v13, v0;
	v14 =	vmul.f32 v14, v1;
	v18 =	vld [tilespmem:s18+$0xFFFFFDA0];
	v12 =	vadd.f32 v12, v15  }
0x3ae: {  	v19 =	vmul.f32 v19, v2;
	v15 =	vld [tilespmem:s18+$0xFFFFFDB0];
	v20 =	vmul.f32 v20, v3  }
0x3af: {  	[tilespmem:s20+$0xFFFFFFC0] =	vst v12  }
0x3b0: {  	v13 =	vadd.f32 v14, v13;
	v12 =	vld [tilespmem:s15+$0xFFFFFF40];
	v14 =	vadd.f32 v20, v19  }
0x3b1: {  	v19 =	vld [tilespmem:s15+$0xFFFFFF50]  }
0x3b2: {  	v16 =	vmul.f32 v16, v8;
	v17 =	vmul.f32 v17, v9;
	v20 =	vld [tilespmem:s15+$0xFFFFFF60];
	v13 =	vadd.f32 v14, v13  }
0x3b3: {  	v14 =	vmul.f32 v18, v10;
	v15 =	vmul.f32 v15, v11;
	v18 =	vld [tilespmem:s15+$0xFFFFFF70]  }
0x3b4: {  	[tilespmem:s9+$0x30] =	vst v13  }
0x3b5: {  	v13 =	vadd.f32 v17, v16;
	v14 =	vadd.f32 v15, v14;
	v15 =	vld [tilespmem:s3+$0x100]  }
0x3b6: {  	v16 =	vld [tilespmem:s3+$0x110]  }
0x3b7: {  	v12 =	vmul.f32 v12, v6;
	v13 =	vadd.f32 v14, v13;
	v14 =	vmul.f32 v19, v7;
	v17 =	vld [tilespmem:s3+$0x120]  }
0x3b8: {  	s20 =	sadd.s32 $0x140, s20;
	v19 =	vmul.f32 v20, v4;
	v18 =	vmul.f32 v18, v5;
	v20 =	vld [tilespmem:s3+$0x130]  }
0x3b9: {  	[tilespmem:s20+$0xFFFFFF60] =	vst v13  }
0x3ba: {  	v12 =	vadd.f32 v14, v12;
	v13 =	vld [tilespmem:s18+$0xFFFFFDC0];
	v14 =	vadd.f32 v18, v19  }
0x3bb: {  	v18 =	vld [tilespmem:s18+$0xFFFFFDD0]  }
0x3bc: {  	v19 =	vld [tilespmem:s18+$0xFFFFFDE0];
	v12 =	vadd.f32 v14, v12;
	v14 =	vmul.f32 v15, v0;
	v15 =	vmul.f32 v16, v1  }
0x3bd: {  	v17 =	vmul.f32 v17, v2;
	v16 =	vld [tilespmem:s18+$0xFFFFFDF0];
	v20 =	vmul.f32 v20, v3  }
0x3be: {  	[tilespmem:s13+$0xFFFFFFD0] =	vst v12  }
0x3bf: {  	v14 =	vadd.f32 v15, v14;
	v12 =	vld [tilespmem:s15+$0xFFFFFF80];
	v15 =	vadd.f32 v20, v17  }
0x3c0: {  	v17 =	vld [tilespmem:s15+$0xFFFFFF90]  }
0x3c1: {  	v13 =	vmul.f32 v13, v8;
	v18 =	vmul.f32 v18, v9;
	v20 =	vld [tilespmem:s15+$0xFFFFFFA0];
	v14 =	vadd.f32 v15, v14  }
0x3c2: {  	v15 =	vmul.f32 v19, v10;
	v16 =	vmul.f32 v16, v11;
	v19 =	vld [tilespmem:s15+$0xFFFFFFB0]  }
0x3c3: {  	[tilespmem:s9+$0x40] =	vst v14  }
0x3c4: {  	v13 =	vadd.f32 v18, v13;
	v14 =	vadd.f32 v16, v15;
	v15 =	vld [tilespmem:s3+$0x140]  }
0x3c5: {  	v16 =	vld [tilespmem:s3+$0x150]  }
0x3c6: {  	v12 =	vmul.f32 v12, v6;
	v13 =	vadd.f32 v14, v13;
	v14 =	vmul.f32 v17, v7;
	v17 =	vld [tilespmem:s3+$0x160]  }
0x3c7: {  	v18 =	vmul.f32 v20, v4;
	v19 =	vmul.f32 v19, v5;
	v20 =	vld [tilespmem:s3+$0x170]  }
0x3c8: {  	[tilespmem:s20+$0xFFFFFF70] =	vst v13  }
0x3c9: {  	v12 =	vadd.f32 v14, v12;
	v13 =	vld [tilespmem:s18+$0xFFFFFE00];
	v14 =	vadd.f32 v19, v18  }
0x3ca: {  	v18 =	vld [tilespmem:s18+$0xFFFFFE10]  }
0x3cb: {  	v19 =	vld [tilespmem:s18+$0xFFFFFE20];
	v12 =	vadd.f32 v14, v12;
	v14 =	vmul.f32 v15, v0;
	v15 =	vmul.f32 v16, v1  }
0x3cc: {  	v17 =	vmul.f32 v17, v2;
	v16 =	vld [tilespmem:s18+$0xFFFFFE30];
	v20 =	vmul.f32 v20, v3  }
0x3cd: {  	[tilespmem:s13+$0xFFFFFFE0] =	vst v12  }
0x3ce: {  	v14 =	vadd.f32 v15, v14;
	v12 =	vld [tilespmem:s15+$0xFFFFFFC0];
	v15 =	vadd.f32 v20, v17  }
0x3cf: {  	v17 =	vld [tilespmem:s15+$0xFFFFFFD0]  }
0x3d0: {  	v13 =	vmul.f32 v13, v8;
	v18 =	vmul.f32 v18, v9;
	v20 =	vld [tilespmem:s15+$0xFFFFFFE0];
	v14 =	vadd.f32 v15, v14  }
0x3d1: {  	v15 =	vmul.f32 v19, v10;
	v16 =	vmul.f32 v16, v11;
	v19 =	vld [tilespmem:s15+$0xFFFFFFF0]  }
0x3d2: {  	[tilespmem:s9+$0x50] =	vst v14  }
0x3d3: {  	v13 =	vadd.f32 v18, v13;
	v14 =	vadd.f32 v16, v15;
	v15 =	vld [tilespmem:s3+$0x180]  }
0x3d4: {  	v21 =	vld [tilespmem:s3+$0x190]  }
0x3d5: {  	v16 =	vmul.f32 v12, v6;
	v18 =	vmul.f32 v17, v7;
	v14 =	vadd.f32 v14, v13;
	v12 =	vld [tilespmem:s3+$0x1A0]  }
.Ltmp1:
0x3d6: {  	v20 =	vmul.f32 v20, v4;
	v19 =	vmul.f32 v19, v5;
	v13 =	vld [tilespmem:s3+$0x1B0];
	(pc) =	sbr.rel @p0 .LBB2_5-.Ltmp1, $4  }
0x3d7: {  	[tilespmem:s20+$0xFFFFFF80] =	vst v14  }
0x3d8: {  	v14 =	vadd.f32 v18, v16;
	v17 =	vld [tilespmem:s18+$0xFFFFFE40];
	v16 =	vadd.f32 v19, v20  }
0x3d9: {  	v19 =	vld [tilespmem:s18+$0xFFFFFE50]  }
0x3da: {  	s22 =	sadd.s32 $0x100, s22;
	v18 =	vld [tilespmem:s18+$0xFFFFFE60];
	v16 =	vadd.f32 v16, v14;
	v14 =	vmul.f32 v15, v0;
	v15 =	vmul.f32 v21, v1  }
0x3db: {  	v20 =	vld [tilespmem:s18+$0xFFFFFE70];
	_ =	sdelay $0x3  }
0x3dc: {  	v17 =	vmul.f32 v17, v8;
	v19 =	vmul.f32 v19, v9  }
0x3dd: {  	v18 =	vmul.f32 v18, v10;
	v20 =	vmul.f32 v20, v11;
	_ =	sdelay $0x1  }
0x3de: {  	v17 =	vadd.f32 v19, v17;
	v18 =	vadd.f32 v20, v18;
	_ =	sdelay $0x1  }
0x3df: {  	v17 =	vadd.f32 v18, v17;
	_ =	sdelay $0x1  }
0x3e0: {  	[tilespmem:s20+$0xFFFFFF90] =	vst v17  }
0x3e1: {  	v17 =	vld [tilespmem:s18+$0xFFFFFE80]  }
0x3e2: {  	v53 =	vld [tilespmem:s18+$0xFFFFFE90]  }
0x3e3: {  	v54 =	vld [tilespmem:s18+$0xFFFFFEA0]  }
0x3e4: {  	v55 =	vld [tilespmem:s18+$0xFFFFFEB0];
	_ =	sdelay $0x3  }
0x3e5: {  	v17 =	vmul.f32 v17, v8;
	v18 =	vmul.f32 v53, v9  }
0x3e6: {  	v19 =	vmul.f32 v54, v10;
	v20 =	vmul.f32 v55, v11;
	_ =	sdelay $0x1  }
0x3e7: {  	v17 =	vadd.f32 v18, v17;
	v56 =	vadd.f32 v20, v19;
	_ =	sdelay $0x1  }
0x3e8: {  	v17 =	vadd.f32 v56, v17;
	_ =	sdelay $0x1  }
0x3e9: {  	[tilespmem:s20+$0xFFFFFFA0] =	vst v17  }
0x3ea: {  	v17 =	vld [tilespmem:s18+$0xFFFFFEC0]  }
0x3eb: {  	v57 =	vld [tilespmem:s18+$0xFFFFFED0]  }
0x3ec: {  	v58 =	vld [tilespmem:s18+$0xFFFFFEE0]  }
0x3ed: {  	v59 =	vld [tilespmem:s18+$0xFFFFFEF0];
	_ =	sdelay $0x3  }
0x3ee: {  	v17 =	vmul.f32 v17, v8;
	v18 =	vmul.f32 v57, v9  }
0x3ef: {  	v19 =	vmul.f32 v58, v10;
	v20 =	vmul.f32 v59, v11;
	_ =	sdelay $0x1  }
0x3f0: {  	v17 =	vadd.f32 v18, v17;
	v60 =	vadd.f32 v20, v19;
	_ =	sdelay $0x1  }
0x3f1: {  	v17 =	vadd.f32 v60, v17;
	_ =	sdelay $0x1  }
0x3f2: {  	[tilespmem:s20+$0xFFFFFFB0] =	vst v17  }
0x3f3: {  	v17 =	vld [tilespmem:s18+$0xFFFFFF00]  }
0x3f4: {  	v61 =	vld [tilespmem:s18+$0xFFFFFF10]  }
0x3f5: {  	v62 =	vld [tilespmem:s18+$0xFFFFFF20]  }
0x3f6: {  	v63 =	vld [tilespmem:s18+$0xFFFFFF30];
	_ =	sdelay $0x3  }
0x3f7: {  	v17 =	vmul.f32 v17, v8;
	v18 =	vmul.f32 v61, v9  }
0x3f8: {  	v19 =	vmul.f32 v62, v10;
	v20 =	vmul.f32 v63, v11;
	_ =	sdelay $0x1  }
0x3f9: {  	v17 =	vadd.f32 v18, v17;
	v23 =	vadd.f32 v20, v19;
	_ =	sdelay $0x1  }
0x3fa: {  	v17 =	vadd.f32 v23, v17;
	_ =	sdelay $0x1  }
0x3fb: {  	[tilespmem:s20+$0xFFFFFFC0] =	vst v17  }
0x3fc: {  	v17 =	vld [tilespmem:s18+$0xFFFFFF40]  }
0x3fd: {  	v24 =	vld [tilespmem:s18+$0xFFFFFF50]  }
0x3fe: {  	v25 =	vld [tilespmem:s18+$0xFFFFFF60]  }
0x3ff: {  	v26 =	vld [tilespmem:s18+$0xFFFFFF70];
	_ =	sdelay $0x3  }
0x400: {  	v17 =	vmul.f32 v17, v8;
	v18 =	vmul.f32 v24, v9  }
0x401: {  	v19 =	vmul.f32 v25, v10;
	v20 =	vmul.f32 v26, v11;
	_ =	sdelay $0x1  }
0x402: {  	v17 =	vadd.f32 v18, v17;
	v27 =	vadd.f32 v20, v19;
	_ =	sdelay $0x1  }
0x403: {  	v17 =	vadd.f32 v27, v17;
	_ =	sdelay $0x1  }
0x404: {  	[tilespmem:s20+$0xFFFFFFD0] =	vst v17  }
0x405: {  	v17 =	vld [tilespmem:s18+$0xFFFFFF80]  }
0x406: {  	v28 =	vld [tilespmem:s18+$0xFFFFFF90]  }
0x407: {  	v29 =	vld [tilespmem:s18+$0xFFFFFFA0]  }
0x408: {  	v30 =	vld [tilespmem:s18+$0xFFFFFFB0];
	_ =	sdelay $0x3  }
0x409: {  	v17 =	vmul.f32 v17, v8;
	v18 =	vmul.f32 v28, v9  }
0x40a: {  	v19 =	vmul.f32 v29, v10;
	v20 =	vmul.f32 v30, v11;
	_ =	sdelay $0x1  }
0x40b: {  	v17 =	vadd.f32 v18, v17;
	v31 =	vadd.f32 v20, v19;
	_ =	sdelay $0x1  }
0x40c: {  	v17 =	vadd.f32 v31, v17;
	_ =	sdelay $0x1  }
0x40d: {  	[tilespmem:s20+$0xFFFFFFE0] =	vst v17  }
0x40e: {  	v17 =	vld [tilespmem:s18+$0xFFFFFFC0]  }
0x40f: {  	v32 =	vld [tilespmem:s18+$0xFFFFFFD0]  }
0x410: {  	v33 =	vld [tilespmem:s18+$0xFFFFFFE0]  }
0x411: {  	v34 =	vld [tilespmem:s18+$0xFFFFFFF0];
	_ =	sdelay $0x3  }
0x412: {  	v17 =	vmul.f32 v17, v8;
	v18 =	vmul.f32 v32, v9  }
0x413: {  	v19 =	vmul.f32 v33, v10;
	v20 =	vmul.f32 v34, v11;
	_ =	sdelay $0x1  }
0x414: {  	[tilespmem:s13+$0xFFFFFFF0] =	vst v16;
	v35 =	vadd.f32 v18, v17;
	v36 =	vadd.f32 v20, v19  }
0x415: {  	v37 =	vld [tilespmem:s15+$0x0]  }
0x416: {  	v38 =	vld [tilespmem:s15+$0x10];
	v16 =	vadd.f32 v36, v35  }
0x417: {  	v39 =	vld [tilespmem:s15+$0x20]  }
0x418: {  	v40 =	vld [tilespmem:s15+$0x30];
	[tilespmem:s20+$0xFFFFFFF0] =	vst v16  }
0x419: {  	v16 =	vld [tilespmem:s18+$0x0]  }
0x41a: {  	v21 =	vld [tilespmem:s18+$0x10]  }
0x41b: {  	v22 =	vld [tilespmem:s18+$0x20]  }
0x41c: {  	v18 =	vmul.f32 v37, v6;
	v19 =	vmul.f32 v38, v7;
	v23 =	vld [tilespmem:s18+$0x30]  }
0x41d: {  	v17 =	vmul.f32 v39, v4;
	v20 =	vmul.f32 v40, v5;
	_ =	sdelay $0x1  }
0x41e: {  	v18 =	vadd.f32 v19, v18;
	v17 =	vadd.f32 v20, v17  }
0x41f: {  	v16 =	vmul.f32 v16, v8;
	v41 =	vmul.f32 v21, v9  }
0x420: {  	v17 =	vadd.f32 v17, v18;
	v42 =	vmul.f32 v22, v10;
	v43 =	vmul.f32 v23, v11;
	_ =	sdelay $0x1  }
0x421: {  	[tilespmem:s13+$0x0] =	vst v17;
	v16 =	vadd.f32 v41, v16;
	v44 =	vadd.f32 v43, v42  }
0x422: {  	v45 =	vld [tilespmem:s15+$0x40]  }
0x423: {  	v46 =	vld [tilespmem:s15+$0x50];
	v16 =	vadd.f32 v44, v16  }
0x424: {  	v47 =	vld [tilespmem:s15+$0x60]  }
0x425: {  	v48 =	vld [tilespmem:s15+$0x70];
	[tilespmem:s20+$0x0] =	vst v16  }
0x426: {  	v16 =	vld [tilespmem:s18+$0x40]  }
0x427: {  	v49 =	vld [tilespmem:s18+$0x50]  }
0x428: {  	v50 =	vld [tilespmem:s18+$0x60]  }
0x429: {  	v18 =	vmul.f32 v45, v6;
	v19 =	vmul.f32 v46, v7;
	v51 =	vld [tilespmem:s18+$0x70]  }
0x42a: {  	v17 =	vmul.f32 v47, v4;
	v20 =	vmul.f32 v48, v5;
	_ =	sdelay $0x1  }
0x42b: {  	v18 =	vadd.f32 v19, v18;
	v17 =	vadd.f32 v20, v17  }
0x42c: {  	v16 =	vmul.f32 v16, v8;
	v52 =	vmul.f32 v49, v9  }
0x42d: {  	v17 =	vadd.f32 v17, v18;
	v53 =	vmul.f32 v50, v10;
	v54 =	vmul.f32 v51, v11;
	_ =	sdelay $0x1  }
0x42e: {  	[tilespmem:s13+$0x10] =	vst v17;
	v16 =	vadd.f32 v52, v16;
	v55 =	vadd.f32 v54, v53  }
0x42f: {  	v56 =	vld [tilespmem:s15+$0x80]  }
0x430: {  	v57 =	vld [tilespmem:s15+$0x90];
	v16 =	vadd.f32 v55, v16  }
0x431: {  	v58 =	vld [tilespmem:s15+$0xA0]  }
0x432: {  	v59 =	vld [tilespmem:s15+$0xB0];
	[tilespmem:s20+$0x10] =	vst v16  }
0x433: {  	v16 =	vld [tilespmem:s18+$0x80]  }
0x434: {  	v60 =	vld [tilespmem:s18+$0x90]  }
0x435: {  	v61 =	vld [tilespmem:s18+$0xA0]  }
0x436: {  	v18 =	vmul.f32 v56, v6;
	v19 =	vmul.f32 v57, v7;
	v62 =	vld [tilespmem:s18+$0xB0]  }
0x437: {  	v17 =	vmul.f32 v58, v4;
	v20 =	vmul.f32 v59, v5;
	_ =	sdelay $0x1  }
0x438: {  	v18 =	vadd.f32 v19, v18;
	v17 =	vadd.f32 v20, v17  }
0x439: {  	v16 =	vmul.f32 v16, v8;
	v63 =	vmul.f32 v60, v9  }
0x43a: {  	v17 =	vadd.f32 v17, v18;
	v24 =	vmul.f32 v61, v10;
	v25 =	vmul.f32 v62, v11;
	_ =	sdelay $0x1  }
0x43b: {  	[tilespmem:s13+$0x20] =	vst v17;
	v16 =	vadd.f32 v63, v16;
	v26 =	vadd.f32 v25, v24  }
0x43c: {  	v27 =	vld [tilespmem:s15+$0xC0]  }
0x43d: {  	v28 =	vld [tilespmem:s15+$0xD0];
	v16 =	vadd.f32 v26, v16  }
0x43e: {  	v29 =	vld [tilespmem:s15+$0xE0]  }
0x43f: {  	v30 =	vld [tilespmem:s15+$0xF0];
	[tilespmem:s20+$0x20] =	vst v16  }
0x440: {  	v16 =	vld [tilespmem:s18+$0xC0]  }
0x441: {  	v31 =	vld [tilespmem:s18+$0xD0]  }
0x442: {  	v32 =	vld [tilespmem:s18+$0xE0]  }
0x443: {  	v18 =	vmul.f32 v27, v6;
	v19 =	vmul.f32 v28, v7;
	v33 =	vld [tilespmem:s18+$0xF0]  }
0x444: {  	v17 =	vmul.f32 v29, v4;
	v20 =	vmul.f32 v30, v5;
	_ =	sdelay $0x1  }
0x445: {  	v18 =	vadd.f32 v19, v18;
	v17 =	vadd.f32 v20, v17  }
0x446: {  	v16 =	vmul.f32 v16, v8;
	v34 =	vmul.f32 v31, v9  }
0x447: {  	v17 =	vadd.f32 v17, v18;
	v35 =	vmul.f32 v32, v10;
	v36 =	vmul.f32 v33, v11;
	_ =	sdelay $0x1  }
0x448: {  	[tilespmem:s13+$0x30] =	vst v17;
	v16 =	vadd.f32 v34, v16;
	v37 =	vadd.f32 v36, v35  }
0x449: {  	v38 =	vld [tilespmem:s15+$0x100]  }
0x44a: {  	v39 =	vld [tilespmem:s15+$0x110];
	v16 =	vadd.f32 v37, v16  }
0x44b: {  	v40 =	vld [tilespmem:s15+$0x120]  }
0x44c: {  	v41 =	vld [tilespmem:s15+$0x130];
	[tilespmem:s20+$0x30] =	vst v16  }
0x44d: {  	v16 =	vld [tilespmem:s18+$0x100]  }
0x44e: {  	v42 =	vld [tilespmem:s18+$0x110]  }
0x44f: {  	v43 =	vld [tilespmem:s18+$0x120]  }
0x450: {  	v18 =	vmul.f32 v38, v6;
	v19 =	vmul.f32 v39, v7;
	v44 =	vld [tilespmem:s18+$0x130]  }
0x451: {  	v17 =	vmul.f32 v40, v4;
	v20 =	vmul.f32 v41, v5;
	_ =	sdelay $0x1  }
0x452: {  	v18 =	vadd.f32 v19, v18;
	v17 =	vadd.f32 v20, v17  }
0x453: {  	v16 =	vmul.f32 v16, v8;
	v45 =	vmul.f32 v42, v9  }
0x454: {  	v17 =	vadd.f32 v17, v18;
	v46 =	vmul.f32 v43, v10;
	v47 =	vmul.f32 v44, v11;
	_ =	sdelay $0x1  }
0x455: {  	[tilespmem:s13+$0x40] =	vst v17;
	v16 =	vadd.f32 v45, v16;
	v48 =	vadd.f32 v47, v46  }
0x456: {  	v49 =	vld [tilespmem:s15+$0x140]  }
0x457: {  	v50 =	vld [tilespmem:s15+$0x150];
	v16 =	vadd.f32 v48, v16  }
0x458: {  	v51 =	vld [tilespmem:s15+$0x160]  }
0x459: {  	v52 =	vld [tilespmem:s15+$0x170];
	[tilespmem:s20+$0x40] =	vst v16  }
0x45a: {  	v16 =	vld [tilespmem:s18+$0x140]  }
0x45b: {  	v53 =	vld [tilespmem:s18+$0x150]  }
0x45c: {  	v54 =	vld [tilespmem:s18+$0x160]  }
0x45d: {  	v18 =	vmul.f32 v49, v6;
	v19 =	vmul.f32 v50, v7;
	v55 =	vld [tilespmem:s18+$0x170]  }
0x45e: {  	v17 =	vmul.f32 v51, v4;
	v20 =	vmul.f32 v52, v5;
	_ =	sdelay $0x1  }
0x45f: {  	v18 =	vadd.f32 v19, v18;
	v17 =	vadd.f32 v20, v17  }
0x460: {  	v16 =	vmul.f32 v16, v8;
	v56 =	vmul.f32 v53, v9  }
0x461: {  	v17 =	vadd.f32 v17, v18;
	v57 =	vmul.f32 v54, v10;
	v58 =	vmul.f32 v55, v11;
	_ =	sdelay $0x1  }
0x462: {  	[tilespmem:s13+$0x50] =	vst v17;
	v16 =	vadd.f32 v56, v16;
	v59 =	vadd.f32 v58, v57  }
0x463: {  	v60 =	vld [tilespmem:s15+$0x180]  }
0x464: {  	v61 =	vld [tilespmem:s15+$0x190];
	v16 =	vadd.f32 v59, v16  }
0x465: {  	v62 =	vld [tilespmem:s15+$0x1A0]  }
0x466: {  	v63 =	vld [tilespmem:s15+$0x1B0];
	[tilespmem:s20+$0x50] =	vst v16  }
0x467: {  	v12 =	vmul.f32 v12, v2;
	v13 =	vmul.f32 v13, v3;
	v16 =	vld [tilespmem:s18+$0x180]  }
0x468: {  	v24 =	vld [tilespmem:s18+$0x190]  }
0x469: {  	v14 =	vadd.f32 v15, v14;
	v12 =	vadd.f32 v13, v12;
	v25 =	vld [tilespmem:s18+$0x1A0]  }
0x46a: {  	v26 =	vmul.f32 v60, v6;
	v27 =	vmul.f32 v61, v7;
	v28 =	vld [tilespmem:s18+$0x1B0]  }
0x46b: {  	v12 =	vadd.f32 v12, v14;
	v29 =	vmul.f32 v62, v4;
	v30 =	vmul.f32 v63, v5;
	_ =	sdelay $0x1  }
0x46c: {  	[tilespmem:s9+$0x60] =	vst v12;
	v31 =	vadd.f32 v27, v26;
	v14 =	vadd.f32 v30, v29  }
0x46d: {  	v32 =	vld [tilespmem:s3+$0x1C0];
	v16 =	vmul.f32 v16, v8;
	v33 =	vmul.f32 v24, v9  }
0x46e: {  	v34 =	vld [tilespmem:s3+$0x1D0];
	v12 =	vadd.f32 v14, v31;
	v13 =	vmul.f32 v25, v10;
	v35 =	vmul.f32 v28, v11  }
0x46f: {  	v36 =	vld [tilespmem:s3+$0x1E0]  }
0x470: {  	v37 =	vld [tilespmem:s3+$0x1F0];
	[tilespmem:s13+$0x60] =	vst v12;
	v38 =	vadd.f32 v33, v16;
	v13 =	vadd.f32 v35, v13  }
0x471: {  	v39 =	vld [tilespmem:s15+$0x1C0]  }
0x472: {  	v40 =	vld [tilespmem:s15+$0x1D0];
	v12 =	vadd.f32 v13, v38  }
0x473: {  	v41 =	vld [tilespmem:s15+$0x1E0]  }
0x474: {  	v15 =	vmul.f32 v32, v0;
	v42 =	vmul.f32 v34, v1;
	v43 =	vld [tilespmem:s15+$0x1F0];
	[tilespmem:s20+$0x60] =	vst v12  }
0x475: {  	v44 =	vmul.f32 v36, v2;
	v45 =	vmul.f32 v37, v3;
	v46 =	vld [tilespmem:s18+$0x1C0]  }
0x476: {  	v47 =	vld [tilespmem:s18+$0x1D0]  }
0x477: {  	v15 =	vadd.f32 v42, v15;
	v12 =	vadd.f32 v45, v44;
	v48 =	vld [tilespmem:s18+$0x1E0]  }
0x478: {  	v14 =	vmul.f32 v39, v6;
	v16 =	vmul.f32 v40, v7;
	v49 =	vld [tilespmem:s18+$0x1F0]  }
0x479: {  	v50 =	vmul.f32 v43, v5;
	v13 =	vmul.f32 v41, v4;
	v12 =	vadd.f32 v12, v15;
	_ =	sdelay $0x1  }
0x47a: {  	v51 =	vadd.f32 v16, v14;
	v13 =	vadd.f32 v50, v13;
	[tilespmem:s9+$0x70] =	vst v12  }
0x47b: {  	v52 =	vld [tilespmem:s3+$0x200];
	v53 =	vmul.f32 v46, v8;
	v54 =	vmul.f32 v47, v9  }
0x47c: {  	v12 =	vadd.f32 v13, v51;
	v55 =	vld [tilespmem:s3+$0x210];
	v56 =	vmul.f32 v48, v10;
	v57 =	vmul.f32 v49, v11  }
0x47d: {  	v58 =	vld [tilespmem:s3+$0x220]  }
0x47e: {  	v59 =	vld [tilespmem:s3+$0x230];
	[tilespmem:s13+$0x70] =	vst v12;
	v60 =	vadd.f32 v54, v53;
	v13 =	vadd.f32 v57, v56  }
0x47f: {  	v61 =	vld [tilespmem:s15+$0x200]  }
0x480: {  	v62 =	vld [tilespmem:s15+$0x210];
	v12 =	vadd.f32 v13, v60  }
0x481: {  	v63 =	vld [tilespmem:s15+$0x220]  }
0x482: {  	v25 =	vld [tilespmem:s15+$0x230];
	v14 =	vmul.f32 v52, v0;
	v24 =	vmul.f32 v55, v1;
	[tilespmem:s20+$0x70] =	vst v12  }
0x483: {  	v26 =	vmul.f32 v58, v2;
	v27 =	vmul.f32 v59, v3;
	v28 =	vld [tilespmem:s18+$0x200]  }
0x484: {  	v29 =	vld [tilespmem:s18+$0x210]  }
0x485: {  	v14 =	vadd.f32 v24, v14;
	v12 =	vadd.f32 v27, v26;
	v30 =	vld [tilespmem:s18+$0x220]  }
0x486: {  	v15 =	vmul.f32 v61, v6;
	v16 =	vmul.f32 v62, v7;
	v31 =	vld [tilespmem:s18+$0x230]  }
0x487: {  	v13 =	vmul.f32 v63, v4;
	v32 =	vmul.f32 v25, v5;
	v12 =	vadd.f32 v12, v14;
	_ =	sdelay $0x1  }
0x488: {  	v33 =	vadd.f32 v16, v15;
	v13 =	vadd.f32 v32, v13;
	[tilespmem:s9+$0x80] =	vst v12  }
0x489: {  	v34 =	vld [tilespmem:s3+$0x240];
	v35 =	vmul.f32 v28, v8;
	v36 =	vmul.f32 v29, v9  }
0x48a: {  	v12 =	vadd.f32 v13, v33;
	v37 =	vld [tilespmem:s3+$0x250];
	v38 =	vmul.f32 v30, v10;
	v39 =	vmul.f32 v31, v11  }
0x48b: {  	v40 =	vld [tilespmem:s3+$0x260]  }
0x48c: {  	v41 =	vld [tilespmem:s3+$0x270];
	[tilespmem:s13+$0x80] =	vst v12;
	v42 =	vadd.f32 v36, v35;
	v13 =	vadd.f32 v39, v38  }
0x48d: {  	v43 =	vld [tilespmem:s15+$0x240]  }
0x48e: {  	v44 =	vld [tilespmem:s15+$0x250];
	v12 =	vadd.f32 v13, v42  }
0x48f: {  	v45 =	vld [tilespmem:s15+$0x260]  }
0x490: {  	v46 =	vld [tilespmem:s15+$0x270];
	[tilespmem:s20+$0x80] =	vst v12  }
0x491: {  	v12 =	vld [tilespmem:s18+$0x240]  }
0x492: {  	v47 =	vld [tilespmem:s18+$0x250]  }
0x493: {  	v48 =	vld [tilespmem:s18+$0x260]  }
0x494: {  	v49 =	vmul.f32 v34, v0;
	v50 =	vmul.f32 v37, v1;
	v51 =	vld [tilespmem:s18+$0x270]  }
0x495: {  	v52 =	vmul.f32 v40, v2;
	v53 =	vmul.f32 v41, v3  }
0x496: {  	v0 =	vadd.f32 v50, v49;
	v54 =	vmul.f32 v43, v6;
	v55 =	vmul.f32 v44, v7  }
0x497: {  	v2 =	vadd.f32 v53, v52;
	v56 =	vmul.f32 v45, v4;
	v57 =	vmul.f32 v46, v5  }
0x498: {  	v58 =	vmul.f32 v12, v8;
	v59 =	vmul.f32 v47, v9  }
0x499: {  	v0 =	vadd.f32 v2, v0;
	v60 =	vmul.f32 v48, v10;
	v61 =	vmul.f32 v51, v11  }
0x49a: {  	v1 =	vadd.f32 v55, v54;
	v3 =	vadd.f32 v57, v56  }
0x49b: {  	v62 =	vadd.f32 v59, v58;
	v2 =	vadd.f32 v61, v60  }
0x49c: {  	v1 =	vadd.f32 v3, v1  }
0x49d: {  	s23 =	sshll.u32 s11, $0x1;
	[tilespmem:s9+$0x90] =	vst v0;
	v63 =	vadd.f32 v2, v62  }
0x49e: {  	s3 =	sand.u32 $0x1FFFFFC0, s23;
	[tilespmem:s13+$0x90] =	vst v1  }
0x49f: {  	s24 =	smul.u32 $0x140, s11;
	s3 =	sadd.s32 s7, s3;
	[tilespmem:s20+$0x90] =	vst v63  }
0x4a0: {  	[hbm4b:s3+s2] =	stream.linear.scatter [tilespmem:s28], [sflag:$0x3], $0x200, $0x38;
	[tilespmem:$0x18F40] =	vst v63  }
0x4a1: {  	s10 =	sadd.s32 $0x1, s10;
	s31 =	sshrl.u32 s24, $0x3;
	_ =	swait.ge [sflag:s29], $0x200  }
0x4a2: {  	p0 =	sne.s32 s10, $0x8;
	s3 =	sadd.s32 s7, s31;
	[sflag:s29] =	ssyncset.done $0x0  }
.Ltmp2:
0x4a3: {  	s3 =	sadd.s32 $0x8000, s3;
	[sflag:s29] =	ssyncadd.s32 $0xFFFFFE00;
	(pc) =	sbr.rel @p0 .LBB2_2-.Ltmp2, $4  }
0x4a4: {  	[hbm4b:s3+s2] =	stream.linear.scatter [tilespmem:s14], [sflag:$0x3], $0x2800, $0x38;
	[tilespmem:$0x18F40] =	vst v63  }
0x4a5: {  	_ =	swait.ge [sflag:s29], $0x2800  }
0x4a6: {  	[sflag:s29] =	ssyncset.done $0x0  }
0x4a7: {  	[sflag:s29] =	ssyncadd.s32 $0xFFFFD800  }
0x4a8: {  	s9 =	rddreg [dreg:$0x7]  }
0x4a9: {  	s3 =	rddreg [dreg:$0x6];
	s9 =	sadd.s32 $0x1, s9  }
0x4aa: {  	p0 =	sne.s32 s9, s3  }
.Ltmp3:
0x4ab: {  	_ = 	snop;
	(pc) =	sbr.rel @p0 .LBB2_1-.Ltmp3, $1  }
0x4ac: {  	_ =	sdelay $0x3  }
0x4ad: {  	_ =	sfence.sel $0x180000  }
0x4ae: {  	[bflag:$0x0] =	sbarrier.arrive $0xFFFF  }
0x4af: {  	_ =	strace $0x90000047  }
0x4b0: {  	s0 =	stileid.u32;
	[bflag:$0x2] =	sbarrier.arrive $0xFFFF  }
0x4b1: {  	p0 =	sne.s32 s0, $0x0;
	s0 =	rddreg [dreg:$0x2]  }
0x4b2: {  	s0 =	sadd.s32 @!p0 $0x100000, s0  }
0x4b3: {  	[sflag:s0] =	ssyncadd.tile.s32 @!p0 $0x1;
	_ =	shalt  }
.Lfunc_end2:
_tile_overlayer_lowered:
.L_overlay_start_2:
0x4b4: {  	(tag) =	ssettag $0x2  }
0x4b5: {  	s0 =	rddreg [dreg:$0x0];
	s2 =	stileid.u32  }
0x4b6: {  	s1 =	rddreg [dreg:$0x1];
	p0 =	sne.s32 s2, $0x0  }
0x4b7: {  	s3 =	rddreg [dreg:$0x2];
	[bflag:$0x3] =	sbarrier.arrive $0xFFFF;
	s2 =	simm.s32 @!p0 $0x1C03  }
0x4b8: {  	[timem:s3], [sflag:s2] =	dma.local @!p0 [hbm:s0], s1  }
0x4b9: {  	s0 =	simm.s32 @!p0 $0x3  }
0x4ba: {  	_ =	swait.ge @!p0 [sflag:s0], s1  }
0x4bb: {  	s1 =	ssub.s32 @!p0 $0x0, s1;
	[sflag:s0] =	ssyncset.done @!p0 $0x0  }
0x4bc: {  	[sflag:s0] =	ssyncadd.s32 @!p0 s1  }
0x4bd: {  	[bflag:$0x3] =	sbarrier.arrive $0xFFFF  }
0x4be: {  	_ =	shalt  }

</sc_bundles>
